<compile_context>
chip_gen: v7x
topology: tpu7x:2x2x1
jax: 0.10.2.dev20260603
libtpu: 0.0.44.dev20260713+nightly
codegen_flags: <defaults>
</compile_context>

<pallas_src>
import functools

import jax
import jax.numpy as jnp
from jax import lax
from jax.experimental import pallas as pl
from jax.experimental.pallas import tpu as pltpu
from jax.experimental.pallas import tpu_sc as plsc

NC, NS, L = 2, 16, 16
NW = NC * NS
N = 16384
F = 256
ROWS = 64
D = 4 * F
B_W = N // NW
B_HALF = 32
N_PAIRS = B_W // (2 * B_HALF)


def _emb_body(boxes_hbm, w_hbm, out_hbm, table_v, boxes_v,
              out0_v, out1_v, loff_v, roff_v, lw_v, rw_v, sem0, sem1):
    wid = lax.axis_index("s") * NC + lax.axis_index("c")
    pltpu.sync_copy(w_hbm, table_v)
    pltpu.sync_copy(boxes_hbm.at[pl.ds(wid * (B_W * 4), B_W * 4)], boxes_v)
    lane = lax.iota(jnp.int32, L)
    lane4 = lane * 4

    def stage_body(blk, carry):
        for j in range(4):
            pos = lane4 + (blk * 4 * L + j)
            bx = plsc.load_gather(boxes_v, [pos])
            data = bx * 16.0
            li = jnp.clip(data, 0.0, 15.0).astype(jnp.int32)
            ri = jnp.minimum(li + 1, 15)
            lw = data - li.astype(jnp.float32)
            plsc.store_scatter(loff_v, [pos], li * D + (j * F))
            plsc.store_scatter(roff_v, [pos], ri * D + (j * F))
            plsc.store_scatter(lw_v, [pos], lw)
            plsc.store_scatter(rw_v, [pos], 1.0 - lw)
        return carry

    lax.fori_loop(0, B_W // L, stage_body, 0)

    bufs = (out0_v, out1_v)
    sems = (sem0, sem1)

    def pair_body(ci, carry):
        for h in range(2):
            buf, sem = bufs[h], sems[h]
            idx = ci * 2 + h

            @pl.when(ci > 0)
            def _wait_prev():
                pltpu.make_async_copy(
                    buf, out_hbm.at[pl.ds(0, B_HALF * D)], sem).wait()

            kbase = idx * B_HALF * 4

            @plsc.parallel_loop(0, B_HALF, unroll=4)
            def n_body(n):
                k = kbase + n * 4
                lv = loff_v[pl.ds(k, L)]
                rv = roff_v[pl.ds(k, L)]
                lwv4 = lw_v[pl.ds(k, L)]
                rwv4 = rw_v[pl.ds(k, L)]
                obase = n * D
                for j in range(4):
                    lo = lv[j]
                    ro = rv[j]
                    lwv = jnp.full((L,), lwv4[j], jnp.float32)
                    rwv = jnp.full((L,), rwv4[j], jnp.float32)
                    ob = obase + j * F
                    for t in range(F // L):
                        gl = table_v[pl.ds(lo + t * L, L)]
                        gr = table_v[pl.ds(ro + t * L, L)]
                        out = rwv * gl + lwv * gr
                        bufs[h][pl.ds(ob + t * L, L)] = out

            hbase = (wid * B_W + idx * B_HALF) * D
            pltpu.async_copy(buf, out_hbm.at[pl.ds(hbase, B_HALF * D)], sem)
        return carry

    lax.fori_loop(0, N_PAIRS, pair_body, 0)
    for h in range(2):
        pltpu.make_async_copy(
            bufs[h], out_hbm.at[pl.ds(0, B_HALF * D)], sems[h]).wait()


_emb_call = functools.partial(
    pl.kernel,
    out_type=jax.ShapeDtypeStruct((N * D,), jnp.float32),
    mesh=plsc.VectorSubcoreMesh(core_axis_name="c", subcore_axis_name="s"),
    compiler_params=pltpu.CompilerParams(
        needs_layout_passes=False, disable_bounds_checks=True),
    scratch_types=[
        pltpu.VMEM((ROWS * F,), jnp.float32),
        pltpu.VMEM((B_W * 4,), jnp.float32),
        pltpu.VMEM((B_HALF * D,), jnp.float32),
        pltpu.VMEM((B_HALF * D,), jnp.float32),
        pltpu.VMEM((4 * B_W,), jnp.int32),
        pltpu.VMEM((4 * B_W,), jnp.int32),
        pltpu.VMEM((4 * B_W,), jnp.float32),
        pltpu.VMEM((4 * B_W,), jnp.float32),
        pltpu.SemaphoreType.DMA,
        pltpu.SemaphoreType.DMA,
    ],
)(_emb_body)


@jax.jit
def kernel(boxes, pos_weight):
    out = _emb_call(boxes.reshape(-1), pos_weight.reshape(-1))
    return out.reshape(N, D)

# --- scband reference (transcript-rebuilt; emitter-appended) ---
"""Pipeline reference for scband-embedding-60507499266757 (READ-ONLY COPY).

The authoritative reference and input builder live on the scoring server;
editing this copy changes nothing except your own understanding.
"""

import jax, jax.numpy as jnp
import numpy as np

LEARN_POS_EMB_NUM = 16
FEATURES = 1024

def setup_inputs(seed: int = 0) -> dict:
    key = jax.random.key(seed)
    k1, k2 = jax.random.split(key)
    boxes = jax.random.uniform(k1, (16384, 4), dtype=jnp.float32)
    # nn.Embedding(learn_pos_emb_num * 4, features // 4).weight ~ N(0, 1)
    pos_weight = jax.random.normal(k2, (LEARN_POS_EMB_NUM * 4, FEATURES // 4), dtype=jnp.float32)
    return {"boxes": boxes, "pos_weight": pos_weight}

def _compute_weights(data, learn_emb_num):
    data = data * learn_emb_num
    # torch: data.clamp(min=0, max=num-1).long()  (trunc toward zero; data >= 0 here)
    left_index = jnp.clip(data, 0, learn_emb_num - 1).astype(jnp.int32)
    right_index = jnp.clip(left_index + 1, 0, learn_emb_num - 1)
    left_weight = data - left_index.astype(jnp.float32)
    right_weight = 1.0 - left_weight
    return left_index, right_index, left_weight, right_weight

def reference(boxes, pos_weight):
    # _learned_pos_embedding with features=1024, learn_pos_emb_num=16, over_boxes=True
    N = boxes.shape[0]
    boxes = boxes.reshape(N, 4)
    xywh = boxes  # over_boxes=True
    l, r, lw, rw = _compute_weights(xywh, LEARN_POS_EMB_NUM)
    f = pos_weight.shape[1]
    pos_emb_table = pos_weight.reshape(LEARN_POS_EMB_NUM, 4, f)
    j = jnp.arange(4)[None, :]
    # pos_le[n, j, :] = table[l[n, j], j, :]  (gather along dim 0)
    pos_le = pos_emb_table[l, j, :]
    pos_re = pos_emb_table[r, j, :]
    pos_emb = lw[:, :, None] * pos_re + rw[:, :, None] * pos_le
    pos_emb = pos_emb.reshape(N, 4 * f)
    return pos_emb

if __name__ == "__main__":
    import jax
    _d = setup_inputs()
    print(jax.jit(kernel)(*tuple(_d.values())))

</pallas_src>

<mosaic_0001>
#map = affine_map<(d0, d1) -> (0)>
module attributes {stable_mosaic.version = 14 : i64} {
  func.func @_emb_body(%arg0: i32, %arg1: i32, %arg2: memref<65536xf32, #tpu.memory_space<hbm>>, %arg3: memref<16384xf32, #tpu.memory_space<hbm>>, %arg4: memref<16777216xf32, #tpu.memory_space<hbm>>, %arg5: memref<16384xf32, #tpu.memory_space<vmem>>, %arg6: memref<2048xf32, #tpu.memory_space<vmem>>, %arg7: memref<32768xf32, #tpu.memory_space<vmem>>, %arg8: memref<32768xf32, #tpu.memory_space<vmem>>, %arg9: memref<2048xi32, #tpu.memory_space<vmem>>, %arg10: memref<2048xi32, #tpu.memory_space<vmem>>, %arg11: memref<2048xf32, #tpu.memory_space<vmem>>, %arg12: memref<2048xf32, #tpu.memory_space<vmem>>, %arg13: memref<!tpu.dma_semaphore, #tpu.memory_space<semaphore_mem>>, %arg14: memref<!tpu.dma_semaphore, #tpu.memory_space<semaphore_mem>>) attributes {dimension_semantics = [#tpu.dimension_semantics<core_parallel>, #tpu.dimension_semantics<subcore_parallel>], iteration_bounds = array<i64: 2, 16>, scalar_prefetch = 0 : i64, scratch_operands = 10 : i64, tpu.core_type = #tpu.core_type<sc_vector_subcore>, window_params = [{transform_indices = #map}, {transform_indices = #map}, {transform_indices = #map}]} {
    %mul3A = arith.constant 2 : i32
    %mul3A_0 = arith.muli %arg1, %mul3A : i32
    %add3A = arith.addi %mul3A_0, %arg0 : i32
    "tpu.region"() ({
      %run_scoped3A = tpu.sem_alloc : memref<!tpu.dma_semaphore, #tpu.memory_space<semaphore_mem>>
      tpu.enqueue_dma source(%arg3 : memref<16384xf32, #tpu.memory_space<hbm>>) target(%arg5 : memref<16384xf32, #tpu.memory_space<vmem>>) target_semaphore(%run_scoped3A : memref<!tpu.dma_semaphore, #tpu.memory_space<semaphore_mem>>)
      tpu.wait_dma2 semaphore(%run_scoped3A : memref<!tpu.dma_semaphore, #tpu.memory_space<semaphore_mem>>) src(%arg3 : memref<16384xf32, #tpu.memory_space<hbm>>) dst(%arg5 : memref<16384xf32, #tpu.memory_space<vmem>>)
      tpu.yield
    }) : () -> ()
    %mul3A_1 = arith.constant 2048 : i32
    %mul3A_2 = arith.muli %add3A, %mul3A_1 : i32
    "tpu.region"() ({
      %run_scoped3A = tpu.sem_alloc : memref<!tpu.dma_semaphore, #tpu.memory_space<semaphore_mem>>
      %dma_start3A = tpu.memref_slice %arg2[%mul3A_2] : memref<65536xf32, #tpu.memory_space<hbm>> -> memref<2048xf32, #tpu.memory_space<hbm>>
      %dma_start3A_24 = tpu.memref_slice %arg2[%mul3A_2] : memref<65536xf32, #tpu.memory_space<hbm>> -> memref<2048xf32, #tpu.memory_space<hbm>>
      tpu.enqueue_dma source(%dma_start3A_24 : memref<2048xf32, #tpu.memory_space<hbm>>) target(%arg6 : memref<2048xf32, #tpu.memory_space<vmem>>) target_semaphore(%run_scoped3A : memref<!tpu.dma_semaphore, #tpu.memory_space<semaphore_mem>>)
      %dma_wait3A_25 = tpu.memref_slice %arg2[%mul3A_2] : memref<65536xf32, #tpu.memory_space<hbm>> -> memref<2048xf32, #tpu.memory_space<hbm>>
      %dma_wait3A_26 = tpu.memref_slice %arg2[%mul3A_2] : memref<65536xf32, #tpu.memory_space<hbm>> -> memref<2048xf32, #tpu.memory_space<hbm>>
      tpu.wait_dma2 semaphore(%run_scoped3A : memref<!tpu.dma_semaphore, #tpu.memory_space<semaphore_mem>>) src(%dma_wait3A_26 : memref<2048xf32, #tpu.memory_space<hbm>>) dst(%arg6 : memref<2048xf32, #tpu.memory_space<vmem>>)
      tpu.yield
    }) : () -> ()
    %iota3A = tpu.iota {dimensions = array<i32: 0>} : vector<16xi32>
    %mul3A_3 = arith.constant 4 : i32
    %mul3A_4 = vector.broadcast %mul3A_3 : i32 to vector<16xi32>
    %mul3A_5 = arith.muli %iota3A, %mul3A_4 : vector<16xi32>
    %scan3A = arith.constant 0 : i32
    %scan3A_6 = arith.constant 0 : i32
    %scan3A_7 = arith.constant 32 : i32
    %scan3A_8 = arith.addi %scan3A_6, %scan3A_7 : i32
    %scan3A_9 = arith.constant 1 : i32
    scf.for %scan3A_24 = %scan3A_6 to %scan3A_8 step %scan3A_9  : i32 {
      %mul3A_25 = arith.constant 4 : i32
      %mul3A_26 = arith.muli %scan3A_24, %mul3A_25 : i32
      %mul3A_27 = arith.constant 16 : i32
      %mul3A_28 = arith.muli %mul3A_26, %mul3A_27 : i32
      %add3A_29 = arith.constant 0 : i32
      %add3A_30 = arith.addi %mul3A_28, %add3A_29 : i32
      %add3A_31 = vector.broadcast %add3A_30 : i32 to vector<16xi32>
      %add3A_32 = arith.addi %mul3A_5, %add3A_31 : vector<16xi32>
      %gather3A = tpu.vector_load_idx %arg6[%add3A_32] : memref<2048xf32, #tpu.memory_space<vmem>>[vector<16xi32>], vector<16xf32>,
      %mul3A_33 = arith.constant 1.600000e+01 : f32
      %mul3A_34 = vector.broadcast %mul3A_33 : f32 to vector<16xf32>
      %mul3A_35 = arith.mulf %gather3A, %mul3A_34 : vector<16xf32>
      %jit3A = arith.constant 0.000000e+00 : f32
      %jit3A_36 = arith.constant 1.500000e+01 : f32
      %max3A = vector.broadcast %jit3A : f32 to vector<16xf32>
      %max3A_37 = arith.maximumf %max3A, %mul3A_35 : vector<16xf32>
      %min3A = vector.broadcast %jit3A_36 : f32 to vector<16xf32>
      %min3A_38 = arith.minimumf %min3A, %max3A_37 : vector<16xf32>
      %convert_element_type3A = arith.fptosi %min3A_38 : vector<16xf32> to vector<16xi32>
      %add3A_39 = arith.constant 1 : i32
      %add3A_40 = vector.broadcast %add3A_39 : i32 to vector<16xi32>
      %add3A_41 = arith.addi %convert_element_type3A, %add3A_40 : vector<16xi32>
      %min3A_42 = arith.constant 15 : i32
      %min3A_43 = vector.broadcast %min3A_42 : i32 to vector<16xi32>
      %min3A_44 = arith.minsi %add3A_41, %min3A_43 : vector<16xi32>
      %convert_element_type3A_45 = arith.sitofp %convert_element_type3A : vector<16xi32> to vector<16xf32>
      %sub3A = arith.subf %mul3A_35, %convert_element_type3A_45 : vector<16xf32>
      %mul3A_46 = arith.constant 1024 : i32
      %mul3A_47 = vector.broadcast %mul3A_46 : i32 to vector<16xi32>
      %mul3A_48 = arith.muli %convert_element_type3A, %mul3A_47 : vector<16xi32>
      %add3A_49 = arith.constant 0 : i32
      %add3A_50 = vector.broadcast %add3A_49 : i32 to vector<16xi32>
      %add3A_51 = arith.addi %mul3A_48, %add3A_50 : vector<16xi32>
      tpu.vector_store_idx %arg9[%add3A_32], %add3A_51 : memref<2048xi32, #tpu.memory_space<vmem>>[vector<16xi32>], vector<16xi32>,
      %mul3A_52 = arith.constant 1024 : i32
      %mul3A_53 = vector.broadcast %mul3A_52 : i32 to vector<16xi32>
      %mul3A_54 = arith.muli %min3A_44, %mul3A_53 : vector<16xi32>
      %add3A_55 = arith.constant 0 : i32
      %add3A_56 = vector.broadcast %add3A_55 : i32 to vector<16xi32>
      %add3A_57 = arith.addi %mul3A_54, %add3A_56 : vector<16xi32>
      tpu.vector_store_idx %arg10[%add3A_32], %add3A_57 : memref<2048xi32, #tpu.memory_space<vmem>>[vector<16xi32>], vector<16xi32>,
      tpu.vector_store_idx %arg11[%add3A_32], %sub3A : memref<2048xf32, #tpu.memory_space<vmem>>[vector<16xi32>], vector<16xf32>,
      %sub3A_58 = arith.constant 1.000000e+00 : f32
      %sub3A_59 = vector.broadcast %sub3A_58 : f32 to vector<16xf32>
      %sub3A_60 = arith.subf %sub3A_59, %sub3A : vector<16xf32>
      tpu.vector_store_idx %arg12[%add3A_32], %sub3A_60 : memref<2048xf32, #tpu.memory_space<vmem>>[vector<16xi32>], vector<16xf32>,
      %mul3A_61 = arith.constant 4 : i32
      %mul3A_62 = arith.muli %scan3A_24, %mul3A_61 : i32
      %mul3A_63 = arith.constant 16 : i32
      %mul3A_64 = arith.muli %mul3A_62, %mul3A_63 : i32
      %add3A_65 = arith.constant 1 : i32
      %add3A_66 = arith.addi %mul3A_64, %add3A_65 : i32
      %add3A_67 = vector.broadcast %add3A_66 : i32 to vector<16xi32>
      %add3A_68 = arith.addi %mul3A_5, %add3A_67 : vector<16xi32>
      %gather3A_69 = tpu.vector_load_idx %arg6[%add3A_68] : memref<2048xf32, #tpu.memory_space<vmem>>[vector<16xi32>], vector<16xf32>,
      %mul3A_70 = arith.constant 1.600000e+01 : f32
      %mul3A_71 = vector.broadcast %mul3A_70 : f32 to vector<16xf32>
      %mul3A_72 = arith.mulf %gather3A_69, %mul3A_71 : vector<16xf32>
      %jit3A_73 = arith.constant 0.000000e+00 : f32
      %jit3A_74 = arith.constant 1.500000e+01 : f32
      %max3A_75 = vector.broadcast %jit3A_73 : f32 to vector<16xf32>
      %max3A_76 = arith.maximumf %max3A_75, %mul3A_72 : vector<16xf32>
      %min3A_77 = vector.broadcast %jit3A_74 : f32 to vector<16xf32>
      %min3A_78 = arith.minimumf %min3A_77, %max3A_76 : vector<16xf32>
      %convert_element_type3A_79 = arith.fptosi %min3A_78 : vector<16xf32> to vector<16xi32>
      %add3A_80 = arith.constant 1 : i32
      %add3A_81 = vector.broadcast %add3A_80 : i32 to vector<16xi32>
      %add3A_82 = arith.addi %convert_element_type3A_79, %add3A_81 : vector<16xi32>
      %min3A_83 = arith.constant 15 : i32
      %min3A_84 = vector.broadcast %min3A_83 : i32 to vector<16xi32>
      %min3A_85 = arith.minsi %add3A_82, %min3A_84 : vector<16xi32>
      %convert_element_type3A_86 = arith.sitofp %convert_element_type3A_79 : vector<16xi32> to vector<16xf32>
      %sub3A_87 = arith.subf %mul3A_72, %convert_element_type3A_86 : vector<16xf32>
      %mul3A_88 = arith.constant 1024 : i32
      %mul3A_89 = vector.broadcast %mul3A_88 : i32 to vector<16xi32>
      %mul3A_90 = arith.muli %convert_element_type3A_79, %mul3A_89 : vector<16xi32>
      %add3A_91 = arith.constant 256 : i32
      %add3A_92 = vector.broadcast %add3A_91 : i32 to vector<16xi32>
      %add3A_93 = arith.addi %mul3A_90, %add3A_92 : vector<16xi32>
      tpu.vector_store_idx %arg9[%add3A_68], %add3A_93 : memref<2048xi32, #tpu.memory_space<vmem>>[vector<16xi32>], vector<16xi32>,
      %mul3A_94 = arith.constant 1024 : i32
      %mul3A_95 = vector.broadcast %mul3A_94 : i32 to vector<16xi32>
      %mul3A_96 = arith.muli %min3A_85, %mul3A_95 : vector<16xi32>
      %add3A_97 = arith.constant 256 : i32
      %add3A_98 = vector.broadcast %add3A_97 : i32 to vector<16xi32>
      %add3A_99 = arith.addi %mul3A_96, %add3A_98 : vector<16xi32>
      tpu.vector_store_idx %arg10[%add3A_68], %add3A_99 : memref<2048xi32, #tpu.memory_space<vmem>>[vector<16xi32>], vector<16xi32>,
      tpu.vector_store_idx %arg11[%add3A_68], %sub3A_87 : memref<2048xf32, #tpu.memory_space<vmem>>[vector<16xi32>], vector<16xf32>,
      %sub3A_100 = arith.constant 1.000000e+00 : f32
      %sub3A_101 = vector.broadcast %sub3A_100 : f32 to vector<16xf32>
      %sub3A_102 = arith.subf %sub3A_101, %sub3A_87 : vector<16xf32>
      tpu.vector_store_idx %arg12[%add3A_68], %sub3A_102 : memref<2048xf32, #tpu.memory_space<vmem>>[vector<16xi32>], vector<16xf32>,
      %mul3A_103 = arith.constant 4 : i32
      %mul3A_104 = arith.muli %scan3A_24, %mul3A_103 : i32
      %mul3A_105 = arith.constant 16 : i32
      %mul3A_106 = arith.muli %mul3A_104, %mul3A_105 : i32
      %add3A_107 = arith.constant 2 : i32
      %add3A_108 = arith.addi %mul3A_106, %add3A_107 : i32
      %add3A_109 = vector.broadcast %add3A_108 : i32 to vector<16xi32>
      %add3A_110 = arith.addi %mul3A_5, %add3A_109 : vector<16xi32>
      %gather3A_111 = tpu.vector_load_idx %arg6[%add3A_110] : memref<2048xf32, #tpu.memory_space<vmem>>[vector<16xi32>], vector<16xf32>,
      %mul3A_112 = arith.constant 1.600000e+01 : f32
      %mul3A_113 = vector.broadcast %mul3A_112 : f32 to vector<16xf32>
      %mul3A_114 = arith.mulf %gather3A_111, %mul3A_113 : vector<16xf32>
      %jit3A_115 = arith.constant 0.000000e+00 : f32
      %jit3A_116 = arith.constant 1.500000e+01 : f32
      %max3A_117 = vector.broadcast %jit3A_115 : f32 to vector<16xf32>
      %max3A_118 = arith.maximumf %max3A_117, %mul3A_114 : vector<16xf32>
      %min3A_119 = vector.broadcast %jit3A_116 : f32 to vector<16xf32>
      %min3A_120 = arith.minimumf %min3A_119, %max3A_118 : vector<16xf32>
      %convert_element_type3A_121 = arith.fptosi %min3A_120 : vector<16xf32> to vector<16xi32>
      %add3A_122 = arith.constant 1 : i32
      %add3A_123 = vector.broadcast %add3A_122 : i32 to vector<16xi32>
      %add3A_124 = arith.addi %convert_element_type3A_121, %add3A_123 : vector<16xi32>
      %min3A_125 = arith.constant 15 : i32
      %min3A_126 = vector.broadcast %min3A_125 : i32 to vector<16xi32>
      %min3A_127 = arith.minsi %add3A_124, %min3A_126 : vector<16xi32>
      %convert_element_type3A_128 = arith.sitofp %convert_element_type3A_121 : vector<16xi32> to vector<16xf32>
      %sub3A_129 = arith.subf %mul3A_114, %convert_element_type3A_128 : vector<16xf32>
      %mul3A_130 = arith.constant 1024 : i32
      %mul3A_131 = vector.broadcast %mul3A_130 : i32 to vector<16xi32>
      %mul3A_132 = arith.muli %convert_element_type3A_121, %mul3A_131 : vector<16xi32>
      %add3A_133 = arith.constant 512 : i32
      %add3A_134 = vector.broadcast %add3A_133 : i32 to vector<16xi32>
      %add3A_135 = arith.addi %mul3A_132, %add3A_134 : vector<16xi32>
      tpu.vector_store_idx %arg9[%add3A_110], %add3A_135 : memref<2048xi32, #tpu.memory_space<vmem>>[vector<16xi32>], vector<16xi32>,
      %mul3A_136 = arith.constant 1024 : i32
      %mul3A_137 = vector.broadcast %mul3A_136 : i32 to vector<16xi32>
      %mul3A_138 = arith.muli %min3A_127, %mul3A_137 : vector<16xi32>
      %add3A_139 = arith.constant 512 : i32
      %add3A_140 = vector.broadcast %add3A_139 : i32 to vector<16xi32>
      %add3A_141 = arith.addi %mul3A_138, %add3A_140 : vector<16xi32>
      tpu.vector_store_idx %arg10[%add3A_110], %add3A_141 : memref<2048xi32, #tpu.memory_space<vmem>>[vector<16xi32>], vector<16xi32>,
      tpu.vector_store_idx %arg11[%add3A_110], %sub3A_129 : memref<2048xf32, #tpu.memory_space<vmem>>[vector<16xi32>], vector<16xf32>,
      %sub3A_142 = arith.constant 1.000000e+00 : f32
      %sub3A_143 = vector.broadcast %sub3A_142 : f32 to vector<16xf32>
      %sub3A_144 = arith.subf %sub3A_143, %sub3A_129 : vector<16xf32>
      tpu.vector_store_idx %arg12[%add3A_110], %sub3A_144 : memref<2048xf32, #tpu.memory_space<vmem>>[vector<16xi32>], vector<16xf32>,
      %mul3A_145 = arith.constant 4 : i32
      %mul3A_146 = arith.muli %scan3A_24, %mul3A_145 : i32
      %mul3A_147 = arith.constant 16 : i32
      %mul3A_148 = arith.muli %mul3A_146, %mul3A_147 : i32
      %add3A_149 = arith.constant 3 : i32
      %add3A_150 = arith.addi %mul3A_148, %add3A_149 : i32
      %add3A_151 = vector.broadcast %add3A_150 : i32 to vector<16xi32>
      %add3A_152 = arith.addi %mul3A_5, %add3A_151 : vector<16xi32>
      %gather3A_153 = tpu.vector_load_idx %arg6[%add3A_152] : memref<2048xf32, #tpu.memory_space<vmem>>[vector<16xi32>], vector<16xf32>,
      %mul3A_154 = arith.constant 1.600000e+01 : f32
      %mul3A_155 = vector.broadcast %mul3A_154 : f32 to vector<16xf32>
      %mul3A_156 = arith.mulf %gather3A_153, %mul3A_155 : vector<16xf32>
      %jit3A_157 = arith.constant 0.000000e+00 : f32
      %jit3A_158 = arith.constant 1.500000e+01 : f32
      %max3A_159 = vector.broadcast %jit3A_157 : f32 to vector<16xf32>
      %max3A_160 = arith.maximumf %max3A_159, %mul3A_156 : vector<16xf32>
      %min3A_161 = vector.broadcast %jit3A_158 : f32 to vector<16xf32>
      %min3A_162 = arith.minimumf %min3A_161, %max3A_160 : vector<16xf32>
      %convert_element_type3A_163 = arith.fptosi %min3A_162 : vector<16xf32> to vector<16xi32>
      %add3A_164 = arith.constant 1 : i32
      %add3A_165 = vector.broadcast %add3A_164 : i32 to vector<16xi32>
      %add3A_166 = arith.addi %convert_element_type3A_163, %add3A_165 : vector<16xi32>
      %min3A_167 = arith.constant 15 : i32
      %min3A_168 = vector.broadcast %min3A_167 : i32 to vector<16xi32>
      %min3A_169 = arith.minsi %add3A_166, %min3A_168 : vector<16xi32>
      %convert_element_type3A_170 = arith.sitofp %convert_element_type3A_163 : vector<16xi32> to vector<16xf32>
      %sub3A_171 = arith.subf %mul3A_156, %convert_element_type3A_170 : vector<16xf32>
      %mul3A_172 = arith.constant 1024 : i32
      %mul3A_173 = vector.broadcast %mul3A_172 : i32 to vector<16xi32>
      %mul3A_174 = arith.muli %convert_element_type3A_163, %mul3A_173 : vector<16xi32>
      %add3A_175 = arith.constant 768 : i32
      %add3A_176 = vector.broadcast %add3A_175 : i32 to vector<16xi32>
      %add3A_177 = arith.addi %mul3A_174, %add3A_176 : vector<16xi32>
      tpu.vector_store_idx %arg9[%add3A_152], %add3A_177 : memref<2048xi32, #tpu.memory_space<vmem>>[vector<16xi32>], vector<16xi32>,
      %mul3A_178 = arith.constant 1024 : i32
      %mul3A_179 = vector.broadcast %mul3A_178 : i32 to vector<16xi32>
      %mul3A_180 = arith.muli %min3A_169, %mul3A_179 : vector<16xi32>
      %add3A_181 = arith.constant 768 : i32
      %add3A_182 = vector.broadcast %add3A_181 : i32 to vector<16xi32>
      %add3A_183 = arith.addi %mul3A_180, %add3A_182 : vector<16xi32>
      tpu.vector_store_idx %arg10[%add3A_152], %add3A_183 : memref<2048xi32, #tpu.memory_space<vmem>>[vector<16xi32>], vector<16xi32>,
      tpu.vector_store_idx %arg11[%add3A_152], %sub3A_171 : memref<2048xf32, #tpu.memory_space<vmem>>[vector<16xi32>], vector<16xf32>,
      %sub3A_184 = arith.constant 1.000000e+00 : f32
      %sub3A_185 = vector.broadcast %sub3A_184 : f32 to vector<16xf32>
      %sub3A_186 = arith.subf %sub3A_185, %sub3A_171 : vector<16xf32>
      tpu.vector_store_idx %arg12[%add3A_152], %sub3A_186 : memref<2048xf32, #tpu.memory_space<vmem>>[vector<16xi32>], vector<16xf32>,
    }
    %scan3A_10 = arith.constant 32 : i32
    %scan3A_11 = arith.constant 0 : i32
    %scan3A_12 = arith.constant 0 : i32
    %scan3A_13 = arith.constant 8 : i32
    %scan3A_14 = arith.addi %scan3A_12, %scan3A_13 : i32
    %scan3A_15 = arith.constant 1 : i32
    scf.for %scan3A_24 = %scan3A_12 to %scan3A_14 step %scan3A_15  : i32 {
      %mul3A_25 = arith.constant 2 : i32
      %mul3A_26 = arith.muli %scan3A_24, %mul3A_25 : i32
      %add3A_27 = arith.constant 0 : i32
      %add3A_28 = arith.addi %mul3A_26, %add3A_27 : i32
      %gt3A = arith.constant 0 : i32
      %gt3A_29 = arith.cmpi sgt, %scan3A_24, %gt3A : i32
      %convert_element_type3A = arith.extui %gt3A_29 : i1 to i32
      %cond3A = arith.constant 0 : i32
      %cond3A_30 = arith.cmpi ne, %convert_element_type3A, %cond3A : i32
      scf.if %cond3A_30 {
        %dma_wait3A_70 = arith.constant 0 : i32
        %dma_wait3A_71 = tpu.memref_slice %arg4[%dma_wait3A_70] : memref<16777216xf32, #tpu.memory_space<hbm>> -> memref<32768xf32, #tpu.memory_space<hbm>>
        %dma_wait3A_72 = arith.constant 0 : i32
        %dma_wait3A_73 = tpu.memref_slice %arg4[%dma_wait3A_72] : memref<16777216xf32, #tpu.memory_space<hbm>> -> memref<32768xf32, #tpu.memory_space<hbm>>
        tpu.wait_dma2 semaphore(%arg13 : memref<!tpu.dma_semaphore, #tpu.memory_space<semaphore_mem>>) src(%arg7 : memref<32768xf32, #tpu.memory_space<vmem>>) dst(%dma_wait3A_73 : memref<32768xf32, #tpu.memory_space<hbm>>)
      } else {
      }
      %mul3A_31 = arith.constant 32 : i32
      %mul3A_32 = arith.muli %add3A_28, %mul3A_31 : i32
      %mul3A_33 = arith.constant 4 : i32
      %mul3A_34 = arith.muli %mul3A_32, %mul3A_33 : i32
      %parallel_loop3A = arith.constant 0 : i32
      %parallel_loop3A_35 = arith.constant 32 : i32
      %parallel_loop3A_36 = arith.constant 1 : i32
      scf.for %parallel_loop3A_70 = %parallel_loop3A to %parallel_loop3A_35 step %parallel_loop3A_36  : i32 {
        %parallel_loop3A_71 = arith.constant 4 : i32
        %parallel_loop3A_72 = arith.muli %parallel_loop3A_70, %parallel_loop3A_71 : i32
        %parallel_loop3A_73 = arith.addi %mul3A_34, %parallel_loop3A_72 : i32
        %parallel_loop3A_74 = arith.index_cast %parallel_loop3A_73 : i32 to index
        %parallel_loop3A_75 = tpu.vector_load %arg9[%parallel_loop3A_74] {strides = array<i32>} : memref<2048xi32, #tpu.memory_space<vmem>>, vector<16xi32>,
        %parallel_loop3A_76 = arith.index_cast %parallel_loop3A_73 : i32 to index
        %parallel_loop3A_77 = tpu.vector_load %arg10[%parallel_loop3A_76] {strides = array<i32>} : memref<2048xi32, #tpu.memory_space<vmem>>, vector<16xi32>,
        %parallel_loop3A_78 = arith.index_cast %parallel_loop3A_73 : i32 to index
        %parallel_loop3A_79 = tpu.vector_load %arg11[%parallel_loop3A_78] {strides = array<i32>} : memref<2048xf32, #tpu.memory_space<vmem>>, vector<16xf32>,
        %parallel_loop3A_80 = arith.index_cast %parallel_loop3A_73 : i32 to index
        %parallel_loop3A_81 = tpu.vector_load %arg12[%parallel_loop3A_80] {strides = array<i32>} : memref<2048xf32, #tpu.memory_space<vmem>>, vector<16xf32>,
        %parallel_loop3A_82 = arith.constant 1024 : i32
        %parallel_loop3A_83 = arith.muli %parallel_loop3A_70, %parallel_loop3A_82 : i32
        %parallel_loop3A_84 = vector.extract_strided_slice %parallel_loop3A_75 {offsets = [0], sizes = [1], strides = [1]} : vector<16xi32> to vector<1xi32>
        %parallel_loop3A_85 = vector.extract %parallel_loop3A_84[0] : i32 from vector<1xi32>
        %parallel_loop3A_86 = vector.extract_strided_slice %parallel_loop3A_77 {offsets = [0], sizes = [1], strides = [1]} : vector<16xi32> to vector<1xi32>
        %parallel_loop3A_87 = vector.extract %parallel_loop3A_86[0] : i32 from vector<1xi32>
        %parallel_loop3A_88 = vector.extract_strided_slice %parallel_loop3A_79 {offsets = [0], sizes = [1], strides = [1]} : vector<16xf32> to vector<1xf32>
        %parallel_loop3A_89 = vector.extract %parallel_loop3A_88[0] : f32 from vector<1xf32>
        %parallel_loop3A_90 = vector.broadcast %parallel_loop3A_89 : f32 to vector<16xf32>
        %parallel_loop3A_91 = vector.extract_strided_slice %parallel_loop3A_81 {offsets = [0], sizes = [1], strides = [1]} : vector<16xf32> to vector<1xf32>
        %parallel_loop3A_92 = vector.extract %parallel_loop3A_91[0] : f32 from vector<1xf32>
        %parallel_loop3A_93 = vector.broadcast %parallel_loop3A_92 : f32 to vector<16xf32>
        %parallel_loop3A_94 = arith.constant 0 : i32
        %parallel_loop3A_95 = arith.addi %parallel_loop3A_83, %parallel_loop3A_94 : i32
        %parallel_loop3A_96 = arith.constant 0 : i32
        %parallel_loop3A_97 = arith.addi %parallel_loop3A_85, %parallel_loop3A_96 : i32
        %parallel_loop3A_98 = arith.index_cast %parallel_loop3A_97 : i32 to index
        %parallel_loop3A_99 = tpu.vector_load %arg5[%parallel_loop3A_98] {strides = array<i32>} : memref<16384xf32, #tpu.memory_space<vmem>>, vector<16xf32>,
        %parallel_loop3A_100 = arith.constant 0 : i32
        %parallel_loop3A_101 = arith.addi %parallel_loop3A_87, %parallel_loop3A_100 : i32
        %parallel_loop3A_102 = arith.index_cast %parallel_loop3A_101 : i32 to index
        %parallel_loop3A_103 = tpu.vector_load %arg5[%parallel_loop3A_102] {strides = array<i32>} : memref<16384xf32, #tpu.memory_space<vmem>>, vector<16xf32>,
        %parallel_loop3A_104 = arith.mulf %parallel_loop3A_93, %parallel_loop3A_99 : vector<16xf32>
        %parallel_loop3A_105 = arith.mulf %parallel_loop3A_90, %parallel_loop3A_103 : vector<16xf32>
        %parallel_loop3A_106 = arith.addf %parallel_loop3A_104, %parallel_loop3A_105 : vector<16xf32>
        %parallel_loop3A_107 = arith.constant 0 : i32
        %parallel_loop3A_108 = arith.addi %parallel_loop3A_95, %parallel_loop3A_107 : i32
        %parallel_loop3A_109 = arith.index_cast %parallel_loop3A_108 : i32 to index
        %parallel_loop3A_110 = tpu.vector_load %arg7[%parallel_loop3A_109] {strides = array<i32>} : memref<32768xf32, #tpu.memory_space<vmem>>, vector<16xf32>,
        tpu.vector_store %arg7[%parallel_loop3A_109], %parallel_loop3A_106 {strides = array<i32>} : memref<32768xf32, #tpu.memory_space<vmem>>, vector<16xf32>,
        %parallel_loop3A_111 = arith.constant 16 : i32
        %parallel_loop3A_112 = arith.addi %parallel_loop3A_85, %parallel_loop3A_111 : i32
        %parallel_loop3A_113 = arith.index_cast %parallel_loop3A_112 : i32 to index
        %parallel_loop3A_114 = tpu.vector_load %arg5[%parallel_loop3A_113] {strides = array<i32>} : memref<16384xf32, #tpu.memory_space<vmem>>, vector<16xf32>,
        %parallel_loop3A_115 = arith.constant 16 : i32
        %parallel_loop3A_116 = arith.addi %parallel_loop3A_87, %parallel_loop3A_115 : i32
        %parallel_loop3A_117 = arith.index_cast %parallel_loop3A_116 : i32 to index
        %parallel_loop3A_118 = tpu.vector_load %arg5[%parallel_loop3A_117] {strides = array<i32>} : memref<16384xf32, #tpu.memory_space<vmem>>, vector<16xf32>,
        %parallel_loop3A_119 = arith.mulf %parallel_loop3A_93, %parallel_loop3A_114 : vector<16xf32>
        %parallel_loop3A_120 = arith.mulf %parallel_loop3A_90, %parallel_loop3A_118 : vector<16xf32>
        %parallel_loop3A_121 = arith.addf %parallel_loop3A_119, %parallel_loop3A_120 : vector<16xf32>
        %parallel_loop3A_122 = arith.constant 16 : i32
        %parallel_loop3A_123 = arith.addi %parallel_loop3A_95, %parallel_loop3A_122 : i32
        %parallel_loop3A_124 = arith.index_cast %parallel_loop3A_123 : i32 to index
        %parallel_loop3A_125 = tpu.vector_load %arg7[%parallel_loop3A_124] {strides = array<i32>} : memref<32768xf32, #tpu.memory_space<vmem>>, vector<16xf32>,
        tpu.vector_store %arg7[%parallel_loop3A_124], %parallel_loop3A_121 {strides = array<i32>} : memref<32768xf32, #tpu.memory_space<vmem>>, vector<16xf32>,
        %parallel_loop3A_126 = arith.constant 32 : i32
        %parallel_loop3A_127 = arith.addi %parallel_loop3A_85, %parallel_loop3A_126 : i32
        %parallel_loop3A_128 = arith.index_cast %parallel_loop3A_127 : i32 to index
        %parallel_loop3A_129 = tpu.vector_load %arg5[%parallel_loop3A_128] {strides = array<i32>} : memref<16384xf32, #tpu.memory_space<vmem>>, vector<16xf32>,
        %parallel_loop3A_130 = arith.constant 32 : i32
        %parallel_loop3A_131 = arith.addi %parallel_loop3A_87, %parallel_loop3A_130 : i32
        %parallel_loop3A_132 = arith.index_cast %parallel_loop3A_131 : i32 to index
        %parallel_loop3A_133 = tpu.vector_load %arg5[%parallel_loop3A_132] {strides = array<i32>} : memref<16384xf32, #tpu.memory_space<vmem>>, vector<16xf32>,
        %parallel_loop3A_134 = arith.mulf %parallel_loop3A_93, %parallel_loop3A_129 : vector<16xf32>
        %parallel_loop3A_135 = arith.mulf %parallel_loop3A_90, %parallel_loop3A_133 : vector<16xf32>
        %parallel_loop3A_136 = arith.addf %parallel_loop3A_134, %parallel_loop3A_135 : vector<16xf32>
        %parallel_loop3A_137 = arith.constant 32 : i32
        %parallel_loop3A_138 = arith.addi %parallel_loop3A_95, %parallel_loop3A_137 : i32
        %parallel_loop3A_139 = arith.index_cast %parallel_loop3A_138 : i32 to index
        %parallel_loop3A_140 = tpu.vector_load %arg7[%parallel_loop3A_139] {strides = array<i32>} : memref<32768xf32, #tpu.memory_space<vmem>>, vector<16xf32>,
        tpu.vector_store %arg7[%parallel_loop3A_139], %parallel_loop3A_136 {strides = array<i32>} : memref<32768xf32, #tpu.memory_space<vmem>>, vector<16xf32>,
        %parallel_loop3A_141 = arith.constant 48 : i32
        %parallel_loop3A_142 = arith.addi %parallel_loop3A_85, %parallel_loop3A_141 : i32
        %parallel_loop3A_143 = arith.index_cast %parallel_loop3A_142 : i32 to index
        %parallel_loop3A_144 = tpu.vector_load %arg5[%parallel_loop3A_143] {strides = array<i32>} : memref<16384xf32, #tpu.memory_space<vmem>>, vector<16xf32>,
        %parallel_loop3A_145 = arith.constant 48 : i32
        %parallel_loop3A_146 = arith.addi %parallel_loop3A_87, %parallel_loop3A_145 : i32
        %parallel_loop3A_147 = arith.index_cast %parallel_loop3A_146 : i32 to index
        %parallel_loop3A_148 = tpu.vector_load %arg5[%parallel_loop3A_147] {strides = array<i32>} : memref<16384xf32, #tpu.memory_space<vmem>>, vector<16xf32>,
        %parallel_loop3A_149 = arith.mulf %parallel_loop3A_93, %parallel_loop3A_144 : vector<16xf32>
        %parallel_loop3A_150 = arith.mulf %parallel_loop3A_90, %parallel_loop3A_148 : vector<16xf32>
        %parallel_loop3A_151 = arith.addf %parallel_loop3A_149, %parallel_loop3A_150 : vector<16xf32>
        %parallel_loop3A_152 = arith.constant 48 : i32
        %parallel_loop3A_153 = arith.addi %parallel_loop3A_95, %parallel_loop3A_152 : i32
        %parallel_loop3A_154 = arith.index_cast %parallel_loop3A_153 : i32 to index
        %parallel_loop3A_155 = tpu.vector_load %arg7[%parallel_loop3A_154] {strides = array<i32>} : memref<32768xf32, #tpu.memory_space<vmem>>, vector<16xf32>,
        tpu.vector_store %arg7[%parallel_loop3A_154], %parallel_loop3A_151 {strides = array<i32>} : memref<32768xf32, #tpu.memory_space<vmem>>, vector<16xf32>,
        %parallel_loop3A_156 = arith.constant 64 : i32
        %parallel_loop3A_157 = arith.addi %parallel_loop3A_85, %parallel_loop3A_156 : i32
        %parallel_loop3A_158 = arith.index_cast %parallel_loop3A_157 : i32 to index
        %parallel_loop3A_159 = tpu.vector_load %arg5[%parallel_loop3A_158] {strides = array<i32>} : memref<16384xf32, #tpu.memory_space<vmem>>, vector<16xf32>,
        %parallel_loop3A_160 = arith.constant 64 : i32
        %parallel_loop3A_161 = arith.addi %parallel_loop3A_87, %parallel_loop3A_160 : i32
        %parallel_loop3A_162 = arith.index_cast %parallel_loop3A_161 : i32 to index
        %parallel_loop3A_163 = tpu.vector_load %arg5[%parallel_loop3A_162] {strides = array<i32>} : memref<16384xf32, #tpu.memory_space<vmem>>, vector<16xf32>,
        %parallel_loop3A_164 = arith.mulf %parallel_loop3A_93, %parallel_loop3A_159 : vector<16xf32>
        %parallel_loop3A_165 = arith.mulf %parallel_loop3A_90, %parallel_loop3A_163 : vector<16xf32>
        %parallel_loop3A_166 = arith.addf %parallel_loop3A_164, %parallel_loop3A_165 : vector<16xf32>
        %parallel_loop3A_167 = arith.constant 64 : i32
        %parallel_loop3A_168 = arith.addi %parallel_loop3A_95, %parallel_loop3A_167 : i32
        %parallel_loop3A_169 = arith.index_cast %parallel_loop3A_168 : i32 to index
        %parallel_loop3A_170 = tpu.vector_load %arg7[%parallel_loop3A_169] {strides = array<i32>} : memref<32768xf32, #tpu.memory_space<vmem>>, vector<16xf32>,
        tpu.vector_store %arg7[%parallel_loop3A_169], %parallel_loop3A_166 {strides = array<i32>} : memref<32768xf32, #tpu.memory_space<vmem>>, vector<16xf32>,
        %parallel_loop3A_171 = arith.constant 80 : i32
        %parallel_loop3A_172 = arith.addi %parallel_loop3A_85, %parallel_loop3A_171 : i32
        %parallel_loop3A_173 = arith.index_cast %parallel_loop3A_172 : i32 to index
        %parallel_loop3A_174 = tpu.vector_load %arg5[%parallel_loop3A_173] {strides = array<i32>} : memref<16384xf32, #tpu.memory_space<vmem>>, vector<16xf32>,
        %parallel_loop3A_175 = arith.constant 80 : i32
        %parallel_loop3A_176 = arith.addi %parallel_loop3A_87, %parallel_loop3A_175 : i32
        %parallel_loop3A_177 = arith.index_cast %parallel_loop3A_176 : i32 to index
        %parallel_loop3A_178 = tpu.vector_load %arg5[%parallel_loop3A_177] {strides = array<i32>} : memref<16384xf32, #tpu.memory_space<vmem>>, vector<16xf32>,
        %parallel_loop3A_179 = arith.mulf %parallel_loop3A_93, %parallel_loop3A_174 : vector<16xf32>
        %parallel_loop3A_180 = arith.mulf %parallel_loop3A_90, %parallel_loop3A_178 : vector<16xf32>
        %parallel_loop3A_181 = arith.addf %parallel_loop3A_179, %parallel_loop3A_180 : vector<16xf32>
        %parallel_loop3A_182 = arith.constant 80 : i32
        %parallel_loop3A_183 = arith.addi %parallel_loop3A_95, %parallel_loop3A_182 : i32
        %parallel_loop3A_184 = arith.index_cast %parallel_loop3A_183 : i32 to index
        %parallel_loop3A_185 = tpu.vector_load %arg7[%parallel_loop3A_184] {strides = array<i32>} : memref<32768xf32, #tpu.memory_space<vmem>>, vector<16xf32>,
        tpu.vector_store %arg7[%parallel_loop3A_184], %parallel_loop3A_181 {strides = array<i32>} : memref<32768xf32, #tpu.memory_space<vmem>>, vector<16xf32>,
        %parallel_loop3A_186 = arith.constant 96 : i32
        %parallel_loop3A_187 = arith.addi %parallel_loop3A_85, %parallel_loop3A_186 : i32
        %parallel_loop3A_188 = arith.index_cast %parallel_loop3A_187 : i32 to index
        %parallel_loop3A_189 = tpu.vector_load %arg5[%parallel_loop3A_188] {strides = array<i32>} : memref<16384xf32, #tpu.memory_space<vmem>>, vector<16xf32>,
        %parallel_loop3A_190 = arith.constant 96 : i32
        %parallel_loop3A_191 = arith.addi %parallel_loop3A_87, %parallel_loop3A_190 : i32
        %parallel_loop3A_192 = arith.index_cast %parallel_loop3A_191 : i32 to index
        %parallel_loop3A_193 = tpu.vector_load %arg5[%parallel_loop3A_192] {strides = array<i32>} : memref<16384xf32, #tpu.memory_space<vmem>>, vector<16xf32>,
        %parallel_loop3A_194 = arith.mulf %parallel_loop3A_93, %parallel_loop3A_189 : vector<16xf32>
        %parallel_loop3A_195 = arith.mulf %parallel_loop3A_90, %parallel_loop3A_193 : vector<16xf32>
        %parallel_loop3A_196 = arith.addf %parallel_loop3A_194, %parallel_loop3A_195 : vector<16xf32>
        %parallel_loop3A_197 = arith.constant 96 : i32
        %parallel_loop3A_198 = arith.addi %parallel_loop3A_95, %parallel_loop3A_197 : i32
        %parallel_loop3A_199 = arith.index_cast %parallel_loop3A_198 : i32 to index
        %parallel_loop3A_200 = tpu.vector_load %arg7[%parallel_loop3A_199] {strides = array<i32>} : memref<32768xf32, #tpu.memory_space<vmem>>, vector<16xf32>,
        tpu.vector_store %arg7[%parallel_loop3A_199], %parallel_loop3A_196 {strides = array<i32>} : memref<32768xf32, #tpu.memory_space<vmem>>, vector<16xf32>,
        %parallel_loop3A_201 = arith.constant 112 : i32
        %parallel_loop3A_202 = arith.addi %parallel_loop3A_85, %parallel_loop3A_201 : i32
        %parallel_loop3A_203 = arith.index_cast %parallel_loop3A_202 : i32 to index
        %parallel_loop3A_204 = tpu.vector_load %arg5[%parallel_loop3A_203] {strides = array<i32>} : memref<16384xf32, #tpu.memory_space<vmem>>, vector<16xf32>,
        %parallel_loop3A_205 = arith.constant 112 : i32
        %parallel_loop3A_206 = arith.addi %parallel_loop3A_87, %parallel_loop3A_205 : i32
        %parallel_loop3A_207 = arith.index_cast %parallel_loop3A_206 : i32 to index
        %parallel_loop3A_208 = tpu.vector_load %arg5[%parallel_loop3A_207] {strides = array<i32>} : memref<16384xf32, #tpu.memory_space<vmem>>, vector<16xf32>,
        %parallel_loop3A_209 = arith.mulf %parallel_loop3A_93, %parallel_loop3A_204 : vector<16xf32>
        %parallel_loop3A_210 = arith.mulf %parallel_loop3A_90, %parallel_loop3A_208 : vector<16xf32>
        %parallel_loop3A_211 = arith.addf %parallel_loop3A_209, %parallel_loop3A_210 : vector<16xf32>
        %parallel_loop3A_212 = arith.constant 112 : i32
        %parallel_loop3A_213 = arith.addi %parallel_loop3A_95, %parallel_loop3A_212 : i32
        %parallel_loop3A_214 = arith.index_cast %parallel_loop3A_213 : i32 to index
        %parallel_loop3A_215 = tpu.vector_load %arg7[%parallel_loop3A_214] {strides = array<i32>} : memref<32768xf32, #tpu.memory_space<vmem>>, vector<16xf32>,
        tpu.vector_store %arg7[%parallel_loop3A_214], %parallel_loop3A_211 {strides = array<i32>} : memref<32768xf32, #tpu.memory_space<vmem>>, vector<16xf32>,
        %parallel_loop3A_216 = arith.constant 128 : i32
        %parallel_loop3A_217 = arith.addi %parallel_loop3A_85, %parallel_loop3A_216 : i32
        %parallel_loop3A_218 = arith.index_cast %parallel_loop3A_217 : i32 to index
        %parallel_loop3A_219 = tpu.vector_load %arg5[%parallel_loop3A_218] {strides = array<i32>} : memref<16384xf32, #tpu.memory_space<vmem>>, vector<16xf32>,
        %parallel_loop3A_220 = arith.constant 128 : i32
        %parallel_loop3A_221 = arith.addi %parallel_loop3A_87, %parallel_loop3A_220 : i32
        %parallel_loop3A_222 = arith.index_cast %parallel_loop3A_221 : i32 to index
        %parallel_loop3A_223 = tpu.vector_load %arg5[%parallel_loop3A_222] {strides = array<i32>} : memref<16384xf32, #tpu.memory_space<vmem>>, vector<16xf32>,
        %parallel_loop3A_224 = arith.mulf %parallel_loop3A_93, %parallel_loop3A_219 : vector<16xf32>
        %parallel_loop3A_225 = arith.mulf %parallel_loop3A_90, %parallel_loop3A_223 : vector<16xf32>
        %parallel_loop3A_226 = arith.addf %parallel_loop3A_224, %parallel_loop3A_225 : vector<16xf32>
        %parallel_loop3A_227 = arith.constant 128 : i32
        %parallel_loop3A_228 = arith.addi %parallel_loop3A_95, %parallel_loop3A_227 : i32
        %parallel_loop3A_229 = arith.index_cast %parallel_loop3A_228 : i32 to index
        %parallel_loop3A_230 = tpu.vector_load %arg7[%parallel_loop3A_229] {strides = array<i32>} : memref<32768xf32, #tpu.memory_space<vmem>>, vector<16xf32>,
        tpu.vector_store %arg7[%parallel_loop3A_229], %parallel_loop3A_226 {strides = array<i32>} : memref<32768xf32, #tpu.memory_space<vmem>>, vector<16xf32>,
        %parallel_loop3A_231 = arith.constant 144 : i32
        %parallel_loop3A_232 = arith.addi %parallel_loop3A_85, %parallel_loop3A_231 : i32
        %parallel_loop3A_233 = arith.index_cast %parallel_loop3A_232 : i32 to index
        %parallel_loop3A_234 = tpu.vector_load %arg5[%parallel_loop3A_233] {strides = array<i32>} : memref<16384xf32, #tpu.memory_space<vmem>>, vector<16xf32>,
        %parallel_loop3A_235 = arith.constant 144 : i32
        %parallel_loop3A_236 = arith.addi %parallel_loop3A_87, %parallel_loop3A_235 : i32
        %parallel_loop3A_237 = arith.index_cast %parallel_loop3A_236 : i32 to index
        %parallel_loop3A_238 = tpu.vector_load %arg5[%parallel_loop3A_237] {strides = array<i32>} : memref<16384xf32, #tpu.memory_space<vmem>>, vector<16xf32>,
        %parallel_loop3A_239 = arith.mulf %parallel_loop3A_93, %parallel_loop3A_234 : vector<16xf32>
        %parallel_loop3A_240 = arith.mulf %parallel_loop3A_90, %parallel_loop3A_238 : vector<16xf32>
        %parallel_loop3A_241 = arith.addf %parallel_loop3A_239, %parallel_loop3A_240 : vector<16xf32>
        %parallel_loop3A_242 = arith.constant 144 : i32
        %parallel_loop3A_243 = arith.addi %parallel_loop3A_95, %parallel_loop3A_242 : i32
        %parallel_loop3A_244 = arith.index_cast %parallel_loop3A_243 : i32 to index
        %parallel_loop3A_245 = tpu.vector_load %arg7[%parallel_loop3A_244] {strides = array<i32>} : memref<32768xf32, #tpu.memory_space<vmem>>, vector<16xf32>,
        tpu.vector_store %arg7[%parallel_loop3A_244], %parallel_loop3A_241 {strides = array<i32>} : memref<32768xf32, #tpu.memory_space<vmem>>, vector<16xf32>,
        %parallel_loop3A_246 = arith.constant 160 : i32
        %parallel_loop3A_247 = arith.addi %parallel_loop3A_85, %parallel_loop3A_246 : i32
        %parallel_loop3A_248 = arith.index_cast %parallel_loop3A_247 : i32 to index
        %parallel_loop3A_249 = tpu.vector_load %arg5[%parallel_loop3A_248] {strides = array<i32>} : memref<16384xf32, #tpu.memory_space<vmem>>, vector<16xf32>,
        %parallel_loop3A_250 = arith.constant 160 : i32
        %parallel_loop3A_251 = arith.addi %parallel_loop3A_87, %parallel_loop3A_250 : i32
        %parallel_loop3A_252 = arith.index_cast %parallel_loop3A_251 : i32 to index
        %parallel_loop3A_253 = tpu.vector_load %arg5[%parallel_loop3A_252] {strides = array<i32>} : memref<16384xf32, #tpu.memory_space<vmem>>, vector<16xf32>,
        %parallel_loop3A_254 = arith.mulf %parallel_loop3A_93, %parallel_loop3A_249 : vector<16xf32>
        %parallel_loop3A_255 = arith.mulf %parallel_loop3A_90, %parallel_loop3A_253 : vector<16xf32>
        %parallel_loop3A_256 = arith.addf %parallel_loop3A_254, %parallel_loop3A_255 : vector<16xf32>
        %parallel_loop3A_257 = arith.constant 160 : i32
        %parallel_loop3A_258 = arith.addi %parallel_loop3A_95, %parallel_loop3A_257 : i32
        %parallel_loop3A_259 = arith.index_cast %parallel_loop3A_258 : i32 to index
        %parallel_loop3A_260 = tpu.vector_load %arg7[%parallel_loop3A_259] {strides = array<i32>} : memref<32768xf32, #tpu.memory_space<vmem>>, vector<16xf32>,
        tpu.vector_store %arg7[%parallel_loop3A_259], %parallel_loop3A_256 {strides = array<i32>} : memref<32768xf32, #tpu.memory_space<vmem>>, vector<16xf32>,
        %parallel_loop3A_261 = arith.constant 176 : i32
        %parallel_loop3A_262 = arith.addi %parallel_loop3A_85, %parallel_loop3A_261 : i32
        %parallel_loop3A_263 = arith.index_cast %parallel_loop3A_262 : i32 to index
        %parallel_loop3A_264 = tpu.vector_load %arg5[%parallel_loop3A_263] {strides = array<i32>} : memref<16384xf32, #tpu.memory_space<vmem>>, vector<16xf32>,
        %parallel_loop3A_265 = arith.constant 176 : i32
        %parallel_loop3A_266 = arith.addi %parallel_loop3A_87, %parallel_loop3A_265 : i32
        %parallel_loop3A_267 = arith.index_cast %parallel_loop3A_266 : i32 to index
        %parallel_loop3A_268 = tpu.vector_load %arg5[%parallel_loop3A_267] {strides = array<i32>} : memref<16384xf32, #tpu.memory_space<vmem>>, vector<16xf32>,
        %parallel_loop3A_269 = arith.mulf %parallel_loop3A_93, %parallel_loop3A_264 : vector<16xf32>
        %parallel_loop3A_270 = arith.mulf %parallel_loop3A_90, %parallel_loop3A_268 : vector<16xf32>
        %parallel_loop3A_271 = arith.addf %parallel_loop3A_269, %parallel_loop3A_270 : vector<16xf32>
        %parallel_loop3A_272 = arith.constant 176 : i32
        %parallel_loop3A_273 = arith.addi %parallel_loop3A_95, %parallel_loop3A_272 : i32
        %parallel_loop3A_274 = arith.index_cast %parallel_loop3A_273 : i32 to index
        %parallel_loop3A_275 = tpu.vector_load %arg7[%parallel_loop3A_274] {strides = array<i32>} : memref<32768xf32, #tpu.memory_space<vmem>>, vector<16xf32>,
        tpu.vector_store %arg7[%parallel_loop3A_274], %parallel_loop3A_271 {strides = array<i32>} : memref<32768xf32, #tpu.memory_space<vmem>>, vector<16xf32>,
        %parallel_loop3A_276 = arith.constant 192 : i32
        %parallel_loop3A_277 = arith.addi %parallel_loop3A_85, %parallel_loop3A_276 : i32
        %parallel_loop3A_278 = arith.index_cast %parallel_loop3A_277 : i32 to index
        %parallel_loop3A_279 = tpu.vector_load %arg5[%parallel_loop3A_278] {strides = array<i32>} : memref<16384xf32, #tpu.memory_space<vmem>>, vector<16xf32>,
        %parallel_loop3A_280 = arith.constant 192 : i32
        %parallel_loop3A_281 = arith.addi %parallel_loop3A_87, %parallel_loop3A_280 : i32
        %parallel_loop3A_282 = arith.index_cast %parallel_loop3A_281 : i32 to index
        %parallel_loop3A_283 = tpu.vector_load %arg5[%parallel_loop3A_282] {strides = array<i32>} : memref<16384xf32, #tpu.memory_space<vmem>>, vector<16xf32>,
        %parallel_loop3A_284 = arith.mulf %parallel_loop3A_93, %parallel_loop3A_279 : vector<16xf32>
        %parallel_loop3A_285 = arith.mulf %parallel_loop3A_90, %parallel_loop3A_283 : vector<16xf32>
        %parallel_loop3A_286 = arith.addf %parallel_loop3A_284, %parallel_loop3A_285 : vector<16xf32>
        %parallel_loop3A_287 = arith.constant 192 : i32
        %parallel_loop3A_288 = arith.addi %parallel_loop3A_95, %parallel_loop3A_287 : i32
        %parallel_loop3A_289 = arith.index_cast %parallel_loop3A_288 : i32 to index
        %parallel_loop3A_290 = tpu.vector_load %arg7[%parallel_loop3A_289] {strides = array<i32>} : memref<32768xf32, #tpu.memory_space<vmem>>, vector<16xf32>,
        tpu.vector_store %arg7[%parallel_loop3A_289], %parallel_loop3A_286 {strides = array<i32>} : memref<32768xf32, #tpu.memory_space<vmem>>, vector<16xf32>,
        %parallel_loop3A_291 = arith.constant 208 : i32
        %parallel_loop3A_292 = arith.addi %parallel_loop3A_85, %parallel_loop3A_291 : i32
        %parallel_loop3A_293 = arith.index_cast %parallel_loop3A_292 : i32 to index
        %parallel_loop3A_294 = tpu.vector_load %arg5[%parallel_loop3A_293] {strides = array<i32>} : memref<16384xf32, #tpu.memory_space<vmem>>, vector<16xf32>,
        %parallel_loop3A_295 = arith.constant 208 : i32
        %parallel_loop3A_296 = arith.addi %parallel_loop3A_87, %parallel_loop3A_295 : i32
        %parallel_loop3A_297 = arith.index_cast %parallel_loop3A_296 : i32 to index
        %parallel_loop3A_298 = tpu.vector_load %arg5[%parallel_loop3A_297] {strides = array<i32>} : memref<16384xf32, #tpu.memory_space<vmem>>, vector<16xf32>,
        %parallel_loop3A_299 = arith.mulf %parallel_loop3A_93, %parallel_loop3A_294 : vector<16xf32>
        %parallel_loop3A_300 = arith.mulf %parallel_loop3A_90, %parallel_loop3A_298 : vector<16xf32>
        %parallel_loop3A_301 = arith.addf %parallel_loop3A_299, %parallel_loop3A_300 : vector<16xf32>
        %parallel_loop3A_302 = arith.constant 208 : i32
        %parallel_loop3A_303 = arith.addi %parallel_loop3A_95, %parallel_loop3A_302 : i32
        %parallel_loop3A_304 = arith.index_cast %parallel_loop3A_303 : i32 to index
        %parallel_loop3A_305 = tpu.vector_load %arg7[%parallel_loop3A_304] {strides = array<i32>} : memref<32768xf32, #tpu.memory_space<vmem>>, vector<16xf32>,
        tpu.vector_store %arg7[%parallel_loop3A_304], %parallel_loop3A_301 {strides = array<i32>} : memref<32768xf32, #tpu.memory_space<vmem>>, vector<16xf32>,
        %parallel_loop3A_306 = arith.constant 224 : i32
        %parallel_loop3A_307 = arith.addi %parallel_loop3A_85, %parallel_loop3A_306 : i32
        %parallel_loop3A_308 = arith.index_cast %parallel_loop3A_307 : i32 to index
        %parallel_loop3A_309 = tpu.vector_load %arg5[%parallel_loop3A_308] {strides = array<i32>} : memref<16384xf32, #tpu.memory_space<vmem>>, vector<16xf32>,
        %parallel_loop3A_310 = arith.constant 224 : i32
        %parallel_loop3A_311 = arith.addi %parallel_loop3A_87, %parallel_loop3A_310 : i32
        %parallel_loop3A_312 = arith.index_cast %parallel_loop3A_311 : i32 to index
        %parallel_loop3A_313 = tpu.vector_load %arg5[%parallel_loop3A_312] {strides = array<i32>} : memref<16384xf32, #tpu.memory_space<vmem>>, vector<16xf32>,
        %parallel_loop3A_314 = arith.mulf %parallel_loop3A_93, %parallel_loop3A_309 : vector<16xf32>
        %parallel_loop3A_315 = arith.mulf %parallel_loop3A_90, %parallel_loop3A_313 : vector<16xf32>
        %parallel_loop3A_316 = arith.addf %parallel_loop3A_314, %parallel_loop3A_315 : vector<16xf32>
        %parallel_loop3A_317 = arith.constant 224 : i32
        %parallel_loop3A_318 = arith.addi %parallel_loop3A_95, %parallel_loop3A_317 : i32
        %parallel_loop3A_319 = arith.index_cast %parallel_loop3A_318 : i32 to index
        %parallel_loop3A_320 = tpu.vector_load %arg7[%parallel_loop3A_319] {strides = array<i32>} : memref<32768xf32, #tpu.memory_space<vmem>>, vector<16xf32>,
        tpu.vector_store %arg7[%parallel_loop3A_319], %parallel_loop3A_316 {strides = array<i32>} : memref<32768xf32, #tpu.memory_space<vmem>>, vector<16xf32>,
        %parallel_loop3A_321 = arith.constant 240 : i32
        %parallel_loop3A_322 = arith.addi %parallel_loop3A_85, %parallel_loop3A_321 : i32
        %parallel_loop3A_323 = arith.index_cast %parallel_loop3A_322 : i32 to index
        %parallel_loop3A_324 = tpu.vector_load %arg5[%parallel_loop3A_323] {strides = array<i32>} : memref<16384xf32, #tpu.memory_space<vmem>>, vector<16xf32>,
        %parallel_loop3A_325 = arith.constant 240 : i32
        %parallel_loop3A_326 = arith.addi %parallel_loop3A_87, %parallel_loop3A_325 : i32
        %parallel_loop3A_327 = arith.index_cast %parallel_loop3A_326 : i32 to index
        %parallel_loop3A_328 = tpu.vector_load %arg5[%parallel_loop3A_327] {strides = array<i32>} : memref<16384xf32, #tpu.memory_space<vmem>>, vector<16xf32>,
        %parallel_loop3A_329 = arith.mulf %parallel_loop3A_93, %parallel_loop3A_324 : vector<16xf32>
        %parallel_loop3A_330 = arith.mulf %parallel_loop3A_90, %parallel_loop3A_328 : vector<16xf32>
        %parallel_loop3A_331 = arith.addf %parallel_loop3A_329, %parallel_loop3A_330 : vector<16xf32>
        %parallel_loop3A_332 = arith.constant 240 : i32
        %parallel_loop3A_333 = arith.addi %parallel_loop3A_95, %parallel_loop3A_332 : i32
        %parallel_loop3A_334 = arith.index_cast %parallel_loop3A_333 : i32 to index
        %parallel_loop3A_335 = tpu.vector_load %arg7[%parallel_loop3A_334] {strides = array<i32>} : memref<32768xf32, #tpu.memory_space<vmem>>, vector<16xf32>,
        tpu.vector_store %arg7[%parallel_loop3A_334], %parallel_loop3A_331 {strides = array<i32>} : memref<32768xf32, #tpu.memory_space<vmem>>, vector<16xf32>,
        %parallel_loop3A_336 = vector.extract_strided_slice %parallel_loop3A_75 {offsets = [1], sizes = [1], strides = [1]} : vector<16xi32> to vector<1xi32>
        %parallel_loop3A_337 = vector.extract %parallel_loop3A_336[0] : i32 from vector<1xi32>
        %parallel_loop3A_338 = vector.extract_strided_slice %parallel_loop3A_77 {offsets = [1], sizes = [1], strides = [1]} : vector<16xi32> to vector<1xi32>
        %parallel_loop3A_339 = vector.extract %parallel_loop3A_338[0] : i32 from vector<1xi32>
        %parallel_loop3A_340 = vector.extract_strided_slice %parallel_loop3A_79 {offsets = [1], sizes = [1], strides = [1]} : vector<16xf32> to vector<1xf32>
        %parallel_loop3A_341 = vector.extract %parallel_loop3A_340[0] : f32 from vector<1xf32>
        %parallel_loop3A_342 = vector.broadcast %parallel_loop3A_341 : f32 to vector<16xf32>
        %parallel_loop3A_343 = vector.extract_strided_slice %parallel_loop3A_81 {offsets = [1], sizes = [1], strides = [1]} : vector<16xf32> to vector<1xf32>
        %parallel_loop3A_344 = vector.extract %parallel_loop3A_343[0] : f32 from vector<1xf32>
        %parallel_loop3A_345 = vector.broadcast %parallel_loop3A_344 : f32 to vector<16xf32>
        %parallel_loop3A_346 = arith.constant 256 : i32
        %parallel_loop3A_347 = arith.addi %parallel_loop3A_83, %parallel_loop3A_346 : i32
        %parallel_loop3A_348 = arith.constant 0 : i32
        %parallel_loop3A_349 = arith.addi %parallel_loop3A_337, %parallel_loop3A_348 : i32
        %parallel_loop3A_350 = arith.index_cast %parallel_loop3A_349 : i32 to index
        %parallel_loop3A_351 = tpu.vector_load %arg5[%parallel_loop3A_350] {strides = array<i32>} : memref<16384xf32, #tpu.memory_space<vmem>>, vector<16xf32>,
        %parallel_loop3A_352 = arith.constant 0 : i32
        %parallel_loop3A_353 = arith.addi %parallel_loop3A_339, %parallel_loop3A_352 : i32
        %parallel_loop3A_354 = arith.index_cast %parallel_loop3A_353 : i32 to index
        %parallel_loop3A_355 = tpu.vector_load %arg5[%parallel_loop3A_354] {strides = array<i32>} : memref<16384xf32, #tpu.memory_space<vmem>>, vector<16xf32>,
        %parallel_loop3A_356 = arith.mulf %parallel_loop3A_345, %parallel_loop3A_351 : vector<16xf32>
        %parallel_loop3A_357 = arith.mulf %parallel_loop3A_342, %parallel_loop3A_355 : vector<16xf32>
        %parallel_loop3A_358 = arith.addf %parallel_loop3A_356, %parallel_loop3A_357 : vector<16xf32>
        %parallel_loop3A_359 = arith.constant 0 : i32
        %parallel_loop3A_360 = arith.addi %parallel_loop3A_347, %parallel_loop3A_359 : i32
        %parallel_loop3A_361 = arith.index_cast %parallel_loop3A_360 : i32 to index
        %parallel_loop3A_362 = tpu.vector_load %arg7[%parallel_loop3A_361] {strides = array<i32>} : memref<32768xf32, #tpu.memory_space<vmem>>, vector<16xf32>,
        tpu.vector_store %arg7[%parallel_loop3A_361], %parallel_loop3A_358 {strides = array<i32>} : memref<32768xf32, #tpu.memory_space<vmem>>, vector<16xf32>,
        %parallel_loop3A_363 = arith.constant 16 : i32
        %parallel_loop3A_364 = arith.addi %parallel_loop3A_337, %parallel_loop3A_363 : i32
        %parallel_loop3A_365 = arith.index_cast %parallel_loop3A_364 : i32 to index
        %parallel_loop3A_366 = tpu.vector_load %arg5[%parallel_loop3A_365] {strides = array<i32>} : memref<16384xf32, #tpu.memory_space<vmem>>, vector<16xf32>,
        %parallel_loop3A_367 = arith.constant 16 : i32
        %parallel_loop3A_368 = arith.addi %parallel_loop3A_339, %parallel_loop3A_367 : i32
        %parallel_loop3A_369 = arith.index_cast %parallel_loop3A_368 : i32 to index
        %parallel_loop3A_370 = tpu.vector_load %arg5[%parallel_loop3A_369] {strides = array<i32>} : memref<16384xf32, #tpu.memory_space<vmem>>, vector<16xf32>,
        %parallel_loop3A_371 = arith.mulf %parallel_loop3A_345, %parallel_loop3A_366 : vector<16xf32>
        %parallel_loop3A_372 = arith.mulf %parallel_loop3A_342, %parallel_loop3A_370 : vector<16xf32>
        %parallel_loop3A_373 = arith.addf %parallel_loop3A_371, %parallel_loop3A_372 : vector<16xf32>
        %parallel_loop3A_374 = arith.constant 16 : i32
        %parallel_loop3A_375 = arith.addi %parallel_loop3A_347, %parallel_loop3A_374 : i32
        %parallel_loop3A_376 = arith.index_cast %parallel_loop3A_375 : i32 to index
        %parallel_loop3A_377 = tpu.vector_load %arg7[%parallel_loop3A_376] {strides = array<i32>} : memref<32768xf32, #tpu.memory_space<vmem>>, vector<16xf32>,
        tpu.vector_store %arg7[%parallel_loop3A_376], %parallel_loop3A_373 {strides = array<i32>} : memref<32768xf32, #tpu.memory_space<vmem>>, vector<16xf32>,
        %parallel_loop3A_378 = arith.constant 32 : i32
        %parallel_loop3A_379 = arith.addi %parallel_loop3A_337, %parallel_loop3A_378 : i32
        %parallel_loop3A_380 = arith.index_cast %parallel_loop3A_379 : i32 to index
        %parallel_loop3A_381 = tpu.vector_load %arg5[%parallel_loop3A_380] {strides = array<i32>} : memref<16384xf32, #tpu.memory_space<vmem>>, vector<16xf32>,
        %parallel_loop3A_382 = arith.constant 32 : i32
        %parallel_loop3A_383 = arith.addi %parallel_loop3A_339, %parallel_loop3A_382 : i32
        %parallel_loop3A_384 = arith.index_cast %parallel_loop3A_383 : i32 to index
        %parallel_loop3A_385 = tpu.vector_load %arg5[%parallel_loop3A_384] {strides = array<i32>} : memref<16384xf32, #tpu.memory_space<vmem>>, vector<16xf32>,
        %parallel_loop3A_386 = arith.mulf %parallel_loop3A_345, %parallel_loop3A_381 : vector<16xf32>
        %parallel_loop3A_387 = arith.mulf %parallel_loop3A_342, %parallel_loop3A_385 : vector<16xf32>
        %parallel_loop3A_388 = arith.addf %parallel_loop3A_386, %parallel_loop3A_387 : vector<16xf32>
        %parallel_loop3A_389 = arith.constant 32 : i32
        %parallel_loop3A_390 = arith.addi %parallel_loop3A_347, %parallel_loop3A_389 : i32
        %parallel_loop3A_391 = arith.index_cast %parallel_loop3A_390 : i32 to index
        %parallel_loop3A_392 = tpu.vector_load %arg7[%parallel_loop3A_391] {strides = array<i32>} : memref<32768xf32, #tpu.memory_space<vmem>>, vector<16xf32>,
        tpu.vector_store %arg7[%parallel_loop3A_391], %parallel_loop3A_388 {strides = array<i32>} : memref<32768xf32, #tpu.memory_space<vmem>>, vector<16xf32>,
        %parallel_loop3A_393 = arith.constant 48 : i32
        %parallel_loop3A_394 = arith.addi %parallel_loop3A_337, %parallel_loop3A_393 : i32
        %parallel_loop3A_395 = arith.index_cast %parallel_loop3A_394 : i32 to index
        %parallel_loop3A_396 = tpu.vector_load %arg5[%parallel_loop3A_395] {strides = array<i32>} : memref<16384xf32, #tpu.memory_space<vmem>>, vector<16xf32>,
        %parallel_loop3A_397 = arith.constant 48 : i32
        %parallel_loop3A_398 = arith.addi %parallel_loop3A_339, %parallel_loop3A_397 : i32
        %parallel_loop3A_399 = arith.index_cast %parallel_loop3A_398 : i32 to index
        %parallel_loop3A_400 = tpu.vector_load %arg5[%parallel_loop3A_399] {strides = array<i32>} : memref<16384xf32, #tpu.memory_space<vmem>>, vector<16xf32>,
        %parallel_loop3A_401 = arith.mulf %parallel_loop3A_345, %parallel_loop3A_396 : vector<16xf32>
        %parallel_loop3A_402 = arith.mulf %parallel_loop3A_342, %parallel_loop3A_400 : vector<16xf32>
        %parallel_loop3A_403 = arith.addf %parallel_loop3A_401, %parallel_loop3A_402 : vector<16xf32>
        %parallel_loop3A_404 = arith.constant 48 : i32
        %parallel_loop3A_405 = arith.addi %parallel_loop3A_347, %parallel_loop3A_404 : i32
        %parallel_loop3A_406 = arith.index_cast %parallel_loop3A_405 : i32 to index
        %parallel_loop3A_407 = tpu.vector_load %arg7[%parallel_loop3A_406] {strides = array<i32>} : memref<32768xf32, #tpu.memory_space<vmem>>, vector<16xf32>,
        tpu.vector_store %arg7[%parallel_loop3A_406], %parallel_loop3A_403 {strides = array<i32>} : memref<32768xf32, #tpu.memory_space<vmem>>, vector<16xf32>,
        %parallel_loop3A_408 = arith.constant 64 : i32
        %parallel_loop3A_409 = arith.addi %parallel_loop3A_337, %parallel_loop3A_408 : i32
        %parallel_loop3A_410 = arith.index_cast %parallel_loop3A_409 : i32 to index
        %parallel_loop3A_411 = tpu.vector_load %arg5[%parallel_loop3A_410] {strides = array<i32>} : memref<16384xf32, #tpu.memory_space<vmem>>, vector<16xf32>,
        %parallel_loop3A_412 = arith.constant 64 : i32
        %parallel_loop3A_413 = arith.addi %parallel_loop3A_339, %parallel_loop3A_412 : i32
        %parallel_loop3A_414 = arith.index_cast %parallel_loop3A_413 : i32 to index
        %parallel_loop3A_415 = tpu.vector_load %arg5[%parallel_loop3A_414] {strides = array<i32>} : memref<16384xf32, #tpu.memory_space<vmem>>, vector<16xf32>,
        %parallel_loop3A_416 = arith.mulf %parallel_loop3A_345, %parallel_loop3A_411 : vector<16xf32>
        %parallel_loop3A_417 = arith.mulf %parallel_loop3A_342, %parallel_loop3A_415 : vector<16xf32>
        %parallel_loop3A_418 = arith.addf %parallel_loop3A_416, %parallel_loop3A_417 : vector<16xf32>
        %parallel_loop3A_419 = arith.constant 64 : i32
        %parallel_loop3A_420 = arith.addi %parallel_loop3A_347, %parallel_loop3A_419 : i32
        %parallel_loop3A_421 = arith.index_cast %parallel_loop3A_420 : i32 to index
        %parallel_loop3A_422 = tpu.vector_load %arg7[%parallel_loop3A_421] {strides = array<i32>} : memref<32768xf32, #tpu.memory_space<vmem>>, vector<16xf32>,
        tpu.vector_store %arg7[%parallel_loop3A_421], %parallel_loop3A_418 {strides = array<i32>} : memref<32768xf32, #tpu.memory_space<vmem>>, vector<16xf32>,
        %parallel_loop3A_423 = arith.constant 80 : i32
        %parallel_loop3A_424 = arith.addi %parallel_loop3A_337, %parallel_loop3A_423 : i32
        %parallel_loop3A_425 = arith.index_cast %parallel_loop3A_424 : i32 to index
        %parallel_loop3A_426 = tpu.vector_load %arg5[%parallel_loop3A_425] {strides = array<i32>} : memref<16384xf32, #tpu.memory_space<vmem>>, vector<16xf32>,
        %parallel_loop3A_427 = arith.constant 80 : i32
        %parallel_loop3A_428 = arith.addi %parallel_loop3A_339, %parallel_loop3A_427 : i32
        %parallel_loop3A_429 = arith.index_cast %parallel_loop3A_428 : i32 to index
        %parallel_loop3A_430 = tpu.vector_load %arg5[%parallel_loop3A_429] {strides = array<i32>} : memref<16384xf32, #tpu.memory_space<vmem>>, vector<16xf32>,
        %parallel_loop3A_431 = arith.mulf %parallel_loop3A_345, %parallel_loop3A_426 : vector<16xf32>
        %parallel_loop3A_432 = arith.mulf %parallel_loop3A_342, %parallel_loop3A_430 : vector<16xf32>
        %parallel_loop3A_433 = arith.addf %parallel_loop3A_431, %parallel_loop3A_432 : vector<16xf32>
        %parallel_loop3A_434 = arith.constant 80 : i32
        %parallel_loop3A_435 = arith.addi %parallel_loop3A_347, %parallel_loop3A_434 : i32
        %parallel_loop3A_436 = arith.index_cast %parallel_loop3A_435 : i32 to index
        %parallel_loop3A_437 = tpu.vector_load %arg7[%parallel_loop3A_436] {strides = array<i32>} : memref<32768xf32, #tpu.memory_space<vmem>>, vector<16xf32>,
        tpu.vector_store %arg7[%parallel_loop3A_436], %parallel_loop3A_433 {strides = array<i32>} : memref<32768xf32, #tpu.memory_space<vmem>>, vector<16xf32>,
        %parallel_loop3A_438 = arith.constant 96 : i32
        %parallel_loop3A_439 = arith.addi %parallel_loop3A_337, %parallel_loop3A_438 : i32
        %parallel_loop3A_440 = arith.index_cast %parallel_loop3A_439 : i32 to index
        %parallel_loop3A_441 = tpu.vector_load %arg5[%parallel_loop3A_440] {strides = array<i32>} : memref<16384xf32, #tpu.memory_space<vmem>>, vector<16xf32>,
        %parallel_loop3A_442 = arith.constant 96 : i32
        %parallel_loop3A_443 = arith.addi %parallel_loop3A_339, %parallel_loop3A_442 : i32
        %parallel_loop3A_444 = arith.index_cast %parallel_loop3A_443 : i32 to index
        %parallel_loop3A_445 = tpu.vector_load %arg5[%parallel_loop3A_444] {strides = array<i32>} : memref<16384xf32, #tpu.memory_space<vmem>>, vector<16xf32>,
        %parallel_loop3A_446 = arith.mulf %parallel_loop3A_345, %parallel_loop3A_441 : vector<16xf32>
        %parallel_loop3A_447 = arith.mulf %parallel_loop3A_342, %parallel_loop3A_445 : vector<16xf32>
        %parallel_loop3A_448 = arith.addf %parallel_loop3A_446, %parallel_loop3A_447 : vector<16xf32>
        %parallel_loop3A_449 = arith.constant 96 : i32
        %parallel_loop3A_450 = arith.addi %parallel_loop3A_347, %parallel_loop3A_449 : i32
        %parallel_loop3A_451 = arith.index_cast %parallel_loop3A_450 : i32 to index
        %parallel_loop3A_452 = tpu.vector_load %arg7[%parallel_loop3A_451] {strides = array<i32>} : memref<32768xf32, #tpu.memory_space<vmem>>, vector<16xf32>,
        tpu.vector_store %arg7[%parallel_loop3A_451], %parallel_loop3A_448 {strides = array<i32>} : memref<32768xf32, #tpu.memory_space<vmem>>, vector<16xf32>,
        %parallel_loop3A_453 = arith.constant 112 : i32
        %parallel_loop3A_454 = arith.addi %parallel_loop3A_337, %parallel_loop3A_453 : i32
        %parallel_loop3A_455 = arith.index_cast %parallel_loop3A_454 : i32 to index
        %parallel_loop3A_456 = tpu.vector_load %arg5[%parallel_loop3A_455] {strides = array<i32>} : memref<16384xf32, #tpu.memory_space<vmem>>, vector<16xf32>,
        %parallel_loop3A_457 = arith.constant 112 : i32
        %parallel_loop3A_458 = arith.addi %parallel_loop3A_339, %parallel_loop3A_457 : i32
        %parallel_loop3A_459 = arith.index_cast %parallel_loop3A_458 : i32 to index
        %parallel_loop3A_460 = tpu.vector_load %arg5[%parallel_loop3A_459] {strides = array<i32>} : memref<16384xf32, #tpu.memory_space<vmem>>, vector<16xf32>,
        %parallel_loop3A_461 = arith.mulf %parallel_loop3A_345, %parallel_loop3A_456 : vector<16xf32>
        %parallel_loop3A_462 = arith.mulf %parallel_loop3A_342, %parallel_loop3A_460 : vector<16xf32>
        %parallel_loop3A_463 = arith.addf %parallel_loop3A_461, %parallel_loop3A_462 : vector<16xf32>
        %parallel_loop3A_464 = arith.constant 112 : i32
        %parallel_loop3A_465 = arith.addi %parallel_loop3A_347, %parallel_loop3A_464 : i32
        %parallel_loop3A_466 = arith.index_cast %parallel_loop3A_465 : i32 to index
        %parallel_loop3A_467 = tpu.vector_load %arg7[%parallel_loop3A_466] {strides = array<i32>} : memref<32768xf32, #tpu.memory_space<vmem>>, vector<16xf32>,
        tpu.vector_store %arg7[%parallel_loop3A_466], %parallel_loop3A_463 {strides = array<i32>} : memref<32768xf32, #tpu.memory_space<vmem>>, vector<16xf32>,
        %parallel_loop3A_468 = arith.constant 128 : i32
        %parallel_loop3A_469 = arith.addi %parallel_loop3A_337, %parallel_loop3A_468 : i32
        %parallel_loop3A_470 = arith.index_cast %parallel_loop3A_469 : i32 to index
        %parallel_loop3A_471 = tpu.vector_load %arg5[%parallel_loop3A_470] {strides = array<i32>} : memref<16384xf32, #tpu.memory_space<vmem>>, vector<16xf32>,
        %parallel_loop3A_472 = arith.constant 128 : i32
        %parallel_loop3A_473 = arith.addi %parallel_loop3A_339, %parallel_loop3A_472 : i32
        %parallel_loop3A_474 = arith.index_cast %parallel_loop3A_473 : i32 to index
        %parallel_loop3A_475 = tpu.vector_load %arg5[%parallel_loop3A_474] {strides = array<i32>} : memref<16384xf32, #tpu.memory_space<vmem>>, vector<16xf32>,
        %parallel_loop3A_476 = arith.mulf %parallel_loop3A_345, %parallel_loop3A_471 : vector<16xf32>
        %parallel_loop3A_477 = arith.mulf %parallel_loop3A_342, %parallel_loop3A_475 : vector<16xf32>
        %parallel_loop3A_478 = arith.addf %parallel_loop3A_476, %parallel_loop3A_477 : vector<16xf32>
        %parallel_loop3A_479 = arith.constant 128 : i32
        %parallel_loop3A_480 = arith.addi %parallel_loop3A_347, %parallel_loop3A_479 : i32
        %parallel_loop3A_481 = arith.index_cast %parallel_loop3A_480 : i32 to index
        %parallel_loop3A_482 = tpu.vector_load %arg7[%parallel_loop3A_481] {strides = array<i32>} : memref<32768xf32, #tpu.memory_space<vmem>>, vector<16xf32>,
        tpu.vector_store %arg7[%parallel_loop3A_481], %parallel_loop3A_478 {strides = array<i32>} : memref<32768xf32, #tpu.memory_space<vmem>>, vector<16xf32>,
        %parallel_loop3A_483 = arith.constant 144 : i32
        %parallel_loop3A_484 = arith.addi %parallel_loop3A_337, %parallel_loop3A_483 : i32
        %parallel_loop3A_485 = arith.index_cast %parallel_loop3A_484 : i32 to index
        %parallel_loop3A_486 = tpu.vector_load %arg5[%parallel_loop3A_485] {strides = array<i32>} : memref<16384xf32, #tpu.memory_space<vmem>>, vector<16xf32>,
        %parallel_loop3A_487 = arith.constant 144 : i32
        %parallel_loop3A_488 = arith.addi %parallel_loop3A_339, %parallel_loop3A_487 : i32
        %parallel_loop3A_489 = arith.index_cast %parallel_loop3A_488 : i32 to index
        %parallel_loop3A_490 = tpu.vector_load %arg5[%parallel_loop3A_489] {strides = array<i32>} : memref<16384xf32, #tpu.memory_space<vmem>>, vector<16xf32>,
        %parallel_loop3A_491 = arith.mulf %parallel_loop3A_345, %parallel_loop3A_486 : vector<16xf32>
        %parallel_loop3A_492 = arith.mulf %parallel_loop3A_342, %parallel_loop3A_490 : vector<16xf32>
        %parallel_loop3A_493 = arith.addf %parallel_loop3A_491, %parallel_loop3A_492 : vector<16xf32>
        %parallel_loop3A_494 = arith.constant 144 : i32
        %parallel_loop3A_495 = arith.addi %parallel_loop3A_347, %parallel_loop3A_494 : i32
        %parallel_loop3A_496 = arith.index_cast %parallel_loop3A_495 : i32 to index
        %parallel_loop3A_497 = tpu.vector_load %arg7[%parallel_loop3A_496] {strides = array<i32>} : memref<32768xf32, #tpu.memory_space<vmem>>, vector<16xf32>,
        tpu.vector_store %arg7[%parallel_loop3A_496], %parallel_loop3A_493 {strides = array<i32>} : memref<32768xf32, #tpu.memory_space<vmem>>, vector<16xf32>,
        %parallel_loop3A_498 = arith.constant 160 : i32
        %parallel_loop3A_499 = arith.addi %parallel_loop3A_337, %parallel_loop3A_498 : i32
        %parallel_loop3A_500 = arith.index_cast %parallel_loop3A_499 : i32 to index
        %parallel_loop3A_501 = tpu.vector_load %arg5[%parallel_loop3A_500] {strides = array<i32>} : memref<16384xf32, #tpu.memory_space<vmem>>, vector<16xf32>,
        %parallel_loop3A_502 = arith.constant 160 : i32
        %parallel_loop3A_503 = arith.addi %parallel_loop3A_339, %parallel_loop3A_502 : i32
        %parallel_loop3A_504 = arith.index_cast %parallel_loop3A_503 : i32 to index
        %parallel_loop3A_505 = tpu.vector_load %arg5[%parallel_loop3A_504] {strides = array<i32>} : memref<16384xf32, #tpu.memory_space<vmem>>, vector<16xf32>,
        %parallel_loop3A_506 = arith.mulf %parallel_loop3A_345, %parallel_loop3A_501 : vector<16xf32>
        %parallel_loop3A_507 = arith.mulf %parallel_loop3A_342, %parallel_loop3A_505 : vector<16xf32>
        %parallel_loop3A_508 = arith.addf %parallel_loop3A_506, %parallel_loop3A_507 : vector<16xf32>
        %parallel_loop3A_509 = arith.constant 160 : i32
        %parallel_loop3A_510 = arith.addi %parallel_loop3A_347, %parallel_loop3A_509 : i32
        %parallel_loop3A_511 = arith.index_cast %parallel_loop3A_510 : i32 to index
        %parallel_loop3A_512 = tpu.vector_load %arg7[%parallel_loop3A_511] {strides = array<i32>} : memref<32768xf32, #tpu.memory_space<vmem>>, vector<16xf32>,
        tpu.vector_store %arg7[%parallel_loop3A_511], %parallel_loop3A_508 {strides = array<i32>} : memref<32768xf32, #tpu.memory_space<vmem>>, vector<16xf32>,
        %parallel_loop3A_513 = arith.constant 176 : i32
        %parallel_loop3A_514 = arith.addi %parallel_loop3A_337, %parallel_loop3A_513 : i32
        %parallel_loop3A_515 = arith.index_cast %parallel_loop3A_514 : i32 to index
        %parallel_loop3A_516 = tpu.vector_load %arg5[%parallel_loop3A_515] {strides = array<i32>} : memref<16384xf32, #tpu.memory_space<vmem>>, vector<16xf32>,
        %parallel_loop3A_517 = arith.constant 176 : i32
        %parallel_loop3A_518 = arith.addi %parallel_loop3A_339, %parallel_loop3A_517 : i32
        %parallel_loop3A_519 = arith.index_cast %parallel_loop3A_518 : i32 to index
        %parallel_loop3A_520 = tpu.vector_load %arg5[%parallel_loop3A_519] {strides = array<i32>} : memref<16384xf32, #tpu.memory_space<vmem>>, vector<16xf32>,
        %parallel_loop3A_521 = arith.mulf %parallel_loop3A_345, %parallel_loop3A_516 : vector<16xf32>
        %parallel_loop3A_522 = arith.mulf %parallel_loop3A_342, %parallel_loop3A_520 : vector<16xf32>
        %parallel_loop3A_523 = arith.addf %parallel_loop3A_521, %parallel_loop3A_522 : vector<16xf32>
        %parallel_loop3A_524 = arith.constant 176 : i32
        %parallel_loop3A_525 = arith.addi %parallel_loop3A_347, %parallel_loop3A_524 : i32
        %parallel_loop3A_526 = arith.index_cast %parallel_loop3A_525 : i32 to index
        %parallel_loop3A_527 = tpu.vector_load %arg7[%parallel_loop3A_526] {strides = array<i32>} : memref<32768xf32, #tpu.memory_space<vmem>>, vector<16xf32>,
        tpu.vector_store %arg7[%parallel_loop3A_526], %parallel_loop3A_523 {strides = array<i32>} : memref<32768xf32, #tpu.memory_space<vmem>>, vector<16xf32>,
        %parallel_loop3A_528 = arith.constant 192 : i32
        %parallel_loop3A_529 = arith.addi %parallel_loop3A_337, %parallel_loop3A_528 : i32
        %parallel_loop3A_530 = arith.index_cast %parallel_loop3A_529 : i32 to index
        %parallel_loop3A_531 = tpu.vector_load %arg5[%parallel_loop3A_530] {strides = array<i32>} : memref<16384xf32, #tpu.memory_space<vmem>>, vector<16xf32>,
        %parallel_loop3A_532 = arith.constant 192 : i32
        %parallel_loop3A_533 = arith.addi %parallel_loop3A_339, %parallel_loop3A_532 : i32
        %parallel_loop3A_534 = arith.index_cast %parallel_loop3A_533 : i32 to index
        %parallel_loop3A_535 = tpu.vector_load %arg5[%parallel_loop3A_534] {strides = array<i32>} : memref<16384xf32, #tpu.memory_space<vmem>>, vector<16xf32>,
        %parallel_loop3A_536 = arith.mulf %parallel_loop3A_345, %parallel_loop3A_531 : vector<16xf32>
        %parallel_loop3A_537 = arith.mulf %parallel_loop3A_342, %parallel_loop3A_535 : vector<16xf32>
        %parallel_loop3A_538 = arith.addf %parallel_loop3A_536, %parallel_loop3A_537 : vector<16xf32>
        %parallel_loop3A_539 = arith.constant 192 : i32
        %parallel_loop3A_540 = arith.addi %parallel_loop3A_347, %parallel_loop3A_539 : i32
        %parallel_loop3A_541 = arith.index_cast %parallel_loop3A_540 : i32 to index
        %parallel_loop3A_542 = tpu.vector_load %arg7[%parallel_loop3A_541] {strides = array<i32>} : memref<32768xf32, #tpu.memory_space<vmem>>, vector<16xf32>,
        tpu.vector_store %arg7[%parallel_loop3A_541], %parallel_loop3A_538 {strides = array<i32>} : memref<32768xf32, #tpu.memory_space<vmem>>, vector<16xf32>,
        %parallel_loop3A_543 = arith.constant 208 : i32
        %parallel_loop3A_544 = arith.addi %parallel_loop3A_337, %parallel_loop3A_543 : i32
        %parallel_loop3A_545 = arith.index_cast %parallel_loop3A_544 : i32 to index
        %parallel_loop3A_546 = tpu.vector_load %arg5[%parallel_loop3A_545] {strides = array<i32>} : memref<16384xf32, #tpu.memory_space<vmem>>, vector<16xf32>,
        %parallel_loop3A_547 = arith.constant 208 : i32
        %parallel_loop3A_548 = arith.addi %parallel_loop3A_339, %parallel_loop3A_547 : i32
        %parallel_loop3A_549 = arith.index_cast %parallel_loop3A_548 : i32 to index
        %parallel_loop3A_550 = tpu.vector_load %arg5[%parallel_loop3A_549] {strides = array<i32>} : memref<16384xf32, #tpu.memory_space<vmem>>, vector<16xf32>,
        %parallel_loop3A_551 = arith.mulf %parallel_loop3A_345, %parallel_loop3A_546 : vector<16xf32>
        %parallel_loop3A_552 = arith.mulf %parallel_loop3A_342, %parallel_loop3A_550 : vector<16xf32>
        %parallel_loop3A_553 = arith.addf %parallel_loop3A_551, %parallel_loop3A_552 : vector<16xf32>
        %parallel_loop3A_554 = arith.constant 208 : i32
        %parallel_loop3A_555 = arith.addi %parallel_loop3A_347, %parallel_loop3A_554 : i32
        %parallel_loop3A_556 = arith.index_cast %parallel_loop3A_555 : i32 to index
        %parallel_loop3A_557 = tpu.vector_load %arg7[%parallel_loop3A_556] {strides = array<i32>} : memref<32768xf32, #tpu.memory_space<vmem>>, vector<16xf32>,
        tpu.vector_store %arg7[%parallel_loop3A_556], %parallel_loop3A_553 {strides = array<i32>} : memref<32768xf32, #tpu.memory_space<vmem>>, vector<16xf32>,
        %parallel_loop3A_558 = arith.constant 224 : i32
        %parallel_loop3A_559 = arith.addi %parallel_loop3A_337, %parallel_loop3A_558 : i32
        %parallel_loop3A_560 = arith.index_cast %parallel_loop3A_559 : i32 to index
        %parallel_loop3A_561 = tpu.vector_load %arg5[%parallel_loop3A_560] {strides = array<i32>} : memref<16384xf32, #tpu.memory_space<vmem>>, vector<16xf32>,
        %parallel_loop3A_562 = arith.constant 224 : i32
        %parallel_loop3A_563 = arith.addi %parallel_loop3A_339, %parallel_loop3A_562 : i32
        %parallel_loop3A_564 = arith.index_cast %parallel_loop3A_563 : i32 to index
        %parallel_loop3A_565 = tpu.vector_load %arg5[%parallel_loop3A_564] {strides = array<i32>} : memref<16384xf32, #tpu.memory_space<vmem>>, vector<16xf32>,
        %parallel_loop3A_566 = arith.mulf %parallel_loop3A_345, %parallel_loop3A_561 : vector<16xf32>
        %parallel_loop3A_567 = arith.mulf %parallel_loop3A_342, %parallel_loop3A_565 : vector<16xf32>
        %parallel_loop3A_568 = arith.addf %parallel_loop3A_566, %parallel_loop3A_567 : vector<16xf32>
        %parallel_loop3A_569 = arith.constant 224 : i32
        %parallel_loop3A_570 = arith.addi %parallel_loop3A_347, %parallel_loop3A_569 : i32
        %parallel_loop3A_571 = arith.index_cast %parallel_loop3A_570 : i32 to index
        %parallel_loop3A_572 = tpu.vector_load %arg7[%parallel_loop3A_571] {strides = array<i32>} : memref<32768xf32, #tpu.memory_space<vmem>>, vector<16xf32>,
        tpu.vector_store %arg7[%parallel_loop3A_571], %parallel_loop3A_568 {strides = array<i32>} : memref<32768xf32, #tpu.memory_space<vmem>>, vector<16xf32>,
        %parallel_loop3A_573 = arith.constant 240 : i32
        %parallel_loop3A_574 = arith.addi %parallel_loop3A_337, %parallel_loop3A_573 : i32
        %parallel_loop3A_575 = arith.index_cast %parallel_loop3A_574 : i32 to index
        %parallel_loop3A_576 = tpu.vector_load %arg5[%parallel_loop3A_575] {strides = array<i32>} : memref<16384xf32, #tpu.memory_space<vmem>>, vector<16xf32>,
        %parallel_loop3A_577 = arith.constant 240 : i32
        %parallel_loop3A_578 = arith.addi %parallel_loop3A_339, %parallel_loop3A_577 : i32
        %parallel_loop3A_579 = arith.index_cast %parallel_loop3A_578 : i32 to index
        %parallel_loop3A_580 = tpu.vector_load %arg5[%parallel_loop3A_579] {strides = array<i32>} : memref<16384xf32, #tpu.memory_space<vmem>>, vector<16xf32>,
        %parallel_loop3A_581 = arith.mulf %parallel_loop3A_345, %parallel_loop3A_576 : vector<16xf32>
        %parallel_loop3A_582 = arith.mulf %parallel_loop3A_342, %parallel_loop3A_580 : vector<16xf32>
        %parallel_loop3A_583 = arith.addf %parallel_loop3A_581, %parallel_loop3A_582 : vector<16xf32>
        %parallel_loop3A_584 = arith.constant 240 : i32
        %parallel_loop3A_585 = arith.addi %parallel_loop3A_347, %parallel_loop3A_584 : i32
        %parallel_loop3A_586 = arith.index_cast %parallel_loop3A_585 : i32 to index
        %parallel_loop3A_587 = tpu.vector_load %arg7[%parallel_loop3A_586] {strides = array<i32>} : memref<32768xf32, #tpu.memory_space<vmem>>, vector<16xf32>,
        tpu.vector_store %arg7[%parallel_loop3A_586], %parallel_loop3A_583 {strides = array<i32>} : memref<32768xf32, #tpu.memory_space<vmem>>, vector<16xf32>,
        %parallel_loop3A_588 = vector.extract_strided_slice %parallel_loop3A_75 {offsets = [2], sizes = [1], strides = [1]} : vector<16xi32> to vector<1xi32>
        %parallel_loop3A_589 = vector.extract %parallel_loop3A_588[0] : i32 from vector<1xi32>
        %parallel_loop3A_590 = vector.extract_strided_slice %parallel_loop3A_77 {offsets = [2], sizes = [1], strides = [1]} : vector<16xi32> to vector<1xi32>
        %parallel_loop3A_591 = vector.extract %parallel_loop3A_590[0] : i32 from vector<1xi32>
        %parallel_loop3A_592 = vector.extract_strided_slice %parallel_loop3A_79 {offsets = [2], sizes = [1], strides = [1]} : vector<16xf32> to vector<1xf32>
        %parallel_loop3A_593 = vector.extract %parallel_loop3A_592[0] : f32 from vector<1xf32>
        %parallel_loop3A_594 = vector.broadcast %parallel_loop3A_593 : f32 to vector<16xf32>
        %parallel_loop3A_595 = vector.extract_strided_slice %parallel_loop3A_81 {offsets = [2], sizes = [1], strides = [1]} : vector<16xf32> to vector<1xf32>
        %parallel_loop3A_596 = vector.extract %parallel_loop3A_595[0] : f32 from vector<1xf32>
        %parallel_loop3A_597 = vector.broadcast %parallel_loop3A_596 : f32 to vector<16xf32>
        %parallel_loop3A_598 = arith.constant 512 : i32
        %parallel_loop3A_599 = arith.addi %parallel_loop3A_83, %parallel_loop3A_598 : i32
        %parallel_loop3A_600 = arith.constant 0 : i32
        %parallel_loop3A_601 = arith.addi %parallel_loop3A_589, %parallel_loop3A_600 : i32
        %parallel_loop3A_602 = arith.index_cast %parallel_loop3A_601 : i32 to index
        %parallel_loop3A_603 = tpu.vector_load %arg5[%parallel_loop3A_602] {strides = array<i32>} : memref<16384xf32, #tpu.memory_space<vmem>>, vector<16xf32>,
        %parallel_loop3A_604 = arith.constant 0 : i32
        %parallel_loop3A_605 = arith.addi %parallel_loop3A_591, %parallel_loop3A_604 : i32
        %parallel_loop3A_606 = arith.index_cast %parallel_loop3A_605 : i32 to index
        %parallel_loop3A_607 = tpu.vector_load %arg5[%parallel_loop3A_606] {strides = array<i32>} : memref<16384xf32, #tpu.memory_space<vmem>>, vector<16xf32>,
        %parallel_loop3A_608 = arith.mulf %parallel_loop3A_597, %parallel_loop3A_603 : vector<16xf32>
        %parallel_loop3A_609 = arith.mulf %parallel_loop3A_594, %parallel_loop3A_607 : vector<16xf32>
        %parallel_loop3A_610 = arith.addf %parallel_loop3A_608, %parallel_loop3A_609 : vector<16xf32>
        %parallel_loop3A_611 = arith.constant 0 : i32
        %parallel_loop3A_612 = arith.addi %parallel_loop3A_599, %parallel_loop3A_611 : i32
        %parallel_loop3A_613 = arith.index_cast %parallel_loop3A_612 : i32 to index
        %parallel_loop3A_614 = tpu.vector_load %arg7[%parallel_loop3A_613] {strides = array<i32>} : memref<32768xf32, #tpu.memory_space<vmem>>, vector<16xf32>,
        tpu.vector_store %arg7[%parallel_loop3A_613], %parallel_loop3A_610 {strides = array<i32>} : memref<32768xf32, #tpu.memory_space<vmem>>, vector<16xf32>,
        %parallel_loop3A_615 = arith.constant 16 : i32
        %parallel_loop3A_616 = arith.addi %parallel_loop3A_589, %parallel_loop3A_615 : i32
        %parallel_loop3A_617 = arith.index_cast %parallel_loop3A_616 : i32 to index
        %parallel_loop3A_618 = tpu.vector_load %arg5[%parallel_loop3A_617] {strides = array<i32>} : memref<16384xf32, #tpu.memory_space<vmem>>, vector<16xf32>,
        %parallel_loop3A_619 = arith.constant 16 : i32
        %parallel_loop3A_620 = arith.addi %parallel_loop3A_591, %parallel_loop3A_619 : i32
        %parallel_loop3A_621 = arith.index_cast %parallel_loop3A_620 : i32 to index
        %parallel_loop3A_622 = tpu.vector_load %arg5[%parallel_loop3A_621] {strides = array<i32>} : memref<16384xf32, #tpu.memory_space<vmem>>, vector<16xf32>,
        %parallel_loop3A_623 = arith.mulf %parallel_loop3A_597, %parallel_loop3A_618 : vector<16xf32>
        %parallel_loop3A_624 = arith.mulf %parallel_loop3A_594, %parallel_loop3A_622 : vector<16xf32>
        %parallel_loop3A_625 = arith.addf %parallel_loop3A_623, %parallel_loop3A_624 : vector<16xf32>
        %parallel_loop3A_626 = arith.constant 16 : i32
        %parallel_loop3A_627 = arith.addi %parallel_loop3A_599, %parallel_loop3A_626 : i32
        %parallel_loop3A_628 = arith.index_cast %parallel_loop3A_627 : i32 to index
        %parallel_loop3A_629 = tpu.vector_load %arg7[%parallel_loop3A_628] {strides = array<i32>} : memref<32768xf32, #tpu.memory_space<vmem>>, vector<16xf32>,
        tpu.vector_store %arg7[%parallel_loop3A_628], %parallel_loop3A_625 {strides = array<i32>} : memref<32768xf32, #tpu.memory_space<vmem>>, vector<16xf32>,
        %parallel_loop3A_630 = arith.constant 32 : i32
        %parallel_loop3A_631 = arith.addi %parallel_loop3A_589, %parallel_loop3A_630 : i32
        %parallel_loop3A_632 = arith.index_cast %parallel_loop3A_631 : i32 to index
        %parallel_loop3A_633 = tpu.vector_load %arg5[%parallel_loop3A_632] {strides = array<i32>} : memref<16384xf32, #tpu.memory_space<vmem>>, vector<16xf32>,
        %parallel_loop3A_634 = arith.constant 32 : i32
        %parallel_loop3A_635 = arith.addi %parallel_loop3A_591, %parallel_loop3A_634 : i32
        %parallel_loop3A_636 = arith.index_cast %parallel_loop3A_635 : i32 to index
        %parallel_loop3A_637 = tpu.vector_load %arg5[%parallel_loop3A_636] {strides = array<i32>} : memref<16384xf32, #tpu.memory_space<vmem>>, vector<16xf32>,
        %parallel_loop3A_638 = arith.mulf %parallel_loop3A_597, %parallel_loop3A_633 : vector<16xf32>
        %parallel_loop3A_639 = arith.mulf %parallel_loop3A_594, %parallel_loop3A_637 : vector<16xf32>
        %parallel_loop3A_640 = arith.addf %parallel_loop3A_638, %parallel_loop3A_639 : vector<16xf32>
        %parallel_loop3A_641 = arith.constant 32 : i32
        %parallel_loop3A_642 = arith.addi %parallel_loop3A_599, %parallel_loop3A_641 : i32
        %parallel_loop3A_643 = arith.index_cast %parallel_loop3A_642 : i32 to index
        %parallel_loop3A_644 = tpu.vector_load %arg7[%parallel_loop3A_643] {strides = array<i32>} : memref<32768xf32, #tpu.memory_space<vmem>>, vector<16xf32>,
        tpu.vector_store %arg7[%parallel_loop3A_643], %parallel_loop3A_640 {strides = array<i32>} : memref<32768xf32, #tpu.memory_space<vmem>>, vector<16xf32>,
        %parallel_loop3A_645 = arith.constant 48 : i32
        %parallel_loop3A_646 = arith.addi %parallel_loop3A_589, %parallel_loop3A_645 : i32
        %parallel_loop3A_647 = arith.index_cast %parallel_loop3A_646 : i32 to index
        %parallel_loop3A_648 = tpu.vector_load %arg5[%parallel_loop3A_647] {strides = array<i32>} : memref<16384xf32, #tpu.memory_space<vmem>>, vector<16xf32>,
        %parallel_loop3A_649 = arith.constant 48 : i32
        %parallel_loop3A_650 = arith.addi %parallel_loop3A_591, %parallel_loop3A_649 : i32
        %parallel_loop3A_651 = arith.index_cast %parallel_loop3A_650 : i32 to index
        %parallel_loop3A_652 = tpu.vector_load %arg5[%parallel_loop3A_651] {strides = array<i32>} : memref<16384xf32, #tpu.memory_space<vmem>>, vector<16xf32>,
        %parallel_loop3A_653 = arith.mulf %parallel_loop3A_597, %parallel_loop3A_648 : vector<16xf32>
        %parallel_loop3A_654 = arith.mulf %parallel_loop3A_594, %parallel_loop3A_652 : vector<16xf32>
        %parallel_loop3A_655 = arith.addf %parallel_loop3A_653, %parallel_loop3A_654 : vector<16xf32>
        %parallel_loop3A_656 = arith.constant 48 : i32
        %parallel_loop3A_657 = arith.addi %parallel_loop3A_599, %parallel_loop3A_656 : i32
        %parallel_loop3A_658 = arith.index_cast %parallel_loop3A_657 : i32 to index
        %parallel_loop3A_659 = tpu.vector_load %arg7[%parallel_loop3A_658] {strides = array<i32>} : memref<32768xf32, #tpu.memory_space<vmem>>, vector<16xf32>,
        tpu.vector_store %arg7[%parallel_loop3A_658], %parallel_loop3A_655 {strides = array<i32>} : memref<32768xf32, #tpu.memory_space<vmem>>, vector<16xf32>,
        %parallel_loop3A_660 = arith.constant 64 : i32
        %parallel_loop3A_661 = arith.addi %parallel_loop3A_589, %parallel_loop3A_660 : i32
        %parallel_loop3A_662 = arith.index_cast %parallel_loop3A_661 : i32 to index
        %parallel_loop3A_663 = tpu.vector_load %arg5[%parallel_loop3A_662] {strides = array<i32>} : memref<16384xf32, #tpu.memory_space<vmem>>, vector<16xf32>,
        %parallel_loop3A_664 = arith.constant 64 : i32
        %parallel_loop3A_665 = arith.addi %parallel_loop3A_591, %parallel_loop3A_664 : i32
        %parallel_loop3A_666 = arith.index_cast %parallel_loop3A_665 : i32 to index
        %parallel_loop3A_667 = tpu.vector_load %arg5[%parallel_loop3A_666] {strides = array<i32>} : memref<16384xf32, #tpu.memory_space<vmem>>, vector<16xf32>,
        %parallel_loop3A_668 = arith.mulf %parallel_loop3A_597, %parallel_loop3A_663 : vector<16xf32>
        %parallel_loop3A_669 = arith.mulf %parallel_loop3A_594, %parallel_loop3A_667 : vector<16xf32>
        %parallel_loop3A_670 = arith.addf %parallel_loop3A_668, %parallel_loop3A_669 : vector<16xf32>
        %parallel_loop3A_671 = arith.constant 64 : i32
        %parallel_loop3A_672 = arith.addi %parallel_loop3A_599, %parallel_loop3A_671 : i32
        %parallel_loop3A_673 = arith.index_cast %parallel_loop3A_672 : i32 to index
        %parallel_loop3A_674 = tpu.vector_load %arg7[%parallel_loop3A_673] {strides = array<i32>} : memref<32768xf32, #tpu.memory_space<vmem>>, vector<16xf32>,
        tpu.vector_store %arg7[%parallel_loop3A_673], %parallel_loop3A_670 {strides = array<i32>} : memref<32768xf32, #tpu.memory_space<vmem>>, vector<16xf32>,
        %parallel_loop3A_675 = arith.constant 80 : i32
        %parallel_loop3A_676 = arith.addi %parallel_loop3A_589, %parallel_loop3A_675 : i32
        %parallel_loop3A_677 = arith.index_cast %parallel_loop3A_676 : i32 to index
        %parallel_loop3A_678 = tpu.vector_load %arg5[%parallel_loop3A_677] {strides = array<i32>} : memref<16384xf32, #tpu.memory_space<vmem>>, vector<16xf32>,
        %parallel_loop3A_679 = arith.constant 80 : i32
        %parallel_loop3A_680 = arith.addi %parallel_loop3A_591, %parallel_loop3A_679 : i32
        %parallel_loop3A_681 = arith.index_cast %parallel_loop3A_680 : i32 to index
        %parallel_loop3A_682 = tpu.vector_load %arg5[%parallel_loop3A_681] {strides = array<i32>} : memref<16384xf32, #tpu.memory_space<vmem>>, vector<16xf32>,
        %parallel_loop3A_683 = arith.mulf %parallel_loop3A_597, %parallel_loop3A_678 : vector<16xf32>
        %parallel_loop3A_684 = arith.mulf %parallel_loop3A_594, %parallel_loop3A_682 : vector<16xf32>
        %parallel_loop3A_685 = arith.addf %parallel_loop3A_683, %parallel_loop3A_684 : vector<16xf32>
        %parallel_loop3A_686 = arith.constant 80 : i32
        %parallel_loop3A_687 = arith.addi %parallel_loop3A_599, %parallel_loop3A_686 : i32
        %parallel_loop3A_688 = arith.index_cast %parallel_loop3A_687 : i32 to index
        %parallel_loop3A_689 = tpu.vector_load %arg7[%parallel_loop3A_688] {strides = array<i32>} : memref<32768xf32, #tpu.memory_space<vmem>>, vector<16xf32>,
        tpu.vector_store %arg7[%parallel_loop3A_688], %parallel_loop3A_685 {strides = array<i32>} : memref<32768xf32, #tpu.memory_space<vmem>>, vector<16xf32>,
        %parallel_loop3A_690 = arith.constant 96 : i32
        %parallel_loop3A_691 = arith.addi %parallel_loop3A_589, %parallel_loop3A_690 : i32
        %parallel_loop3A_692 = arith.index_cast %parallel_loop3A_691 : i32 to index
        %parallel_loop3A_693 = tpu.vector_load %arg5[%parallel_loop3A_692] {strides = array<i32>} : memref<16384xf32, #tpu.memory_space<vmem>>, vector<16xf32>,
        %parallel_loop3A_694 = arith.constant 96 : i32
        %parallel_loop3A_695 = arith.addi %parallel_loop3A_591, %parallel_loop3A_694 : i32
        %parallel_loop3A_696 = arith.index_cast %parallel_loop3A_695 : i32 to index
        %parallel_loop3A_697 = tpu.vector_load %arg5[%parallel_loop3A_696] {strides = array<i32>} : memref<16384xf32, #tpu.memory_space<vmem>>, vector<16xf32>,
        %parallel_loop3A_698 = arith.mulf %parallel_loop3A_597, %parallel_loop3A_693 : vector<16xf32>
        %parallel_loop3A_699 = arith.mulf %parallel_loop3A_594, %parallel_loop3A_697 : vector<16xf32>
        %parallel_loop3A_700 = arith.addf %parallel_loop3A_698, %parallel_loop3A_699 : vector<16xf32>
        %parallel_loop3A_701 = arith.constant 96 : i32
        %parallel_loop3A_702 = arith.addi %parallel_loop3A_599, %parallel_loop3A_701 : i32
        %parallel_loop3A_703 = arith.index_cast %parallel_loop3A_702 : i32 to index
        %parallel_loop3A_704 = tpu.vector_load %arg7[%parallel_loop3A_703] {strides = array<i32>} : memref<32768xf32, #tpu.memory_space<vmem>>, vector<16xf32>,
        tpu.vector_store %arg7[%parallel_loop3A_703], %parallel_loop3A_700 {strides = array<i32>} : memref<32768xf32, #tpu.memory_space<vmem>>, vector<16xf32>,
        %parallel_loop3A_705 = arith.constant 112 : i32
        %parallel_loop3A_706 = arith.addi %parallel_loop3A_589, %parallel_loop3A_705 : i32
        %parallel_loop3A_707 = arith.index_cast %parallel_loop3A_706 : i32 to index
        %parallel_loop3A_708 = tpu.vector_load %arg5[%parallel_loop3A_707] {strides = array<i32>} : memref<16384xf32, #tpu.memory_space<vmem>>, vector<16xf32>,
        %parallel_loop3A_709 = arith.constant 112 : i32
        %parallel_loop3A_710 = arith.addi %parallel_loop3A_591, %parallel_loop3A_709 : i32
        %parallel_loop3A_711 = arith.index_cast %parallel_loop3A_710 : i32 to index
        %parallel_loop3A_712 = tpu.vector_load %arg5[%parallel_loop3A_711] {strides = array<i32>} : memref<16384xf32, #tpu.memory_space<vmem>>, vector<16xf32>,
        %parallel_loop3A_713 = arith.mulf %parallel_loop3A_597, %parallel_loop3A_708 : vector<16xf32>
        %parallel_loop3A_714 = arith.mulf %parallel_loop3A_594, %parallel_loop3A_712 : vector<16xf32>
        %parallel_loop3A_715 = arith.addf %parallel_loop3A_713, %parallel_loop3A_714 : vector<16xf32>
        %parallel_loop3A_716 = arith.constant 112 : i32
        %parallel_loop3A_717 = arith.addi %parallel_loop3A_599, %parallel_loop3A_716 : i32
        %parallel_loop3A_718 = arith.index_cast %parallel_loop3A_717 : i32 to index
        %parallel_loop3A_719 = tpu.vector_load %arg7[%parallel_loop3A_718] {strides = array<i32>} : memref<32768xf32, #tpu.memory_space<vmem>>, vector<16xf32>,
        tpu.vector_store %arg7[%parallel_loop3A_718], %parallel_loop3A_715 {strides = array<i32>} : memref<32768xf32, #tpu.memory_space<vmem>>, vector<16xf32>,
        %parallel_loop3A_720 = arith.constant 128 : i32
        %parallel_loop3A_721 = arith.addi %parallel_loop3A_589, %parallel_loop3A_720 : i32
        %parallel_loop3A_722 = arith.index_cast %parallel_loop3A_721 : i32 to index
        %parallel_loop3A_723 = tpu.vector_load %arg5[%parallel_loop3A_722] {strides = array<i32>} : memref<16384xf32, #tpu.memory_space<vmem>>, vector<16xf32>,
        %parallel_loop3A_724 = arith.constant 128 : i32
        %parallel_loop3A_725 = arith.addi %parallel_loop3A_591, %parallel_loop3A_724 : i32
        %parallel_loop3A_726 = arith.index_cast %parallel_loop3A_725 : i32 to index
        %parallel_loop3A_727 = tpu.vector_load %arg5[%parallel_loop3A_726] {strides = array<i32>} : memref<16384xf32, #tpu.memory_space<vmem>>, vector<16xf32>,
        %parallel_loop3A_728 = arith.mulf %parallel_loop3A_597, %parallel_loop3A_723 : vector<16xf32>
        %parallel_loop3A_729 = arith.mulf %parallel_loop3A_594, %parallel_loop3A_727 : vector<16xf32>
        %parallel_loop3A_730 = arith.addf %parallel_loop3A_728, %parallel_loop3A_729 : vector<16xf32>
        %parallel_loop3A_731 = arith.constant 128 : i32
        %parallel_loop3A_732 = arith.addi %parallel_loop3A_599, %parallel_loop3A_731 : i32
        %parallel_loop3A_733 = arith.index_cast %parallel_loop3A_732 : i32 to index
        %parallel_loop3A_734 = tpu.vector_load %arg7[%parallel_loop3A_733] {strides = array<i32>} : memref<32768xf32, #tpu.memory_space<vmem>>, vector<16xf32>,
        tpu.vector_store %arg7[%parallel_loop3A_733], %parallel_loop3A_730 {strides = array<i32>} : memref<32768xf32, #tpu.memory_space<vmem>>, vector<16xf32>,
        %parallel_loop3A_735 = arith.constant 144 : i32
        %parallel_loop3A_736 = arith.addi %parallel_loop3A_589, %parallel_loop3A_735 : i32
        %parallel_loop3A_737 = arith.index_cast %parallel_loop3A_736 : i32 to index
        %parallel_loop3A_738 = tpu.vector_load %arg5[%parallel_loop3A_737] {strides = array<i32>} : memref<16384xf32, #tpu.memory_space<vmem>>, vector<16xf32>,
        %parallel_loop3A_739 = arith.constant 144 : i32
        %parallel_loop3A_740 = arith.addi %parallel_loop3A_591, %parallel_loop3A_739 : i32
        %parallel_loop3A_741 = arith.index_cast %parallel_loop3A_740 : i32 to index
        %parallel_loop3A_742 = tpu.vector_load %arg5[%parallel_loop3A_741] {strides = array<i32>} : memref<16384xf32, #tpu.memory_space<vmem>>, vector<16xf32>,
        %parallel_loop3A_743 = arith.mulf %parallel_loop3A_597, %parallel_loop3A_738 : vector<16xf32>
        %parallel_loop3A_744 = arith.mulf %parallel_loop3A_594, %parallel_loop3A_742 : vector<16xf32>
        %parallel_loop3A_745 = arith.addf %parallel_loop3A_743, %parallel_loop3A_744 : vector<16xf32>
        %parallel_loop3A_746 = arith.constant 144 : i32
        %parallel_loop3A_747 = arith.addi %parallel_loop3A_599, %parallel_loop3A_746 : i32
        %parallel_loop3A_748 = arith.index_cast %parallel_loop3A_747 : i32 to index
        %parallel_loop3A_749 = tpu.vector_load %arg7[%parallel_loop3A_748] {strides = array<i32>} : memref<32768xf32, #tpu.memory_space<vmem>>, vector<16xf32>,
        tpu.vector_store %arg7[%parallel_loop3A_748], %parallel_loop3A_745 {strides = array<i32>} : memref<32768xf32, #tpu.memory_space<vmem>>, vector<16xf32>,
        %parallel_loop3A_750 = arith.constant 160 : i32
        %parallel_loop3A_751 = arith.addi %parallel_loop3A_589, %parallel_loop3A_750 : i32
        %parallel_loop3A_752 = arith.index_cast %parallel_loop3A_751 : i32 to index
        %parallel_loop3A_753 = tpu.vector_load %arg5[%parallel_loop3A_752] {strides = array<i32>} : memref<16384xf32, #tpu.memory_space<vmem>>, vector<16xf32>,
        %parallel_loop3A_754 = arith.constant 160 : i32
        %parallel_loop3A_755 = arith.addi %parallel_loop3A_591, %parallel_loop3A_754 : i32
        %parallel_loop3A_756 = arith.index_cast %parallel_loop3A_755 : i32 to index
        %parallel_loop3A_757 = tpu.vector_load %arg5[%parallel_loop3A_756] {strides = array<i32>} : memref<16384xf32, #tpu.memory_space<vmem>>, vector<16xf32>,
        %parallel_loop3A_758 = arith.mulf %parallel_loop3A_597, %parallel_loop3A_753 : vector<16xf32>
        %parallel_loop3A_759 = arith.mulf %parallel_loop3A_594, %parallel_loop3A_757 : vector<16xf32>
        %parallel_loop3A_760 = arith.addf %parallel_loop3A_758, %parallel_loop3A_759 : vector<16xf32>
        %parallel_loop3A_761 = arith.constant 160 : i32
        %parallel_loop3A_762 = arith.addi %parallel_loop3A_599, %parallel_loop3A_761 : i32
        %parallel_loop3A_763 = arith.index_cast %parallel_loop3A_762 : i32 to index
        %parallel_loop3A_764 = tpu.vector_load %arg7[%parallel_loop3A_763] {strides = array<i32>} : memref<32768xf32, #tpu.memory_space<vmem>>, vector<16xf32>,
        tpu.vector_store %arg7[%parallel_loop3A_763], %parallel_loop3A_760 {strides = array<i32>} : memref<32768xf32, #tpu.memory_space<vmem>>, vector<16xf32>,
        %parallel_loop3A_765 = arith.constant 176 : i32
        %parallel_loop3A_766 = arith.addi %parallel_loop3A_589, %parallel_loop3A_765 : i32
        %parallel_loop3A_767 = arith.index_cast %parallel_loop3A_766 : i32 to index
        %parallel_loop3A_768 = tpu.vector_load %arg5[%parallel_loop3A_767] {strides = array<i32>} : memref<16384xf32, #tpu.memory_space<vmem>>, vector<16xf32>,
        %parallel_loop3A_769 = arith.constant 176 : i32
        %parallel_loop3A_770 = arith.addi %parallel_loop3A_591, %parallel_loop3A_769 : i32
        %parallel_loop3A_771 = arith.index_cast %parallel_loop3A_770 : i32 to index
        %parallel_loop3A_772 = tpu.vector_load %arg5[%parallel_loop3A_771] {strides = array<i32>} : memref<16384xf32, #tpu.memory_space<vmem>>, vector<16xf32>,
        %parallel_loop3A_773 = arith.mulf %parallel_loop3A_597, %parallel_loop3A_768 : vector<16xf32>
        %parallel_loop3A_774 = arith.mulf %parallel_loop3A_594, %parallel_loop3A_772 : vector<16xf32>
        %parallel_loop3A_775 = arith.addf %parallel_loop3A_773, %parallel_loop3A_774 : vector<16xf32>
        %parallel_loop3A_776 = arith.constant 176 : i32
        %parallel_loop3A_777 = arith.addi %parallel_loop3A_599, %parallel_loop3A_776 : i32
        %parallel_loop3A_778 = arith.index_cast %parallel_loop3A_777 : i32 to index
        %parallel_loop3A_779 = tpu.vector_load %arg7[%parallel_loop3A_778] {strides = array<i32>} : memref<32768xf32, #tpu.memory_space<vmem>>, vector<16xf32>,
        tpu.vector_store %arg7[%parallel_loop3A_778], %parallel_loop3A_775 {strides = array<i32>} : memref<32768xf32, #tpu.memory_space<vmem>>, vector<16xf32>,
        %parallel_loop3A_780 = arith.constant 192 : i32
        %parallel_loop3A_781 = arith.addi %parallel_loop3A_589, %parallel_loop3A_780 : i32
        %parallel_loop3A_782 = arith.index_cast %parallel_loop3A_781 : i32 to index
        %parallel_loop3A_783 = tpu.vector_load %arg5[%parallel_loop3A_782] {strides = array<i32>} : memref<16384xf32, #tpu.memory_space<vmem>>, vector<16xf32>,
        %parallel_loop3A_784 = arith.constant 192 : i32
        %parallel_loop3A_785 = arith.addi %parallel_loop3A_591, %parallel_loop3A_784 : i32
        %parallel_loop3A_786 = arith.index_cast %parallel_loop3A_785 : i32 to index
        %parallel_loop3A_787 = tpu.vector_load %arg5[%parallel_loop3A_786] {strides = array<i32>} : memref<16384xf32, #tpu.memory_space<vmem>>, vector<16xf32>,
        %parallel_loop3A_788 = arith.mulf %parallel_loop3A_597, %parallel_loop3A_783 : vector<16xf32>
        %parallel_loop3A_789 = arith.mulf %parallel_loop3A_594, %parallel_loop3A_787 : vector<16xf32>
        %parallel_loop3A_790 = arith.addf %parallel_loop3A_788, %parallel_loop3A_789 : vector<16xf32>
        %parallel_loop3A_791 = arith.constant 192 : i32
        %parallel_loop3A_792 = arith.addi %parallel_loop3A_599, %parallel_loop3A_791 : i32
        %parallel_loop3A_793 = arith.index_cast %parallel_loop3A_792 : i32 to index
        %parallel_loop3A_794 = tpu.vector_load %arg7[%parallel_loop3A_793] {strides = array<i32>} : memref<32768xf32, #tpu.memory_space<vmem>>, vector<16xf32>,
        tpu.vector_store %arg7[%parallel_loop3A_793], %parallel_loop3A_790 {strides = array<i32>} : memref<32768xf32, #tpu.memory_space<vmem>>, vector<16xf32>,
        %parallel_loop3A_795 = arith.constant 208 : i32
        %parallel_loop3A_796 = arith.addi %parallel_loop3A_589, %parallel_loop3A_795 : i32
        %parallel_loop3A_797 = arith.index_cast %parallel_loop3A_796 : i32 to index
        %parallel_loop3A_798 = tpu.vector_load %arg5[%parallel_loop3A_797] {strides = array<i32>} : memref<16384xf32, #tpu.memory_space<vmem>>, vector<16xf32>,
        %parallel_loop3A_799 = arith.constant 208 : i32
        %parallel_loop3A_800 = arith.addi %parallel_loop3A_591, %parallel_loop3A_799 : i32
        %parallel_loop3A_801 = arith.index_cast %parallel_loop3A_800 : i32 to index
        %parallel_loop3A_802 = tpu.vector_load %arg5[%parallel_loop3A_801] {strides = array<i32>} : memref<16384xf32, #tpu.memory_space<vmem>>, vector<16xf32>,
        %parallel_loop3A_803 = arith.mulf %parallel_loop3A_597, %parallel_loop3A_798 : vector<16xf32>
        %parallel_loop3A_804 = arith.mulf %parallel_loop3A_594, %parallel_loop3A_802 : vector<16xf32>
        %parallel_loop3A_805 = arith.addf %parallel_loop3A_803, %parallel_loop3A_804 : vector<16xf32>
        %parallel_loop3A_806 = arith.constant 208 : i32
        %parallel_loop3A_807 = arith.addi %parallel_loop3A_599, %parallel_loop3A_806 : i32
        %parallel_loop3A_808 = arith.index_cast %parallel_loop3A_807 : i32 to index
        %parallel_loop3A_809 = tpu.vector_load %arg7[%parallel_loop3A_808] {strides = array<i32>} : memref<32768xf32, #tpu.memory_space<vmem>>, vector<16xf32>,
        tpu.vector_store %arg7[%parallel_loop3A_808], %parallel_loop3A_805 {strides = array<i32>} : memref<32768xf32, #tpu.memory_space<vmem>>, vector<16xf32>,
        %parallel_loop3A_810 = arith.constant 224 : i32
        %parallel_loop3A_811 = arith.addi %parallel_loop3A_589, %parallel_loop3A_810 : i32
        %parallel_loop3A_812 = arith.index_cast %parallel_loop3A_811 : i32 to index
        %parallel_loop3A_813 = tpu.vector_load %arg5[%parallel_loop3A_812] {strides = array<i32>} : memref<16384xf32, #tpu.memory_space<vmem>>, vector<16xf32>,
        %parallel_loop3A_814 = arith.constant 224 : i32
        %parallel_loop3A_815 = arith.addi %parallel_loop3A_591, %parallel_loop3A_814 : i32
        %parallel_loop3A_816 = arith.index_cast %parallel_loop3A_815 : i32 to index
        %parallel_loop3A_817 = tpu.vector_load %arg5[%parallel_loop3A_816] {strides = array<i32>} : memref<16384xf32, #tpu.memory_space<vmem>>, vector<16xf32>,
        %parallel_loop3A_818 = arith.mulf %parallel_loop3A_597, %parallel_loop3A_813 : vector<16xf32>
        %parallel_loop3A_819 = arith.mulf %parallel_loop3A_594, %parallel_loop3A_817 : vector<16xf32>
        %parallel_loop3A_820 = arith.addf %parallel_loop3A_818, %parallel_loop3A_819 : vector<16xf32>
        %parallel_loop3A_821 = arith.constant 224 : i32
        %parallel_loop3A_822 = arith.addi %parallel_loop3A_599, %parallel_loop3A_821 : i32
        %parallel_loop3A_823 = arith.index_cast %parallel_loop3A_822 : i32 to index
        %parallel_loop3A_824 = tpu.vector_load %arg7[%parallel_loop3A_823] {strides = array<i32>} : memref<32768xf32, #tpu.memory_space<vmem>>, vector<16xf32>,
        tpu.vector_store %arg7[%parallel_loop3A_823], %parallel_loop3A_820 {strides = array<i32>} : memref<32768xf32, #tpu.memory_space<vmem>>, vector<16xf32>,
        %parallel_loop3A_825 = arith.constant 240 : i32
        %parallel_loop3A_826 = arith.addi %parallel_loop3A_589, %parallel_loop3A_825 : i32
        %parallel_loop3A_827 = arith.index_cast %parallel_loop3A_826 : i32 to index
        %parallel_loop3A_828 = tpu.vector_load %arg5[%parallel_loop3A_827] {strides = array<i32>} : memref<16384xf32, #tpu.memory_space<vmem>>, vector<16xf32>,
        %parallel_loop3A_829 = arith.constant 240 : i32
        %parallel_loop3A_830 = arith.addi %parallel_loop3A_591, %parallel_loop3A_829 : i32
        %parallel_loop3A_831 = arith.index_cast %parallel_loop3A_830 : i32 to index
        %parallel_loop3A_832 = tpu.vector_load %arg5[%parallel_loop3A_831] {strides = array<i32>} : memref<16384xf32, #tpu.memory_space<vmem>>, vector<16xf32>,
        %parallel_loop3A_833 = arith.mulf %parallel_loop3A_597, %parallel_loop3A_828 : vector<16xf32>
        %parallel_loop3A_834 = arith.mulf %parallel_loop3A_594, %parallel_loop3A_832 : vector<16xf32>
        %parallel_loop3A_835 = arith.addf %parallel_loop3A_833, %parallel_loop3A_834 : vector<16xf32>
        %parallel_loop3A_836 = arith.constant 240 : i32
        %parallel_loop3A_837 = arith.addi %parallel_loop3A_599, %parallel_loop3A_836 : i32
        %parallel_loop3A_838 = arith.index_cast %parallel_loop3A_837 : i32 to index
        %parallel_loop3A_839 = tpu.vector_load %arg7[%parallel_loop3A_838] {strides = array<i32>} : memref<32768xf32, #tpu.memory_space<vmem>>, vector<16xf32>,
        tpu.vector_store %arg7[%parallel_loop3A_838], %parallel_loop3A_835 {strides = array<i32>} : memref<32768xf32, #tpu.memory_space<vmem>>, vector<16xf32>,
        %parallel_loop3A_840 = vector.extract_strided_slice %parallel_loop3A_75 {offsets = [3], sizes = [1], strides = [1]} : vector<16xi32> to vector<1xi32>
        %parallel_loop3A_841 = vector.extract %parallel_loop3A_840[0] : i32 from vector<1xi32>
        %parallel_loop3A_842 = vector.extract_strided_slice %parallel_loop3A_77 {offsets = [3], sizes = [1], strides = [1]} : vector<16xi32> to vector<1xi32>
        %parallel_loop3A_843 = vector.extract %parallel_loop3A_842[0] : i32 from vector<1xi32>
        %parallel_loop3A_844 = vector.extract_strided_slice %parallel_loop3A_79 {offsets = [3], sizes = [1], strides = [1]} : vector<16xf32> to vector<1xf32>
        %parallel_loop3A_845 = vector.extract %parallel_loop3A_844[0] : f32 from vector<1xf32>
        %parallel_loop3A_846 = vector.broadcast %parallel_loop3A_845 : f32 to vector<16xf32>
        %parallel_loop3A_847 = vector.extract_strided_slice %parallel_loop3A_81 {offsets = [3], sizes = [1], strides = [1]} : vector<16xf32> to vector<1xf32>
        %parallel_loop3A_848 = vector.extract %parallel_loop3A_847[0] : f32 from vector<1xf32>
        %parallel_loop3A_849 = vector.broadcast %parallel_loop3A_848 : f32 to vector<16xf32>
        %parallel_loop3A_850 = arith.constant 768 : i32
        %parallel_loop3A_851 = arith.addi %parallel_loop3A_83, %parallel_loop3A_850 : i32
        %parallel_loop3A_852 = arith.constant 0 : i32
        %parallel_loop3A_853 = arith.addi %parallel_loop3A_841, %parallel_loop3A_852 : i32
        %parallel_loop3A_854 = arith.index_cast %parallel_loop3A_853 : i32 to index
        %parallel_loop3A_855 = tpu.vector_load %arg5[%parallel_loop3A_854] {strides = array<i32>} : memref<16384xf32, #tpu.memory_space<vmem>>, vector<16xf32>,
        %parallel_loop3A_856 = arith.constant 0 : i32
        %parallel_loop3A_857 = arith.addi %parallel_loop3A_843, %parallel_loop3A_856 : i32
        %parallel_loop3A_858 = arith.index_cast %parallel_loop3A_857 : i32 to index
        %parallel_loop3A_859 = tpu.vector_load %arg5[%parallel_loop3A_858] {strides = array<i32>} : memref<16384xf32, #tpu.memory_space<vmem>>, vector<16xf32>,
        %parallel_loop3A_860 = arith.mulf %parallel_loop3A_849, %parallel_loop3A_855 : vector<16xf32>
        %parallel_loop3A_861 = arith.mulf %parallel_loop3A_846, %parallel_loop3A_859 : vector<16xf32>
        %parallel_loop3A_862 = arith.addf %parallel_loop3A_860, %parallel_loop3A_861 : vector<16xf32>
        %parallel_loop3A_863 = arith.constant 0 : i32
        %parallel_loop3A_864 = arith.addi %parallel_loop3A_851, %parallel_loop3A_863 : i32
        %parallel_loop3A_865 = arith.index_cast %parallel_loop3A_864 : i32 to index
        %parallel_loop3A_866 = tpu.vector_load %arg7[%parallel_loop3A_865] {strides = array<i32>} : memref<32768xf32, #tpu.memory_space<vmem>>, vector<16xf32>,
        tpu.vector_store %arg7[%parallel_loop3A_865], %parallel_loop3A_862 {strides = array<i32>} : memref<32768xf32, #tpu.memory_space<vmem>>, vector<16xf32>,
        %parallel_loop3A_867 = arith.constant 16 : i32
        %parallel_loop3A_868 = arith.addi %parallel_loop3A_841, %parallel_loop3A_867 : i32
        %parallel_loop3A_869 = arith.index_cast %parallel_loop3A_868 : i32 to index
        %parallel_loop3A_870 = tpu.vector_load %arg5[%parallel_loop3A_869] {strides = array<i32>} : memref<16384xf32, #tpu.memory_space<vmem>>, vector<16xf32>,
        %parallel_loop3A_871 = arith.constant 16 : i32
        %parallel_loop3A_872 = arith.addi %parallel_loop3A_843, %parallel_loop3A_871 : i32
        %parallel_loop3A_873 = arith.index_cast %parallel_loop3A_872 : i32 to index
        %parallel_loop3A_874 = tpu.vector_load %arg5[%parallel_loop3A_873] {strides = array<i32>} : memref<16384xf32, #tpu.memory_space<vmem>>, vector<16xf32>,
        %parallel_loop3A_875 = arith.mulf %parallel_loop3A_849, %parallel_loop3A_870 : vector<16xf32>
        %parallel_loop3A_876 = arith.mulf %parallel_loop3A_846, %parallel_loop3A_874 : vector<16xf32>
        %parallel_loop3A_877 = arith.addf %parallel_loop3A_875, %parallel_loop3A_876 : vector<16xf32>
        %parallel_loop3A_878 = arith.constant 16 : i32
        %parallel_loop3A_879 = arith.addi %parallel_loop3A_851, %parallel_loop3A_878 : i32
        %parallel_loop3A_880 = arith.index_cast %parallel_loop3A_879 : i32 to index
        %parallel_loop3A_881 = tpu.vector_load %arg7[%parallel_loop3A_880] {strides = array<i32>} : memref<32768xf32, #tpu.memory_space<vmem>>, vector<16xf32>,
        tpu.vector_store %arg7[%parallel_loop3A_880], %parallel_loop3A_877 {strides = array<i32>} : memref<32768xf32, #tpu.memory_space<vmem>>, vector<16xf32>,
        %parallel_loop3A_882 = arith.constant 32 : i32
        %parallel_loop3A_883 = arith.addi %parallel_loop3A_841, %parallel_loop3A_882 : i32
        %parallel_loop3A_884 = arith.index_cast %parallel_loop3A_883 : i32 to index
        %parallel_loop3A_885 = tpu.vector_load %arg5[%parallel_loop3A_884] {strides = array<i32>} : memref<16384xf32, #tpu.memory_space<vmem>>, vector<16xf32>,
        %parallel_loop3A_886 = arith.constant 32 : i32
        %parallel_loop3A_887 = arith.addi %parallel_loop3A_843, %parallel_loop3A_886 : i32
        %parallel_loop3A_888 = arith.index_cast %parallel_loop3A_887 : i32 to index
        %parallel_loop3A_889 = tpu.vector_load %arg5[%parallel_loop3A_888] {strides = array<i32>} : memref<16384xf32, #tpu.memory_space<vmem>>, vector<16xf32>,
        %parallel_loop3A_890 = arith.mulf %parallel_loop3A_849, %parallel_loop3A_885 : vector<16xf32>
        %parallel_loop3A_891 = arith.mulf %parallel_loop3A_846, %parallel_loop3A_889 : vector<16xf32>
        %parallel_loop3A_892 = arith.addf %parallel_loop3A_890, %parallel_loop3A_891 : vector<16xf32>
        %parallel_loop3A_893 = arith.constant 32 : i32
        %parallel_loop3A_894 = arith.addi %parallel_loop3A_851, %parallel_loop3A_893 : i32
        %parallel_loop3A_895 = arith.index_cast %parallel_loop3A_894 : i32 to index
        %parallel_loop3A_896 = tpu.vector_load %arg7[%parallel_loop3A_895] {strides = array<i32>} : memref<32768xf32, #tpu.memory_space<vmem>>, vector<16xf32>,
        tpu.vector_store %arg7[%parallel_loop3A_895], %parallel_loop3A_892 {strides = array<i32>} : memref<32768xf32, #tpu.memory_space<vmem>>, vector<16xf32>,
        %parallel_loop3A_897 = arith.constant 48 : i32
        %parallel_loop3A_898 = arith.addi %parallel_loop3A_841, %parallel_loop3A_897 : i32
        %parallel_loop3A_899 = arith.index_cast %parallel_loop3A_898 : i32 to index
        %parallel_loop3A_900 = tpu.vector_load %arg5[%parallel_loop3A_899] {strides = array<i32>} : memref<16384xf32, #tpu.memory_space<vmem>>, vector<16xf32>,
        %parallel_loop3A_901 = arith.constant 48 : i32
        %parallel_loop3A_902 = arith.addi %parallel_loop3A_843, %parallel_loop3A_901 : i32
        %parallel_loop3A_903 = arith.index_cast %parallel_loop3A_902 : i32 to index
        %parallel_loop3A_904 = tpu.vector_load %arg5[%parallel_loop3A_903] {strides = array<i32>} : memref<16384xf32, #tpu.memory_space<vmem>>, vector<16xf32>,
        %parallel_loop3A_905 = arith.mulf %parallel_loop3A_849, %parallel_loop3A_900 : vector<16xf32>
        %parallel_loop3A_906 = arith.mulf %parallel_loop3A_846, %parallel_loop3A_904 : vector<16xf32>
        %parallel_loop3A_907 = arith.addf %parallel_loop3A_905, %parallel_loop3A_906 : vector<16xf32>
        %parallel_loop3A_908 = arith.constant 48 : i32
        %parallel_loop3A_909 = arith.addi %parallel_loop3A_851, %parallel_loop3A_908 : i32
        %parallel_loop3A_910 = arith.index_cast %parallel_loop3A_909 : i32 to index
        %parallel_loop3A_911 = tpu.vector_load %arg7[%parallel_loop3A_910] {strides = array<i32>} : memref<32768xf32, #tpu.memory_space<vmem>>, vector<16xf32>,
        tpu.vector_store %arg7[%parallel_loop3A_910], %parallel_loop3A_907 {strides = array<i32>} : memref<32768xf32, #tpu.memory_space<vmem>>, vector<16xf32>,
        %parallel_loop3A_912 = arith.constant 64 : i32
        %parallel_loop3A_913 = arith.addi %parallel_loop3A_841, %parallel_loop3A_912 : i32
        %parallel_loop3A_914 = arith.index_cast %parallel_loop3A_913 : i32 to index
        %parallel_loop3A_915 = tpu.vector_load %arg5[%parallel_loop3A_914] {strides = array<i32>} : memref<16384xf32, #tpu.memory_space<vmem>>, vector<16xf32>,
        %parallel_loop3A_916 = arith.constant 64 : i32
        %parallel_loop3A_917 = arith.addi %parallel_loop3A_843, %parallel_loop3A_916 : i32
        %parallel_loop3A_918 = arith.index_cast %parallel_loop3A_917 : i32 to index
        %parallel_loop3A_919 = tpu.vector_load %arg5[%parallel_loop3A_918] {strides = array<i32>} : memref<16384xf32, #tpu.memory_space<vmem>>, vector<16xf32>,
        %parallel_loop3A_920 = arith.mulf %parallel_loop3A_849, %parallel_loop3A_915 : vector<16xf32>
        %parallel_loop3A_921 = arith.mulf %parallel_loop3A_846, %parallel_loop3A_919 : vector<16xf32>
        %parallel_loop3A_922 = arith.addf %parallel_loop3A_920, %parallel_loop3A_921 : vector<16xf32>
        %parallel_loop3A_923 = arith.constant 64 : i32
        %parallel_loop3A_924 = arith.addi %parallel_loop3A_851, %parallel_loop3A_923 : i32
        %parallel_loop3A_925 = arith.index_cast %parallel_loop3A_924 : i32 to index
        %parallel_loop3A_926 = tpu.vector_load %arg7[%parallel_loop3A_925] {strides = array<i32>} : memref<32768xf32, #tpu.memory_space<vmem>>, vector<16xf32>,
        tpu.vector_store %arg7[%parallel_loop3A_925], %parallel_loop3A_922 {strides = array<i32>} : memref<32768xf32, #tpu.memory_space<vmem>>, vector<16xf32>,
        %parallel_loop3A_927 = arith.constant 80 : i32
        %parallel_loop3A_928 = arith.addi %parallel_loop3A_841, %parallel_loop3A_927 : i32
        %parallel_loop3A_929 = arith.index_cast %parallel_loop3A_928 : i32 to index
        %parallel_loop3A_930 = tpu.vector_load %arg5[%parallel_loop3A_929] {strides = array<i32>} : memref<16384xf32, #tpu.memory_space<vmem>>, vector<16xf32>,
        %parallel_loop3A_931 = arith.constant 80 : i32
        %parallel_loop3A_932 = arith.addi %parallel_loop3A_843, %parallel_loop3A_931 : i32
        %parallel_loop3A_933 = arith.index_cast %parallel_loop3A_932 : i32 to index
        %parallel_loop3A_934 = tpu.vector_load %arg5[%parallel_loop3A_933] {strides = array<i32>} : memref<16384xf32, #tpu.memory_space<vmem>>, vector<16xf32>,
        %parallel_loop3A_935 = arith.mulf %parallel_loop3A_849, %parallel_loop3A_930 : vector<16xf32>
        %parallel_loop3A_936 = arith.mulf %parallel_loop3A_846, %parallel_loop3A_934 : vector<16xf32>
        %parallel_loop3A_937 = arith.addf %parallel_loop3A_935, %parallel_loop3A_936 : vector<16xf32>
        %parallel_loop3A_938 = arith.constant 80 : i32
        %parallel_loop3A_939 = arith.addi %parallel_loop3A_851, %parallel_loop3A_938 : i32
        %parallel_loop3A_940 = arith.index_cast %parallel_loop3A_939 : i32 to index
        %parallel_loop3A_941 = tpu.vector_load %arg7[%parallel_loop3A_940] {strides = array<i32>} : memref<32768xf32, #tpu.memory_space<vmem>>, vector<16xf32>,
        tpu.vector_store %arg7[%parallel_loop3A_940], %parallel_loop3A_937 {strides = array<i32>} : memref<32768xf32, #tpu.memory_space<vmem>>, vector<16xf32>,
        %parallel_loop3A_942 = arith.constant 96 : i32
        %parallel_loop3A_943 = arith.addi %parallel_loop3A_841, %parallel_loop3A_942 : i32
        %parallel_loop3A_944 = arith.index_cast %parallel_loop3A_943 : i32 to index
        %parallel_loop3A_945 = tpu.vector_load %arg5[%parallel_loop3A_944] {strides = array<i32>} : memref<16384xf32, #tpu.memory_space<vmem>>, vector<16xf32>,
        %parallel_loop3A_946 = arith.constant 96 : i32
        %parallel_loop3A_947 = arith.addi %parallel_loop3A_843, %parallel_loop3A_946 : i32
        %parallel_loop3A_948 = arith.index_cast %parallel_loop3A_947 : i32 to index
        %parallel_loop3A_949 = tpu.vector_load %arg5[%parallel_loop3A_948] {strides = array<i32>} : memref<16384xf32, #tpu.memory_space<vmem>>, vector<16xf32>,
        %parallel_loop3A_950 = arith.mulf %parallel_loop3A_849, %parallel_loop3A_945 : vector<16xf32>
        %parallel_loop3A_951 = arith.mulf %parallel_loop3A_846, %parallel_loop3A_949 : vector<16xf32>
        %parallel_loop3A_952 = arith.addf %parallel_loop3A_950, %parallel_loop3A_951 : vector<16xf32>
        %parallel_loop3A_953 = arith.constant 96 : i32
        %parallel_loop3A_954 = arith.addi %parallel_loop3A_851, %parallel_loop3A_953 : i32
        %parallel_loop3A_955 = arith.index_cast %parallel_loop3A_954 : i32 to index
        %parallel_loop3A_956 = tpu.vector_load %arg7[%parallel_loop3A_955] {strides = array<i32>} : memref<32768xf32, #tpu.memory_space<vmem>>, vector<16xf32>,
        tpu.vector_store %arg7[%parallel_loop3A_955], %parallel_loop3A_952 {strides = array<i32>} : memref<32768xf32, #tpu.memory_space<vmem>>, vector<16xf32>,
        %parallel_loop3A_957 = arith.constant 112 : i32
        %parallel_loop3A_958 = arith.addi %parallel_loop3A_841, %parallel_loop3A_957 : i32
        %parallel_loop3A_959 = arith.index_cast %parallel_loop3A_958 : i32 to index
        %parallel_loop3A_960 = tpu.vector_load %arg5[%parallel_loop3A_959] {strides = array<i32>} : memref<16384xf32, #tpu.memory_space<vmem>>, vector<16xf32>,
        %parallel_loop3A_961 = arith.constant 112 : i32
        %parallel_loop3A_962 = arith.addi %parallel_loop3A_843, %parallel_loop3A_961 : i32
        %parallel_loop3A_963 = arith.index_cast %parallel_loop3A_962 : i32 to index
        %parallel_loop3A_964 = tpu.vector_load %arg5[%parallel_loop3A_963] {strides = array<i32>} : memref<16384xf32, #tpu.memory_space<vmem>>, vector<16xf32>,
        %parallel_loop3A_965 = arith.mulf %parallel_loop3A_849, %parallel_loop3A_960 : vector<16xf32>
        %parallel_loop3A_966 = arith.mulf %parallel_loop3A_846, %parallel_loop3A_964 : vector<16xf32>
        %parallel_loop3A_967 = arith.addf %parallel_loop3A_965, %parallel_loop3A_966 : vector<16xf32>
        %parallel_loop3A_968 = arith.constant 112 : i32
        %parallel_loop3A_969 = arith.addi %parallel_loop3A_851, %parallel_loop3A_968 : i32
        %parallel_loop3A_970 = arith.index_cast %parallel_loop3A_969 : i32 to index
        %parallel_loop3A_971 = tpu.vector_load %arg7[%parallel_loop3A_970] {strides = array<i32>} : memref<32768xf32, #tpu.memory_space<vmem>>, vector<16xf32>,
        tpu.vector_store %arg7[%parallel_loop3A_970], %parallel_loop3A_967 {strides = array<i32>} : memref<32768xf32, #tpu.memory_space<vmem>>, vector<16xf32>,
        %parallel_loop3A_972 = arith.constant 128 : i32
        %parallel_loop3A_973 = arith.addi %parallel_loop3A_841, %parallel_loop3A_972 : i32
        %parallel_loop3A_974 = arith.index_cast %parallel_loop3A_973 : i32 to index
        %parallel_loop3A_975 = tpu.vector_load %arg5[%parallel_loop3A_974] {strides = array<i32>} : memref<16384xf32, #tpu.memory_space<vmem>>, vector<16xf32>,
        %parallel_loop3A_976 = arith.constant 128 : i32
        %parallel_loop3A_977 = arith.addi %parallel_loop3A_843, %parallel_loop3A_976 : i32
        %parallel_loop3A_978 = arith.index_cast %parallel_loop3A_977 : i32 to index
        %parallel_loop3A_979 = tpu.vector_load %arg5[%parallel_loop3A_978] {strides = array<i32>} : memref<16384xf32, #tpu.memory_space<vmem>>, vector<16xf32>,
        %parallel_loop3A_980 = arith.mulf %parallel_loop3A_849, %parallel_loop3A_975 : vector<16xf32>
        %parallel_loop3A_981 = arith.mulf %parallel_loop3A_846, %parallel_loop3A_979 : vector<16xf32>
        %parallel_loop3A_982 = arith.addf %parallel_loop3A_980, %parallel_loop3A_981 : vector<16xf32>
        %parallel_loop3A_983 = arith.constant 128 : i32
        %parallel_loop3A_984 = arith.addi %parallel_loop3A_851, %parallel_loop3A_983 : i32
        %parallel_loop3A_985 = arith.index_cast %parallel_loop3A_984 : i32 to index
        %parallel_loop3A_986 = tpu.vector_load %arg7[%parallel_loop3A_985] {strides = array<i32>} : memref<32768xf32, #tpu.memory_space<vmem>>, vector<16xf32>,
        tpu.vector_store %arg7[%parallel_loop3A_985], %parallel_loop3A_982 {strides = array<i32>} : memref<32768xf32, #tpu.memory_space<vmem>>, vector<16xf32>,
        %parallel_loop3A_987 = arith.constant 144 : i32
        %parallel_loop3A_988 = arith.addi %parallel_loop3A_841, %parallel_loop3A_987 : i32
        %parallel_loop3A_989 = arith.index_cast %parallel_loop3A_988 : i32 to index
        %parallel_loop3A_990 = tpu.vector_load %arg5[%parallel_loop3A_989] {strides = array<i32>} : memref<16384xf32, #tpu.memory_space<vmem>>, vector<16xf32>,
        %parallel_loop3A_991 = arith.constant 144 : i32
        %parallel_loop3A_992 = arith.addi %parallel_loop3A_843, %parallel_loop3A_991 : i32
        %parallel_loop3A_993 = arith.index_cast %parallel_loop3A_992 : i32 to index
        %parallel_loop3A_994 = tpu.vector_load %arg5[%parallel_loop3A_993] {strides = array<i32>} : memref<16384xf32, #tpu.memory_space<vmem>>, vector<16xf32>,
        %parallel_loop3A_995 = arith.mulf %parallel_loop3A_849, %parallel_loop3A_990 : vector<16xf32>
        %parallel_loop3A_996 = arith.mulf %parallel_loop3A_846, %parallel_loop3A_994 : vector<16xf32>
        %parallel_loop3A_997 = arith.addf %parallel_loop3A_995, %parallel_loop3A_996 : vector<16xf32>
        %parallel_loop3A_998 = arith.constant 144 : i32
        %parallel_loop3A_999 = arith.addi %parallel_loop3A_851, %parallel_loop3A_998 : i32
        %parallel_loop3A_1000 = arith.index_cast %parallel_loop3A_999 : i32 to index
        %parallel_loop3A_1001 = tpu.vector_load %arg7[%parallel_loop3A_1000] {strides = array<i32>} : memref<32768xf32, #tpu.memory_space<vmem>>, vector<16xf32>,
        tpu.vector_store %arg7[%parallel_loop3A_1000], %parallel_loop3A_997 {strides = array<i32>} : memref<32768xf32, #tpu.memory_space<vmem>>, vector<16xf32>,
        %parallel_loop3A_1002 = arith.constant 160 : i32
        %parallel_loop3A_1003 = arith.addi %parallel_loop3A_841, %parallel_loop3A_1002 : i32
        %parallel_loop3A_1004 = arith.index_cast %parallel_loop3A_1003 : i32 to index
        %parallel_loop3A_1005 = tpu.vector_load %arg5[%parallel_loop3A_1004] {strides = array<i32>} : memref<16384xf32, #tpu.memory_space<vmem>>, vector<16xf32>,
        %parallel_loop3A_1006 = arith.constant 160 : i32
        %parallel_loop3A_1007 = arith.addi %parallel_loop3A_843, %parallel_loop3A_1006 : i32
        %parallel_loop3A_1008 = arith.index_cast %parallel_loop3A_1007 : i32 to index
        %parallel_loop3A_1009 = tpu.vector_load %arg5[%parallel_loop3A_1008] {strides = array<i32>} : memref<16384xf32, #tpu.memory_space<vmem>>, vector<16xf32>,
        %parallel_loop3A_1010 = arith.mulf %parallel_loop3A_849, %parallel_loop3A_1005 : vector<16xf32>
        %parallel_loop3A_1011 = arith.mulf %parallel_loop3A_846, %parallel_loop3A_1009 : vector<16xf32>
        %parallel_loop3A_1012 = arith.addf %parallel_loop3A_1010, %parallel_loop3A_1011 : vector<16xf32>
        %parallel_loop3A_1013 = arith.constant 160 : i32
        %parallel_loop3A_1014 = arith.addi %parallel_loop3A_851, %parallel_loop3A_1013 : i32
        %parallel_loop3A_1015 = arith.index_cast %parallel_loop3A_1014 : i32 to index
        %parallel_loop3A_1016 = tpu.vector_load %arg7[%parallel_loop3A_1015] {strides = array<i32>} : memref<32768xf32, #tpu.memory_space<vmem>>, vector<16xf32>,
        tpu.vector_store %arg7[%parallel_loop3A_1015], %parallel_loop3A_1012 {strides = array<i32>} : memref<32768xf32, #tpu.memory_space<vmem>>, vector<16xf32>,
        %parallel_loop3A_1017 = arith.constant 176 : i32
        %parallel_loop3A_1018 = arith.addi %parallel_loop3A_841, %parallel_loop3A_1017 : i32
        %parallel_loop3A_1019 = arith.index_cast %parallel_loop3A_1018 : i32 to index
        %parallel_loop3A_1020 = tpu.vector_load %arg5[%parallel_loop3A_1019] {strides = array<i32>} : memref<16384xf32, #tpu.memory_space<vmem>>, vector<16xf32>,
        %parallel_loop3A_1021 = arith.constant 176 : i32
        %parallel_loop3A_1022 = arith.addi %parallel_loop3A_843, %parallel_loop3A_1021 : i32
        %parallel_loop3A_1023 = arith.index_cast %parallel_loop3A_1022 : i32 to index
        %parallel_loop3A_1024 = tpu.vector_load %arg5[%parallel_loop3A_1023] {strides = array<i32>} : memref<16384xf32, #tpu.memory_space<vmem>>, vector<16xf32>,
        %parallel_loop3A_1025 = arith.mulf %parallel_loop3A_849, %parallel_loop3A_1020 : vector<16xf32>
        %parallel_loop3A_1026 = arith.mulf %parallel_loop3A_846, %parallel_loop3A_1024 : vector<16xf32>
        %parallel_loop3A_1027 = arith.addf %parallel_loop3A_1025, %parallel_loop3A_1026 : vector<16xf32>
        %parallel_loop3A_1028 = arith.constant 176 : i32
        %parallel_loop3A_1029 = arith.addi %parallel_loop3A_851, %parallel_loop3A_1028 : i32
        %parallel_loop3A_1030 = arith.index_cast %parallel_loop3A_1029 : i32 to index
        %parallel_loop3A_1031 = tpu.vector_load %arg7[%parallel_loop3A_1030] {strides = array<i32>} : memref<32768xf32, #tpu.memory_space<vmem>>, vector<16xf32>,
        tpu.vector_store %arg7[%parallel_loop3A_1030], %parallel_loop3A_1027 {strides = array<i32>} : memref<32768xf32, #tpu.memory_space<vmem>>, vector<16xf32>,
        %parallel_loop3A_1032 = arith.constant 192 : i32
        %parallel_loop3A_1033 = arith.addi %parallel_loop3A_841, %parallel_loop3A_1032 : i32
        %parallel_loop3A_1034 = arith.index_cast %parallel_loop3A_1033 : i32 to index
        %parallel_loop3A_1035 = tpu.vector_load %arg5[%parallel_loop3A_1034] {strides = array<i32>} : memref<16384xf32, #tpu.memory_space<vmem>>, vector<16xf32>,
        %parallel_loop3A_1036 = arith.constant 192 : i32
        %parallel_loop3A_1037 = arith.addi %parallel_loop3A_843, %parallel_loop3A_1036 : i32
        %parallel_loop3A_1038 = arith.index_cast %parallel_loop3A_1037 : i32 to index
        %parallel_loop3A_1039 = tpu.vector_load %arg5[%parallel_loop3A_1038] {strides = array<i32>} : memref<16384xf32, #tpu.memory_space<vmem>>, vector<16xf32>,
        %parallel_loop3A_1040 = arith.mulf %parallel_loop3A_849, %parallel_loop3A_1035 : vector<16xf32>
        %parallel_loop3A_1041 = arith.mulf %parallel_loop3A_846, %parallel_loop3A_1039 : vector<16xf32>
        %parallel_loop3A_1042 = arith.addf %parallel_loop3A_1040, %parallel_loop3A_1041 : vector<16xf32>
        %parallel_loop3A_1043 = arith.constant 192 : i32
        %parallel_loop3A_1044 = arith.addi %parallel_loop3A_851, %parallel_loop3A_1043 : i32
        %parallel_loop3A_1045 = arith.index_cast %parallel_loop3A_1044 : i32 to index
        %parallel_loop3A_1046 = tpu.vector_load %arg7[%parallel_loop3A_1045] {strides = array<i32>} : memref<32768xf32, #tpu.memory_space<vmem>>, vector<16xf32>,
        tpu.vector_store %arg7[%parallel_loop3A_1045], %parallel_loop3A_1042 {strides = array<i32>} : memref<32768xf32, #tpu.memory_space<vmem>>, vector<16xf32>,
        %parallel_loop3A_1047 = arith.constant 208 : i32
        %parallel_loop3A_1048 = arith.addi %parallel_loop3A_841, %parallel_loop3A_1047 : i32
        %parallel_loop3A_1049 = arith.index_cast %parallel_loop3A_1048 : i32 to index
        %parallel_loop3A_1050 = tpu.vector_load %arg5[%parallel_loop3A_1049] {strides = array<i32>} : memref<16384xf32, #tpu.memory_space<vmem>>, vector<16xf32>,
        %parallel_loop3A_1051 = arith.constant 208 : i32
        %parallel_loop3A_1052 = arith.addi %parallel_loop3A_843, %parallel_loop3A_1051 : i32
        %parallel_loop3A_1053 = arith.index_cast %parallel_loop3A_1052 : i32 to index
        %parallel_loop3A_1054 = tpu.vector_load %arg5[%parallel_loop3A_1053] {strides = array<i32>} : memref<16384xf32, #tpu.memory_space<vmem>>, vector<16xf32>,
        %parallel_loop3A_1055 = arith.mulf %parallel_loop3A_849, %parallel_loop3A_1050 : vector<16xf32>
        %parallel_loop3A_1056 = arith.mulf %parallel_loop3A_846, %parallel_loop3A_1054 : vector<16xf32>
        %parallel_loop3A_1057 = arith.addf %parallel_loop3A_1055, %parallel_loop3A_1056 : vector<16xf32>
        %parallel_loop3A_1058 = arith.constant 208 : i32
        %parallel_loop3A_1059 = arith.addi %parallel_loop3A_851, %parallel_loop3A_1058 : i32
        %parallel_loop3A_1060 = arith.index_cast %parallel_loop3A_1059 : i32 to index
        %parallel_loop3A_1061 = tpu.vector_load %arg7[%parallel_loop3A_1060] {strides = array<i32>} : memref<32768xf32, #tpu.memory_space<vmem>>, vector<16xf32>,
        tpu.vector_store %arg7[%parallel_loop3A_1060], %parallel_loop3A_1057 {strides = array<i32>} : memref<32768xf32, #tpu.memory_space<vmem>>, vector<16xf32>,
        %parallel_loop3A_1062 = arith.constant 224 : i32
        %parallel_loop3A_1063 = arith.addi %parallel_loop3A_841, %parallel_loop3A_1062 : i32
        %parallel_loop3A_1064 = arith.index_cast %parallel_loop3A_1063 : i32 to index
        %parallel_loop3A_1065 = tpu.vector_load %arg5[%parallel_loop3A_1064] {strides = array<i32>} : memref<16384xf32, #tpu.memory_space<vmem>>, vector<16xf32>,
        %parallel_loop3A_1066 = arith.constant 224 : i32
        %parallel_loop3A_1067 = arith.addi %parallel_loop3A_843, %parallel_loop3A_1066 : i32
        %parallel_loop3A_1068 = arith.index_cast %parallel_loop3A_1067 : i32 to index
        %parallel_loop3A_1069 = tpu.vector_load %arg5[%parallel_loop3A_1068] {strides = array<i32>} : memref<16384xf32, #tpu.memory_space<vmem>>, vector<16xf32>,
        %parallel_loop3A_1070 = arith.mulf %parallel_loop3A_849, %parallel_loop3A_1065 : vector<16xf32>
        %parallel_loop3A_1071 = arith.mulf %parallel_loop3A_846, %parallel_loop3A_1069 : vector<16xf32>
        %parallel_loop3A_1072 = arith.addf %parallel_loop3A_1070, %parallel_loop3A_1071 : vector<16xf32>
        %parallel_loop3A_1073 = arith.constant 224 : i32
        %parallel_loop3A_1074 = arith.addi %parallel_loop3A_851, %parallel_loop3A_1073 : i32
        %parallel_loop3A_1075 = arith.index_cast %parallel_loop3A_1074 : i32 to index
        %parallel_loop3A_1076 = tpu.vector_load %arg7[%parallel_loop3A_1075] {strides = array<i32>} : memref<32768xf32, #tpu.memory_space<vmem>>, vector<16xf32>,
        tpu.vector_store %arg7[%parallel_loop3A_1075], %parallel_loop3A_1072 {strides = array<i32>} : memref<32768xf32, #tpu.memory_space<vmem>>, vector<16xf32>,
        %parallel_loop3A_1077 = arith.constant 240 : i32
        %parallel_loop3A_1078 = arith.addi %parallel_loop3A_841, %parallel_loop3A_1077 : i32
        %parallel_loop3A_1079 = arith.index_cast %parallel_loop3A_1078 : i32 to index
        %parallel_loop3A_1080 = tpu.vector_load %arg5[%parallel_loop3A_1079] {strides = array<i32>} : memref<16384xf32, #tpu.memory_space<vmem>>, vector<16xf32>,
        %parallel_loop3A_1081 = arith.constant 240 : i32
        %parallel_loop3A_1082 = arith.addi %parallel_loop3A_843, %parallel_loop3A_1081 : i32
        %parallel_loop3A_1083 = arith.index_cast %parallel_loop3A_1082 : i32 to index
        %parallel_loop3A_1084 = tpu.vector_load %arg5[%parallel_loop3A_1083] {strides = array<i32>} : memref<16384xf32, #tpu.memory_space<vmem>>, vector<16xf32>,
        %parallel_loop3A_1085 = arith.mulf %parallel_loop3A_849, %parallel_loop3A_1080 : vector<16xf32>
        %parallel_loop3A_1086 = arith.mulf %parallel_loop3A_846, %parallel_loop3A_1084 : vector<16xf32>
        %parallel_loop3A_1087 = arith.addf %parallel_loop3A_1085, %parallel_loop3A_1086 : vector<16xf32>
        %parallel_loop3A_1088 = arith.constant 240 : i32
        %parallel_loop3A_1089 = arith.addi %parallel_loop3A_851, %parallel_loop3A_1088 : i32
        %parallel_loop3A_1090 = arith.index_cast %parallel_loop3A_1089 : i32 to index
        %parallel_loop3A_1091 = tpu.vector_load %arg7[%parallel_loop3A_1090] {strides = array<i32>} : memref<32768xf32, #tpu.memory_space<vmem>>, vector<16xf32>,
        tpu.vector_store %arg7[%parallel_loop3A_1090], %parallel_loop3A_1087 {strides = array<i32>} : memref<32768xf32, #tpu.memory_space<vmem>>, vector<16xf32>,
      } {sc.loop_unroll_factor = 4 : i64, sc.parallel_access}
      %mul3A_37 = arith.constant 512 : i32
      %mul3A_38 = arith.muli %add3A, %mul3A_37 : i32
      %mul3A_39 = arith.constant 32 : i32
      %mul3A_40 = arith.muli %add3A_28, %mul3A_39 : i32
      %add3A_41 = arith.addi %mul3A_38, %mul3A_40 : i32
      %mul3A_42 = arith.constant 1024 : i32
      %mul3A_43 = arith.muli %add3A_41, %mul3A_42 : i32
      %dma_start3A = tpu.memref_slice %arg4[%mul3A_43] : memref<16777216xf32, #tpu.memory_space<hbm>> -> memref<32768xf32, #tpu.memory_space<hbm>>
      %dma_start3A_44 = tpu.memref_slice %arg4[%mul3A_43] : memref<16777216xf32, #tpu.memory_space<hbm>> -> memref<32768xf32, #tpu.memory_space<hbm>>
      tpu.enqueue_dma source(%arg7 : memref<32768xf32, #tpu.memory_space<vmem>>) target(%dma_start3A_44 : memref<32768xf32, #tpu.memory_space<hbm>>) target_semaphore(%arg13 : memref<!tpu.dma_semaphore, #tpu.memory_space<semaphore_mem>>)
      %mul3A_45 = arith.constant 2 : i32
      %mul3A_46 = arith.muli %scan3A_24, %mul3A_45 : i32
      %add3A_47 = arith.constant 1 : i32
      %add3A_48 = arith.addi %mul3A_46, %add3A_47 : i32
      %gt3A_49 = arith.constant 0 : i32
      %gt3A_50 = arith.cmpi sgt, %scan3A_24, %gt3A_49 : i32
      %convert_element_type3A_51 = arith.extui %gt3A_50 : i1 to i32
      %cond3A_52 = arith.constant 0 : i32
      %cond3A_53 = arith.cmpi ne, %convert_element_type3A_51, %cond3A_52 : i32
      scf.if %cond3A_53 {
        %dma_wait3A_70 = arith.constant 0 : i32
        %dma_wait3A_71 = tpu.memref_slice %arg4[%dma_wait3A_70] : memref<16777216xf32, #tpu.memory_space<hbm>> -> memref<32768xf32, #tpu.memory_space<hbm>>
        %dma_wait3A_72 = arith.constant 0 : i32
        %dma_wait3A_73 = tpu.memref_slice %arg4[%dma_wait3A_72] : memref<16777216xf32, #tpu.memory_space<hbm>> -> memref<32768xf32, #tpu.memory_space<hbm>>
        tpu.wait_dma2 semaphore(%arg14 : memref<!tpu.dma_semaphore, #tpu.memory_space<semaphore_mem>>) src(%arg8 : memref<32768xf32, #tpu.memory_space<vmem>>) dst(%dma_wait3A_73 : memref<32768xf32, #tpu.memory_space<hbm>>)
      } else {
      }
      %mul3A_54 = arith.constant 32 : i32
      %mul3A_55 = arith.muli %add3A_48, %mul3A_54 : i32
      %mul3A_56 = arith.constant 4 : i32
      %mul3A_57 = arith.muli %mul3A_55, %mul3A_56 : i32
      %parallel_loop3A_58 = arith.constant 0 : i32
      %parallel_loop3A_59 = arith.constant 32 : i32
      %parallel_loop3A_60 = arith.constant 1 : i32
      scf.for %parallel_loop3A_70 = %parallel_loop3A_58 to %parallel_loop3A_59 step %parallel_loop3A_60  : i32 {
        %parallel_loop3A_71 = arith.constant 4 : i32
        %parallel_loop3A_72 = arith.muli %parallel_loop3A_70, %parallel_loop3A_71 : i32
        %parallel_loop3A_73 = arith.addi %mul3A_57, %parallel_loop3A_72 : i32
        %parallel_loop3A_74 = arith.index_cast %parallel_loop3A_73 : i32 to index
        %parallel_loop3A_75 = tpu.vector_load %arg9[%parallel_loop3A_74] {strides = array<i32>} : memref<2048xi32, #tpu.memory_space<vmem>>, vector<16xi32>,
        %parallel_loop3A_76 = arith.index_cast %parallel_loop3A_73 : i32 to index
        %parallel_loop3A_77 = tpu.vector_load %arg10[%parallel_loop3A_76] {strides = array<i32>} : memref<2048xi32, #tpu.memory_space<vmem>>, vector<16xi32>,
        %parallel_loop3A_78 = arith.index_cast %parallel_loop3A_73 : i32 to index
        %parallel_loop3A_79 = tpu.vector_load %arg11[%parallel_loop3A_78] {strides = array<i32>} : memref<2048xf32, #tpu.memory_space<vmem>>, vector<16xf32>,
        %parallel_loop3A_80 = arith.index_cast %parallel_loop3A_73 : i32 to index
        %parallel_loop3A_81 = tpu.vector_load %arg12[%parallel_loop3A_80] {strides = array<i32>} : memref<2048xf32, #tpu.memory_space<vmem>>, vector<16xf32>,
        %parallel_loop3A_82 = arith.constant 1024 : i32
        %parallel_loop3A_83 = arith.muli %parallel_loop3A_70, %parallel_loop3A_82 : i32
        %parallel_loop3A_84 = vector.extract_strided_slice %parallel_loop3A_75 {offsets = [0], sizes = [1], strides = [1]} : vector<16xi32> to vector<1xi32>
        %parallel_loop3A_85 = vector.extract %parallel_loop3A_84[0] : i32 from vector<1xi32>
        %parallel_loop3A_86 = vector.extract_strided_slice %parallel_loop3A_77 {offsets = [0], sizes = [1], strides = [1]} : vector<16xi32> to vector<1xi32>
        %parallel_loop3A_87 = vector.extract %parallel_loop3A_86[0] : i32 from vector<1xi32>
        %parallel_loop3A_88 = vector.extract_strided_slice %parallel_loop3A_79 {offsets = [0], sizes = [1], strides = [1]} : vector<16xf32> to vector<1xf32>
        %parallel_loop3A_89 = vector.extract %parallel_loop3A_88[0] : f32 from vector<1xf32>
        %parallel_loop3A_90 = vector.broadcast %parallel_loop3A_89 : f32 to vector<16xf32>
        %parallel_loop3A_91 = vector.extract_strided_slice %parallel_loop3A_81 {offsets = [0], sizes = [1], strides = [1]} : vector<16xf32> to vector<1xf32>
        %parallel_loop3A_92 = vector.extract %parallel_loop3A_91[0] : f32 from vector<1xf32>
        %parallel_loop3A_93 = vector.broadcast %parallel_loop3A_92 : f32 to vector<16xf32>
        %parallel_loop3A_94 = arith.constant 0 : i32
        %parallel_loop3A_95 = arith.addi %parallel_loop3A_83, %parallel_loop3A_94 : i32
        %parallel_loop3A_96 = arith.constant 0 : i32
        %parallel_loop3A_97 = arith.addi %parallel_loop3A_85, %parallel_loop3A_96 : i32
        %parallel_loop3A_98 = arith.index_cast %parallel_loop3A_97 : i32 to index
        %parallel_loop3A_99 = tpu.vector_load %arg5[%parallel_loop3A_98] {strides = array<i32>} : memref<16384xf32, #tpu.memory_space<vmem>>, vector<16xf32>,
        %parallel_loop3A_100 = arith.constant 0 : i32
        %parallel_loop3A_101 = arith.addi %parallel_loop3A_87, %parallel_loop3A_100 : i32
        %parallel_loop3A_102 = arith.index_cast %parallel_loop3A_101 : i32 to index
        %parallel_loop3A_103 = tpu.vector_load %arg5[%parallel_loop3A_102] {strides = array<i32>} : memref<16384xf32, #tpu.memory_space<vmem>>, vector<16xf32>,
        %parallel_loop3A_104 = arith.mulf %parallel_loop3A_93, %parallel_loop3A_99 : vector<16xf32>
        %parallel_loop3A_105 = arith.mulf %parallel_loop3A_90, %parallel_loop3A_103 : vector<16xf32>
        %parallel_loop3A_106 = arith.addf %parallel_loop3A_104, %parallel_loop3A_105 : vector<16xf32>
        %parallel_loop3A_107 = arith.constant 0 : i32
        %parallel_loop3A_108 = arith.addi %parallel_loop3A_95, %parallel_loop3A_107 : i32
        %parallel_loop3A_109 = arith.index_cast %parallel_loop3A_108 : i32 to index
        %parallel_loop3A_110 = tpu.vector_load %arg8[%parallel_loop3A_109] {strides = array<i32>} : memref<32768xf32, #tpu.memory_space<vmem>>, vector<16xf32>,
        tpu.vector_store %arg8[%parallel_loop3A_109], %parallel_loop3A_106 {strides = array<i32>} : memref<32768xf32, #tpu.memory_space<vmem>>, vector<16xf32>,
        %parallel_loop3A_111 = arith.constant 16 : i32
        %parallel_loop3A_112 = arith.addi %parallel_loop3A_85, %parallel_loop3A_111 : i32
        %parallel_loop3A_113 = arith.index_cast %parallel_loop3A_112 : i32 to index
        %parallel_loop3A_114 = tpu.vector_load %arg5[%parallel_loop3A_113] {strides = array<i32>} : memref<16384xf32, #tpu.memory_space<vmem>>, vector<16xf32>,
        %parallel_loop3A_115 = arith.constant 16 : i32
        %parallel_loop3A_116 = arith.addi %parallel_loop3A_87, %parallel_loop3A_115 : i32
        %parallel_loop3A_117 = arith.index_cast %parallel_loop3A_116 : i32 to index
        %parallel_loop3A_118 = tpu.vector_load %arg5[%parallel_loop3A_117] {strides = array<i32>} : memref<16384xf32, #tpu.memory_space<vmem>>, vector<16xf32>,
        %parallel_loop3A_119 = arith.mulf %parallel_loop3A_93, %parallel_loop3A_114 : vector<16xf32>
        %parallel_loop3A_120 = arith.mulf %parallel_loop3A_90, %parallel_loop3A_118 : vector<16xf32>
        %parallel_loop3A_121 = arith.addf %parallel_loop3A_119, %parallel_loop3A_120 : vector<16xf32>
        %parallel_loop3A_122 = arith.constant 16 : i32
        %parallel_loop3A_123 = arith.addi %parallel_loop3A_95, %parallel_loop3A_122 : i32
        %parallel_loop3A_124 = arith.index_cast %parallel_loop3A_123 : i32 to index
        %parallel_loop3A_125 = tpu.vector_load %arg8[%parallel_loop3A_124] {strides = array<i32>} : memref<32768xf32, #tpu.memory_space<vmem>>, vector<16xf32>,
        tpu.vector_store %arg8[%parallel_loop3A_124], %parallel_loop3A_121 {strides = array<i32>} : memref<32768xf32, #tpu.memory_space<vmem>>, vector<16xf32>,
        %parallel_loop3A_126 = arith.constant 32 : i32
        %parallel_loop3A_127 = arith.addi %parallel_loop3A_85, %parallel_loop3A_126 : i32
        %parallel_loop3A_128 = arith.index_cast %parallel_loop3A_127 : i32 to index
        %parallel_loop3A_129 = tpu.vector_load %arg5[%parallel_loop3A_128] {strides = array<i32>} : memref<16384xf32, #tpu.memory_space<vmem>>, vector<16xf32>,
        %parallel_loop3A_130 = arith.constant 32 : i32
        %parallel_loop3A_131 = arith.addi %parallel_loop3A_87, %parallel_loop3A_130 : i32
        %parallel_loop3A_132 = arith.index_cast %parallel_loop3A_131 : i32 to index
        %parallel_loop3A_133 = tpu.vector_load %arg5[%parallel_loop3A_132] {strides = array<i32>} : memref<16384xf32, #tpu.memory_space<vmem>>, vector<16xf32>,
        %parallel_loop3A_134 = arith.mulf %parallel_loop3A_93, %parallel_loop3A_129 : vector<16xf32>
        %parallel_loop3A_135 = arith.mulf %parallel_loop3A_90, %parallel_loop3A_133 : vector<16xf32>
        %parallel_loop3A_136 = arith.addf %parallel_loop3A_134, %parallel_loop3A_135 : vector<16xf32>
        %parallel_loop3A_137 = arith.constant 32 : i32
        %parallel_loop3A_138 = arith.addi %parallel_loop3A_95, %parallel_loop3A_137 : i32
        %parallel_loop3A_139 = arith.index_cast %parallel_loop3A_138 : i32 to index
        %parallel_loop3A_140 = tpu.vector_load %arg8[%parallel_loop3A_139] {strides = array<i32>} : memref<32768xf32, #tpu.memory_space<vmem>>, vector<16xf32>,
        tpu.vector_store %arg8[%parallel_loop3A_139], %parallel_loop3A_136 {strides = array<i32>} : memref<32768xf32, #tpu.memory_space<vmem>>, vector<16xf32>,
        %parallel_loop3A_141 = arith.constant 48 : i32
        %parallel_loop3A_142 = arith.addi %parallel_loop3A_85, %parallel_loop3A_141 : i32
        %parallel_loop3A_143 = arith.index_cast %parallel_loop3A_142 : i32 to index
        %parallel_loop3A_144 = tpu.vector_load %arg5[%parallel_loop3A_143] {strides = array<i32>} : memref<16384xf32, #tpu.memory_space<vmem>>, vector<16xf32>,
        %parallel_loop3A_145 = arith.constant 48 : i32
        %parallel_loop3A_146 = arith.addi %parallel_loop3A_87, %parallel_loop3A_145 : i32
        %parallel_loop3A_147 = arith.index_cast %parallel_loop3A_146 : i32 to index
        %parallel_loop3A_148 = tpu.vector_load %arg5[%parallel_loop3A_147] {strides = array<i32>} : memref<16384xf32, #tpu.memory_space<vmem>>, vector<16xf32>,
        %parallel_loop3A_149 = arith.mulf %parallel_loop3A_93, %parallel_loop3A_144 : vector<16xf32>
        %parallel_loop3A_150 = arith.mulf %parallel_loop3A_90, %parallel_loop3A_148 : vector<16xf32>
        %parallel_loop3A_151 = arith.addf %parallel_loop3A_149, %parallel_loop3A_150 : vector<16xf32>
        %parallel_loop3A_152 = arith.constant 48 : i32
        %parallel_loop3A_153 = arith.addi %parallel_loop3A_95, %parallel_loop3A_152 : i32
        %parallel_loop3A_154 = arith.index_cast %parallel_loop3A_153 : i32 to index
        %parallel_loop3A_155 = tpu.vector_load %arg8[%parallel_loop3A_154] {strides = array<i32>} : memref<32768xf32, #tpu.memory_space<vmem>>, vector<16xf32>,
        tpu.vector_store %arg8[%parallel_loop3A_154], %parallel_loop3A_151 {strides = array<i32>} : memref<32768xf32, #tpu.memory_space<vmem>>, vector<16xf32>,
        %parallel_loop3A_156 = arith.constant 64 : i32
        %parallel_loop3A_157 = arith.addi %parallel_loop3A_85, %parallel_loop3A_156 : i32
        %parallel_loop3A_158 = arith.index_cast %parallel_loop3A_157 : i32 to index
        %parallel_loop3A_159 = tpu.vector_load %arg5[%parallel_loop3A_158] {strides = array<i32>} : memref<16384xf32, #tpu.memory_space<vmem>>, vector<16xf32>,
        %parallel_loop3A_160 = arith.constant 64 : i32
        %parallel_loop3A_161 = arith.addi %parallel_loop3A_87, %parallel_loop3A_160 : i32
        %parallel_loop3A_162 = arith.index_cast %parallel_loop3A_161 : i32 to index
        %parallel_loop3A_163 = tpu.vector_load %arg5[%parallel_loop3A_162] {strides = array<i32>} : memref<16384xf32, #tpu.memory_space<vmem>>, vector<16xf32>,
        %parallel_loop3A_164 = arith.mulf %parallel_loop3A_93, %parallel_loop3A_159 : vector<16xf32>
        %parallel_loop3A_165 = arith.mulf %parallel_loop3A_90, %parallel_loop3A_163 : vector<16xf32>
        %parallel_loop3A_166 = arith.addf %parallel_loop3A_164, %parallel_loop3A_165 : vector<16xf32>
        %parallel_loop3A_167 = arith.constant 64 : i32
        %parallel_loop3A_168 = arith.addi %parallel_loop3A_95, %parallel_loop3A_167 : i32
        %parallel_loop3A_169 = arith.index_cast %parallel_loop3A_168 : i32 to index
        %parallel_loop3A_170 = tpu.vector_load %arg8[%parallel_loop3A_169] {strides = array<i32>} : memref<32768xf32, #tpu.memory_space<vmem>>, vector<16xf32>,
        tpu.vector_store %arg8[%parallel_loop3A_169], %parallel_loop3A_166 {strides = array<i32>} : memref<32768xf32, #tpu.memory_space<vmem>>, vector<16xf32>,
        %parallel_loop3A_171 = arith.constant 80 : i32
        %parallel_loop3A_172 = arith.addi %parallel_loop3A_85, %parallel_loop3A_171 : i32
        %parallel_loop3A_173 = arith.index_cast %parallel_loop3A_172 : i32 to index
        %parallel_loop3A_174 = tpu.vector_load %arg5[%parallel_loop3A_173] {strides = array<i32>} : memref<16384xf32, #tpu.memory_space<vmem>>, vector<16xf32>,
        %parallel_loop3A_175 = arith.constant 80 : i32
        %parallel_loop3A_176 = arith.addi %parallel_loop3A_87, %parallel_loop3A_175 : i32
        %parallel_loop3A_177 = arith.index_cast %parallel_loop3A_176 : i32 to index
        %parallel_loop3A_178 = tpu.vector_load %arg5[%parallel_loop3A_177] {strides = array<i32>} : memref<16384xf32, #tpu.memory_space<vmem>>, vector<16xf32>,
        %parallel_loop3A_179 = arith.mulf %parallel_loop3A_93, %parallel_loop3A_174 : vector<16xf32>
        %parallel_loop3A_180 = arith.mulf %parallel_loop3A_90, %parallel_loop3A_178 : vector<16xf32>
        %parallel_loop3A_181 = arith.addf %parallel_loop3A_179, %parallel_loop3A_180 : vector<16xf32>
        %parallel_loop3A_182 = arith.constant 80 : i32
        %parallel_loop3A_183 = arith.addi %parallel_loop3A_95, %parallel_loop3A_182 : i32
        %parallel_loop3A_184 = arith.index_cast %parallel_loop3A_183 : i32 to index
        %parallel_loop3A_185 = tpu.vector_load %arg8[%parallel_loop3A_184] {strides = array<i32>} : memref<32768xf32, #tpu.memory_space<vmem>>, vector<16xf32>,
        tpu.vector_store %arg8[%parallel_loop3A_184], %parallel_loop3A_181 {strides = array<i32>} : memref<32768xf32, #tpu.memory_space<vmem>>, vector<16xf32>,
        %parallel_loop3A_186 = arith.constant 96 : i32
        %parallel_loop3A_187 = arith.addi %parallel_loop3A_85, %parallel_loop3A_186 : i32
        %parallel_loop3A_188 = arith.index_cast %parallel_loop3A_187 : i32 to index
        %parallel_loop3A_189 = tpu.vector_load %arg5[%parallel_loop3A_188] {strides = array<i32>} : memref<16384xf32, #tpu.memory_space<vmem>>, vector<16xf32>,
        %parallel_loop3A_190 = arith.constant 96 : i32
        %parallel_loop3A_191 = arith.addi %parallel_loop3A_87, %parallel_loop3A_190 : i32
        %parallel_loop3A_192 = arith.index_cast %parallel_loop3A_191 : i32 to index
        %parallel_loop3A_193 = tpu.vector_load %arg5[%parallel_loop3A_192] {strides = array<i32>} : memref<16384xf32, #tpu.memory_space<vmem>>, vector<16xf32>,
        %parallel_loop3A_194 = arith.mulf %parallel_loop3A_93, %parallel_loop3A_189 : vector<16xf32>
        %parallel_loop3A_195 = arith.mulf %parallel_loop3A_90, %parallel_loop3A_193 : vector<16xf32>
        %parallel_loop3A_196 = arith.addf %parallel_loop3A_194, %parallel_loop3A_195 : vector<16xf32>
        %parallel_loop3A_197 = arith.constant 96 : i32
        %parallel_loop3A_198 = arith.addi %parallel_loop3A_95, %parallel_loop3A_197 : i32
        %parallel_loop3A_199 = arith.index_cast %parallel_loop3A_198 : i32 to index
        %parallel_loop3A_200 = tpu.vector_load %arg8[%parallel_loop3A_199] {strides = array<i32>} : memref<32768xf32, #tpu.memory_space<vmem>>, vector<16xf32>,
        tpu.vector_store %arg8[%parallel_loop3A_199], %parallel_loop3A_196 {strides = array<i32>} : memref<32768xf32, #tpu.memory_space<vmem>>, vector<16xf32>,
        %parallel_loop3A_201 = arith.constant 112 : i32
        %parallel_loop3A_202 = arith.addi %parallel_loop3A_85, %parallel_loop3A_201 : i32
        %parallel_loop3A_203 = arith.index_cast %parallel_loop3A_202 : i32 to index
        %parallel_loop3A_204 = tpu.vector_load %arg5[%parallel_loop3A_203] {strides = array<i32>} : memref<16384xf32, #tpu.memory_space<vmem>>, vector<16xf32>,
        %parallel_loop3A_205 = arith.constant 112 : i32
        %parallel_loop3A_206 = arith.addi %parallel_loop3A_87, %parallel_loop3A_205 : i32
        %parallel_loop3A_207 = arith.index_cast %parallel_loop3A_206 : i32 to index
        %parallel_loop3A_208 = tpu.vector_load %arg5[%parallel_loop3A_207] {strides = array<i32>} : memref<16384xf32, #tpu.memory_space<vmem>>, vector<16xf32>,
        %parallel_loop3A_209 = arith.mulf %parallel_loop3A_93, %parallel_loop3A_204 : vector<16xf32>
        %parallel_loop3A_210 = arith.mulf %parallel_loop3A_90, %parallel_loop3A_208 : vector<16xf32>
        %parallel_loop3A_211 = arith.addf %parallel_loop3A_209, %parallel_loop3A_210 : vector<16xf32>
        %parallel_loop3A_212 = arith.constant 112 : i32
        %parallel_loop3A_213 = arith.addi %parallel_loop3A_95, %parallel_loop3A_212 : i32
        %parallel_loop3A_214 = arith.index_cast %parallel_loop3A_213 : i32 to index
        %parallel_loop3A_215 = tpu.vector_load %arg8[%parallel_loop3A_214] {strides = array<i32>} : memref<32768xf32, #tpu.memory_space<vmem>>, vector<16xf32>,
        tpu.vector_store %arg8[%parallel_loop3A_214], %parallel_loop3A_211 {strides = array<i32>} : memref<32768xf32, #tpu.memory_space<vmem>>, vector<16xf32>,
        %parallel_loop3A_216 = arith.constant 128 : i32
        %parallel_loop3A_217 = arith.addi %parallel_loop3A_85, %parallel_loop3A_216 : i32
        %parallel_loop3A_218 = arith.index_cast %parallel_loop3A_217 : i32 to index
        %parallel_loop3A_219 = tpu.vector_load %arg5[%parallel_loop3A_218] {strides = array<i32>} : memref<16384xf32, #tpu.memory_space<vmem>>, vector<16xf32>,
        %parallel_loop3A_220 = arith.constant 128 : i32
        %parallel_loop3A_221 = arith.addi %parallel_loop3A_87, %parallel_loop3A_220 : i32
        %parallel_loop3A_222 = arith.index_cast %parallel_loop3A_221 : i32 to index
        %parallel_loop3A_223 = tpu.vector_load %arg5[%parallel_loop3A_222] {strides = array<i32>} : memref<16384xf32, #tpu.memory_space<vmem>>, vector<16xf32>,
        %parallel_loop3A_224 = arith.mulf %parallel_loop3A_93, %parallel_loop3A_219 : vector<16xf32>
        %parallel_loop3A_225 = arith.mulf %parallel_loop3A_90, %parallel_loop3A_223 : vector<16xf32>
        %parallel_loop3A_226 = arith.addf %parallel_loop3A_224, %parallel_loop3A_225 : vector<16xf32>
        %parallel_loop3A_227 = arith.constant 128 : i32
        %parallel_loop3A_228 = arith.addi %parallel_loop3A_95, %parallel_loop3A_227 : i32
        %parallel_loop3A_229 = arith.index_cast %parallel_loop3A_228 : i32 to index
        %parallel_loop3A_230 = tpu.vector_load %arg8[%parallel_loop3A_229] {strides = array<i32>} : memref<32768xf32, #tpu.memory_space<vmem>>, vector<16xf32>,
        tpu.vector_store %arg8[%parallel_loop3A_229], %parallel_loop3A_226 {strides = array<i32>} : memref<32768xf32, #tpu.memory_space<vmem>>, vector<16xf32>,
        %parallel_loop3A_231 = arith.constant 144 : i32
        %parallel_loop3A_232 = arith.addi %parallel_loop3A_85, %parallel_loop3A_231 : i32
        %parallel_loop3A_233 = arith.index_cast %parallel_loop3A_232 : i32 to index
        %parallel_loop3A_234 = tpu.vector_load %arg5[%parallel_loop3A_233] {strides = array<i32>} : memref<16384xf32, #tpu.memory_space<vmem>>, vector<16xf32>,
        %parallel_loop3A_235 = arith.constant 144 : i32
        %parallel_loop3A_236 = arith.addi %parallel_loop3A_87, %parallel_loop3A_235 : i32
        %parallel_loop3A_237 = arith.index_cast %parallel_loop3A_236 : i32 to index
        %parallel_loop3A_238 = tpu.vector_load %arg5[%parallel_loop3A_237] {strides = array<i32>} : memref<16384xf32, #tpu.memory_space<vmem>>, vector<16xf32>,
        %parallel_loop3A_239 = arith.mulf %parallel_loop3A_93, %parallel_loop3A_234 : vector<16xf32>
        %parallel_loop3A_240 = arith.mulf %parallel_loop3A_90, %parallel_loop3A_238 : vector<16xf32>
        %parallel_loop3A_241 = arith.addf %parallel_loop3A_239, %parallel_loop3A_240 : vector<16xf32>
        %parallel_loop3A_242 = arith.constant 144 : i32
        %parallel_loop3A_243 = arith.addi %parallel_loop3A_95, %parallel_loop3A_242 : i32
        %parallel_loop3A_244 = arith.index_cast %parallel_loop3A_243 : i32 to index
        %parallel_loop3A_245 = tpu.vector_load %arg8[%parallel_loop3A_244] {strides = array<i32>} : memref<32768xf32, #tpu.memory_space<vmem>>, vector<16xf32>,
        tpu.vector_store %arg8[%parallel_loop3A_244], %parallel_loop3A_241 {strides = array<i32>} : memref<32768xf32, #tpu.memory_space<vmem>>, vector<16xf32>,
        %parallel_loop3A_246 = arith.constant 160 : i32
        %parallel_loop3A_247 = arith.addi %parallel_loop3A_85, %parallel_loop3A_246 : i32
        %parallel_loop3A_248 = arith.index_cast %parallel_loop3A_247 : i32 to index
        %parallel_loop3A_249 = tpu.vector_load %arg5[%parallel_loop3A_248] {strides = array<i32>} : memref<16384xf32, #tpu.memory_space<vmem>>, vector<16xf32>,
        %parallel_loop3A_250 = arith.constant 160 : i32
        %parallel_loop3A_251 = arith.addi %parallel_loop3A_87, %parallel_loop3A_250 : i32
        %parallel_loop3A_252 = arith.index_cast %parallel_loop3A_251 : i32 to index
        %parallel_loop3A_253 = tpu.vector_load %arg5[%parallel_loop3A_252] {strides = array<i32>} : memref<16384xf32, #tpu.memory_space<vmem>>, vector<16xf32>,
        %parallel_loop3A_254 = arith.mulf %parallel_loop3A_93, %parallel_loop3A_249 : vector<16xf32>
        %parallel_loop3A_255 = arith.mulf %parallel_loop3A_90, %parallel_loop3A_253 : vector<16xf32>
        %parallel_loop3A_256 = arith.addf %parallel_loop3A_254, %parallel_loop3A_255 : vector<16xf32>
        %parallel_loop3A_257 = arith.constant 160 : i32
        %parallel_loop3A_258 = arith.addi %parallel_loop3A_95, %parallel_loop3A_257 : i32
        %parallel_loop3A_259 = arith.index_cast %parallel_loop3A_258 : i32 to index
        %parallel_loop3A_260 = tpu.vector_load %arg8[%parallel_loop3A_259] {strides = array<i32>} : memref<32768xf32, #tpu.memory_space<vmem>>, vector<16xf32>,
        tpu.vector_store %arg8[%parallel_loop3A_259], %parallel_loop3A_256 {strides = array<i32>} : memref<32768xf32, #tpu.memory_space<vmem>>, vector<16xf32>,
        %parallel_loop3A_261 = arith.constant 176 : i32
        %parallel_loop3A_262 = arith.addi %parallel_loop3A_85, %parallel_loop3A_261 : i32
        %parallel_loop3A_263 = arith.index_cast %parallel_loop3A_262 : i32 to index
        %parallel_loop3A_264 = tpu.vector_load %arg5[%parallel_loop3A_263] {strides = array<i32>} : memref<16384xf32, #tpu.memory_space<vmem>>, vector<16xf32>,
        %parallel_loop3A_265 = arith.constant 176 : i32
        %parallel_loop3A_266 = arith.addi %parallel_loop3A_87, %parallel_loop3A_265 : i32
        %parallel_loop3A_267 = arith.index_cast %parallel_loop3A_266 : i32 to index
        %parallel_loop3A_268 = tpu.vector_load %arg5[%parallel_loop3A_267] {strides = array<i32>} : memref<16384xf32, #tpu.memory_space<vmem>>, vector<16xf32>,
        %parallel_loop3A_269 = arith.mulf %parallel_loop3A_93, %parallel_loop3A_264 : vector<16xf32>
        %parallel_loop3A_270 = arith.mulf %parallel_loop3A_90, %parallel_loop3A_268 : vector<16xf32>
        %parallel_loop3A_271 = arith.addf %parallel_loop3A_269, %parallel_loop3A_270 : vector<16xf32>
        %parallel_loop3A_272 = arith.constant 176 : i32
        %parallel_loop3A_273 = arith.addi %parallel_loop3A_95, %parallel_loop3A_272 : i32
        %parallel_loop3A_274 = arith.index_cast %parallel_loop3A_273 : i32 to index
        %parallel_loop3A_275 = tpu.vector_load %arg8[%parallel_loop3A_274] {strides = array<i32>} : memref<32768xf32, #tpu.memory_space<vmem>>, vector<16xf32>,
        tpu.vector_store %arg8[%parallel_loop3A_274], %parallel_loop3A_271 {strides = array<i32>} : memref<32768xf32, #tpu.memory_space<vmem>>, vector<16xf32>,
        %parallel_loop3A_276 = arith.constant 192 : i32
        %parallel_loop3A_277 = arith.addi %parallel_loop3A_85, %parallel_loop3A_276 : i32
        %parallel_loop3A_278 = arith.index_cast %parallel_loop3A_277 : i32 to index
        %parallel_loop3A_279 = tpu.vector_load %arg5[%parallel_loop3A_278] {strides = array<i32>} : memref<16384xf32, #tpu.memory_space<vmem>>, vector<16xf32>,
        %parallel_loop3A_280 = arith.constant 192 : i32
        %parallel_loop3A_281 = arith.addi %parallel_loop3A_87, %parallel_loop3A_280 : i32
        %parallel_loop3A_282 = arith.index_cast %parallel_loop3A_281 : i32 to index
        %parallel_loop3A_283 = tpu.vector_load %arg5[%parallel_loop3A_282] {strides = array<i32>} : memref<16384xf32, #tpu.memory_space<vmem>>, vector<16xf32>,
        %parallel_loop3A_284 = arith.mulf %parallel_loop3A_93, %parallel_loop3A_279 : vector<16xf32>
        %parallel_loop3A_285 = arith.mulf %parallel_loop3A_90, %parallel_loop3A_283 : vector<16xf32>
        %parallel_loop3A_286 = arith.addf %parallel_loop3A_284, %parallel_loop3A_285 : vector<16xf32>
        %parallel_loop3A_287 = arith.constant 192 : i32
        %parallel_loop3A_288 = arith.addi %parallel_loop3A_95, %parallel_loop3A_287 : i32
        %parallel_loop3A_289 = arith.index_cast %parallel_loop3A_288 : i32 to index
        %parallel_loop3A_290 = tpu.vector_load %arg8[%parallel_loop3A_289] {strides = array<i32>} : memref<32768xf32, #tpu.memory_space<vmem>>, vector<16xf32>,
        tpu.vector_store %arg8[%parallel_loop3A_289], %parallel_loop3A_286 {strides = array<i32>} : memref<32768xf32, #tpu.memory_space<vmem>>, vector<16xf32>,
        %parallel_loop3A_291 = arith.constant 208 : i32
        %parallel_loop3A_292 = arith.addi %parallel_loop3A_85, %parallel_loop3A_291 : i32
        %parallel_loop3A_293 = arith.index_cast %parallel_loop3A_292 : i32 to index
        %parallel_loop3A_294 = tpu.vector_load %arg5[%parallel_loop3A_293] {strides = array<i32>} : memref<16384xf32, #tpu.memory_space<vmem>>, vector<16xf32>,
        %parallel_loop3A_295 = arith.constant 208 : i32
        %parallel_loop3A_296 = arith.addi %parallel_loop3A_87, %parallel_loop3A_295 : i32
        %parallel_loop3A_297 = arith.index_cast %parallel_loop3A_296 : i32 to index
        %parallel_loop3A_298 = tpu.vector_load %arg5[%parallel_loop3A_297] {strides = array<i32>} : memref<16384xf32, #tpu.memory_space<vmem>>, vector<16xf32>,
        %parallel_loop3A_299 = arith.mulf %parallel_loop3A_93, %parallel_loop3A_294 : vector<16xf32>
        %parallel_loop3A_300 = arith.mulf %parallel_loop3A_90, %parallel_loop3A_298 : vector<16xf32>
        %parallel_loop3A_301 = arith.addf %parallel_loop3A_299, %parallel_loop3A_300 : vector<16xf32>
        %parallel_loop3A_302 = arith.constant 208 : i32
        %parallel_loop3A_303 = arith.addi %parallel_loop3A_95, %parallel_loop3A_302 : i32
        %parallel_loop3A_304 = arith.index_cast %parallel_loop3A_303 : i32 to index
        %parallel_loop3A_305 = tpu.vector_load %arg8[%parallel_loop3A_304] {strides = array<i32>} : memref<32768xf32, #tpu.memory_space<vmem>>, vector<16xf32>,
        tpu.vector_store %arg8[%parallel_loop3A_304], %parallel_loop3A_301 {strides = array<i32>} : memref<32768xf32, #tpu.memory_space<vmem>>, vector<16xf32>,
        %parallel_loop3A_306 = arith.constant 224 : i32
        %parallel_loop3A_307 = arith.addi %parallel_loop3A_85, %parallel_loop3A_306 : i32
        %parallel_loop3A_308 = arith.index_cast %parallel_loop3A_307 : i32 to index
        %parallel_loop3A_309 = tpu.vector_load %arg5[%parallel_loop3A_308] {strides = array<i32>} : memref<16384xf32, #tpu.memory_space<vmem>>, vector<16xf32>,
        %parallel_loop3A_310 = arith.constant 224 : i32
        %parallel_loop3A_311 = arith.addi %parallel_loop3A_87, %parallel_loop3A_310 : i32
        %parallel_loop3A_312 = arith.index_cast %parallel_loop3A_311 : i32 to index
        %parallel_loop3A_313 = tpu.vector_load %arg5[%parallel_loop3A_312] {strides = array<i32>} : memref<16384xf32, #tpu.memory_space<vmem>>, vector<16xf32>,
        %parallel_loop3A_314 = arith.mulf %parallel_loop3A_93, %parallel_loop3A_309 : vector<16xf32>
        %parallel_loop3A_315 = arith.mulf %parallel_loop3A_90, %parallel_loop3A_313 : vector<16xf32>
        %parallel_loop3A_316 = arith.addf %parallel_loop3A_314, %parallel_loop3A_315 : vector<16xf32>
        %parallel_loop3A_317 = arith.constant 224 : i32
        %parallel_loop3A_318 = arith.addi %parallel_loop3A_95, %parallel_loop3A_317 : i32
        %parallel_loop3A_319 = arith.index_cast %parallel_loop3A_318 : i32 to index
        %parallel_loop3A_320 = tpu.vector_load %arg8[%parallel_loop3A_319] {strides = array<i32>} : memref<32768xf32, #tpu.memory_space<vmem>>, vector<16xf32>,
        tpu.vector_store %arg8[%parallel_loop3A_319], %parallel_loop3A_316 {strides = array<i32>} : memref<32768xf32, #tpu.memory_space<vmem>>, vector<16xf32>,
        %parallel_loop3A_321 = arith.constant 240 : i32
        %parallel_loop3A_322 = arith.addi %parallel_loop3A_85, %parallel_loop3A_321 : i32
        %parallel_loop3A_323 = arith.index_cast %parallel_loop3A_322 : i32 to index
        %parallel_loop3A_324 = tpu.vector_load %arg5[%parallel_loop3A_323] {strides = array<i32>} : memref<16384xf32, #tpu.memory_space<vmem>>, vector<16xf32>,
        %parallel_loop3A_325 = arith.constant 240 : i32
        %parallel_loop3A_326 = arith.addi %parallel_loop3A_87, %parallel_loop3A_325 : i32
        %parallel_loop3A_327 = arith.index_cast %parallel_loop3A_326 : i32 to index
        %parallel_loop3A_328 = tpu.vector_load %arg5[%parallel_loop3A_327] {strides = array<i32>} : memref<16384xf32, #tpu.memory_space<vmem>>, vector<16xf32>,
        %parallel_loop3A_329 = arith.mulf %parallel_loop3A_93, %parallel_loop3A_324 : vector<16xf32>
        %parallel_loop3A_330 = arith.mulf %parallel_loop3A_90, %parallel_loop3A_328 : vector<16xf32>
        %parallel_loop3A_331 = arith.addf %parallel_loop3A_329, %parallel_loop3A_330 : vector<16xf32>
        %parallel_loop3A_332 = arith.constant 240 : i32
        %parallel_loop3A_333 = arith.addi %parallel_loop3A_95, %parallel_loop3A_332 : i32
        %parallel_loop3A_334 = arith.index_cast %parallel_loop3A_333 : i32 to index
        %parallel_loop3A_335 = tpu.vector_load %arg8[%parallel_loop3A_334] {strides = array<i32>} : memref<32768xf32, #tpu.memory_space<vmem>>, vector<16xf32>,
        tpu.vector_store %arg8[%parallel_loop3A_334], %parallel_loop3A_331 {strides = array<i32>} : memref<32768xf32, #tpu.memory_space<vmem>>, vector<16xf32>,
        %parallel_loop3A_336 = vector.extract_strided_slice %parallel_loop3A_75 {offsets = [1], sizes = [1], strides = [1]} : vector<16xi32> to vector<1xi32>
        %parallel_loop3A_337 = vector.extract %parallel_loop3A_336[0] : i32 from vector<1xi32>
        %parallel_loop3A_338 = vector.extract_strided_slice %parallel_loop3A_77 {offsets = [1], sizes = [1], strides = [1]} : vector<16xi32> to vector<1xi32>
        %parallel_loop3A_339 = vector.extract %parallel_loop3A_338[0] : i32 from vector<1xi32>
        %parallel_loop3A_340 = vector.extract_strided_slice %parallel_loop3A_79 {offsets = [1], sizes = [1], strides = [1]} : vector<16xf32> to vector<1xf32>
        %parallel_loop3A_341 = vector.extract %parallel_loop3A_340[0] : f32 from vector<1xf32>
        %parallel_loop3A_342 = vector.broadcast %parallel_loop3A_341 : f32 to vector<16xf32>
        %parallel_loop3A_343 = vector.extract_strided_slice %parallel_loop3A_81 {offsets = [1], sizes = [1], strides = [1]} : vector<16xf32> to vector<1xf32>
        %parallel_loop3A_344 = vector.extract %parallel_loop3A_343[0] : f32 from vector<1xf32>
        %parallel_loop3A_345 = vector.broadcast %parallel_loop3A_344 : f32 to vector<16xf32>
        %parallel_loop3A_346 = arith.constant 256 : i32
        %parallel_loop3A_347 = arith.addi %parallel_loop3A_83, %parallel_loop3A_346 : i32
        %parallel_loop3A_348 = arith.constant 0 : i32
        %parallel_loop3A_349 = arith.addi %parallel_loop3A_337, %parallel_loop3A_348 : i32
        %parallel_loop3A_350 = arith.index_cast %parallel_loop3A_349 : i32 to index
        %parallel_loop3A_351 = tpu.vector_load %arg5[%parallel_loop3A_350] {strides = array<i32>} : memref<16384xf32, #tpu.memory_space<vmem>>, vector<16xf32>,
        %parallel_loop3A_352 = arith.constant 0 : i32
        %parallel_loop3A_353 = arith.addi %parallel_loop3A_339, %parallel_loop3A_352 : i32
        %parallel_loop3A_354 = arith.index_cast %parallel_loop3A_353 : i32 to index
        %parallel_loop3A_355 = tpu.vector_load %arg5[%parallel_loop3A_354] {strides = array<i32>} : memref<16384xf32, #tpu.memory_space<vmem>>, vector<16xf32>,
        %parallel_loop3A_356 = arith.mulf %parallel_loop3A_345, %parallel_loop3A_351 : vector<16xf32>
        %parallel_loop3A_357 = arith.mulf %parallel_loop3A_342, %parallel_loop3A_355 : vector<16xf32>
        %parallel_loop3A_358 = arith.addf %parallel_loop3A_356, %parallel_loop3A_357 : vector<16xf32>
        %parallel_loop3A_359 = arith.constant 0 : i32
        %parallel_loop3A_360 = arith.addi %parallel_loop3A_347, %parallel_loop3A_359 : i32
        %parallel_loop3A_361 = arith.index_cast %parallel_loop3A_360 : i32 to index
        %parallel_loop3A_362 = tpu.vector_load %arg8[%parallel_loop3A_361] {strides = array<i32>} : memref<32768xf32, #tpu.memory_space<vmem>>, vector<16xf32>,
        tpu.vector_store %arg8[%parallel_loop3A_361], %parallel_loop3A_358 {strides = array<i32>} : memref<32768xf32, #tpu.memory_space<vmem>>, vector<16xf32>,
        %parallel_loop3A_363 = arith.constant 16 : i32
        %parallel_loop3A_364 = arith.addi %parallel_loop3A_337, %parallel_loop3A_363 : i32
        %parallel_loop3A_365 = arith.index_cast %parallel_loop3A_364 : i32 to index
        %parallel_loop3A_366 = tpu.vector_load %arg5[%parallel_loop3A_365] {strides = array<i32>} : memref<16384xf32, #tpu.memory_space<vmem>>, vector<16xf32>,
        %parallel_loop3A_367 = arith.constant 16 : i32
        %parallel_loop3A_368 = arith.addi %parallel_loop3A_339, %parallel_loop3A_367 : i32
        %parallel_loop3A_369 = arith.index_cast %parallel_loop3A_368 : i32 to index
        %parallel_loop3A_370 = tpu.vector_load %arg5[%parallel_loop3A_369] {strides = array<i32>} : memref<16384xf32, #tpu.memory_space<vmem>>, vector<16xf32>,
        %parallel_loop3A_371 = arith.mulf %parallel_loop3A_345, %parallel_loop3A_366 : vector<16xf32>
        %parallel_loop3A_372 = arith.mulf %parallel_loop3A_342, %parallel_loop3A_370 : vector<16xf32>
        %parallel_loop3A_373 = arith.addf %parallel_loop3A_371, %parallel_loop3A_372 : vector<16xf32>
        %parallel_loop3A_374 = arith.constant 16 : i32
        %parallel_loop3A_375 = arith.addi %parallel_loop3A_347, %parallel_loop3A_374 : i32
        %parallel_loop3A_376 = arith.index_cast %parallel_loop3A_375 : i32 to index
        %parallel_loop3A_377 = tpu.vector_load %arg8[%parallel_loop3A_376] {strides = array<i32>} : memref<32768xf32, #tpu.memory_space<vmem>>, vector<16xf32>,
        tpu.vector_store %arg8[%parallel_loop3A_376], %parallel_loop3A_373 {strides = array<i32>} : memref<32768xf32, #tpu.memory_space<vmem>>, vector<16xf32>,
        %parallel_loop3A_378 = arith.constant 32 : i32
        %parallel_loop3A_379 = arith.addi %parallel_loop3A_337, %parallel_loop3A_378 : i32
        %parallel_loop3A_380 = arith.index_cast %parallel_loop3A_379 : i32 to index
        %parallel_loop3A_381 = tpu.vector_load %arg5[%parallel_loop3A_380] {strides = array<i32>} : memref<16384xf32, #tpu.memory_space<vmem>>, vector<16xf32>,
        %parallel_loop3A_382 = arith.constant 32 : i32
        %parallel_loop3A_383 = arith.addi %parallel_loop3A_339, %parallel_loop3A_382 : i32
        %parallel_loop3A_384 = arith.index_cast %parallel_loop3A_383 : i32 to index
        %parallel_loop3A_385 = tpu.vector_load %arg5[%parallel_loop3A_384] {strides = array<i32>} : memref<16384xf32, #tpu.memory_space<vmem>>, vector<16xf32>,
        %parallel_loop3A_386 = arith.mulf %parallel_loop3A_345, %parallel_loop3A_381 : vector<16xf32>
        %parallel_loop3A_387 = arith.mulf %parallel_loop3A_342, %parallel_loop3A_385 : vector<16xf32>
        %parallel_loop3A_388 = arith.addf %parallel_loop3A_386, %parallel_loop3A_387 : vector<16xf32>
        %parallel_loop3A_389 = arith.constant 32 : i32
        %parallel_loop3A_390 = arith.addi %parallel_loop3A_347, %parallel_loop3A_389 : i32
        %parallel_loop3A_391 = arith.index_cast %parallel_loop3A_390 : i32 to index
        %parallel_loop3A_392 = tpu.vector_load %arg8[%parallel_loop3A_391] {strides = array<i32>} : memref<32768xf32, #tpu.memory_space<vmem>>, vector<16xf32>,
        tpu.vector_store %arg8[%parallel_loop3A_391], %parallel_loop3A_388 {strides = array<i32>} : memref<32768xf32, #tpu.memory_space<vmem>>, vector<16xf32>,
        %parallel_loop3A_393 = arith.constant 48 : i32
        %parallel_loop3A_394 = arith.addi %parallel_loop3A_337, %parallel_loop3A_393 : i32
        %parallel_loop3A_395 = arith.index_cast %parallel_loop3A_394 : i32 to index
        %parallel_loop3A_396 = tpu.vector_load %arg5[%parallel_loop3A_395] {strides = array<i32>} : memref<16384xf32, #tpu.memory_space<vmem>>, vector<16xf32>,
        %parallel_loop3A_397 = arith.constant 48 : i32
        %parallel_loop3A_398 = arith.addi %parallel_loop3A_339, %parallel_loop3A_397 : i32
        %parallel_loop3A_399 = arith.index_cast %parallel_loop3A_398 : i32 to index
        %parallel_loop3A_400 = tpu.vector_load %arg5[%parallel_loop3A_399] {strides = array<i32>} : memref<16384xf32, #tpu.memory_space<vmem>>, vector<16xf32>,
        %parallel_loop3A_401 = arith.mulf %parallel_loop3A_345, %parallel_loop3A_396 : vector<16xf32>
        %parallel_loop3A_402 = arith.mulf %parallel_loop3A_342, %parallel_loop3A_400 : vector<16xf32>
        %parallel_loop3A_403 = arith.addf %parallel_loop3A_401, %parallel_loop3A_402 : vector<16xf32>
        %parallel_loop3A_404 = arith.constant 48 : i32
        %parallel_loop3A_405 = arith.addi %parallel_loop3A_347, %parallel_loop3A_404 : i32
        %parallel_loop3A_406 = arith.index_cast %parallel_loop3A_405 : i32 to index
        %parallel_loop3A_407 = tpu.vector_load %arg8[%parallel_loop3A_406] {strides = array<i32>} : memref<32768xf32, #tpu.memory_space<vmem>>, vector<16xf32>,
        tpu.vector_store %arg8[%parallel_loop3A_406], %parallel_loop3A_403 {strides = array<i32>} : memref<32768xf32, #tpu.memory_space<vmem>>, vector<16xf32>,
        %parallel_loop3A_408 = arith.constant 64 : i32
        %parallel_loop3A_409 = arith.addi %parallel_loop3A_337, %parallel_loop3A_408 : i32
        %parallel_loop3A_410 = arith.index_cast %parallel_loop3A_409 : i32 to index
        %parallel_loop3A_411 = tpu.vector_load %arg5[%parallel_loop3A_410] {strides = array<i32>} : memref<16384xf32, #tpu.memory_space<vmem>>, vector<16xf32>,
        %parallel_loop3A_412 = arith.constant 64 : i32
        %parallel_loop3A_413 = arith.addi %parallel_loop3A_339, %parallel_loop3A_412 : i32
        %parallel_loop3A_414 = arith.index_cast %parallel_loop3A_413 : i32 to index
        %parallel_loop3A_415 = tpu.vector_load %arg5[%parallel_loop3A_414] {strides = array<i32>} : memref<16384xf32, #tpu.memory_space<vmem>>, vector<16xf32>,
        %parallel_loop3A_416 = arith.mulf %parallel_loop3A_345, %parallel_loop3A_411 : vector<16xf32>
        %parallel_loop3A_417 = arith.mulf %parallel_loop3A_342, %parallel_loop3A_415 : vector<16xf32>
        %parallel_loop3A_418 = arith.addf %parallel_loop3A_416, %parallel_loop3A_417 : vector<16xf32>
        %parallel_loop3A_419 = arith.constant 64 : i32
        %parallel_loop3A_420 = arith.addi %parallel_loop3A_347, %parallel_loop3A_419 : i32
        %parallel_loop3A_421 = arith.index_cast %parallel_loop3A_420 : i32 to index
        %parallel_loop3A_422 = tpu.vector_load %arg8[%parallel_loop3A_421] {strides = array<i32>} : memref<32768xf32, #tpu.memory_space<vmem>>, vector<16xf32>,
        tpu.vector_store %arg8[%parallel_loop3A_421], %parallel_loop3A_418 {strides = array<i32>} : memref<32768xf32, #tpu.memory_space<vmem>>, vector<16xf32>,
        %parallel_loop3A_423 = arith.constant 80 : i32
        %parallel_loop3A_424 = arith.addi %parallel_loop3A_337, %parallel_loop3A_423 : i32
        %parallel_loop3A_425 = arith.index_cast %parallel_loop3A_424 : i32 to index
        %parallel_loop3A_426 = tpu.vector_load %arg5[%parallel_loop3A_425] {strides = array<i32>} : memref<16384xf32, #tpu.memory_space<vmem>>, vector<16xf32>,
        %parallel_loop3A_427 = arith.constant 80 : i32
        %parallel_loop3A_428 = arith.addi %parallel_loop3A_339, %parallel_loop3A_427 : i32
        %parallel_loop3A_429 = arith.index_cast %parallel_loop3A_428 : i32 to index
        %parallel_loop3A_430 = tpu.vector_load %arg5[%parallel_loop3A_429] {strides = array<i32>} : memref<16384xf32, #tpu.memory_space<vmem>>, vector<16xf32>,
        %parallel_loop3A_431 = arith.mulf %parallel_loop3A_345, %parallel_loop3A_426 : vector<16xf32>
        %parallel_loop3A_432 = arith.mulf %parallel_loop3A_342, %parallel_loop3A_430 : vector<16xf32>
        %parallel_loop3A_433 = arith.addf %parallel_loop3A_431, %parallel_loop3A_432 : vector<16xf32>
        %parallel_loop3A_434 = arith.constant 80 : i32
        %parallel_loop3A_435 = arith.addi %parallel_loop3A_347, %parallel_loop3A_434 : i32
        %parallel_loop3A_436 = arith.index_cast %parallel_loop3A_435 : i32 to index
        %parallel_loop3A_437 = tpu.vector_load %arg8[%parallel_loop3A_436] {strides = array<i32>} : memref<32768xf32, #tpu.memory_space<vmem>>, vector<16xf32>,
        tpu.vector_store %arg8[%parallel_loop3A_436], %parallel_loop3A_433 {strides = array<i32>} : memref<32768xf32, #tpu.memory_space<vmem>>, vector<16xf32>,
        %parallel_loop3A_438 = arith.constant 96 : i32
        %parallel_loop3A_439 = arith.addi %parallel_loop3A_337, %parallel_loop3A_438 : i32
        %parallel_loop3A_440 = arith.index_cast %parallel_loop3A_439 : i32 to index
        %parallel_loop3A_441 = tpu.vector_load %arg5[%parallel_loop3A_440] {strides = array<i32>} : memref<16384xf32, #tpu.memory_space<vmem>>, vector<16xf32>,
        %parallel_loop3A_442 = arith.constant 96 : i32
        %parallel_loop3A_443 = arith.addi %parallel_loop3A_339, %parallel_loop3A_442 : i32
        %parallel_loop3A_444 = arith.index_cast %parallel_loop3A_443 : i32 to index
        %parallel_loop3A_445 = tpu.vector_load %arg5[%parallel_loop3A_444] {strides = array<i32>} : memref<16384xf32, #tpu.memory_space<vmem>>, vector<16xf32>,
        %parallel_loop3A_446 = arith.mulf %parallel_loop3A_345, %parallel_loop3A_441 : vector<16xf32>
        %parallel_loop3A_447 = arith.mulf %parallel_loop3A_342, %parallel_loop3A_445 : vector<16xf32>
        %parallel_loop3A_448 = arith.addf %parallel_loop3A_446, %parallel_loop3A_447 : vector<16xf32>
        %parallel_loop3A_449 = arith.constant 96 : i32
        %parallel_loop3A_450 = arith.addi %parallel_loop3A_347, %parallel_loop3A_449 : i32
        %parallel_loop3A_451 = arith.index_cast %parallel_loop3A_450 : i32 to index
        %parallel_loop3A_452 = tpu.vector_load %arg8[%parallel_loop3A_451] {strides = array<i32>} : memref<32768xf32, #tpu.memory_space<vmem>>, vector<16xf32>,
        tpu.vector_store %arg8[%parallel_loop3A_451], %parallel_loop3A_448 {strides = array<i32>} : memref<32768xf32, #tpu.memory_space<vmem>>, vector<16xf32>,
        %parallel_loop3A_453 = arith.constant 112 : i32
        %parallel_loop3A_454 = arith.addi %parallel_loop3A_337, %parallel_loop3A_453 : i32
        %parallel_loop3A_455 = arith.index_cast %parallel_loop3A_454 : i32 to index
        %parallel_loop3A_456 = tpu.vector_load %arg5[%parallel_loop3A_455] {strides = array<i32>} : memref<16384xf32, #tpu.memory_space<vmem>>, vector<16xf32>,
        %parallel_loop3A_457 = arith.constant 112 : i32
        %parallel_loop3A_458 = arith.addi %parallel_loop3A_339, %parallel_loop3A_457 : i32
        %parallel_loop3A_459 = arith.index_cast %parallel_loop3A_458 : i32 to index
        %parallel_loop3A_460 = tpu.vector_load %arg5[%parallel_loop3A_459] {strides = array<i32>} : memref<16384xf32, #tpu.memory_space<vmem>>, vector<16xf32>,
        %parallel_loop3A_461 = arith.mulf %parallel_loop3A_345, %parallel_loop3A_456 : vector<16xf32>
        %parallel_loop3A_462 = arith.mulf %parallel_loop3A_342, %parallel_loop3A_460 : vector<16xf32>
        %parallel_loop3A_463 = arith.addf %parallel_loop3A_461, %parallel_loop3A_462 : vector<16xf32>
        %parallel_loop3A_464 = arith.constant 112 : i32
        %parallel_loop3A_465 = arith.addi %parallel_loop3A_347, %parallel_loop3A_464 : i32
        %parallel_loop3A_466 = arith.index_cast %parallel_loop3A_465 : i32 to index
        %parallel_loop3A_467 = tpu.vector_load %arg8[%parallel_loop3A_466] {strides = array<i32>} : memref<32768xf32, #tpu.memory_space<vmem>>, vector<16xf32>,
        tpu.vector_store %arg8[%parallel_loop3A_466], %parallel_loop3A_463 {strides = array<i32>} : memref<32768xf32, #tpu.memory_space<vmem>>, vector<16xf32>,
        %parallel_loop3A_468 = arith.constant 128 : i32
        %parallel_loop3A_469 = arith.addi %parallel_loop3A_337, %parallel_loop3A_468 : i32
        %parallel_loop3A_470 = arith.index_cast %parallel_loop3A_469 : i32 to index
        %parallel_loop3A_471 = tpu.vector_load %arg5[%parallel_loop3A_470] {strides = array<i32>} : memref<16384xf32, #tpu.memory_space<vmem>>, vector<16xf32>,
        %parallel_loop3A_472 = arith.constant 128 : i32
        %parallel_loop3A_473 = arith.addi %parallel_loop3A_339, %parallel_loop3A_472 : i32
        %parallel_loop3A_474 = arith.index_cast %parallel_loop3A_473 : i32 to index
        %parallel_loop3A_475 = tpu.vector_load %arg5[%parallel_loop3A_474] {strides = array<i32>} : memref<16384xf32, #tpu.memory_space<vmem>>, vector<16xf32>,
        %parallel_loop3A_476 = arith.mulf %parallel_loop3A_345, %parallel_loop3A_471 : vector<16xf32>
        %parallel_loop3A_477 = arith.mulf %parallel_loop3A_342, %parallel_loop3A_475 : vector<16xf32>
        %parallel_loop3A_478 = arith.addf %parallel_loop3A_476, %parallel_loop3A_477 : vector<16xf32>
        %parallel_loop3A_479 = arith.constant 128 : i32
        %parallel_loop3A_480 = arith.addi %parallel_loop3A_347, %parallel_loop3A_479 : i32
        %parallel_loop3A_481 = arith.index_cast %parallel_loop3A_480 : i32 to index
        %parallel_loop3A_482 = tpu.vector_load %arg8[%parallel_loop3A_481] {strides = array<i32>} : memref<32768xf32, #tpu.memory_space<vmem>>, vector<16xf32>,
        tpu.vector_store %arg8[%parallel_loop3A_481], %parallel_loop3A_478 {strides = array<i32>} : memref<32768xf32, #tpu.memory_space<vmem>>, vector<16xf32>,
        %parallel_loop3A_483 = arith.constant 144 : i32
        %parallel_loop3A_484 = arith.addi %parallel_loop3A_337, %parallel_loop3A_483 : i32
        %parallel_loop3A_485 = arith.index_cast %parallel_loop3A_484 : i32 to index
        %parallel_loop3A_486 = tpu.vector_load %arg5[%parallel_loop3A_485] {strides = array<i32>} : memref<16384xf32, #tpu.memory_space<vmem>>, vector<16xf32>,
        %parallel_loop3A_487 = arith.constant 144 : i32
        %parallel_loop3A_488 = arith.addi %parallel_loop3A_339, %parallel_loop3A_487 : i32
        %parallel_loop3A_489 = arith.index_cast %parallel_loop3A_488 : i32 to index
        %parallel_loop3A_490 = tpu.vector_load %arg5[%parallel_loop3A_489] {strides = array<i32>} : memref<16384xf32, #tpu.memory_space<vmem>>, vector<16xf32>,
        %parallel_loop3A_491 = arith.mulf %parallel_loop3A_345, %parallel_loop3A_486 : vector<16xf32>
        %parallel_loop3A_492 = arith.mulf %parallel_loop3A_342, %parallel_loop3A_490 : vector<16xf32>
        %parallel_loop3A_493 = arith.addf %parallel_loop3A_491, %parallel_loop3A_492 : vector<16xf32>
        %parallel_loop3A_494 = arith.constant 144 : i32
        %parallel_loop3A_495 = arith.addi %parallel_loop3A_347, %parallel_loop3A_494 : i32
        %parallel_loop3A_496 = arith.index_cast %parallel_loop3A_495 : i32 to index
        %parallel_loop3A_497 = tpu.vector_load %arg8[%parallel_loop3A_496] {strides = array<i32>} : memref<32768xf32, #tpu.memory_space<vmem>>, vector<16xf32>,
        tpu.vector_store %arg8[%parallel_loop3A_496], %parallel_loop3A_493 {strides = array<i32>} : memref<32768xf32, #tpu.memory_space<vmem>>, vector<16xf32>,
        %parallel_loop3A_498 = arith.constant 160 : i32
        %parallel_loop3A_499 = arith.addi %parallel_loop3A_337, %parallel_loop3A_498 : i32
        %parallel_loop3A_500 = arith.index_cast %parallel_loop3A_499 : i32 to index
        %parallel_loop3A_501 = tpu.vector_load %arg5[%parallel_loop3A_500] {strides = array<i32>} : memref<16384xf32, #tpu.memory_space<vmem>>, vector<16xf32>,
        %parallel_loop3A_502 = arith.constant 160 : i32
        %parallel_loop3A_503 = arith.addi %parallel_loop3A_339, %parallel_loop3A_502 : i32
        %parallel_loop3A_504 = arith.index_cast %parallel_loop3A_503 : i32 to index
        %parallel_loop3A_505 = tpu.vector_load %arg5[%parallel_loop3A_504] {strides = array<i32>} : memref<16384xf32, #tpu.memory_space<vmem>>, vector<16xf32>,
        %parallel_loop3A_506 = arith.mulf %parallel_loop3A_345, %parallel_loop3A_501 : vector<16xf32>
        %parallel_loop3A_507 = arith.mulf %parallel_loop3A_342, %parallel_loop3A_505 : vector<16xf32>
        %parallel_loop3A_508 = arith.addf %parallel_loop3A_506, %parallel_loop3A_507 : vector<16xf32>
        %parallel_loop3A_509 = arith.constant 160 : i32
        %parallel_loop3A_510 = arith.addi %parallel_loop3A_347, %parallel_loop3A_509 : i32
        %parallel_loop3A_511 = arith.index_cast %parallel_loop3A_510 : i32 to index
        %parallel_loop3A_512 = tpu.vector_load %arg8[%parallel_loop3A_511] {strides = array<i32>} : memref<32768xf32, #tpu.memory_space<vmem>>, vector<16xf32>,
        tpu.vector_store %arg8[%parallel_loop3A_511], %parallel_loop3A_508 {strides = array<i32>} : memref<32768xf32, #tpu.memory_space<vmem>>, vector<16xf32>,
        %parallel_loop3A_513 = arith.constant 176 : i32
        %parallel_loop3A_514 = arith.addi %parallel_loop3A_337, %parallel_loop3A_513 : i32
        %parallel_loop3A_515 = arith.index_cast %parallel_loop3A_514 : i32 to index
        %parallel_loop3A_516 = tpu.vector_load %arg5[%parallel_loop3A_515] {strides = array<i32>} : memref<16384xf32, #tpu.memory_space<vmem>>, vector<16xf32>,
        %parallel_loop3A_517 = arith.constant 176 : i32
        %parallel_loop3A_518 = arith.addi %parallel_loop3A_339, %parallel_loop3A_517 : i32
        %parallel_loop3A_519 = arith.index_cast %parallel_loop3A_518 : i32 to index
        %parallel_loop3A_520 = tpu.vector_load %arg5[%parallel_loop3A_519] {strides = array<i32>} : memref<16384xf32, #tpu.memory_space<vmem>>, vector<16xf32>,
        %parallel_loop3A_521 = arith.mulf %parallel_loop3A_345, %parallel_loop3A_516 : vector<16xf32>
        %parallel_loop3A_522 = arith.mulf %parallel_loop3A_342, %parallel_loop3A_520 : vector<16xf32>
        %parallel_loop3A_523 = arith.addf %parallel_loop3A_521, %parallel_loop3A_522 : vector<16xf32>
        %parallel_loop3A_524 = arith.constant 176 : i32
        %parallel_loop3A_525 = arith.addi %parallel_loop3A_347, %parallel_loop3A_524 : i32
        %parallel_loop3A_526 = arith.index_cast %parallel_loop3A_525 : i32 to index
        %parallel_loop3A_527 = tpu.vector_load %arg8[%parallel_loop3A_526] {strides = array<i32>} : memref<32768xf32, #tpu.memory_space<vmem>>, vector<16xf32>,
        tpu.vector_store %arg8[%parallel_loop3A_526], %parallel_loop3A_523 {strides = array<i32>} : memref<32768xf32, #tpu.memory_space<vmem>>, vector<16xf32>,
        %parallel_loop3A_528 = arith.constant 192 : i32
        %parallel_loop3A_529 = arith.addi %parallel_loop3A_337, %parallel_loop3A_528 : i32
        %parallel_loop3A_530 = arith.index_cast %parallel_loop3A_529 : i32 to index
        %parallel_loop3A_531 = tpu.vector_load %arg5[%parallel_loop3A_530] {strides = array<i32>} : memref<16384xf32, #tpu.memory_space<vmem>>, vector<16xf32>,
        %parallel_loop3A_532 = arith.constant 192 : i32
        %parallel_loop3A_533 = arith.addi %parallel_loop3A_339, %parallel_loop3A_532 : i32
        %parallel_loop3A_534 = arith.index_cast %parallel_loop3A_533 : i32 to index
        %parallel_loop3A_535 = tpu.vector_load %arg5[%parallel_loop3A_534] {strides = array<i32>} : memref<16384xf32, #tpu.memory_space<vmem>>, vector<16xf32>,
        %parallel_loop3A_536 = arith.mulf %parallel_loop3A_345, %parallel_loop3A_531 : vector<16xf32>
        %parallel_loop3A_537 = arith.mulf %parallel_loop3A_342, %parallel_loop3A_535 : vector<16xf32>
        %parallel_loop3A_538 = arith.addf %parallel_loop3A_536, %parallel_loop3A_537 : vector<16xf32>
        %parallel_loop3A_539 = arith.constant 192 : i32
        %parallel_loop3A_540 = arith.addi %parallel_loop3A_347, %parallel_loop3A_539 : i32
        %parallel_loop3A_541 = arith.index_cast %parallel_loop3A_540 : i32 to index
        %parallel_loop3A_542 = tpu.vector_load %arg8[%parallel_loop3A_541] {strides = array<i32>} : memref<32768xf32, #tpu.memory_space<vmem>>, vector<16xf32>,
        tpu.vector_store %arg8[%parallel_loop3A_541], %parallel_loop3A_538 {strides = array<i32>} : memref<32768xf32, #tpu.memory_space<vmem>>, vector<16xf32>,
        %parallel_loop3A_543 = arith.constant 208 : i32
        %parallel_loop3A_544 = arith.addi %parallel_loop3A_337, %parallel_loop3A_543 : i32
        %parallel_loop3A_545 = arith.index_cast %parallel_loop3A_544 : i32 to index
        %parallel_loop3A_546 = tpu.vector_load %arg5[%parallel_loop3A_545] {strides = array<i32>} : memref<16384xf32, #tpu.memory_space<vmem>>, vector<16xf32>,
        %parallel_loop3A_547 = arith.constant 208 : i32
        %parallel_loop3A_548 = arith.addi %parallel_loop3A_339, %parallel_loop3A_547 : i32
        %parallel_loop3A_549 = arith.index_cast %parallel_loop3A_548 : i32 to index
        %parallel_loop3A_550 = tpu.vector_load %arg5[%parallel_loop3A_549] {strides = array<i32>} : memref<16384xf32, #tpu.memory_space<vmem>>, vector<16xf32>,
        %parallel_loop3A_551 = arith.mulf %parallel_loop3A_345, %parallel_loop3A_546 : vector<16xf32>
        %parallel_loop3A_552 = arith.mulf %parallel_loop3A_342, %parallel_loop3A_550 : vector<16xf32>
        %parallel_loop3A_553 = arith.addf %parallel_loop3A_551, %parallel_loop3A_552 : vector<16xf32>
        %parallel_loop3A_554 = arith.constant 208 : i32
        %parallel_loop3A_555 = arith.addi %parallel_loop3A_347, %parallel_loop3A_554 : i32
        %parallel_loop3A_556 = arith.index_cast %parallel_loop3A_555 : i32 to index
        %parallel_loop3A_557 = tpu.vector_load %arg8[%parallel_loop3A_556] {strides = array<i32>} : memref<32768xf32, #tpu.memory_space<vmem>>, vector<16xf32>,
        tpu.vector_store %arg8[%parallel_loop3A_556], %parallel_loop3A_553 {strides = array<i32>} : memref<32768xf32, #tpu.memory_space<vmem>>, vector<16xf32>,
        %parallel_loop3A_558 = arith.constant 224 : i32
        %parallel_loop3A_559 = arith.addi %parallel_loop3A_337, %parallel_loop3A_558 : i32
        %parallel_loop3A_560 = arith.index_cast %parallel_loop3A_559 : i32 to index
        %parallel_loop3A_561 = tpu.vector_load %arg5[%parallel_loop3A_560] {strides = array<i32>} : memref<16384xf32, #tpu.memory_space<vmem>>, vector<16xf32>,
        %parallel_loop3A_562 = arith.constant 224 : i32
        %parallel_loop3A_563 = arith.addi %parallel_loop3A_339, %parallel_loop3A_562 : i32
        %parallel_loop3A_564 = arith.index_cast %parallel_loop3A_563 : i32 to index
        %parallel_loop3A_565 = tpu.vector_load %arg5[%parallel_loop3A_564] {strides = array<i32>} : memref<16384xf32, #tpu.memory_space<vmem>>, vector<16xf32>,
        %parallel_loop3A_566 = arith.mulf %parallel_loop3A_345, %parallel_loop3A_561 : vector<16xf32>
        %parallel_loop3A_567 = arith.mulf %parallel_loop3A_342, %parallel_loop3A_565 : vector<16xf32>
        %parallel_loop3A_568 = arith.addf %parallel_loop3A_566, %parallel_loop3A_567 : vector<16xf32>
        %parallel_loop3A_569 = arith.constant 224 : i32
        %parallel_loop3A_570 = arith.addi %parallel_loop3A_347, %parallel_loop3A_569 : i32
        %parallel_loop3A_571 = arith.index_cast %parallel_loop3A_570 : i32 to index
        %parallel_loop3A_572 = tpu.vector_load %arg8[%parallel_loop3A_571] {strides = array<i32>} : memref<32768xf32, #tpu.memory_space<vmem>>, vector<16xf32>,
        tpu.vector_store %arg8[%parallel_loop3A_571], %parallel_loop3A_568 {strides = array<i32>} : memref<32768xf32, #tpu.memory_space<vmem>>, vector<16xf32>,
        %parallel_loop3A_573 = arith.constant 240 : i32
        %parallel_loop3A_574 = arith.addi %parallel_loop3A_337, %parallel_loop3A_573 : i32
        %parallel_loop3A_575 = arith.index_cast %parallel_loop3A_574 : i32 to index
        %parallel_loop3A_576 = tpu.vector_load %arg5[%parallel_loop3A_575] {strides = array<i32>} : memref<16384xf32, #tpu.memory_space<vmem>>, vector<16xf32>,
        %parallel_loop3A_577 = arith.constant 240 : i32
        %parallel_loop3A_578 = arith.addi %parallel_loop3A_339, %parallel_loop3A_577 : i32
        %parallel_loop3A_579 = arith.index_cast %parallel_loop3A_578 : i32 to index
        %parallel_loop3A_580 = tpu.vector_load %arg5[%parallel_loop3A_579] {strides = array<i32>} : memref<16384xf32, #tpu.memory_space<vmem>>, vector<16xf32>,
        %parallel_loop3A_581 = arith.mulf %parallel_loop3A_345, %parallel_loop3A_576 : vector<16xf32>
        %parallel_loop3A_582 = arith.mulf %parallel_loop3A_342, %parallel_loop3A_580 : vector<16xf32>
        %parallel_loop3A_583 = arith.addf %parallel_loop3A_581, %parallel_loop3A_582 : vector<16xf32>
        %parallel_loop3A_584 = arith.constant 240 : i32
        %parallel_loop3A_585 = arith.addi %parallel_loop3A_347, %parallel_loop3A_584 : i32
        %parallel_loop3A_586 = arith.index_cast %parallel_loop3A_585 : i32 to index
        %parallel_loop3A_587 = tpu.vector_load %arg8[%parallel_loop3A_586] {strides = array<i32>} : memref<32768xf32, #tpu.memory_space<vmem>>, vector<16xf32>,
        tpu.vector_store %arg8[%parallel_loop3A_586], %parallel_loop3A_583 {strides = array<i32>} : memref<32768xf32, #tpu.memory_space<vmem>>, vector<16xf32>,
        %parallel_loop3A_588 = vector.extract_strided_slice %parallel_loop3A_75 {offsets = [2], sizes = [1], strides = [1]} : vector<16xi32> to vector<1xi32>
        %parallel_loop3A_589 = vector.extract %parallel_loop3A_588[0] : i32 from vector<1xi32>
        %parallel_loop3A_590 = vector.extract_strided_slice %parallel_loop3A_77 {offsets = [2], sizes = [1], strides = [1]} : vector<16xi32> to vector<1xi32>
        %parallel_loop3A_591 = vector.extract %parallel_loop3A_590[0] : i32 from vector<1xi32>
        %parallel_loop3A_592 = vector.extract_strided_slice %parallel_loop3A_79 {offsets = [2], sizes = [1], strides = [1]} : vector<16xf32> to vector<1xf32>
        %parallel_loop3A_593 = vector.extract %parallel_loop3A_592[0] : f32 from vector<1xf32>
        %parallel_loop3A_594 = vector.broadcast %parallel_loop3A_593 : f32 to vector<16xf32>
        %parallel_loop3A_595 = vector.extract_strided_slice %parallel_loop3A_81 {offsets = [2], sizes = [1], strides = [1]} : vector<16xf32> to vector<1xf32>
        %parallel_loop3A_596 = vector.extract %parallel_loop3A_595[0] : f32 from vector<1xf32>
        %parallel_loop3A_597 = vector.broadcast %parallel_loop3A_596 : f32 to vector<16xf32>
        %parallel_loop3A_598 = arith.constant 512 : i32
        %parallel_loop3A_599 = arith.addi %parallel_loop3A_83, %parallel_loop3A_598 : i32
        %parallel_loop3A_600 = arith.constant 0 : i32
        %parallel_loop3A_601 = arith.addi %parallel_loop3A_589, %parallel_loop3A_600 : i32
        %parallel_loop3A_602 = arith.index_cast %parallel_loop3A_601 : i32 to index
        %parallel_loop3A_603 = tpu.vector_load %arg5[%parallel_loop3A_602] {strides = array<i32>} : memref<16384xf32, #tpu.memory_space<vmem>>, vector<16xf32>,
        %parallel_loop3A_604 = arith.constant 0 : i32
        %parallel_loop3A_605 = arith.addi %parallel_loop3A_591, %parallel_loop3A_604 : i32
        %parallel_loop3A_606 = arith.index_cast %parallel_loop3A_605 : i32 to index
        %parallel_loop3A_607 = tpu.vector_load %arg5[%parallel_loop3A_606] {strides = array<i32>} : memref<16384xf32, #tpu.memory_space<vmem>>, vector<16xf32>,
        %parallel_loop3A_608 = arith.mulf %parallel_loop3A_597, %parallel_loop3A_603 : vector<16xf32>
        %parallel_loop3A_609 = arith.mulf %parallel_loop3A_594, %parallel_loop3A_607 : vector<16xf32>
        %parallel_loop3A_610 = arith.addf %parallel_loop3A_608, %parallel_loop3A_609 : vector<16xf32>
        %parallel_loop3A_611 = arith.constant 0 : i32
        %parallel_loop3A_612 = arith.addi %parallel_loop3A_599, %parallel_loop3A_611 : i32
        %parallel_loop3A_613 = arith.index_cast %parallel_loop3A_612 : i32 to index
        %parallel_loop3A_614 = tpu.vector_load %arg8[%parallel_loop3A_613] {strides = array<i32>} : memref<32768xf32, #tpu.memory_space<vmem>>, vector<16xf32>,
        tpu.vector_store %arg8[%parallel_loop3A_613], %parallel_loop3A_610 {strides = array<i32>} : memref<32768xf32, #tpu.memory_space<vmem>>, vector<16xf32>,
        %parallel_loop3A_615 = arith.constant 16 : i32
        %parallel_loop3A_616 = arith.addi %parallel_loop3A_589, %parallel_loop3A_615 : i32
        %parallel_loop3A_617 = arith.index_cast %parallel_loop3A_616 : i32 to index
        %parallel_loop3A_618 = tpu.vector_load %arg5[%parallel_loop3A_617] {strides = array<i32>} : memref<16384xf32, #tpu.memory_space<vmem>>, vector<16xf32>,
        %parallel_loop3A_619 = arith.constant 16 : i32
        %parallel_loop3A_620 = arith.addi %parallel_loop3A_591, %parallel_loop3A_619 : i32
        %parallel_loop3A_621 = arith.index_cast %parallel_loop3A_620 : i32 to index
        %parallel_loop3A_622 = tpu.vector_load %arg5[%parallel_loop3A_621] {strides = array<i32>} : memref<16384xf32, #tpu.memory_space<vmem>>, vector<16xf32>,
        %parallel_loop3A_623 = arith.mulf %parallel_loop3A_597, %parallel_loop3A_618 : vector<16xf32>
        %parallel_loop3A_624 = arith.mulf %parallel_loop3A_594, %parallel_loop3A_622 : vector<16xf32>
        %parallel_loop3A_625 = arith.addf %parallel_loop3A_623, %parallel_loop3A_624 : vector<16xf32>
        %parallel_loop3A_626 = arith.constant 16 : i32
        %parallel_loop3A_627 = arith.addi %parallel_loop3A_599, %parallel_loop3A_626 : i32
        %parallel_loop3A_628 = arith.index_cast %parallel_loop3A_627 : i32 to index
        %parallel_loop3A_629 = tpu.vector_load %arg8[%parallel_loop3A_628] {strides = array<i32>} : memref<32768xf32, #tpu.memory_space<vmem>>, vector<16xf32>,
        tpu.vector_store %arg8[%parallel_loop3A_628], %parallel_loop3A_625 {strides = array<i32>} : memref<32768xf32, #tpu.memory_space<vmem>>, vector<16xf32>,
        %parallel_loop3A_630 = arith.constant 32 : i32
        %parallel_loop3A_631 = arith.addi %parallel_loop3A_589, %parallel_loop3A_630 : i32
        %parallel_loop3A_632 = arith.index_cast %parallel_loop3A_631 : i32 to index
        %parallel_loop3A_633 = tpu.vector_load %arg5[%parallel_loop3A_632] {strides = array<i32>} : memref<16384xf32, #tpu.memory_space<vmem>>, vector<16xf32>,
        %parallel_loop3A_634 = arith.constant 32 : i32
        %parallel_loop3A_635 = arith.addi %parallel_loop3A_591, %parallel_loop3A_634 : i32
        %parallel_loop3A_636 = arith.index_cast %parallel_loop3A_635 : i32 to index
        %parallel_loop3A_637 = tpu.vector_load %arg5[%parallel_loop3A_636] {strides = array<i32>} : memref<16384xf32, #tpu.memory_space<vmem>>, vector<16xf32>,
        %parallel_loop3A_638 = arith.mulf %parallel_loop3A_597, %parallel_loop3A_633 : vector<16xf32>
        %parallel_loop3A_639 = arith.mulf %parallel_loop3A_594, %parallel_loop3A_637 : vector<16xf32>
        %parallel_loop3A_640 = arith.addf %parallel_loop3A_638, %parallel_loop3A_639 : vector<16xf32>
        %parallel_loop3A_641 = arith.constant 32 : i32
        %parallel_loop3A_642 = arith.addi %parallel_loop3A_599, %parallel_loop3A_641 : i32
        %parallel_loop3A_643 = arith.index_cast %parallel_loop3A_642 : i32 to index
        %parallel_loop3A_644 = tpu.vector_load %arg8[%parallel_loop3A_643] {strides = array<i32>} : memref<32768xf32, #tpu.memory_space<vmem>>, vector<16xf32>,
        tpu.vector_store %arg8[%parallel_loop3A_643], %parallel_loop3A_640 {strides = array<i32>} : memref<32768xf32, #tpu.memory_space<vmem>>, vector<16xf32>,
        %parallel_loop3A_645 = arith.constant 48 : i32
        %parallel_loop3A_646 = arith.addi %parallel_loop3A_589, %parallel_loop3A_645 : i32
        %parallel_loop3A_647 = arith.index_cast %parallel_loop3A_646 : i32 to index
        %parallel_loop3A_648 = tpu.vector_load %arg5[%parallel_loop3A_647] {strides = array<i32>} : memref<16384xf32, #tpu.memory_space<vmem>>, vector<16xf32>,
        %parallel_loop3A_649 = arith.constant 48 : i32
        %parallel_loop3A_650 = arith.addi %parallel_loop3A_591, %parallel_loop3A_649 : i32
        %parallel_loop3A_651 = arith.index_cast %parallel_loop3A_650 : i32 to index
        %parallel_loop3A_652 = tpu.vector_load %arg5[%parallel_loop3A_651] {strides = array<i32>} : memref<16384xf32, #tpu.memory_space<vmem>>, vector<16xf32>,
        %parallel_loop3A_653 = arith.mulf %parallel_loop3A_597, %parallel_loop3A_648 : vector<16xf32>
        %parallel_loop3A_654 = arith.mulf %parallel_loop3A_594, %parallel_loop3A_652 : vector<16xf32>
        %parallel_loop3A_655 = arith.addf %parallel_loop3A_653, %parallel_loop3A_654 : vector<16xf32>
        %parallel_loop3A_656 = arith.constant 48 : i32
        %parallel_loop3A_657 = arith.addi %parallel_loop3A_599, %parallel_loop3A_656 : i32
        %parallel_loop3A_658 = arith.index_cast %parallel_loop3A_657 : i32 to index
        %parallel_loop3A_659 = tpu.vector_load %arg8[%parallel_loop3A_658] {strides = array<i32>} : memref<32768xf32, #tpu.memory_space<vmem>>, vector<16xf32>,
        tpu.vector_store %arg8[%parallel_loop3A_658], %parallel_loop3A_655 {strides = array<i32>} : memref<32768xf32, #tpu.memory_space<vmem>>, vector<16xf32>,
        %parallel_loop3A_660 = arith.constant 64 : i32
        %parallel_loop3A_661 = arith.addi %parallel_loop3A_589, %parallel_loop3A_660 : i32
        %parallel_loop3A_662 = arith.index_cast %parallel_loop3A_661 : i32 to index
        %parallel_loop3A_663 = tpu.vector_load %arg5[%parallel_loop3A_662] {strides = array<i32>} : memref<16384xf32, #tpu.memory_space<vmem>>, vector<16xf32>,
        %parallel_loop3A_664 = arith.constant 64 : i32
        %parallel_loop3A_665 = arith.addi %parallel_loop3A_591, %parallel_loop3A_664 : i32
        %parallel_loop3A_666 = arith.index_cast %parallel_loop3A_665 : i32 to index
        %parallel_loop3A_667 = tpu.vector_load %arg5[%parallel_loop3A_666] {strides = array<i32>} : memref<16384xf32, #tpu.memory_space<vmem>>, vector<16xf32>,
        %parallel_loop3A_668 = arith.mulf %parallel_loop3A_597, %parallel_loop3A_663 : vector<16xf32>
        %parallel_loop3A_669 = arith.mulf %parallel_loop3A_594, %parallel_loop3A_667 : vector<16xf32>
        %parallel_loop3A_670 = arith.addf %parallel_loop3A_668, %parallel_loop3A_669 : vector<16xf32>
        %parallel_loop3A_671 = arith.constant 64 : i32
        %parallel_loop3A_672 = arith.addi %parallel_loop3A_599, %parallel_loop3A_671 : i32
        %parallel_loop3A_673 = arith.index_cast %parallel_loop3A_672 : i32 to index
        %parallel_loop3A_674 = tpu.vector_load %arg8[%parallel_loop3A_673] {strides = array<i32>} : memref<32768xf32, #tpu.memory_space<vmem>>, vector<16xf32>,
        tpu.vector_store %arg8[%parallel_loop3A_673], %parallel_loop3A_670 {strides = array<i32>} : memref<32768xf32, #tpu.memory_space<vmem>>, vector<16xf32>,
        %parallel_loop3A_675 = arith.constant 80 : i32
        %parallel_loop3A_676 = arith.addi %parallel_loop3A_589, %parallel_loop3A_675 : i32
        %parallel_loop3A_677 = arith.index_cast %parallel_loop3A_676 : i32 to index
        %parallel_loop3A_678 = tpu.vector_load %arg5[%parallel_loop3A_677] {strides = array<i32>} : memref<16384xf32, #tpu.memory_space<vmem>>, vector<16xf32>,
        %parallel_loop3A_679 = arith.constant 80 : i32
        %parallel_loop3A_680 = arith.addi %parallel_loop3A_591, %parallel_loop3A_679 : i32
        %parallel_loop3A_681 = arith.index_cast %parallel_loop3A_680 : i32 to index
        %parallel_loop3A_682 = tpu.vector_load %arg5[%parallel_loop3A_681] {strides = array<i32>} : memref<16384xf32, #tpu.memory_space<vmem>>, vector<16xf32>,
        %parallel_loop3A_683 = arith.mulf %parallel_loop3A_597, %parallel_loop3A_678 : vector<16xf32>
        %parallel_loop3A_684 = arith.mulf %parallel_loop3A_594, %parallel_loop3A_682 : vector<16xf32>
        %parallel_loop3A_685 = arith.addf %parallel_loop3A_683, %parallel_loop3A_684 : vector<16xf32>
        %parallel_loop3A_686 = arith.constant 80 : i32
        %parallel_loop3A_687 = arith.addi %parallel_loop3A_599, %parallel_loop3A_686 : i32
        %parallel_loop3A_688 = arith.index_cast %parallel_loop3A_687 : i32 to index
        %parallel_loop3A_689 = tpu.vector_load %arg8[%parallel_loop3A_688] {strides = array<i32>} : memref<32768xf32, #tpu.memory_space<vmem>>, vector<16xf32>,
        tpu.vector_store %arg8[%parallel_loop3A_688], %parallel_loop3A_685 {strides = array<i32>} : memref<32768xf32, #tpu.memory_space<vmem>>, vector<16xf32>,
        %parallel_loop3A_690 = arith.constant 96 : i32
        %parallel_loop3A_691 = arith.addi %parallel_loop3A_589, %parallel_loop3A_690 : i32
        %parallel_loop3A_692 = arith.index_cast %parallel_loop3A_691 : i32 to index
        %parallel_loop3A_693 = tpu.vector_load %arg5[%parallel_loop3A_692] {strides = array<i32>} : memref<16384xf32, #tpu.memory_space<vmem>>, vector<16xf32>,
        %parallel_loop3A_694 = arith.constant 96 : i32
        %parallel_loop3A_695 = arith.addi %parallel_loop3A_591, %parallel_loop3A_694 : i32
        %parallel_loop3A_696 = arith.index_cast %parallel_loop3A_695 : i32 to index
        %parallel_loop3A_697 = tpu.vector_load %arg5[%parallel_loop3A_696] {strides = array<i32>} : memref<16384xf32, #tpu.memory_space<vmem>>, vector<16xf32>,
        %parallel_loop3A_698 = arith.mulf %parallel_loop3A_597, %parallel_loop3A_693 : vector<16xf32>
        %parallel_loop3A_699 = arith.mulf %parallel_loop3A_594, %parallel_loop3A_697 : vector<16xf32>
        %parallel_loop3A_700 = arith.addf %parallel_loop3A_698, %parallel_loop3A_699 : vector<16xf32>
        %parallel_loop3A_701 = arith.constant 96 : i32
        %parallel_loop3A_702 = arith.addi %parallel_loop3A_599, %parallel_loop3A_701 : i32
        %parallel_loop3A_703 = arith.index_cast %parallel_loop3A_702 : i32 to index
        %parallel_loop3A_704 = tpu.vector_load %arg8[%parallel_loop3A_703] {strides = array<i32>} : memref<32768xf32, #tpu.memory_space<vmem>>, vector<16xf32>,
        tpu.vector_store %arg8[%parallel_loop3A_703], %parallel_loop3A_700 {strides = array<i32>} : memref<32768xf32, #tpu.memory_space<vmem>>, vector<16xf32>,
        %parallel_loop3A_705 = arith.constant 112 : i32
        %parallel_loop3A_706 = arith.addi %parallel_loop3A_589, %parallel_loop3A_705 : i32
        %parallel_loop3A_707 = arith.index_cast %parallel_loop3A_706 : i32 to index
        %parallel_loop3A_708 = tpu.vector_load %arg5[%parallel_loop3A_707] {strides = array<i32>} : memref<16384xf32, #tpu.memory_space<vmem>>, vector<16xf32>,
        %parallel_loop3A_709 = arith.constant 112 : i32
        %parallel_loop3A_710 = arith.addi %parallel_loop3A_591, %parallel_loop3A_709 : i32
        %parallel_loop3A_711 = arith.index_cast %parallel_loop3A_710 : i32 to index
        %parallel_loop3A_712 = tpu.vector_load %arg5[%parallel_loop3A_711] {strides = array<i32>} : memref<16384xf32, #tpu.memory_space<vmem>>, vector<16xf32>,
        %parallel_loop3A_713 = arith.mulf %parallel_loop3A_597, %parallel_loop3A_708 : vector<16xf32>
        %parallel_loop3A_714 = arith.mulf %parallel_loop3A_594, %parallel_loop3A_712 : vector<16xf32>
        %parallel_loop3A_715 = arith.addf %parallel_loop3A_713, %parallel_loop3A_714 : vector<16xf32>
        %parallel_loop3A_716 = arith.constant 112 : i32
        %parallel_loop3A_717 = arith.addi %parallel_loop3A_599, %parallel_loop3A_716 : i32
        %parallel_loop3A_718 = arith.index_cast %parallel_loop3A_717 : i32 to index
        %parallel_loop3A_719 = tpu.vector_load %arg8[%parallel_loop3A_718] {strides = array<i32>} : memref<32768xf32, #tpu.memory_space<vmem>>, vector<16xf32>,
        tpu.vector_store %arg8[%parallel_loop3A_718], %parallel_loop3A_715 {strides = array<i32>} : memref<32768xf32, #tpu.memory_space<vmem>>, vector<16xf32>,
        %parallel_loop3A_720 = arith.constant 128 : i32
        %parallel_loop3A_721 = arith.addi %parallel_loop3A_589, %parallel_loop3A_720 : i32
        %parallel_loop3A_722 = arith.index_cast %parallel_loop3A_721 : i32 to index
        %parallel_loop3A_723 = tpu.vector_load %arg5[%parallel_loop3A_722] {strides = array<i32>} : memref<16384xf32, #tpu.memory_space<vmem>>, vector<16xf32>,
        %parallel_loop3A_724 = arith.constant 128 : i32
        %parallel_loop3A_725 = arith.addi %parallel_loop3A_591, %parallel_loop3A_724 : i32
        %parallel_loop3A_726 = arith.index_cast %parallel_loop3A_725 : i32 to index
        %parallel_loop3A_727 = tpu.vector_load %arg5[%parallel_loop3A_726] {strides = array<i32>} : memref<16384xf32, #tpu.memory_space<vmem>>, vector<16xf32>,
        %parallel_loop3A_728 = arith.mulf %parallel_loop3A_597, %parallel_loop3A_723 : vector<16xf32>
        %parallel_loop3A_729 = arith.mulf %parallel_loop3A_594, %parallel_loop3A_727 : vector<16xf32>
        %parallel_loop3A_730 = arith.addf %parallel_loop3A_728, %parallel_loop3A_729 : vector<16xf32>
        %parallel_loop3A_731 = arith.constant 128 : i32
        %parallel_loop3A_732 = arith.addi %parallel_loop3A_599, %parallel_loop3A_731 : i32
        %parallel_loop3A_733 = arith.index_cast %parallel_loop3A_732 : i32 to index
        %parallel_loop3A_734 = tpu.vector_load %arg8[%parallel_loop3A_733] {strides = array<i32>} : memref<32768xf32, #tpu.memory_space<vmem>>, vector<16xf32>,
        tpu.vector_store %arg8[%parallel_loop3A_733], %parallel_loop3A_730 {strides = array<i32>} : memref<32768xf32, #tpu.memory_space<vmem>>, vector<16xf32>,
        %parallel_loop3A_735 = arith.constant 144 : i32
        %parallel_loop3A_736 = arith.addi %parallel_loop3A_589, %parallel_loop3A_735 : i32
        %parallel_loop3A_737 = arith.index_cast %parallel_loop3A_736 : i32 to index
        %parallel_loop3A_738 = tpu.vector_load %arg5[%parallel_loop3A_737] {strides = array<i32>} : memref<16384xf32, #tpu.memory_space<vmem>>, vector<16xf32>,
        %parallel_loop3A_739 = arith.constant 144 : i32
        %parallel_loop3A_740 = arith.addi %parallel_loop3A_591, %parallel_loop3A_739 : i32
        %parallel_loop3A_741 = arith.index_cast %parallel_loop3A_740 : i32 to index
        %parallel_loop3A_742 = tpu.vector_load %arg5[%parallel_loop3A_741] {strides = array<i32>} : memref<16384xf32, #tpu.memory_space<vmem>>, vector<16xf32>,
        %parallel_loop3A_743 = arith.mulf %parallel_loop3A_597, %parallel_loop3A_738 : vector<16xf32>
        %parallel_loop3A_744 = arith.mulf %parallel_loop3A_594, %parallel_loop3A_742 : vector<16xf32>
        %parallel_loop3A_745 = arith.addf %parallel_loop3A_743, %parallel_loop3A_744 : vector<16xf32>
        %parallel_loop3A_746 = arith.constant 144 : i32
        %parallel_loop3A_747 = arith.addi %parallel_loop3A_599, %parallel_loop3A_746 : i32
        %parallel_loop3A_748 = arith.index_cast %parallel_loop3A_747 : i32 to index
        %parallel_loop3A_749 = tpu.vector_load %arg8[%parallel_loop3A_748] {strides = array<i32>} : memref<32768xf32, #tpu.memory_space<vmem>>, vector<16xf32>,
        tpu.vector_store %arg8[%parallel_loop3A_748], %parallel_loop3A_745 {strides = array<i32>} : memref<32768xf32, #tpu.memory_space<vmem>>, vector<16xf32>,
        %parallel_loop3A_750 = arith.constant 160 : i32
        %parallel_loop3A_751 = arith.addi %parallel_loop3A_589, %parallel_loop3A_750 : i32
        %parallel_loop3A_752 = arith.index_cast %parallel_loop3A_751 : i32 to index
        %parallel_loop3A_753 = tpu.vector_load %arg5[%parallel_loop3A_752] {strides = array<i32>} : memref<16384xf32, #tpu.memory_space<vmem>>, vector<16xf32>,
        %parallel_loop3A_754 = arith.constant 160 : i32
        %parallel_loop3A_755 = arith.addi %parallel_loop3A_591, %parallel_loop3A_754 : i32
        %parallel_loop3A_756 = arith.index_cast %parallel_loop3A_755 : i32 to index
        %parallel_loop3A_757 = tpu.vector_load %arg5[%parallel_loop3A_756] {strides = array<i32>} : memref<16384xf32, #tpu.memory_space<vmem>>, vector<16xf32>,
        %parallel_loop3A_758 = arith.mulf %parallel_loop3A_597, %parallel_loop3A_753 : vector<16xf32>
        %parallel_loop3A_759 = arith.mulf %parallel_loop3A_594, %parallel_loop3A_757 : vector<16xf32>
        %parallel_loop3A_760 = arith.addf %parallel_loop3A_758, %parallel_loop3A_759 : vector<16xf32>
        %parallel_loop3A_761 = arith.constant 160 : i32
        %parallel_loop3A_762 = arith.addi %parallel_loop3A_599, %parallel_loop3A_761 : i32
        %parallel_loop3A_763 = arith.index_cast %parallel_loop3A_762 : i32 to index
        %parallel_loop3A_764 = tpu.vector_load %arg8[%parallel_loop3A_763] {strides = array<i32>} : memref<32768xf32, #tpu.memory_space<vmem>>, vector<16xf32>,
        tpu.vector_store %arg8[%parallel_loop3A_763], %parallel_loop3A_760 {strides = array<i32>} : memref<32768xf32, #tpu.memory_space<vmem>>, vector<16xf32>,
        %parallel_loop3A_765 = arith.constant 176 : i32
        %parallel_loop3A_766 = arith.addi %parallel_loop3A_589, %parallel_loop3A_765 : i32
        %parallel_loop3A_767 = arith.index_cast %parallel_loop3A_766 : i32 to index
        %parallel_loop3A_768 = tpu.vector_load %arg5[%parallel_loop3A_767] {strides = array<i32>} : memref<16384xf32, #tpu.memory_space<vmem>>, vector<16xf32>,
        %parallel_loop3A_769 = arith.constant 176 : i32
        %parallel_loop3A_770 = arith.addi %parallel_loop3A_591, %parallel_loop3A_769 : i32
        %parallel_loop3A_771 = arith.index_cast %parallel_loop3A_770 : i32 to index
        %parallel_loop3A_772 = tpu.vector_load %arg5[%parallel_loop3A_771] {strides = array<i32>} : memref<16384xf32, #tpu.memory_space<vmem>>, vector<16xf32>,
        %parallel_loop3A_773 = arith.mulf %parallel_loop3A_597, %parallel_loop3A_768 : vector<16xf32>
        %parallel_loop3A_774 = arith.mulf %parallel_loop3A_594, %parallel_loop3A_772 : vector<16xf32>
        %parallel_loop3A_775 = arith.addf %parallel_loop3A_773, %parallel_loop3A_774 : vector<16xf32>
        %parallel_loop3A_776 = arith.constant 176 : i32
        %parallel_loop3A_777 = arith.addi %parallel_loop3A_599, %parallel_loop3A_776 : i32
        %parallel_loop3A_778 = arith.index_cast %parallel_loop3A_777 : i32 to index
        %parallel_loop3A_779 = tpu.vector_load %arg8[%parallel_loop3A_778] {strides = array<i32>} : memref<32768xf32, #tpu.memory_space<vmem>>, vector<16xf32>,
        tpu.vector_store %arg8[%parallel_loop3A_778], %parallel_loop3A_775 {strides = array<i32>} : memref<32768xf32, #tpu.memory_space<vmem>>, vector<16xf32>,
        %parallel_loop3A_780 = arith.constant 192 : i32
        %parallel_loop3A_781 = arith.addi %parallel_loop3A_589, %parallel_loop3A_780 : i32
        %parallel_loop3A_782 = arith.index_cast %parallel_loop3A_781 : i32 to index
        %parallel_loop3A_783 = tpu.vector_load %arg5[%parallel_loop3A_782] {strides = array<i32>} : memref<16384xf32, #tpu.memory_space<vmem>>, vector<16xf32>,
        %parallel_loop3A_784 = arith.constant 192 : i32
        %parallel_loop3A_785 = arith.addi %parallel_loop3A_591, %parallel_loop3A_784 : i32
        %parallel_loop3A_786 = arith.index_cast %parallel_loop3A_785 : i32 to index
        %parallel_loop3A_787 = tpu.vector_load %arg5[%parallel_loop3A_786] {strides = array<i32>} : memref<16384xf32, #tpu.memory_space<vmem>>, vector<16xf32>,
        %parallel_loop3A_788 = arith.mulf %parallel_loop3A_597, %parallel_loop3A_783 : vector<16xf32>
        %parallel_loop3A_789 = arith.mulf %parallel_loop3A_594, %parallel_loop3A_787 : vector<16xf32>
        %parallel_loop3A_790 = arith.addf %parallel_loop3A_788, %parallel_loop3A_789 : vector<16xf32>
        %parallel_loop3A_791 = arith.constant 192 : i32
        %parallel_loop3A_792 = arith.addi %parallel_loop3A_599, %parallel_loop3A_791 : i32
        %parallel_loop3A_793 = arith.index_cast %parallel_loop3A_792 : i32 to index
        %parallel_loop3A_794 = tpu.vector_load %arg8[%parallel_loop3A_793] {strides = array<i32>} : memref<32768xf32, #tpu.memory_space<vmem>>, vector<16xf32>,
        tpu.vector_store %arg8[%parallel_loop3A_793], %parallel_loop3A_790 {strides = array<i32>} : memref<32768xf32, #tpu.memory_space<vmem>>, vector<16xf32>,
        %parallel_loop3A_795 = arith.constant 208 : i32
        %parallel_loop3A_796 = arith.addi %parallel_loop3A_589, %parallel_loop3A_795 : i32
        %parallel_loop3A_797 = arith.index_cast %parallel_loop3A_796 : i32 to index
        %parallel_loop3A_798 = tpu.vector_load %arg5[%parallel_loop3A_797] {strides = array<i32>} : memref<16384xf32, #tpu.memory_space<vmem>>, vector<16xf32>,
        %parallel_loop3A_799 = arith.constant 208 : i32
        %parallel_loop3A_800 = arith.addi %parallel_loop3A_591, %parallel_loop3A_799 : i32
        %parallel_loop3A_801 = arith.index_cast %parallel_loop3A_800 : i32 to index
        %parallel_loop3A_802 = tpu.vector_load %arg5[%parallel_loop3A_801] {strides = array<i32>} : memref<16384xf32, #tpu.memory_space<vmem>>, vector<16xf32>,
        %parallel_loop3A_803 = arith.mulf %parallel_loop3A_597, %parallel_loop3A_798 : vector<16xf32>
        %parallel_loop3A_804 = arith.mulf %parallel_loop3A_594, %parallel_loop3A_802 : vector<16xf32>
        %parallel_loop3A_805 = arith.addf %parallel_loop3A_803, %parallel_loop3A_804 : vector<16xf32>
        %parallel_loop3A_806 = arith.constant 208 : i32
        %parallel_loop3A_807 = arith.addi %parallel_loop3A_599, %parallel_loop3A_806 : i32
        %parallel_loop3A_808 = arith.index_cast %parallel_loop3A_807 : i32 to index
        %parallel_loop3A_809 = tpu.vector_load %arg8[%parallel_loop3A_808] {strides = array<i32>} : memref<32768xf32, #tpu.memory_space<vmem>>, vector<16xf32>,
        tpu.vector_store %arg8[%parallel_loop3A_808], %parallel_loop3A_805 {strides = array<i32>} : memref<32768xf32, #tpu.memory_space<vmem>>, vector<16xf32>,
        %parallel_loop3A_810 = arith.constant 224 : i32
        %parallel_loop3A_811 = arith.addi %parallel_loop3A_589, %parallel_loop3A_810 : i32
        %parallel_loop3A_812 = arith.index_cast %parallel_loop3A_811 : i32 to index
        %parallel_loop3A_813 = tpu.vector_load %arg5[%parallel_loop3A_812] {strides = array<i32>} : memref<16384xf32, #tpu.memory_space<vmem>>, vector<16xf32>,
        %parallel_loop3A_814 = arith.constant 224 : i32
        %parallel_loop3A_815 = arith.addi %parallel_loop3A_591, %parallel_loop3A_814 : i32
        %parallel_loop3A_816 = arith.index_cast %parallel_loop3A_815 : i32 to index
        %parallel_loop3A_817 = tpu.vector_load %arg5[%parallel_loop3A_816] {strides = array<i32>} : memref<16384xf32, #tpu.memory_space<vmem>>, vector<16xf32>,
        %parallel_loop3A_818 = arith.mulf %parallel_loop3A_597, %parallel_loop3A_813 : vector<16xf32>
        %parallel_loop3A_819 = arith.mulf %parallel_loop3A_594, %parallel_loop3A_817 : vector<16xf32>
        %parallel_loop3A_820 = arith.addf %parallel_loop3A_818, %parallel_loop3A_819 : vector<16xf32>
        %parallel_loop3A_821 = arith.constant 224 : i32
        %parallel_loop3A_822 = arith.addi %parallel_loop3A_599, %parallel_loop3A_821 : i32
        %parallel_loop3A_823 = arith.index_cast %parallel_loop3A_822 : i32 to index
        %parallel_loop3A_824 = tpu.vector_load %arg8[%parallel_loop3A_823] {strides = array<i32>} : memref<32768xf32, #tpu.memory_space<vmem>>, vector<16xf32>,
        tpu.vector_store %arg8[%parallel_loop3A_823], %parallel_loop3A_820 {strides = array<i32>} : memref<32768xf32, #tpu.memory_space<vmem>>, vector<16xf32>,
        %parallel_loop3A_825 = arith.constant 240 : i32
        %parallel_loop3A_826 = arith.addi %parallel_loop3A_589, %parallel_loop3A_825 : i32
        %parallel_loop3A_827 = arith.index_cast %parallel_loop3A_826 : i32 to index
        %parallel_loop3A_828 = tpu.vector_load %arg5[%parallel_loop3A_827] {strides = array<i32>} : memref<16384xf32, #tpu.memory_space<vmem>>, vector<16xf32>,
        %parallel_loop3A_829 = arith.constant 240 : i32
        %parallel_loop3A_830 = arith.addi %parallel_loop3A_591, %parallel_loop3A_829 : i32
        %parallel_loop3A_831 = arith.index_cast %parallel_loop3A_830 : i32 to index
        %parallel_loop3A_832 = tpu.vector_load %arg5[%parallel_loop3A_831] {strides = array<i32>} : memref<16384xf32, #tpu.memory_space<vmem>>, vector<16xf32>,
        %parallel_loop3A_833 = arith.mulf %parallel_loop3A_597, %parallel_loop3A_828 : vector<16xf32>
        %parallel_loop3A_834 = arith.mulf %parallel_loop3A_594, %parallel_loop3A_832 : vector<16xf32>
        %parallel_loop3A_835 = arith.addf %parallel_loop3A_833, %parallel_loop3A_834 : vector<16xf32>
        %parallel_loop3A_836 = arith.constant 240 : i32
        %parallel_loop3A_837 = arith.addi %parallel_loop3A_599, %parallel_loop3A_836 : i32
        %parallel_loop3A_838 = arith.index_cast %parallel_loop3A_837 : i32 to index
        %parallel_loop3A_839 = tpu.vector_load %arg8[%parallel_loop3A_838] {strides = array<i32>} : memref<32768xf32, #tpu.memory_space<vmem>>, vector<16xf32>,
        tpu.vector_store %arg8[%parallel_loop3A_838], %parallel_loop3A_835 {strides = array<i32>} : memref<32768xf32, #tpu.memory_space<vmem>>, vector<16xf32>,
        %parallel_loop3A_840 = vector.extract_strided_slice %parallel_loop3A_75 {offsets = [3], sizes = [1], strides = [1]} : vector<16xi32> to vector<1xi32>
        %parallel_loop3A_841 = vector.extract %parallel_loop3A_840[0] : i32 from vector<1xi32>
        %parallel_loop3A_842 = vector.extract_strided_slice %parallel_loop3A_77 {offsets = [3], sizes = [1], strides = [1]} : vector<16xi32> to vector<1xi32>
        %parallel_loop3A_843 = vector.extract %parallel_loop3A_842[0] : i32 from vector<1xi32>
        %parallel_loop3A_844 = vector.extract_strided_slice %parallel_loop3A_79 {offsets = [3], sizes = [1], strides = [1]} : vector<16xf32> to vector<1xf32>
        %parallel_loop3A_845 = vector.extract %parallel_loop3A_844[0] : f32 from vector<1xf32>
        %parallel_loop3A_846 = vector.broadcast %parallel_loop3A_845 : f32 to vector<16xf32>
        %parallel_loop3A_847 = vector.extract_strided_slice %parallel_loop3A_81 {offsets = [3], sizes = [1], strides = [1]} : vector<16xf32> to vector<1xf32>
        %parallel_loop3A_848 = vector.extract %parallel_loop3A_847[0] : f32 from vector<1xf32>
        %parallel_loop3A_849 = vector.broadcast %parallel_loop3A_848 : f32 to vector<16xf32>
        %parallel_loop3A_850 = arith.constant 768 : i32
        %parallel_loop3A_851 = arith.addi %parallel_loop3A_83, %parallel_loop3A_850 : i32
        %parallel_loop3A_852 = arith.constant 0 : i32
        %parallel_loop3A_853 = arith.addi %parallel_loop3A_841, %parallel_loop3A_852 : i32
        %parallel_loop3A_854 = arith.index_cast %parallel_loop3A_853 : i32 to index
        %parallel_loop3A_855 = tpu.vector_load %arg5[%parallel_loop3A_854] {strides = array<i32>} : memref<16384xf32, #tpu.memory_space<vmem>>, vector<16xf32>,
        %parallel_loop3A_856 = arith.constant 0 : i32
        %parallel_loop3A_857 = arith.addi %parallel_loop3A_843, %parallel_loop3A_856 : i32
        %parallel_loop3A_858 = arith.index_cast %parallel_loop3A_857 : i32 to index
        %parallel_loop3A_859 = tpu.vector_load %arg5[%parallel_loop3A_858] {strides = array<i32>} : memref<16384xf32, #tpu.memory_space<vmem>>, vector<16xf32>,
        %parallel_loop3A_860 = arith.mulf %parallel_loop3A_849, %parallel_loop3A_855 : vector<16xf32>
        %parallel_loop3A_861 = arith.mulf %parallel_loop3A_846, %parallel_loop3A_859 : vector<16xf32>
        %parallel_loop3A_862 = arith.addf %parallel_loop3A_860, %parallel_loop3A_861 : vector<16xf32>
        %parallel_loop3A_863 = arith.constant 0 : i32
        %parallel_loop3A_864 = arith.addi %parallel_loop3A_851, %parallel_loop3A_863 : i32
        %parallel_loop3A_865 = arith.index_cast %parallel_loop3A_864 : i32 to index
        %parallel_loop3A_866 = tpu.vector_load %arg8[%parallel_loop3A_865] {strides = array<i32>} : memref<32768xf32, #tpu.memory_space<vmem>>, vector<16xf32>,
        tpu.vector_store %arg8[%parallel_loop3A_865], %parallel_loop3A_862 {strides = array<i32>} : memref<32768xf32, #tpu.memory_space<vmem>>, vector<16xf32>,
        %parallel_loop3A_867 = arith.constant 16 : i32
        %parallel_loop3A_868 = arith.addi %parallel_loop3A_841, %parallel_loop3A_867 : i32
        %parallel_loop3A_869 = arith.index_cast %parallel_loop3A_868 : i32 to index
        %parallel_loop3A_870 = tpu.vector_load %arg5[%parallel_loop3A_869] {strides = array<i32>} : memref<16384xf32, #tpu.memory_space<vmem>>, vector<16xf32>,
        %parallel_loop3A_871 = arith.constant 16 : i32
        %parallel_loop3A_872 = arith.addi %parallel_loop3A_843, %parallel_loop3A_871 : i32
        %parallel_loop3A_873 = arith.index_cast %parallel_loop3A_872 : i32 to index
        %parallel_loop3A_874 = tpu.vector_load %arg5[%parallel_loop3A_873] {strides = array<i32>} : memref<16384xf32, #tpu.memory_space<vmem>>, vector<16xf32>,
        %parallel_loop3A_875 = arith.mulf %parallel_loop3A_849, %parallel_loop3A_870 : vector<16xf32>
        %parallel_loop3A_876 = arith.mulf %parallel_loop3A_846, %parallel_loop3A_874 : vector<16xf32>
        %parallel_loop3A_877 = arith.addf %parallel_loop3A_875, %parallel_loop3A_876 : vector<16xf32>
        %parallel_loop3A_878 = arith.constant 16 : i32
        %parallel_loop3A_879 = arith.addi %parallel_loop3A_851, %parallel_loop3A_878 : i32
        %parallel_loop3A_880 = arith.index_cast %parallel_loop3A_879 : i32 to index
        %parallel_loop3A_881 = tpu.vector_load %arg8[%parallel_loop3A_880] {strides = array<i32>} : memref<32768xf32, #tpu.memory_space<vmem>>, vector<16xf32>,
        tpu.vector_store %arg8[%parallel_loop3A_880], %parallel_loop3A_877 {strides = array<i32>} : memref<32768xf32, #tpu.memory_space<vmem>>, vector<16xf32>,
        %parallel_loop3A_882 = arith.constant 32 : i32
        %parallel_loop3A_883 = arith.addi %parallel_loop3A_841, %parallel_loop3A_882 : i32
        %parallel_loop3A_884 = arith.index_cast %parallel_loop3A_883 : i32 to index
        %parallel_loop3A_885 = tpu.vector_load %arg5[%parallel_loop3A_884] {strides = array<i32>} : memref<16384xf32, #tpu.memory_space<vmem>>, vector<16xf32>,
        %parallel_loop3A_886 = arith.constant 32 : i32
        %parallel_loop3A_887 = arith.addi %parallel_loop3A_843, %parallel_loop3A_886 : i32
        %parallel_loop3A_888 = arith.index_cast %parallel_loop3A_887 : i32 to index
        %parallel_loop3A_889 = tpu.vector_load %arg5[%parallel_loop3A_888] {strides = array<i32>} : memref<16384xf32, #tpu.memory_space<vmem>>, vector<16xf32>,
        %parallel_loop3A_890 = arith.mulf %parallel_loop3A_849, %parallel_loop3A_885 : vector<16xf32>
        %parallel_loop3A_891 = arith.mulf %parallel_loop3A_846, %parallel_loop3A_889 : vector<16xf32>
        %parallel_loop3A_892 = arith.addf %parallel_loop3A_890, %parallel_loop3A_891 : vector<16xf32>
        %parallel_loop3A_893 = arith.constant 32 : i32
        %parallel_loop3A_894 = arith.addi %parallel_loop3A_851, %parallel_loop3A_893 : i32
        %parallel_loop3A_895 = arith.index_cast %parallel_loop3A_894 : i32 to index
        %parallel_loop3A_896 = tpu.vector_load %arg8[%parallel_loop3A_895] {strides = array<i32>} : memref<32768xf32, #tpu.memory_space<vmem>>, vector<16xf32>,
        tpu.vector_store %arg8[%parallel_loop3A_895], %parallel_loop3A_892 {strides = array<i32>} : memref<32768xf32, #tpu.memory_space<vmem>>, vector<16xf32>,
        %parallel_loop3A_897 = arith.constant 48 : i32
        %parallel_loop3A_898 = arith.addi %parallel_loop3A_841, %parallel_loop3A_897 : i32
        %parallel_loop3A_899 = arith.index_cast %parallel_loop3A_898 : i32 to index
        %parallel_loop3A_900 = tpu.vector_load %arg5[%parallel_loop3A_899] {strides = array<i32>} : memref<16384xf32, #tpu.memory_space<vmem>>, vector<16xf32>,
        %parallel_loop3A_901 = arith.constant 48 : i32
        %parallel_loop3A_902 = arith.addi %parallel_loop3A_843, %parallel_loop3A_901 : i32
        %parallel_loop3A_903 = arith.index_cast %parallel_loop3A_902 : i32 to index
        %parallel_loop3A_904 = tpu.vector_load %arg5[%parallel_loop3A_903] {strides = array<i32>} : memref<16384xf32, #tpu.memory_space<vmem>>, vector<16xf32>,
        %parallel_loop3A_905 = arith.mulf %parallel_loop3A_849, %parallel_loop3A_900 : vector<16xf32>
        %parallel_loop3A_906 = arith.mulf %parallel_loop3A_846, %parallel_loop3A_904 : vector<16xf32>
        %parallel_loop3A_907 = arith.addf %parallel_loop3A_905, %parallel_loop3A_906 : vector<16xf32>
        %parallel_loop3A_908 = arith.constant 48 : i32
        %parallel_loop3A_909 = arith.addi %parallel_loop3A_851, %parallel_loop3A_908 : i32
        %parallel_loop3A_910 = arith.index_cast %parallel_loop3A_909 : i32 to index
        %parallel_loop3A_911 = tpu.vector_load %arg8[%parallel_loop3A_910] {strides = array<i32>} : memref<32768xf32, #tpu.memory_space<vmem>>, vector<16xf32>,
        tpu.vector_store %arg8[%parallel_loop3A_910], %parallel_loop3A_907 {strides = array<i32>} : memref<32768xf32, #tpu.memory_space<vmem>>, vector<16xf32>,
        %parallel_loop3A_912 = arith.constant 64 : i32
        %parallel_loop3A_913 = arith.addi %parallel_loop3A_841, %parallel_loop3A_912 : i32
        %parallel_loop3A_914 = arith.index_cast %parallel_loop3A_913 : i32 to index
        %parallel_loop3A_915 = tpu.vector_load %arg5[%parallel_loop3A_914] {strides = array<i32>} : memref<16384xf32, #tpu.memory_space<vmem>>, vector<16xf32>,
        %parallel_loop3A_916 = arith.constant 64 : i32
        %parallel_loop3A_917 = arith.addi %parallel_loop3A_843, %parallel_loop3A_916 : i32
        %parallel_loop3A_918 = arith.index_cast %parallel_loop3A_917 : i32 to index
        %parallel_loop3A_919 = tpu.vector_load %arg5[%parallel_loop3A_918] {strides = array<i32>} : memref<16384xf32, #tpu.memory_space<vmem>>, vector<16xf32>,
        %parallel_loop3A_920 = arith.mulf %parallel_loop3A_849, %parallel_loop3A_915 : vector<16xf32>
        %parallel_loop3A_921 = arith.mulf %parallel_loop3A_846, %parallel_loop3A_919 : vector<16xf32>
        %parallel_loop3A_922 = arith.addf %parallel_loop3A_920, %parallel_loop3A_921 : vector<16xf32>
        %parallel_loop3A_923 = arith.constant 64 : i32
        %parallel_loop3A_924 = arith.addi %parallel_loop3A_851, %parallel_loop3A_923 : i32
        %parallel_loop3A_925 = arith.index_cast %parallel_loop3A_924 : i32 to index
        %parallel_loop3A_926 = tpu.vector_load %arg8[%parallel_loop3A_925] {strides = array<i32>} : memref<32768xf32, #tpu.memory_space<vmem>>, vector<16xf32>,
        tpu.vector_store %arg8[%parallel_loop3A_925], %parallel_loop3A_922 {strides = array<i32>} : memref<32768xf32, #tpu.memory_space<vmem>>, vector<16xf32>,
        %parallel_loop3A_927 = arith.constant 80 : i32
        %parallel_loop3A_928 = arith.addi %parallel_loop3A_841, %parallel_loop3A_927 : i32
        %parallel_loop3A_929 = arith.index_cast %parallel_loop3A_928 : i32 to index
        %parallel_loop3A_930 = tpu.vector_load %arg5[%parallel_loop3A_929] {strides = array<i32>} : memref<16384xf32, #tpu.memory_space<vmem>>, vector<16xf32>,
        %parallel_loop3A_931 = arith.constant 80 : i32
        %parallel_loop3A_932 = arith.addi %parallel_loop3A_843, %parallel_loop3A_931 : i32
        %parallel_loop3A_933 = arith.index_cast %parallel_loop3A_932 : i32 to index
        %parallel_loop3A_934 = tpu.vector_load %arg5[%parallel_loop3A_933] {strides = array<i32>} : memref<16384xf32, #tpu.memory_space<vmem>>, vector<16xf32>,
        %parallel_loop3A_935 = arith.mulf %parallel_loop3A_849, %parallel_loop3A_930 : vector<16xf32>
        %parallel_loop3A_936 = arith.mulf %parallel_loop3A_846, %parallel_loop3A_934 : vector<16xf32>
        %parallel_loop3A_937 = arith.addf %parallel_loop3A_935, %parallel_loop3A_936 : vector<16xf32>
        %parallel_loop3A_938 = arith.constant 80 : i32
        %parallel_loop3A_939 = arith.addi %parallel_loop3A_851, %parallel_loop3A_938 : i32
        %parallel_loop3A_940 = arith.index_cast %parallel_loop3A_939 : i32 to index
        %parallel_loop3A_941 = tpu.vector_load %arg8[%parallel_loop3A_940] {strides = array<i32>} : memref<32768xf32, #tpu.memory_space<vmem>>, vector<16xf32>,
        tpu.vector_store %arg8[%parallel_loop3A_940], %parallel_loop3A_937 {strides = array<i32>} : memref<32768xf32, #tpu.memory_space<vmem>>, vector<16xf32>,
        %parallel_loop3A_942 = arith.constant 96 : i32
        %parallel_loop3A_943 = arith.addi %parallel_loop3A_841, %parallel_loop3A_942 : i32
        %parallel_loop3A_944 = arith.index_cast %parallel_loop3A_943 : i32 to index
        %parallel_loop3A_945 = tpu.vector_load %arg5[%parallel_loop3A_944] {strides = array<i32>} : memref<16384xf32, #tpu.memory_space<vmem>>, vector<16xf32>,
        %parallel_loop3A_946 = arith.constant 96 : i32
        %parallel_loop3A_947 = arith.addi %parallel_loop3A_843, %parallel_loop3A_946 : i32
        %parallel_loop3A_948 = arith.index_cast %parallel_loop3A_947 : i32 to index
        %parallel_loop3A_949 = tpu.vector_load %arg5[%parallel_loop3A_948] {strides = array<i32>} : memref<16384xf32, #tpu.memory_space<vmem>>, vector<16xf32>,
        %parallel_loop3A_950 = arith.mulf %parallel_loop3A_849, %parallel_loop3A_945 : vector<16xf32>
        %parallel_loop3A_951 = arith.mulf %parallel_loop3A_846, %parallel_loop3A_949 : vector<16xf32>
        %parallel_loop3A_952 = arith.addf %parallel_loop3A_950, %parallel_loop3A_951 : vector<16xf32>
        %parallel_loop3A_953 = arith.constant 96 : i32
        %parallel_loop3A_954 = arith.addi %parallel_loop3A_851, %parallel_loop3A_953 : i32
        %parallel_loop3A_955 = arith.index_cast %parallel_loop3A_954 : i32 to index
        %parallel_loop3A_956 = tpu.vector_load %arg8[%parallel_loop3A_955] {strides = array<i32>} : memref<32768xf32, #tpu.memory_space<vmem>>, vector<16xf32>,
        tpu.vector_store %arg8[%parallel_loop3A_955], %parallel_loop3A_952 {strides = array<i32>} : memref<32768xf32, #tpu.memory_space<vmem>>, vector<16xf32>,
        %parallel_loop3A_957 = arith.constant 112 : i32
        %parallel_loop3A_958 = arith.addi %parallel_loop3A_841, %parallel_loop3A_957 : i32
        %parallel_loop3A_959 = arith.index_cast %parallel_loop3A_958 : i32 to index
        %parallel_loop3A_960 = tpu.vector_load %arg5[%parallel_loop3A_959] {strides = array<i32>} : memref<16384xf32, #tpu.memory_space<vmem>>, vector<16xf32>,
        %parallel_loop3A_961 = arith.constant 112 : i32
        %parallel_loop3A_962 = arith.addi %parallel_loop3A_843, %parallel_loop3A_961 : i32
        %parallel_loop3A_963 = arith.index_cast %parallel_loop3A_962 : i32 to index
        %parallel_loop3A_964 = tpu.vector_load %arg5[%parallel_loop3A_963] {strides = array<i32>} : memref<16384xf32, #tpu.memory_space<vmem>>, vector<16xf32>,
        %parallel_loop3A_965 = arith.mulf %parallel_loop3A_849, %parallel_loop3A_960 : vector<16xf32>
        %parallel_loop3A_966 = arith.mulf %parallel_loop3A_846, %parallel_loop3A_964 : vector<16xf32>
        %parallel_loop3A_967 = arith.addf %parallel_loop3A_965, %parallel_loop3A_966 : vector<16xf32>
        %parallel_loop3A_968 = arith.constant 112 : i32
        %parallel_loop3A_969 = arith.addi %parallel_loop3A_851, %parallel_loop3A_968 : i32
        %parallel_loop3A_970 = arith.index_cast %parallel_loop3A_969 : i32 to index
        %parallel_loop3A_971 = tpu.vector_load %arg8[%parallel_loop3A_970] {strides = array<i32>} : memref<32768xf32, #tpu.memory_space<vmem>>, vector<16xf32>,
        tpu.vector_store %arg8[%parallel_loop3A_970], %parallel_loop3A_967 {strides = array<i32>} : memref<32768xf32, #tpu.memory_space<vmem>>, vector<16xf32>,
        %parallel_loop3A_972 = arith.constant 128 : i32
        %parallel_loop3A_973 = arith.addi %parallel_loop3A_841, %parallel_loop3A_972 : i32
        %parallel_loop3A_974 = arith.index_cast %parallel_loop3A_973 : i32 to index
        %parallel_loop3A_975 = tpu.vector_load %arg5[%parallel_loop3A_974] {strides = array<i32>} : memref<16384xf32, #tpu.memory_space<vmem>>, vector<16xf32>,
        %parallel_loop3A_976 = arith.constant 128 : i32
        %parallel_loop3A_977 = arith.addi %parallel_loop3A_843, %parallel_loop3A_976 : i32
        %parallel_loop3A_978 = arith.index_cast %parallel_loop3A_977 : i32 to index
        %parallel_loop3A_979 = tpu.vector_load %arg5[%parallel_loop3A_978] {strides = array<i32>} : memref<16384xf32, #tpu.memory_space<vmem>>, vector<16xf32>,
        %parallel_loop3A_980 = arith.mulf %parallel_loop3A_849, %parallel_loop3A_975 : vector<16xf32>
        %parallel_loop3A_981 = arith.mulf %parallel_loop3A_846, %parallel_loop3A_979 : vector<16xf32>
        %parallel_loop3A_982 = arith.addf %parallel_loop3A_980, %parallel_loop3A_981 : vector<16xf32>
        %parallel_loop3A_983 = arith.constant 128 : i32
        %parallel_loop3A_984 = arith.addi %parallel_loop3A_851, %parallel_loop3A_983 : i32
        %parallel_loop3A_985 = arith.index_cast %parallel_loop3A_984 : i32 to index
        %parallel_loop3A_986 = tpu.vector_load %arg8[%parallel_loop3A_985] {strides = array<i32>} : memref<32768xf32, #tpu.memory_space<vmem>>, vector<16xf32>,
        tpu.vector_store %arg8[%parallel_loop3A_985], %parallel_loop3A_982 {strides = array<i32>} : memref<32768xf32, #tpu.memory_space<vmem>>, vector<16xf32>,
        %parallel_loop3A_987 = arith.constant 144 : i32
        %parallel_loop3A_988 = arith.addi %parallel_loop3A_841, %parallel_loop3A_987 : i32
        %parallel_loop3A_989 = arith.index_cast %parallel_loop3A_988 : i32 to index
        %parallel_loop3A_990 = tpu.vector_load %arg5[%parallel_loop3A_989] {strides = array<i32>} : memref<16384xf32, #tpu.memory_space<vmem>>, vector<16xf32>,
        %parallel_loop3A_991 = arith.constant 144 : i32
        %parallel_loop3A_992 = arith.addi %parallel_loop3A_843, %parallel_loop3A_991 : i32
        %parallel_loop3A_993 = arith.index_cast %parallel_loop3A_992 : i32 to index
        %parallel_loop3A_994 = tpu.vector_load %arg5[%parallel_loop3A_993] {strides = array<i32>} : memref<16384xf32, #tpu.memory_space<vmem>>, vector<16xf32>,
        %parallel_loop3A_995 = arith.mulf %parallel_loop3A_849, %parallel_loop3A_990 : vector<16xf32>
        %parallel_loop3A_996 = arith.mulf %parallel_loop3A_846, %parallel_loop3A_994 : vector<16xf32>
        %parallel_loop3A_997 = arith.addf %parallel_loop3A_995, %parallel_loop3A_996 : vector<16xf32>
        %parallel_loop3A_998 = arith.constant 144 : i32
        %parallel_loop3A_999 = arith.addi %parallel_loop3A_851, %parallel_loop3A_998 : i32
        %parallel_loop3A_1000 = arith.index_cast %parallel_loop3A_999 : i32 to index
        %parallel_loop3A_1001 = tpu.vector_load %arg8[%parallel_loop3A_1000] {strides = array<i32>} : memref<32768xf32, #tpu.memory_space<vmem>>, vector<16xf32>,
        tpu.vector_store %arg8[%parallel_loop3A_1000], %parallel_loop3A_997 {strides = array<i32>} : memref<32768xf32, #tpu.memory_space<vmem>>, vector<16xf32>,
        %parallel_loop3A_1002 = arith.constant 160 : i32
        %parallel_loop3A_1003 = arith.addi %parallel_loop3A_841, %parallel_loop3A_1002 : i32
        %parallel_loop3A_1004 = arith.index_cast %parallel_loop3A_1003 : i32 to index
        %parallel_loop3A_1005 = tpu.vector_load %arg5[%parallel_loop3A_1004] {strides = array<i32>} : memref<16384xf32, #tpu.memory_space<vmem>>, vector<16xf32>,
        %parallel_loop3A_1006 = arith.constant 160 : i32
        %parallel_loop3A_1007 = arith.addi %parallel_loop3A_843, %parallel_loop3A_1006 : i32
        %parallel_loop3A_1008 = arith.index_cast %parallel_loop3A_1007 : i32 to index
        %parallel_loop3A_1009 = tpu.vector_load %arg5[%parallel_loop3A_1008] {strides = array<i32>} : memref<16384xf32, #tpu.memory_space<vmem>>, vector<16xf32>,
        %parallel_loop3A_1010 = arith.mulf %parallel_loop3A_849, %parallel_loop3A_1005 : vector<16xf32>
        %parallel_loop3A_1011 = arith.mulf %parallel_loop3A_846, %parallel_loop3A_1009 : vector<16xf32>
        %parallel_loop3A_1012 = arith.addf %parallel_loop3A_1010, %parallel_loop3A_1011 : vector<16xf32>
        %parallel_loop3A_1013 = arith.constant 160 : i32
        %parallel_loop3A_1014 = arith.addi %parallel_loop3A_851, %parallel_loop3A_1013 : i32
        %parallel_loop3A_1015 = arith.index_cast %parallel_loop3A_1014 : i32 to index
        %parallel_loop3A_1016 = tpu.vector_load %arg8[%parallel_loop3A_1015] {strides = array<i32>} : memref<32768xf32, #tpu.memory_space<vmem>>, vector<16xf32>,
        tpu.vector_store %arg8[%parallel_loop3A_1015], %parallel_loop3A_1012 {strides = array<i32>} : memref<32768xf32, #tpu.memory_space<vmem>>, vector<16xf32>,
        %parallel_loop3A_1017 = arith.constant 176 : i32
        %parallel_loop3A_1018 = arith.addi %parallel_loop3A_841, %parallel_loop3A_1017 : i32
        %parallel_loop3A_1019 = arith.index_cast %parallel_loop3A_1018 : i32 to index
        %parallel_loop3A_1020 = tpu.vector_load %arg5[%parallel_loop3A_1019] {strides = array<i32>} : memref<16384xf32, #tpu.memory_space<vmem>>, vector<16xf32>,
        %parallel_loop3A_1021 = arith.constant 176 : i32
        %parallel_loop3A_1022 = arith.addi %parallel_loop3A_843, %parallel_loop3A_1021 : i32
        %parallel_loop3A_1023 = arith.index_cast %parallel_loop3A_1022 : i32 to index
        %parallel_loop3A_1024 = tpu.vector_load %arg5[%parallel_loop3A_1023] {strides = array<i32>} : memref<16384xf32, #tpu.memory_space<vmem>>, vector<16xf32>,
        %parallel_loop3A_1025 = arith.mulf %parallel_loop3A_849, %parallel_loop3A_1020 : vector<16xf32>
        %parallel_loop3A_1026 = arith.mulf %parallel_loop3A_846, %parallel_loop3A_1024 : vector<16xf32>
        %parallel_loop3A_1027 = arith.addf %parallel_loop3A_1025, %parallel_loop3A_1026 : vector<16xf32>
        %parallel_loop3A_1028 = arith.constant 176 : i32
        %parallel_loop3A_1029 = arith.addi %parallel_loop3A_851, %parallel_loop3A_1028 : i32
        %parallel_loop3A_1030 = arith.index_cast %parallel_loop3A_1029 : i32 to index
        %parallel_loop3A_1031 = tpu.vector_load %arg8[%parallel_loop3A_1030] {strides = array<i32>} : memref<32768xf32, #tpu.memory_space<vmem>>, vector<16xf32>,
        tpu.vector_store %arg8[%parallel_loop3A_1030], %parallel_loop3A_1027 {strides = array<i32>} : memref<32768xf32, #tpu.memory_space<vmem>>, vector<16xf32>,
        %parallel_loop3A_1032 = arith.constant 192 : i32
        %parallel_loop3A_1033 = arith.addi %parallel_loop3A_841, %parallel_loop3A_1032 : i32
        %parallel_loop3A_1034 = arith.index_cast %parallel_loop3A_1033 : i32 to index
        %parallel_loop3A_1035 = tpu.vector_load %arg5[%parallel_loop3A_1034] {strides = array<i32>} : memref<16384xf32, #tpu.memory_space<vmem>>, vector<16xf32>,
        %parallel_loop3A_1036 = arith.constant 192 : i32
        %parallel_loop3A_1037 = arith.addi %parallel_loop3A_843, %parallel_loop3A_1036 : i32
        %parallel_loop3A_1038 = arith.index_cast %parallel_loop3A_1037 : i32 to index
        %parallel_loop3A_1039 = tpu.vector_load %arg5[%parallel_loop3A_1038] {strides = array<i32>} : memref<16384xf32, #tpu.memory_space<vmem>>, vector<16xf32>,
        %parallel_loop3A_1040 = arith.mulf %parallel_loop3A_849, %parallel_loop3A_1035 : vector<16xf32>
        %parallel_loop3A_1041 = arith.mulf %parallel_loop3A_846, %parallel_loop3A_1039 : vector<16xf32>
        %parallel_loop3A_1042 = arith.addf %parallel_loop3A_1040, %parallel_loop3A_1041 : vector<16xf32>
        %parallel_loop3A_1043 = arith.constant 192 : i32
        %parallel_loop3A_1044 = arith.addi %parallel_loop3A_851, %parallel_loop3A_1043 : i32
        %parallel_loop3A_1045 = arith.index_cast %parallel_loop3A_1044 : i32 to index
        %parallel_loop3A_1046 = tpu.vector_load %arg8[%parallel_loop3A_1045] {strides = array<i32>} : memref<32768xf32, #tpu.memory_space<vmem>>, vector<16xf32>,
        tpu.vector_store %arg8[%parallel_loop3A_1045], %parallel_loop3A_1042 {strides = array<i32>} : memref<32768xf32, #tpu.memory_space<vmem>>, vector<16xf32>,
        %parallel_loop3A_1047 = arith.constant 208 : i32
        %parallel_loop3A_1048 = arith.addi %parallel_loop3A_841, %parallel_loop3A_1047 : i32
        %parallel_loop3A_1049 = arith.index_cast %parallel_loop3A_1048 : i32 to index
        %parallel_loop3A_1050 = tpu.vector_load %arg5[%parallel_loop3A_1049] {strides = array<i32>} : memref<16384xf32, #tpu.memory_space<vmem>>, vector<16xf32>,
        %parallel_loop3A_1051 = arith.constant 208 : i32
        %parallel_loop3A_1052 = arith.addi %parallel_loop3A_843, %parallel_loop3A_1051 : i32
        %parallel_loop3A_1053 = arith.index_cast %parallel_loop3A_1052 : i32 to index
        %parallel_loop3A_1054 = tpu.vector_load %arg5[%parallel_loop3A_1053] {strides = array<i32>} : memref<16384xf32, #tpu.memory_space<vmem>>, vector<16xf32>,
        %parallel_loop3A_1055 = arith.mulf %parallel_loop3A_849, %parallel_loop3A_1050 : vector<16xf32>
        %parallel_loop3A_1056 = arith.mulf %parallel_loop3A_846, %parallel_loop3A_1054 : vector<16xf32>
        %parallel_loop3A_1057 = arith.addf %parallel_loop3A_1055, %parallel_loop3A_1056 : vector<16xf32>
        %parallel_loop3A_1058 = arith.constant 208 : i32
        %parallel_loop3A_1059 = arith.addi %parallel_loop3A_851, %parallel_loop3A_1058 : i32
        %parallel_loop3A_1060 = arith.index_cast %parallel_loop3A_1059 : i32 to index
        %parallel_loop3A_1061 = tpu.vector_load %arg8[%parallel_loop3A_1060] {strides = array<i32>} : memref<32768xf32, #tpu.memory_space<vmem>>, vector<16xf32>,
        tpu.vector_store %arg8[%parallel_loop3A_1060], %parallel_loop3A_1057 {strides = array<i32>} : memref<32768xf32, #tpu.memory_space<vmem>>, vector<16xf32>,
        %parallel_loop3A_1062 = arith.constant 224 : i32
        %parallel_loop3A_1063 = arith.addi %parallel_loop3A_841, %parallel_loop3A_1062 : i32
        %parallel_loop3A_1064 = arith.index_cast %parallel_loop3A_1063 : i32 to index
        %parallel_loop3A_1065 = tpu.vector_load %arg5[%parallel_loop3A_1064] {strides = array<i32>} : memref<16384xf32, #tpu.memory_space<vmem>>, vector<16xf32>,
        %parallel_loop3A_1066 = arith.constant 224 : i32
        %parallel_loop3A_1067 = arith.addi %parallel_loop3A_843, %parallel_loop3A_1066 : i32
        %parallel_loop3A_1068 = arith.index_cast %parallel_loop3A_1067 : i32 to index
        %parallel_loop3A_1069 = tpu.vector_load %arg5[%parallel_loop3A_1068] {strides = array<i32>} : memref<16384xf32, #tpu.memory_space<vmem>>, vector<16xf32>,
        %parallel_loop3A_1070 = arith.mulf %parallel_loop3A_849, %parallel_loop3A_1065 : vector<16xf32>
        %parallel_loop3A_1071 = arith.mulf %parallel_loop3A_846, %parallel_loop3A_1069 : vector<16xf32>
        %parallel_loop3A_1072 = arith.addf %parallel_loop3A_1070, %parallel_loop3A_1071 : vector<16xf32>
        %parallel_loop3A_1073 = arith.constant 224 : i32
        %parallel_loop3A_1074 = arith.addi %parallel_loop3A_851, %parallel_loop3A_1073 : i32
        %parallel_loop3A_1075 = arith.index_cast %parallel_loop3A_1074 : i32 to index
        %parallel_loop3A_1076 = tpu.vector_load %arg8[%parallel_loop3A_1075] {strides = array<i32>} : memref<32768xf32, #tpu.memory_space<vmem>>, vector<16xf32>,
        tpu.vector_store %arg8[%parallel_loop3A_1075], %parallel_loop3A_1072 {strides = array<i32>} : memref<32768xf32, #tpu.memory_space<vmem>>, vector<16xf32>,
        %parallel_loop3A_1077 = arith.constant 240 : i32
        %parallel_loop3A_1078 = arith.addi %parallel_loop3A_841, %parallel_loop3A_1077 : i32
        %parallel_loop3A_1079 = arith.index_cast %parallel_loop3A_1078 : i32 to index
        %parallel_loop3A_1080 = tpu.vector_load %arg5[%parallel_loop3A_1079] {strides = array<i32>} : memref<16384xf32, #tpu.memory_space<vmem>>, vector<16xf32>,
        %parallel_loop3A_1081 = arith.constant 240 : i32
        %parallel_loop3A_1082 = arith.addi %parallel_loop3A_843, %parallel_loop3A_1081 : i32
        %parallel_loop3A_1083 = arith.index_cast %parallel_loop3A_1082 : i32 to index
        %parallel_loop3A_1084 = tpu.vector_load %arg5[%parallel_loop3A_1083] {strides = array<i32>} : memref<16384xf32, #tpu.memory_space<vmem>>, vector<16xf32>,
        %parallel_loop3A_1085 = arith.mulf %parallel_loop3A_849, %parallel_loop3A_1080 : vector<16xf32>
        %parallel_loop3A_1086 = arith.mulf %parallel_loop3A_846, %parallel_loop3A_1084 : vector<16xf32>
        %parallel_loop3A_1087 = arith.addf %parallel_loop3A_1085, %parallel_loop3A_1086 : vector<16xf32>
        %parallel_loop3A_1088 = arith.constant 240 : i32
        %parallel_loop3A_1089 = arith.addi %parallel_loop3A_851, %parallel_loop3A_1088 : i32
        %parallel_loop3A_1090 = arith.index_cast %parallel_loop3A_1089 : i32 to index
        %parallel_loop3A_1091 = tpu.vector_load %arg8[%parallel_loop3A_1090] {strides = array<i32>} : memref<32768xf32, #tpu.memory_space<vmem>>, vector<16xf32>,
        tpu.vector_store %arg8[%parallel_loop3A_1090], %parallel_loop3A_1087 {strides = array<i32>} : memref<32768xf32, #tpu.memory_space<vmem>>, vector<16xf32>,
      } {sc.loop_unroll_factor = 4 : i64, sc.parallel_access}
      %mul3A_61 = arith.constant 512 : i32
      %mul3A_62 = arith.muli %add3A, %mul3A_61 : i32
      %mul3A_63 = arith.constant 32 : i32
      %mul3A_64 = arith.muli %add3A_48, %mul3A_63 : i32
      %add3A_65 = arith.addi %mul3A_62, %mul3A_64 : i32
      %mul3A_66 = arith.constant 1024 : i32
      %mul3A_67 = arith.muli %add3A_65, %mul3A_66 : i32
      %dma_start3A_68 = tpu.memref_slice %arg4[%mul3A_67] : memref<16777216xf32, #tpu.memory_space<hbm>> -> memref<32768xf32, #tpu.memory_space<hbm>>
      %dma_start3A_69 = tpu.memref_slice %arg4[%mul3A_67] : memref<16777216xf32, #tpu.memory_space<hbm>> -> memref<32768xf32, #tpu.memory_space<hbm>>
      tpu.enqueue_dma source(%arg8 : memref<32768xf32, #tpu.memory_space<vmem>>) target(%dma_start3A_69 : memref<32768xf32, #tpu.memory_space<hbm>>) target_semaphore(%arg14 : memref<!tpu.dma_semaphore, #tpu.memory_space<semaphore_mem>>)
    }
    %scan3A_16 = arith.constant 8 : i32
    %dma_wait3A = arith.constant 0 : i32
    %dma_wait3A_17 = tpu.memref_slice %arg4[%dma_wait3A] : memref<16777216xf32, #tpu.memory_space<hbm>> -> memref<32768xf32, #tpu.memory_space<hbm>>
    %dma_wait3A_18 = arith.constant 0 : i32
    %dma_wait3A_19 = tpu.memref_slice %arg4[%dma_wait3A_18] : memref<16777216xf32, #tpu.memory_space<hbm>> -> memref<32768xf32, #tpu.memory_space<hbm>>
    tpu.wait_dma2 semaphore(%arg13 : memref<!tpu.dma_semaphore, #tpu.memory_space<semaphore_mem>>) src(%arg7 : memref<32768xf32, #tpu.memory_space<vmem>>) dst(%dma_wait3A_19 : memref<32768xf32, #tpu.memory_space<hbm>>)
    %dma_wait3A_20 = arith.constant 0 : i32
    %dma_wait3A_21 = tpu.memref_slice %arg4[%dma_wait3A_20] : memref<16777216xf32, #tpu.memory_space<hbm>> -> memref<32768xf32, #tpu.memory_space<hbm>>
    %dma_wait3A_22 = arith.constant 0 : i32
    %dma_wait3A_23 = tpu.memref_slice %arg4[%dma_wait3A_22] : memref<16777216xf32, #tpu.memory_space<hbm>> -> memref<32768xf32, #tpu.memory_space<hbm>>
    tpu.wait_dma2 semaphore(%arg14 : memref<!tpu.dma_semaphore, #tpu.memory_space<semaphore_mem>>) src(%arg8 : memref<32768xf32, #tpu.memory_space<vmem>>) dst(%dma_wait3A_23 : memref<32768xf32, #tpu.memory_space<hbm>>)
    return
  }
}

</mosaic_0001>

<sc_bundles>
// kernel: kernel.3.cloned.1.call-start
scs
__scs_entry_jumppad:
0x0: {  	(pc) =	sbr.rel $0x88, $3  }
0x1: {  	(tag) =	ssettag $0x0;
	lr =	simm.s32 $0x1  }
0x2: {  	[smem:$0x3F9F] =	sst lr;
	_ =	strace $0xD0000000  }
0x3: {  	_ = 	snop  }
0x4: {  	_ = 	snop  }
0x5: {  	_ = 	snop  }
0x6: {  	_ = 	snop  }
0x7: {  	_ = 	snop  }
__scs_overlays_trampoline_lowered:
0x8: {  	[smem:$0x3FAE] =	sst s0  }
0x9: {  	[smem:$0x3FAF] =	sst s1  }
0xa: {  	[smem:$0x3FB0] =	sst s2  }
0xb: {  	[smem:$0x3FB1] =	sst s3  }
0xc: {  	[smem:$0x3FB2] =	sst s4  }
0xd: {  	[smem:$0x3FB3] =	sst s5  }
0xe: {  	[smem:$0x3FB4] =	sst s6  }
0xf: {  	[smem:$0x3FB5] =	sst s7  }
0x10: {  	[smem:$0x3FB6] =	sst s8  }
0x11: {  	[smem:$0x3FB7] =	sst s9;
	s0 =	simm.s32 @!p0 $0x0  }
0x12: {  	s1 =	sld [smem:$0x3F9D];
	s0 =	simm.s32 @p0 $0x1  }
0x13: {  	[smem:$0x3FB8] =	sst s0;
	s0 =	simm.s32 @!p1 $0x0  }
0x14: {  	s2 =	sld [smem:$0x3F9C];
	s0 =	simm.s32 @p1 $0x1  }
0x15: {  	[smem:$0x3FB9] =	sst s0;
	s0 =	simm.s32 @!p2 $0x0  }
0x16: {  	s3 =	sld [smem:$0x3FDB];
	s0 =	simm.s32 @p2 $0x1  }
0x17: {  	s4 =	simm.s32 $0x1BF5;
	[smem:$0x3FBB] =	sst s0  }
0x18: {  	s0 =	sld [smem:$0x3F9E];
	_ =	swait.ge [sflag:s4], $0x0  }
0x19: {  	s7 =	sld [smem:$0x3F9F]  }
0x1a: {  	s8 =	sadd.s32 $0xFFFFE003, lr  }
0x1b: {  	s9 =	sadd.s32 $0xFFFFFEF7, lr;
	s5 =	simm.s32 $0xFFFFFFFF;
	p2 =	slt.u32 s8, $0xFFFFF086  }
0x1c: {  	p1 =	slt.u32 s9, $0xF7A;
	s5 =	simm.s32 @!p2 $0x0  }
0x1d: {  	s5 =	simm.s32 @p1 $0x1;
	p0 =	seq.s32 s7, s2  }
0x1e: {  	s7 =	smul.u32 @!p0 $0xF7A, s2;
	p2 =	seq.s32 @!p0 s5, $0x0  }
0x1f: {  	s9 =	smul.u32 $0xF7A, s1;
	s8 =	simm.s32 @!p0 $0x1BF5;
	p2 =	por !p2, p0  }
0x20: {  	[sflag:s8] =	ssyncset.s32 @!p0 $0xFFFFF086;
	s6 =	sadd.s32 @!p0 s3, s7;
	s7 =	simm.s32 @!p0 $0x108  }
0x21: {  	s3 =	sadd.s32 s3, s9;
	s6 =	sadd.s32 @!p0 $0x88, s6;
	s7 =	simm.s32 @p2 $0x1082  }
0x22: {  	[simem:s7], [sflag:s8] =	dma.local @!p0 [hbm:s6], $0xF7A  }
0x23: {  	s9 =	sor.u32 $0xD0000000, s2;
	s6 =	simm.s32 $0x108;
	_ =	swait.ge @!p0 [sflag:s8], $0x0  }
0x24: {  	s3 =	sadd.s32 $0x88, s3;
	s6 =	simm.s32 @!p1 $0x1082;
	[sflag:s4] =	ssyncset.s32 $0xFFFFF086  }
0x25: {  	[simem:s6], [sflag:s4] =	dma.local [hbm:s3], $0xF7A  }
0x26: {  	[smem:$0x3F9F] =	sst s1;
	(tag) =	ssettag s2;
	_ =	strace s9  }
0x27: {  	s1 =	sld [smem:$0x3FAF]  }
0x28: {  	s2 =	sld [smem:$0x3FB0]  }
0x29: {  	s4 =	sld [smem:$0x3FB2]  }
0x2a: {  	p0 =	seq.s32 s5, $0x0;
	s5 =	sld [smem:$0x3FB3]  }
0x2b: {  	s6 =	sld [smem:$0x3FB4]  }
0x2c: {  	s7 =	sld [smem:$0x3FB5]  }
0x2d: {  	s3 =	simm.s32 $0x108;
	s8 =	sld [smem:$0x3FB6]  }
0x2e: {  	s3 =	simm.s32 @!p0 $0x1082;
	s9 =	sld [smem:$0x3FB7]  }
0x2f: {  	lr =	sadd.s32 s0, s3;
	s0 =	sld [smem:$0x3FAE]  }
0x30: {  	s3 =	sld [smem:$0x3FB1]  }
0x31: {  	[smem:$0x3FBA] =	sst s10  }
0x32: {  	s10 =	sld [smem:$0x3FB8];
	_ =	sdelay $0x3  }
0x33: {  	p0 =	seq.s32 s10, $0x1;
	s10 =	sld [smem:$0x3FBA];
	_ =	sdelay $0x3  }
0x34: {  	[smem:$0x3FBA] =	sst s10  }
0x35: {  	s10 =	sld [smem:$0x3FB9];
	_ =	sdelay $0x3  }
0x36: {  	p1 =	seq.s32 s10, $0x1;
	s10 =	sld [smem:$0x3FBA];
	_ =	sdelay $0x3  }
0x37: {  	[smem:$0x3FBA] =	sst s10  }
0x38: {  	s10 =	sld [smem:$0x3FBB]  }
0x39: {  	_ = 	snop;
	(pc) =	sbr.ind lr, $3  }
0x3a: {  	_ = 	snop  }
0x3b: {  	_ = 	snop  }
0x3c: {  	p2 =	seq.s32 s10, $0x1;
	s10 =	sld [smem:$0x3FBA]  }
0x3d: {  	_ =	shalt  }
0x3e: {  	_ =	shalt  }
0x3f: {  	_ =	shalt  }
0x40: {  	_ =	shalt  }
0x41: {  	_ =	shalt  }
0x42: {  	_ =	shalt  }
0x43: {  	_ =	shalt  }
0x44: {  	_ =	shalt  }
0x45: {  	_ =	shalt  }
0x46: {  	_ =	shalt  }
0x47: {  	_ =	shalt  }
0x48: {  	_ =	shalt  }
0x49: {  	_ =	shalt  }
0x4a: {  	_ =	shalt  }
0x4b: {  	_ =	shalt  }
0x4c: {  	_ =	shalt  }
0x4d: {  	_ =	shalt  }
0x4e: {  	_ =	shalt  }
0x4f: {  	_ =	shalt  }
0x50: {  	_ =	shalt  }
0x51: {  	_ =	shalt  }
0x52: {  	_ =	shalt  }
0x53: {  	_ =	shalt  }
0x54: {  	_ =	shalt  }
0x55: {  	_ =	shalt  }
0x56: {  	_ =	shalt  }
0x57: {  	_ =	shalt  }
0x58: {  	_ =	shalt  }
0x59: {  	_ =	shalt  }
0x5a: {  	_ =	shalt  }
0x5b: {  	_ =	shalt  }
0x5c: {  	_ =	shalt  }
0x5d: {  	_ =	shalt  }
0x5e: {  	_ =	shalt  }
0x5f: {  	_ =	shalt  }
0x60: {  	_ =	shalt  }
0x61: {  	_ =	shalt  }
0x62: {  	_ =	shalt  }
0x63: {  	_ =	shalt  }
0x64: {  	_ =	shalt  }
0x65: {  	_ =	shalt  }
0x66: {  	_ =	shalt  }
0x67: {  	_ =	shalt  }
0x68: {  	_ =	shalt  }
0x69: {  	_ =	shalt  }
0x6a: {  	_ =	shalt  }
0x6b: {  	_ =	shalt  }
0x6c: {  	_ =	shalt  }
0x6d: {  	_ =	shalt  }
0x6e: {  	_ =	shalt  }
0x6f: {  	_ =	shalt  }
0x70: {  	_ =	shalt  }
0x71: {  	_ =	shalt  }
0x72: {  	_ =	shalt  }
0x73: {  	_ =	shalt  }
0x74: {  	_ =	shalt  }
0x75: {  	_ =	shalt  }
0x76: {  	_ =	shalt  }
0x77: {  	_ =	shalt  }
0x78: {  	_ =	shalt  }
0x79: {  	_ =	shalt  }
0x7a: {  	_ =	shalt  }
0x7b: {  	_ =	shalt  }
0x7c: {  	_ =	shalt  }
0x7d: {  	_ =	shalt  }
0x7e: {  	_ =	shalt  }
0x7f: {  	_ =	shalt  }
0x80: {  	_ =	shalt  }
0x81: {  	_ =	shalt  }
0x82: {  	_ =	shalt  }
0x83: {  	_ =	shalt  }
0x84: {  	_ =	shalt  }
0x85: {  	_ =	shalt  }
0x86: {  	_ =	shalt  }
0x87: {  	_ =	shalt  }
.Lfunc_end0:
.L_simem_size_0:
called_computation_lowered:
.L_overlay_start_0:
0x88: {  	s2 =	sld [smem:$0x3FD9]  }
0x89: {  	s3 =	sld [smem:$0x3FFE];
	_ =	sdelay $0x1  }
0x8a: {  	s1 =	srdreg.scid  }
0x8b: {  	s0 =	sand.u32 $0x1, s1  }
0x8c: {  	s17 =	sshll.u32 s0, $0xA;
	s2 =	sadd.s32 s3, s2  }
0x8d: {  	s2 =	sadd.s32 s2, s17  }
0x8e: {  	[smem:$0x3FC6] =	sst s2  }
0x8f: {  	_ = 	snop  }
0x90: {  	s2 =	sld [smem:$0x3FD0];
	(tm) =	ssettm $0x1  }
0x91: {  	s18 =	sld [smem:$0x3FFB];
	_ =	sdelay $0x3  }
0x92: {  	_ =	strace s18  }
0x93: {  	s3 =	sld [smem:$0x3FFC];
	_ =	sdelay $0x3  }
0x94: {  	_ =	strace s3  }
0x95: {  	s3 =	sld [smem:$0x3FFD];
	_ =	sdelay $0x3  }
0x96: {  	_ =	strace s3  }
0x97: {  	_ =	strace $0x8FFFFFFF  }
0x98: {  	s19 =	sld [smem:$0x3FDB];
	_ =	sdelay $0x1  }
0x99: {  	s4 =	simm.s32 $_scs_section_size  }
0x9a: {  	s5 =	simm.s32 $_size__tile_overlayer_lowered;
	s6 =	simm.s32 $_tile_overlayer_lowered  }
0x9b: {  	s22 =	simm.s32 $0x1BFF;
	s21 =	sshll.u32 s6, $0x1;
	s3 =	sadd.s32 s4, s19  }
0x9c: {  	s7 =	simm.s32 $0x0;
	s20 =	sshll.u32 s5, $0x1;
	s5 =	sadd.s32 s21, s3  }
0x9d: {  	[timem:s7], [sflag:s22] =	dma.local [hbm:s5], s20  }
0x9e: {  	_ =	swait.ge [sflag:s22], s20  }
0x9f: {  	s4 =	ssub.s32 $0x0, s20;
	[sflag:s22] =	ssyncset.done $0x0  }
0xa0: {  	[sflag:s22] =	ssyncadd.s32 s4;
	_ =	sdelay $0x1  }
0xa1: {  	s23 =	simm.s32 $0x1B8B  }
0xa2: {  	_ =	swait.ge [sflag:s23], $0x1  }
0xa3: {  	[sflag:s23] =	ssyncset.done $0x0  }
0xa4: {  	s25 =	simm.s32 $0x1B8E;
	s24 =	sld [smem:$0x3FFE];
	[sflag:s23] =	ssyncadd.s32 $0xFFFFFFFF  }
0xa5: {  	s26 =	simm.s32 $execute0_lowered;
	[smem:$0x3FD2] =	sst s25  }
0xa6: {  	s5 =	sshll.u32 s26, $0x1;
	_ =	strace $0x80000046;
	[dreg:$0x1] =	wrdreg $0xFFFFFFFF  }
0xa7: {  	s28 =	simm.s32 $_size_execute0_lowered;
	s3 =	sadd.s32 s3, s5;
	[dreg:$0x0] =	wrdreg $0x0  }
0xa8: {  	s5 =	sshll.u32 s28, $0x1;
	[dreg:$0x2] =	wrdreg s3  }
0xa9: {  	[dreg:$0x3] =	wrdreg s5  }
0xaa: {  	[dreg:$0x4] =	wrdreg $0xC0  }
0xab: {  	_ =	task [dreg:s7], $0x5FFFF  }
0xac: {  	[dreg:$0x1] =	wrdreg $0xFFFFFFFF  }
0xad: {  	[dreg:$0x0] =	wrdreg $0x60  }
0xae: {  	[dreg:$0x2] =	wrdreg s2  }
0xaf: {  	[dreg:$0x3] =	wrdreg s24  }
0xb0: {  	[dreg:$0x4] =	wrdreg $0x9  }
0xb1: {  	_ =	task.clear_ibuf [dreg:s7], $0x5FFFF;
	_ =	strace $0x90000046  }
0xb2: {  	s29 =	simm.s32 $0x9;
	_ =	strace $0x80000048  }
0xb3: {  	_ =	swait.ge [sflag:s29], $0x1  }
0xb4: {  	[sflag:s29] =	ssyncadd.s32 $0xFFFFFFFF  }
0xb5: {  	_ =	strace $0x90000048  }
0xb6: {  	_ =	sfence  }
0xb7: {  	s30 =	sld [smem:$0x0];
	_ =	sdelay $0x2  }
0xb8: {  	s31 =	sshll.u32 s1, $0xD;
	s1 =	sshrl.u32 s1, $0x2  }
0xb9: {  	s3 =	sand.u32 $0x4000, s31;
	s1 =	sadd.s32 s1, s30  }
0xba: {  	s0 =	sor.u32 s3, s0;
	s1 =	sshll.u32 s1, $0x11  }
0xbb: {  	s0 =	sor.u32 s1, s0  }
0xbc: {  	s0 =	sadd.s32 $0x8F2B, s0  }
0xbd: {  	[sflag:s0] =	ssyncadd.remote.s32 $0x1  }
0xbe: {  	_ =	sfence.sel $0xFFFF  }
0xbf: {  	[dreg:$0x0] =	wrdreg $0xFFFFFFFF;
	(pc) =	sbr.abs _section_cstart, $3  }
0xc0: {  	[dreg:$0x1] =	wrdreg $0xFFFFFFFF  }
0xc1: {  	_ =	task.clear_ibuf [dreg:s7], $0x2FFFF;
	_ =	strace $0x9FFFFFFF  }
0xc2: {  	(tm) =	ssettm $0x7FFFFFFF  }
0xc3: {  	_ =	shalt  }
tec
execute0_lowered:
.L_overlay_start_1:
0x0: {  	(tag) =	ssettag $0x1  }
0x1: {  	s0 =	rddreg [dreg:$0x0]  }
0x2: {  	s1 =	rddreg [dreg:$0x1]  }
0x3: {  	s2 =	simm.s32 $0x0;
	s3 =	srdreg.scid;
	s4 =	stileid.u32  }
0x4: {  	s7 =	simm.s32 $0x3;
	s8 =	simm.s32 $0x4000;
	s9 =	simm.s32 $0x14800  }
0x5: {  	s10 =	simm.s32 $0x15000;
	s11 =	simm.s32 $0x15800;
	s12 =	simm.s32 $0x16000  }
0x6: {  	s13 =	simm.s32 $0x4800;
	s14 =	simm.s32 $0xC800;
	[smem:$0x7FF] =	sst s2  }
0x7: {  	s3 =	sand.u32 $0x1, s3;
	s4 =	sshll.u32 s4, $0x1;
	s5 =	sadd.s32 $0x400, s1  }
0x8: {  	_ =	strace $0x80000047;
	s4 =	sor.u32 s3, s4;
	s3 =	ssub.s32 $0x2, s3  }
0x9: {  	s29 =	sshll.u32 s4, $0x10;
	s30 =	sshrl.u32 s3, $0x1;
	s4 =	sshll.u32 s4, $0x8  }
0xa: {  	[dreg:$0x3] =	wrdreg s5;
	s3 =	ssub.s32 s3, s30;
	s0 =	sadd.s32 s0, s4  }
0xb: {  	v0 =	vlaneseq.u32;
	s1 =	sadd.s32 s29, s1;
	[dreg:$0x4] =	wrdreg s0;
	s31 =	smax.u32 s3, $0x1  }
0xc: {  	s17 =	simm.s32 $0x0;
	v0 =	vmul.u32 $0x4, v0;
	s5 =	sadd.s32 $0xC00, s1;
	[dreg:$0x5] =	wrdreg s31  }
.LBB2_1:
0xd: {  	s0 =	rddreg [dreg:$0x3]  }
0xe: {  	[tilespmem:s2], [sflag:$0x3] =	stream.linear.gather [hbm4b:s0+s2], $0x4000, $0x38;
	[tilespmem:$0x16800] =	vst v63  }
0xf: {  	_ =	swait.ge [sflag:s7], $0x4000  }
0x10: {  	[sflag:s7] =	ssyncset.done $0x0  }
0x11: {  	v1 =	vor.u32 s2, v0;
	s28 =	rddreg [dreg:$0x4];
	[sflag:s7] =	ssyncadd.s32 $0xFFFFC000  }
0x12: {  	[tilespmem:s8], [sflag:$0x3] =	stream.linear.gather [hbm4b:s28+s2], $0x800, $0x38;
	[tilespmem:$0x16800] =	vst v63  }
0x13: {  	_ =	swait.ge [sflag:s7], $0x800  }
0x14: {  	[sflag:s7] =	ssyncset.done $0x0  }
0x15: {  	[sflag:s7] =	ssyncadd.s32 $0xFFFFF800  }
0x16: {  	v2 =	vld.idx.msk [tilespmem:v1+s8+$0x0], $0xffff;
	_ =	sdelay $0x4  }
0x17: {  	v2 =	vmul.f32 $1.600000000e+01, v2;
	_ =	sdelay $0x1  }
0x18: {  	v3 =	vmax.f32 v2, $0.0e+00  }
0x19: {  	v3 =	vmin.f32 v3, $1.500000000e+01  }
0x1a: {  	v3 =	vtrunc.f32 v3  }
0x1b: {  	v3 =	vcvt.f32.s32 v3;
	_ =	sdelay $0x1  }
0x1c: {  	v4 =	vadd.s32 $0x1, v3;
	v5 =	vcvt.s32.f32 v3  }
0x1d: {  	s29 =	simm.s32 $0x1;
	v3 =	vshll.u32 v3, $0xA;
	vm0 =	vlt.s32 v4, $0xF  }
0x1e: {  	v4 =	vnsel vm0, $0xF, v4;
	v2 =	vsub.f32 v2, v5;
	v5 =	vor.u32 s29, v0  }
0x1f: {  	[tilespmem:v1+s9+$0x0] =	vst.idx.msk $0xffff, v3;
	v3 =	vshll.u32 v4, $0xA  }
0x20: {  	[tilespmem:v1+s10+$0x0] =	vst.idx.msk $0xffff, v3;
	v3 =	vsub.f32 $1.000000000e+00, v2  }
0x21: {  	[tilespmem:v1+s11+$0x0] =	vst.idx.msk $0xffff, v2  }
0x22: {  	[tilespmem:v1+s12+$0x0] =	vst.idx.msk $0xffff, v3  }
0x23: {  	v1 =	vld.idx.msk [tilespmem:v5+s8+$0x0], $0xffff;
	_ =	sdelay $0x4  }
0x24: {  	v1 =	vmul.f32 $1.600000000e+01, v1;
	_ =	sdelay $0x1  }
0x25: {  	v2 =	vmax.f32 v1, $0.0e+00  }
0x26: {  	v2 =	vmin.f32 v2, $1.500000000e+01  }
0x27: {  	v2 =	vtrunc.f32 v2  }
0x28: {  	v2 =	vcvt.f32.s32 v2;
	_ =	sdelay $0x1  }
0x29: {  	v3 =	vadd.s32 $0x1, v2  }
0x2a: {  	v4 =	vcvt.s32.f32 v2;
	v2 =	vshll.u32 v2, $0xA;
	vm13 =	vlt.s32 v3, $0xF  }
0x2b: {  	s30 =	simm.s32 $0x2;
	v2 =	vor.u32 $0x100, v2;
	v3 =	vnsel vm13, $0xF, v3  }
0x2c: {  	v1 =	vsub.f32 v1, v4;
	v4 =	vor.u32 s30, v0;
	v3 =	vshll.u32 v3, $0xA  }
0x2d: {  	[tilespmem:v5+s9+$0x0] =	vst.idx.msk $0xffff, v2;
	v2 =	vor.u32 $0x100, v3  }
0x2e: {  	[tilespmem:v5+s10+$0x0] =	vst.idx.msk $0xffff, v2;
	v2 =	vsub.f32 $1.000000000e+00, v1  }
0x2f: {  	[tilespmem:v5+s11+$0x0] =	vst.idx.msk $0xffff, v1  }
0x30: {  	[tilespmem:v5+s12+$0x0] =	vst.idx.msk $0xffff, v2  }
0x31: {  	v1 =	vld.idx.msk [tilespmem:v4+s8+$0x0], $0xffff;
	_ =	sdelay $0x4  }
0x32: {  	v1 =	vmul.f32 $1.600000000e+01, v1;
	_ =	sdelay $0x1  }
0x33: {  	v2 =	vmax.f32 v1, $0.0e+00  }
0x34: {  	v2 =	vmin.f32 v2, $1.500000000e+01  }
0x35: {  	v2 =	vtrunc.f32 v2  }
0x36: {  	v2 =	vcvt.f32.s32 v2;
	_ =	sdelay $0x1  }
0x37: {  	v3 =	vadd.s32 $0x1, v2  }
0x38: {  	v5 =	vcvt.s32.f32 v2;
	v2 =	vshll.u32 v2, $0xA;
	vm14 =	vlt.s32 v3, $0xF  }
0x39: {  	s31 =	simm.s32 $0x3;
	v2 =	vor.u32 $0x200, v2;
	v3 =	vnsel vm14, $0xF, v3  }
0x3a: {  	v5 =	vsub.f32 v1, v5;
	v1 =	vor.u32 s31, v0;
	v3 =	vshll.u32 v3, $0xA  }
0x3b: {  	[tilespmem:v4+s9+$0x0] =	vst.idx.msk $0xffff, v2;
	v2 =	vor.u32 $0x200, v3  }
0x3c: {  	[tilespmem:v4+s10+$0x0] =	vst.idx.msk $0xffff, v2;
	v2 =	vsub.f32 $1.000000000e+00, v5  }
0x3d: {  	[tilespmem:v4+s11+$0x0] =	vst.idx.msk $0xffff, v5  }
0x3e: {  	[tilespmem:v4+s12+$0x0] =	vst.idx.msk $0xffff, v2  }
0x3f: {  	v2 =	vld.idx.msk [tilespmem:v1+s8+$0x0], $0xffff;
	_ =	sdelay $0x4  }
0x40: {  	v2 =	vmul.f32 $1.600000000e+01, v2;
	_ =	sdelay $0x1  }
0x41: {  	v3 =	vmax.f32 v2, $0.0e+00  }
0x42: {  	v3 =	vmin.f32 v3, $1.500000000e+01  }
0x43: {  	v3 =	vtrunc.f32 v3  }
0x44: {  	v3 =	vcvt.f32.s32 v3;
	_ =	sdelay $0x1  }
0x45: {  	v4 =	vadd.s32 $0x1, v3  }
0x46: {  	vm15 =	vlt.s32 v4, $0xF  }
0x47: {  	v5 =	vcvt.s32.f32 v3;
	v3 =	vshll.u32 v3, $0xA;
	v4 =	vnsel vm15, $0xF, v4  }
0x48: {  	v3 =	vor.u32 $0x300, v3;
	v4 =	vshll.u32 v4, $0xA  }
0x49: {  	s0 =	simm.s32 $0x40;
	v5 =	vsub.f32 v2, v5;
	[tilespmem:v1+s9+$0x0] =	vst.idx.msk $0xffff, v3;
	v2 =	vor.u32 $0x300, v4  }
0x4a: {  	[tilespmem:v1+s10+$0x0] =	vst.idx.msk $0xffff, v2;
	v2 =	vor.u32 s0, v0;
	_ =	sdelay $0x1  }
0x4b: {  	v3 =	vsub.f32 $1.000000000e+00, v5  }
0x4c: {  	s1 =	simm.s32 $0x80;
	[tilespmem:v1+s11+$0x0] =	vst.idx.msk $0xffff, v5  }
.LBB2_2:
0x4d: {  	p0 =	sne.s32 s1, $0x7C0;
	[tilespmem:v1+s12+$0x0] =	vst.idx.msk $0xffff, v3;
	s3 =	smov.u32 s1;
	s1 =	sadd.s32 $0x40, s1  }
0x4e: {  	v1 =	vld.idx.msk [tilespmem:v2+s8+$0x0], $0xffff;
	_ =	sdelay $0x5  }
0x4f: {  	v1 =	vmul.f32 $1.600000000e+01, v1;
	_ =	sdelay $0x1  }
0x50: {  	v3 =	vmax.f32 v1, $0.0e+00  }
0x51: {  	v3 =	vmin.f32 v3, $1.500000000e+01  }
0x52: {  	v3 =	vtrunc.f32 v3  }
0x53: {  	v3 =	vcvt.f32.s32 v3;
	_ =	sdelay $0x1  }
0x54: {  	v4 =	vadd.s32 $0x1, v3;
	v5 =	vcvt.s32.f32 v3;
	v3 =	vshll.u32 v3, $0xA  }
0x55: {  	s4 =	sadd.s32 $0x1, s0;
	vm0 =	vlt.s32 v4, $0xF  }
0x56: {  	v4 =	vnsel vm0, $0xF, v4;
	v1 =	vsub.f32 v1, v5;
	v5 =	vor.u32 s4, v0  }
0x57: {  	[tilespmem:v2+s9+$0x0] =	vst.idx.msk $0xffff, v3;
	v3 =	vshll.u32 v4, $0xA  }
0x58: {  	[tilespmem:v2+s10+$0x0] =	vst.idx.msk $0xffff, v3;
	v3 =	vsub.f32 $1.000000000e+00, v1  }
0x59: {  	[tilespmem:v2+s11+$0x0] =	vst.idx.msk $0xffff, v1  }
0x5a: {  	[tilespmem:v2+s12+$0x0] =	vst.idx.msk $0xffff, v3  }
0x5b: {  	v1 =	vld.idx.msk [tilespmem:v5+s8+$0x0], $0xffff;
	_ =	sdelay $0x5  }
0x5c: {  	v1 =	vmul.f32 $1.600000000e+01, v1;
	_ =	sdelay $0x1  }
0x5d: {  	v2 =	vmax.f32 v1, $0.0e+00  }
0x5e: {  	v2 =	vmin.f32 v2, $1.500000000e+01  }
0x5f: {  	v2 =	vtrunc.f32 v2  }
0x60: {  	v2 =	vcvt.f32.s32 v2;
	_ =	sdelay $0x1  }
0x61: {  	v3 =	vadd.s32 $0x1, v2;
	v4 =	vcvt.s32.f32 v2;
	v2 =	vshll.u32 v2, $0xA  }
0x62: {  	vm0 =	vlt.s32 v3, $0xF;
	v2 =	vor.u32 $0x100, v2  }
0x63: {  	s4 =	sadd.s32 $0x2, s0;
	v3 =	vnsel vm0, $0xF, v3;
	v1 =	vsub.f32 v1, v4  }
0x64: {  	v4 =	vor.u32 s4, v0;
	v3 =	vshll.u32 v3, $0xA  }
0x65: {  	[tilespmem:v5+s9+$0x0] =	vst.idx.msk $0xffff, v2;
	v2 =	vor.u32 $0x100, v3  }
0x66: {  	[tilespmem:v5+s10+$0x0] =	vst.idx.msk $0xffff, v2;
	v2 =	vsub.f32 $1.000000000e+00, v1  }
0x67: {  	[tilespmem:v5+s11+$0x0] =	vst.idx.msk $0xffff, v1  }
0x68: {  	[tilespmem:v5+s12+$0x0] =	vst.idx.msk $0xffff, v2  }
0x69: {  	v1 =	vld.idx.msk [tilespmem:v4+s8+$0x0], $0xffff;
	_ =	sdelay $0x5  }
0x6a: {  	v1 =	vmul.f32 $1.600000000e+01, v1;
	_ =	sdelay $0x1  }
0x6b: {  	v2 =	vmax.f32 v1, $0.0e+00  }
0x6c: {  	v2 =	vmin.f32 v2, $1.500000000e+01  }
0x6d: {  	v2 =	vtrunc.f32 v2  }
0x6e: {  	v2 =	vcvt.f32.s32 v2;
	_ =	sdelay $0x1  }
0x6f: {  	v3 =	vadd.s32 $0x1, v2;
	v5 =	vcvt.s32.f32 v2;
	v2 =	vshll.u32 v2, $0xA  }
0x70: {  	vm0 =	vlt.s32 v3, $0xF;
	v2 =	vor.u32 $0x200, v2  }
0x71: {  	s4 =	sadd.s32 $0x3, s0;
	s0 =	smov.u32 s3;
	v3 =	vnsel vm0, $0xF, v3;
	v5 =	vsub.f32 v1, v5;
	[tilespmem:v4+s9+$0x0] =	vst.idx.msk $0xffff, v2  }
0x72: {  	v1 =	vor.u32 s4, v0;
	v2 =	vshll.u32 v3, $0xA  }
0x73: {  	v2 =	vor.u32 $0x200, v2  }
0x74: {  	[tilespmem:v4+s10+$0x0] =	vst.idx.msk $0xffff, v2;
	v2 =	vsub.f32 $1.000000000e+00, v5  }
0x75: {  	[tilespmem:v4+s11+$0x0] =	vst.idx.msk $0xffff, v5  }
0x76: {  	[tilespmem:v4+s12+$0x0] =	vst.idx.msk $0xffff, v2  }
0x77: {  	v2 =	vld.idx.msk [tilespmem:v1+s8+$0x0], $0xffff;
	_ =	sdelay $0x5  }
0x78: {  	v2 =	vmul.f32 $1.600000000e+01, v2;
	_ =	sdelay $0x1  }
0x79: {  	v3 =	vmax.f32 v2, $0.0e+00  }
0x7a: {  	v3 =	vmin.f32 v3, $1.500000000e+01  }
0x7b: {  	v3 =	vtrunc.f32 v3  }
0x7c: {  	v3 =	vcvt.f32.s32 v3;
	_ =	sdelay $0x1  }
0x7d: {  	v4 =	vadd.s32 $0x1, v3;
	v5 =	vcvt.s32.f32 v3;
	v3 =	vshll.u32 v3, $0xA  }
0x7e: {  	vm0 =	vlt.s32 v4, $0xF;
	v3 =	vor.u32 $0x300, v3  }
.Ltmp0:
0x7f: {  	v4 =	vnsel vm0, $0xF, v4;
	v5 =	vsub.f32 v2, v5;
	[tilespmem:v1+s9+$0x0] =	vst.idx.msk $0xffff, v3;
	(pc) =	sbr.rel @p0 .LBB2_2-.Ltmp0, $4  }
0x80: {  	v2 =	vor.u32 s0, v0;
	v3 =	vshll.u32 v4, $0xA  }
0x81: {  	v3 =	vor.u32 $0x300, v3  }
0x82: {  	[tilespmem:v1+s10+$0x0] =	vst.idx.msk $0xffff, v3;
	v3 =	vsub.f32 $1.000000000e+00, v5  }
0x83: {  	[tilespmem:v1+s11+$0x0] =	vst.idx.msk $0xffff, v5  }
0x84: {  	_ =	sdelay $0x3  }
0x85: {  	[tilespmem:v1+s12+$0x0] =	vst.idx.msk $0xffff, v3  }
0x86: {  	v1 =	vld.idx.msk [tilespmem:v2+s8+$0x0], $0xffff;
	_ =	sdelay $0x4  }
0x87: {  	v1 =	vmul.f32 $1.600000000e+01, v1;
	_ =	sdelay $0x1  }
0x88: {  	v3 =	vmax.f32 v1, $0.0e+00  }
0x89: {  	v3 =	vmin.f32 v3, $1.500000000e+01  }
0x8a: {  	v3 =	vtrunc.f32 v3  }
0x8b: {  	v3 =	vcvt.f32.s32 v3;
	_ =	sdelay $0x1  }
0x8c: {  	s1 =	sadd.s32 $0x1, s0;
	v4 =	vadd.s32 $0x1, v3;
	v5 =	vcvt.s32.f32 v3  }
0x8d: {  	v58 =	vor.u32 s1, v0;
	vm0 =	vlt.s32 v4, $0xF  }
0x8e: {  	v3 =	vshll.u32 v3, $0xA;
	v4 =	vnsel vm0, $0xF, v4;
	v1 =	vsub.f32 v1, v5  }
0x8f: {  	[tilespmem:v2+s9+$0x0] =	vst.idx.msk $0xffff, v3;
	v3 =	vshll.u32 v4, $0xA  }
0x90: {  	[tilespmem:v2+s10+$0x0] =	vst.idx.msk $0xffff, v3;
	v3 =	vsub.f32 $1.000000000e+00, v1  }
0x91: {  	[tilespmem:v2+s11+$0x0] =	vst.idx.msk $0xffff, v1  }
0x92: {  	[tilespmem:v2+s12+$0x0] =	vst.idx.msk $0xffff, v3  }
0x93: {  	v1 =	vld.idx.msk [tilespmem:v58+s8+$0x0], $0xffff;
	_ =	sdelay $0x4  }
0x94: {  	v1 =	vmul.f32 $1.600000000e+01, v1;
	_ =	sdelay $0x1  }
0x95: {  	v2 =	vmax.f32 v1, $0.0e+00  }
0x96: {  	v2 =	vmin.f32 v2, $1.500000000e+01  }
0x97: {  	v2 =	vtrunc.f32 v2  }
0x98: {  	v2 =	vcvt.f32.s32 v2;
	_ =	sdelay $0x1  }
0x99: {  	v3 =	vadd.s32 $0x1, v2  }
0x9a: {  	s30 =	sadd.s32 $0x2, s0;
	v59 =	vcvt.s32.f32 v2;
	vm13 =	vlt.s32 v3, $0xF  }
0x9b: {  	v60 =	vor.u32 s30, v0;
	v2 =	vshll.u32 v2, $0xA;
	v3 =	vnsel vm13, $0xF, v3  }
0x9c: {  	v2 =	vor.u32 $0x100, v2;
	v1 =	vsub.f32 v1, v59;
	v3 =	vshll.u32 v3, $0xA  }
0x9d: {  	[tilespmem:v58+s9+$0x0] =	vst.idx.msk $0xffff, v2;
	v2 =	vor.u32 $0x100, v3  }
0x9e: {  	[tilespmem:v58+s10+$0x0] =	vst.idx.msk $0xffff, v2;
	v2 =	vsub.f32 $1.000000000e+00, v1  }
0x9f: {  	[tilespmem:v58+s11+$0x0] =	vst.idx.msk $0xffff, v1  }
0xa0: {  	[tilespmem:v58+s12+$0x0] =	vst.idx.msk $0xffff, v2  }
0xa1: {  	v1 =	vld.idx.msk [tilespmem:v60+s8+$0x0], $0xffff;
	_ =	sdelay $0x4  }
0xa2: {  	v1 =	vmul.f32 $1.600000000e+01, v1;
	_ =	sdelay $0x1  }
0xa3: {  	v2 =	vmax.f32 v1, $0.0e+00  }
0xa4: {  	v2 =	vmin.f32 v2, $1.500000000e+01  }
0xa5: {  	v2 =	vtrunc.f32 v2  }
0xa6: {  	v2 =	vcvt.f32.s32 v2;
	_ =	sdelay $0x1  }
0xa7: {  	v3 =	vadd.s32 $0x1, v2  }
0xa8: {  	s31 =	sadd.s32 $0x3, s0;
	v61 =	vcvt.s32.f32 v2;
	vm14 =	vlt.s32 v3, $0xF  }
0xa9: {  	v62 =	vor.u32 s31, v0;
	v2 =	vshll.u32 v2, $0xA;
	v3 =	vnsel vm14, $0xF, v3  }
0xaa: {  	v2 =	vor.u32 $0x200, v2;
	v1 =	vsub.f32 v1, v61;
	v3 =	vshll.u32 v3, $0xA  }
0xab: {  	[tilespmem:v60+s9+$0x0] =	vst.idx.msk $0xffff, v2;
	v2 =	vor.u32 $0x200, v3  }
0xac: {  	[tilespmem:v60+s10+$0x0] =	vst.idx.msk $0xffff, v2;
	v2 =	vsub.f32 $1.000000000e+00, v1  }
0xad: {  	[tilespmem:v60+s11+$0x0] =	vst.idx.msk $0xffff, v1  }
0xae: {  	[tilespmem:v60+s12+$0x0] =	vst.idx.msk $0xffff, v2  }
0xaf: {  	v1 =	vld.idx.msk [tilespmem:v62+s8+$0x0], $0xffff;
	_ =	sdelay $0x4  }
0xb0: {  	v1 =	vmul.f32 $1.600000000e+01, v1;
	_ =	sdelay $0x1  }
0xb1: {  	v2 =	vmax.f32 v1, $0.0e+00  }
0xb2: {  	v2 =	vmin.f32 v2, $1.500000000e+01  }
0xb3: {  	v2 =	vtrunc.f32 v2  }
0xb4: {  	v2 =	vcvt.f32.s32 v2;
	_ =	sdelay $0x1  }
0xb5: {  	v3 =	vadd.s32 $0x1, v2  }
0xb6: {  	v63 =	vcvt.s32.f32 v2;
	vm15 =	vlt.s32 v3, $0xF  }
0xb7: {  	v2 =	vshll.u32 v2, $0xA;
	v3 =	vnsel vm15, $0xF, v3  }
0xb8: {  	v2 =	vor.u32 $0x300, v2;
	v1 =	vsub.f32 v1, v63;
	v3 =	vshll.u32 v3, $0xA  }
0xb9: {  	[tilespmem:v62+s9+$0x0] =	vst.idx.msk $0xffff, v2;
	v2 =	vor.u32 $0x300, v3  }
0xba: {  	[tilespmem:v62+s10+$0x0] =	vst.idx.msk $0xffff, v2;
	v2 =	vsub.f32 $1.000000000e+00, v1  }
0xbb: {  	[tilespmem:v62+s11+$0x0] =	vst.idx.msk $0xffff, v1  }
0xbc: {  	s18 =	simm.s32 $0x0;
	[tilespmem:v62+s12+$0x0] =	vst.idx.msk $0xffff, v2  }
.LBB2_4:
0xbd: {  	p0 =	seq.s32 s18, $0x0;
	s1 =	sshll.u32 s18, $0x8  }
0xbe: {  	s0 =	simm.s32 @!p0 $0x1;
	v1 =	vmov s1  }
0xbf: {  	_ =	swait.ge @!p0 [sflag:s0], $0x8000  }
0xc0: {  	[sflag:s0] =	ssyncset.done @!p0 $0x0  }
0xc1: {  	s19 =	simm.s32 $0x0;
	[sflag:s0] =	ssyncadd.s32 @!p0 $0xFFFF8000  }
.LBB2_5:
0xc2: {  	s0 =	sshll.u32 s19, $0x2  }
0xc3: {  	v2 =	vld.idx.msk [tilespmem:v1+s0+$0x14800 ss:$0x1], $0xffff  }
0xc4: {  	v3 =	vld.idx.msk [tilespmem:v1+s0+$0x15000 ss:$0x1], $0xffff;
	_ =	sdelay $0x3  }
0xc5: {  	(v2sf) =	vpush v2, $0x0  }
0xc6: {  	(v2sf) =	vpush v3, $0x0;
	_ =	sdelay $0xc  }
0xc7: {  	v4 =	vld.idx.msk [tilespmem:v1+s0+$0x15800 ss:$0x1], $0xffff  }
0xc8: {  	v5 =	vld.idx.msk [tilespmem:v1+s0+$0x16000 ss:$0x1], $0xffff;
	s26 =	spop (v2sf)  }
0xc9: {  	s1 =	spop (v2sf);
	v6 =	vld [tilespmem:s26+$0x0]  }
0xca: {  	v7 =	vld [tilespmem:s1+$0x0];
	_ =	sdelay $0x2  }
0xcb: {  	v8 =	vbroadcast v4, $0x0;
	v9 =	vbroadcast v5, $0x0;
	_ =	sdelay $0x1  }
0xcc: {  	v6 =	vmul.f32 v6, v9;
	v7 =	vmul.f32 v7, v8;
	_ =	sdelay $0x1  }
0xcd: {  	s3 =	sshll.u32 s19, $0xA;
	v6 =	vadd.f32 v7, v6  }
0xce: {  	s21 =	sand.u32 $0x3FFFFC00, s3  }
0xcf: {  	[tilespmem:s21+$0x4800] =	vst v6  }
0xd0: {  	v6 =	vld [tilespmem:s26+$0x10]  }
0xd1: {  	v19 =	vld [tilespmem:s1+$0x10];
	_ =	sdelay $0x4  }
0xd2: {  	v6 =	vmul.f32 v6, v9;
	v7 =	vmul.f32 v19, v8;
	_ =	sdelay $0x1  }
0xd3: {  	v6 =	vadd.f32 v7, v6;
	_ =	sdelay $0x1  }
0xd4: {  	[tilespmem:s21+$0x4810] =	vst v6  }
0xd5: {  	v6 =	vld [tilespmem:s26+$0x20]  }
0xd6: {  	v20 =	vld [tilespmem:s1+$0x20];
	_ =	sdelay $0x4  }
0xd7: {  	v6 =	vmul.f32 v6, v9;
	v7 =	vmul.f32 v20, v8;
	_ =	sdelay $0x1  }
0xd8: {  	v6 =	vadd.f32 v7, v6;
	_ =	sdelay $0x1  }
0xd9: {  	[tilespmem:s21+$0x4820] =	vst v6  }
0xda: {  	v6 =	vld [tilespmem:s26+$0x30]  }
0xdb: {  	v21 =	vld [tilespmem:s1+$0x30];
	_ =	sdelay $0x4  }
0xdc: {  	v6 =	vmul.f32 v6, v9;
	v7 =	vmul.f32 v21, v8;
	_ =	sdelay $0x1  }
0xdd: {  	v6 =	vadd.f32 v7, v6;
	_ =	sdelay $0x1  }
0xde: {  	[tilespmem:s21+$0x4830] =	vst v6  }
0xdf: {  	v6 =	vld [tilespmem:s26+$0x40]  }
0xe0: {  	v22 =	vld [tilespmem:s1+$0x40];
	_ =	sdelay $0x4  }
0xe1: {  	v6 =	vmul.f32 v6, v9;
	v7 =	vmul.f32 v22, v8;
	_ =	sdelay $0x1  }
0xe2: {  	v6 =	vadd.f32 v7, v6;
	_ =	sdelay $0x1  }
0xe3: {  	[tilespmem:s21+$0x4840] =	vst v6  }
0xe4: {  	v6 =	vld [tilespmem:s26+$0x50]  }
0xe5: {  	v23 =	vld [tilespmem:s1+$0x50];
	_ =	sdelay $0x4  }
0xe6: {  	v6 =	vmul.f32 v6, v9;
	v7 =	vmul.f32 v23, v8;
	_ =	sdelay $0x1  }
0xe7: {  	v6 =	vadd.f32 v7, v6;
	_ =	sdelay $0x1  }
0xe8: {  	[tilespmem:s21+$0x4850] =	vst v6  }
0xe9: {  	v6 =	vld [tilespmem:s26+$0x60]  }
0xea: {  	v24 =	vld [tilespmem:s1+$0x60];
	_ =	sdelay $0x4  }
0xeb: {  	v6 =	vmul.f32 v6, v9;
	v7 =	vmul.f32 v24, v8;
	_ =	sdelay $0x1  }
0xec: {  	v6 =	vadd.f32 v7, v6;
	_ =	sdelay $0x1  }
0xed: {  	[tilespmem:s21+$0x4860] =	vst v6  }
0xee: {  	v6 =	vld [tilespmem:s26+$0x70]  }
0xef: {  	v25 =	vld [tilespmem:s1+$0x70];
	_ =	sdelay $0x4  }
0xf0: {  	v6 =	vmul.f32 v6, v9;
	v7 =	vmul.f32 v25, v8;
	_ =	sdelay $0x1  }
0xf1: {  	v6 =	vadd.f32 v7, v6;
	_ =	sdelay $0x1  }
0xf2: {  	[tilespmem:s21+$0x4870] =	vst v6  }
0xf3: {  	v6 =	vld [tilespmem:s26+$0x80]  }
0xf4: {  	v26 =	vld [tilespmem:s1+$0x80];
	_ =	sdelay $0x4  }
0xf5: {  	v6 =	vmul.f32 v6, v9;
	v7 =	vmul.f32 v26, v8;
	_ =	sdelay $0x1  }
0xf6: {  	v6 =	vadd.f32 v7, v6;
	_ =	sdelay $0x1  }
0xf7: {  	[tilespmem:s21+$0x4880] =	vst v6  }
0xf8: {  	v6 =	vld [tilespmem:s26+$0x90]  }
0xf9: {  	v27 =	vld [tilespmem:s1+$0x90];
	_ =	sdelay $0x4  }
0xfa: {  	v6 =	vmul.f32 v6, v9;
	v7 =	vmul.f32 v27, v8;
	_ =	sdelay $0x1  }
0xfb: {  	v6 =	vadd.f32 v7, v6;
	_ =	sdelay $0x1  }
0xfc: {  	[tilespmem:s21+$0x4890] =	vst v6  }
0xfd: {  	v6 =	vld [tilespmem:s26+$0xA0]  }
0xfe: {  	v28 =	vld [tilespmem:s1+$0xA0];
	_ =	sdelay $0x4  }
0xff: {  	v6 =	vmul.f32 v6, v9;
	v7 =	vmul.f32 v28, v8;
	_ =	sdelay $0x1  }
0x100: {  	v6 =	vadd.f32 v7, v6;
	_ =	sdelay $0x1  }
0x101: {  	[tilespmem:s21+$0x48A0] =	vst v6  }
0x102: {  	v6 =	vld [tilespmem:s26+$0xB0]  }
0x103: {  	v29 =	vld [tilespmem:s1+$0xB0];
	_ =	sdelay $0x4  }
0x104: {  	v6 =	vmul.f32 v6, v9;
	v7 =	vmul.f32 v29, v8;
	_ =	sdelay $0x1  }
0x105: {  	v6 =	vadd.f32 v7, v6;
	_ =	sdelay $0x1  }
0x106: {  	[tilespmem:s21+$0x48B0] =	vst v6  }
0x107: {  	v6 =	vld [tilespmem:s26+$0xC0]  }
0x108: {  	v30 =	vld [tilespmem:s1+$0xC0];
	_ =	sdelay $0x4  }
0x109: {  	v6 =	vmul.f32 v6, v9;
	v7 =	vmul.f32 v30, v8;
	_ =	sdelay $0x1  }
0x10a: {  	v6 =	vadd.f32 v7, v6;
	_ =	sdelay $0x1  }
0x10b: {  	[tilespmem:s21+$0x48C0] =	vst v6  }
0x10c: {  	v6 =	vld [tilespmem:s26+$0xD0]  }
0x10d: {  	v31 =	vld [tilespmem:s1+$0xD0];
	_ =	sdelay $0x4  }
0x10e: {  	v6 =	vmul.f32 v6, v9;
	v7 =	vmul.f32 v31, v8;
	_ =	sdelay $0x1  }
0x10f: {  	v6 =	vadd.f32 v7, v6;
	_ =	sdelay $0x1  }
0x110: {  	[tilespmem:s21+$0x48D0] =	vst v6  }
0x111: {  	v6 =	vld [tilespmem:s26+$0xE0]  }
0x112: {  	v32 =	vld [tilespmem:s1+$0xE0];
	_ =	sdelay $0x4  }
0x113: {  	(v2sf) =	vpush v2, $0x1;
	v6 =	vmul.f32 v6, v9;
	v7 =	vmul.f32 v32, v8  }
0x114: {  	(v2sf) =	vpush v3, $0x1  }
0x115: {  	v6 =	vadd.f32 v7, v6;
	_ =	sdelay $0x1  }
0x116: {  	[tilespmem:s21+$0x48E0] =	vst v6  }
0x117: {  	v6 =	vld [tilespmem:s26+$0xF0]  }
0x118: {  	v33 =	vld [tilespmem:s1+$0xF0];
	_ =	sdelay $0x4  }
0x119: {  	v6 =	vmul.f32 v6, v9;
	v7 =	vmul.f32 v33, v8;
	_ =	sdelay $0x1  }
0x11a: {  	v6 =	vadd.f32 v7, v6;
	_ =	sdelay $0x1  }
0x11b: {  	s16 =	spop (v2sf);
	[tilespmem:s21+$0x48F0] =	vst v6  }
0x11c: {  	s15 =	spop (v2sf);
	v6 =	vld [tilespmem:s16+$0x0]  }
0x11d: {  	v34 =	vld [tilespmem:s15+$0x0];
	_ =	sdelay $0x2  }
0x11e: {  	v35 =	vbroadcast v4, $0x1;
	v10 =	vbroadcast v5, $0x1;
	_ =	sdelay $0x1  }
0x11f: {  	v6 =	vmul.f32 v6, v10;
	v7 =	vmul.f32 v34, v35;
	_ =	sdelay $0x1  }
0x120: {  	v6 =	vadd.f32 v7, v6;
	_ =	sdelay $0x1  }
0x121: {  	[tilespmem:s21+$0x4900] =	vst v6  }
0x122: {  	v6 =	vld [tilespmem:s16+$0x10]  }
0x123: {  	v36 =	vld [tilespmem:s15+$0x10];
	_ =	sdelay $0x4  }
0x124: {  	v6 =	vmul.f32 v6, v10;
	v7 =	vmul.f32 v36, v35;
	_ =	sdelay $0x1  }
0x125: {  	v6 =	vadd.f32 v7, v6;
	_ =	sdelay $0x1  }
0x126: {  	[tilespmem:s21+$0x4910] =	vst v6  }
0x127: {  	v6 =	vld [tilespmem:s16+$0x20]  }
0x128: {  	v37 =	vld [tilespmem:s15+$0x20];
	_ =	sdelay $0x4  }
0x129: {  	v6 =	vmul.f32 v6, v10;
	v7 =	vmul.f32 v37, v35;
	_ =	sdelay $0x1  }
0x12a: {  	v6 =	vadd.f32 v7, v6;
	_ =	sdelay $0x1  }
0x12b: {  	[tilespmem:s21+$0x4920] =	vst v6  }
0x12c: {  	v6 =	vld [tilespmem:s16+$0x30]  }
0x12d: {  	v38 =	vld [tilespmem:s15+$0x30];
	_ =	sdelay $0x4  }
0x12e: {  	v6 =	vmul.f32 v6, v10;
	v7 =	vmul.f32 v38, v35;
	_ =	sdelay $0x1  }
0x12f: {  	v6 =	vadd.f32 v7, v6;
	_ =	sdelay $0x1  }
0x130: {  	[tilespmem:s21+$0x4930] =	vst v6  }
0x131: {  	v6 =	vld [tilespmem:s16+$0x40]  }
0x132: {  	v39 =	vld [tilespmem:s15+$0x40];
	_ =	sdelay $0x4  }
0x133: {  	v6 =	vmul.f32 v6, v10;
	v7 =	vmul.f32 v39, v35;
	_ =	sdelay $0x1  }
0x134: {  	v6 =	vadd.f32 v7, v6;
	_ =	sdelay $0x1  }
0x135: {  	[tilespmem:s21+$0x4940] =	vst v6  }
0x136: {  	v6 =	vld [tilespmem:s16+$0x50]  }
0x137: {  	v40 =	vld [tilespmem:s15+$0x50];
	_ =	sdelay $0x4  }
0x138: {  	v6 =	vmul.f32 v6, v10;
	v7 =	vmul.f32 v40, v35;
	_ =	sdelay $0x1  }
0x139: {  	v6 =	vadd.f32 v7, v6;
	_ =	sdelay $0x1  }
0x13a: {  	[tilespmem:s21+$0x4950] =	vst v6  }
0x13b: {  	v41 =	vld [tilespmem:s16+$0x60]  }
0x13c: {  	s20 =	sor.u32 $0x1, s19;
	v42 =	vld [tilespmem:s15+$0x60]  }
0x13d: {  	s4 =	sshll.u32 s20, $0x2  }
0x13e: {  	v6 =	vld.idx.msk [tilespmem:v1+s4+$0x14800 ss:$0x1], $0xffff  }
0x13f: {  	(v2sf) =	vpush v2, $0x2;
	v7 =	vld.idx.msk [tilespmem:v1+s4+$0x15000 ss:$0x1], $0xffff  }
0x140: {  	(v2sf) =	vpush v3, $0x2  }
0x141: {  	(v2sf) =	vpush v2, $0x3;
	v11 =	vmul.f32 v41, v10;
	v9 =	vmul.f32 v42, v35  }
0x142: {  	(v2sf) =	vpush v3, $0x3  }
0x143: {  	(v2sf) =	vpush v6, $0x0;
	v9 =	vadd.f32 v9, v11  }
0x144: {  	(v2sf) =	vpush v7, $0x0  }
0x145: {  	[tilespmem:s21+$0x4960] =	vst v9  }
0x146: {  	v2 =	vld [tilespmem:s16+$0x70]  }
0x147: {  	v3 =	vld [tilespmem:s15+$0x70];
	_ =	sdelay $0x4  }
0x148: {  	v2 =	vmul.f32 v2, v10;
	v3 =	vmul.f32 v3, v35;
	_ =	sdelay $0x1  }
0x149: {  	s28 =	spop (v2sf);
	v2 =	vadd.f32 v3, v2  }
0x14a: {  	s29 =	spop (v2sf);
	v3 =	vld.idx.msk [tilespmem:v1+s4+$0x16000 ss:$0x1], $0xffff  }
0x14b: {  	s30 =	spop (v2sf);
	[tilespmem:s21+$0x4970] =	vst v2;
	v2 =	vld.idx.msk [tilespmem:v1+s4+$0x15800 ss:$0x1], $0xffff  }
0x14c: {  	s22 =	spop (v2sf);
	v9 =	vld [tilespmem:s16+$0x80]  }
0x14d: {  	s31 =	spop (v2sf);
	v43 =	vld [tilespmem:s15+$0x80]  }
0x14e: {  	s6 =	spop (v2sf);
	v12 =	vld [tilespmem:s31+$0x0]  }
0x14f: {  	v13 =	vld [tilespmem:s6+$0x0];
	_ =	sdelay $0x1  }
0x150: {  	v11 =	vbroadcast v3, $0x0;
	v14 =	vmul.f32 v9, v10  }
0x151: {  	v15 =	vmul.f32 v43, v35;
	v9 =	vbroadcast v2, $0x0;
	_ =	sdelay $0x1  }
0x152: {  	v12 =	vmul.f32 v12, v11;
	v14 =	vadd.f32 v15, v14;
	v13 =	vmul.f32 v13, v9;
	_ =	sdelay $0x1  }
0x153: {  	s20 =	sshll.u32 s20, $0xA;
	[tilespmem:s21+$0x4980] =	vst v14;
	v12 =	vadd.f32 v13, v12  }
0x154: {  	s20 =	sand.u32 $0x3FFFFC00, s20;
	v14 =	vld [tilespmem:s16+$0x90]  }
0x155: {  	v44 =	vld [tilespmem:s15+$0x90];
	[tilespmem:s20+$0x4800] =	vst v12  }
0x156: {  	v12 =	vld [tilespmem:s31+$0x10]  }
0x157: {  	v45 =	vld [tilespmem:s6+$0x10];
	_ =	sdelay $0x2  }
0x158: {  	v14 =	vmul.f32 v14, v10;
	v13 =	vmul.f32 v44, v35;
	_ =	sdelay $0x1  }
0x159: {  	v13 =	vadd.f32 v13, v14;
	v12 =	vmul.f32 v12, v11;
	v46 =	vmul.f32 v45, v9;
	_ =	sdelay $0x1  }
0x15a: {  	[tilespmem:s21+$0x4990] =	vst v13;
	v12 =	vadd.f32 v46, v12  }
0x15b: {  	v13 =	vld [tilespmem:s16+$0xA0]  }
0x15c: {  	v47 =	vld [tilespmem:s15+$0xA0];
	[tilespmem:s20+$0x4810] =	vst v12  }
0x15d: {  	v12 =	vld [tilespmem:s31+$0x20]  }
0x15e: {  	v48 =	vld [tilespmem:s6+$0x20];
	_ =	sdelay $0x2  }
0x15f: {  	v13 =	vmul.f32 v13, v10;
	v14 =	vmul.f32 v47, v35;
	_ =	sdelay $0x1  }
0x160: {  	v13 =	vadd.f32 v14, v13;
	v12 =	vmul.f32 v12, v11;
	v49 =	vmul.f32 v48, v9;
	_ =	sdelay $0x1  }
0x161: {  	[tilespmem:s21+$0x49A0] =	vst v13;
	v12 =	vadd.f32 v49, v12  }
0x162: {  	v13 =	vld [tilespmem:s16+$0xB0]  }
0x163: {  	v50 =	vld [tilespmem:s15+$0xB0];
	[tilespmem:s20+$0x4820] =	vst v12  }
0x164: {  	v12 =	vld [tilespmem:s31+$0x30]  }
0x165: {  	v51 =	vld [tilespmem:s6+$0x30];
	_ =	sdelay $0x2  }
0x166: {  	v13 =	vmul.f32 v13, v10;
	v14 =	vmul.f32 v50, v35;
	_ =	sdelay $0x1  }
0x167: {  	v13 =	vadd.f32 v14, v13;
	v12 =	vmul.f32 v12, v11;
	v52 =	vmul.f32 v51, v9;
	_ =	sdelay $0x1  }
0x168: {  	[tilespmem:s21+$0x49B0] =	vst v13;
	v12 =	vadd.f32 v52, v12  }
0x169: {  	v13 =	vld [tilespmem:s16+$0xC0]  }
0x16a: {  	v53 =	vld [tilespmem:s15+$0xC0];
	[tilespmem:s20+$0x4830] =	vst v12  }
0x16b: {  	v12 =	vld [tilespmem:s31+$0x40]  }
0x16c: {  	v54 =	vld [tilespmem:s6+$0x40];
	_ =	sdelay $0x2  }
0x16d: {  	v13 =	vmul.f32 v13, v10;
	v14 =	vmul.f32 v53, v35;
	_ =	sdelay $0x1  }
0x16e: {  	v13 =	vadd.f32 v14, v13;
	v12 =	vmul.f32 v12, v11;
	v55 =	vmul.f32 v54, v9;
	_ =	sdelay $0x1  }
0x16f: {  	[tilespmem:s21+$0x49C0] =	vst v13;
	v12 =	vadd.f32 v55, v12  }
0x170: {  	v13 =	vld [tilespmem:s16+$0xD0]  }
0x171: {  	v56 =	vld [tilespmem:s15+$0xD0];
	[tilespmem:s20+$0x4840] =	vst v12  }
0x172: {  	v12 =	vld [tilespmem:s31+$0x50]  }
0x173: {  	v57 =	vld [tilespmem:s6+$0x50];
	_ =	sdelay $0x2  }
0x174: {  	v13 =	vmul.f32 v13, v10;
	v14 =	vmul.f32 v56, v35;
	_ =	sdelay $0x1  }
0x175: {  	v13 =	vadd.f32 v14, v13;
	v12 =	vmul.f32 v12, v11;
	v58 =	vmul.f32 v57, v9;
	_ =	sdelay $0x1  }
0x176: {  	[tilespmem:s21+$0x49D0] =	vst v13;
	v12 =	vadd.f32 v58, v12  }
0x177: {  	v13 =	vld [tilespmem:s16+$0xE0]  }
0x178: {  	v59 =	vld [tilespmem:s15+$0xE0];
	[tilespmem:s20+$0x4850] =	vst v12  }
0x179: {  	v12 =	vld [tilespmem:s31+$0x60]  }
0x17a: {  	v60 =	vld [tilespmem:s6+$0x60];
	_ =	sdelay $0x2  }
0x17b: {  	v13 =	vmul.f32 v13, v10;
	v14 =	vmul.f32 v59, v35;
	_ =	sdelay $0x1  }
0x17c: {  	v13 =	vadd.f32 v14, v13;
	v12 =	vmul.f32 v12, v11;
	v61 =	vmul.f32 v60, v9;
	_ =	sdelay $0x1  }
0x17d: {  	[tilespmem:s21+$0x49E0] =	vst v13;
	v12 =	vadd.f32 v61, v12  }
0x17e: {  	v13 =	vld [tilespmem:s16+$0xF0]  }
0x17f: {  	v62 =	vld [tilespmem:s15+$0xF0];
	[tilespmem:s20+$0x4860] =	vst v12  }
0x180: {  	v12 =	vld [tilespmem:s31+$0x70]  }
0x181: {  	v63 =	vld [tilespmem:s6+$0x70];
	_ =	sdelay $0x2  }
0x182: {  	v10 =	vmul.f32 v13, v10;
	v8 =	vmul.f32 v62, v35;
	_ =	sdelay $0x1  }
0x183: {  	v8 =	vadd.f32 v8, v10;
	v17 =	vmul.f32 v12, v11;
	v18 =	vmul.f32 v63, v9;
	_ =	sdelay $0x1  }
0x184: {  	[tilespmem:s21+$0x49F0] =	vst v8;
	v20 =	vadd.f32 v18, v17  }
0x185: {  	v19 =	vld [tilespmem:s28+$0x0]  }
0x186: {  	v21 =	vld [tilespmem:s29+$0x0];
	[tilespmem:s20+$0x4870] =	vst v20  }
0x187: {  	v22 =	vld [tilespmem:s31+$0x80]  }
0x188: {  	v23 =	vld [tilespmem:s6+$0x80]  }
0x189: {  	v10 =	vbroadcast v5, $0x2;
	v8 =	vbroadcast v4, $0x2;
	_ =	sdelay $0x1  }
0x18a: {  	v13 =	vmul.f32 v19, v10;
	v12 =	vmul.f32 v21, v8;
	_ =	sdelay $0x1  }
0x18b: {  	v12 =	vadd.f32 v12, v13;
	v24 =	vmul.f32 v22, v11;
	v25 =	vmul.f32 v23, v9;
	_ =	sdelay $0x1  }
0x18c: {  	[tilespmem:s21+$0x4A00] =	vst v12;
	v13 =	vadd.f32 v25, v24  }
0x18d: {  	v12 =	vld [tilespmem:s28+$0x10]  }
0x18e: {  	v26 =	vld [tilespmem:s29+$0x10];
	[tilespmem:s20+$0x4880] =	vst v13  }
0x18f: {  	v13 =	vld [tilespmem:s31+$0x90]  }
0x190: {  	v27 =	vld [tilespmem:s6+$0x90];
	_ =	sdelay $0x2  }
0x191: {  	v12 =	vmul.f32 v12, v10;
	v14 =	vmul.f32 v26, v8;
	_ =	sdelay $0x1  }
0x192: {  	v12 =	vadd.f32 v14, v12;
	v13 =	vmul.f32 v13, v11;
	v28 =	vmul.f32 v27, v9;
	_ =	sdelay $0x1  }
0x193: {  	[tilespmem:s21+$0x4A10] =	vst v12;
	v13 =	vadd.f32 v28, v13  }
0x194: {  	v12 =	vld [tilespmem:s28+$0x20]  }
0x195: {  	v29 =	vld [tilespmem:s29+$0x20];
	[tilespmem:s20+$0x4890] =	vst v13  }
0x196: {  	v13 =	vld [tilespmem:s31+$0xA0]  }
0x197: {  	v30 =	vld [tilespmem:s6+$0xA0];
	_ =	sdelay $0x2  }
0x198: {  	v12 =	vmul.f32 v12, v10;
	v14 =	vmul.f32 v29, v8;
	_ =	sdelay $0x1  }
0x199: {  	v12 =	vadd.f32 v14, v12;
	v13 =	vmul.f32 v13, v11;
	v31 =	vmul.f32 v30, v9;
	_ =	sdelay $0x1  }
0x19a: {  	[tilespmem:s21+$0x4A20] =	vst v12;
	v13 =	vadd.f32 v31, v13  }
0x19b: {  	v12 =	vld [tilespmem:s28+$0x30]  }
0x19c: {  	v32 =	vld [tilespmem:s29+$0x30];
	[tilespmem:s20+$0x48A0] =	vst v13  }
0x19d: {  	v13 =	vld [tilespmem:s31+$0xB0]  }
0x19e: {  	v33 =	vld [tilespmem:s6+$0xB0];
	_ =	sdelay $0x2  }
0x19f: {  	v12 =	vmul.f32 v12, v10;
	v14 =	vmul.f32 v32, v8;
	_ =	sdelay $0x1  }
0x1a0: {  	v12 =	vadd.f32 v14, v12;
	v13 =	vmul.f32 v13, v11;
	v34 =	vmul.f32 v33, v9;
	_ =	sdelay $0x1  }
0x1a1: {  	[tilespmem:s21+$0x4A30] =	vst v12;
	v13 =	vadd.f32 v34, v13  }
0x1a2: {  	v12 =	vld [tilespmem:s28+$0x40]  }
0x1a3: {  	v35 =	vld [tilespmem:s29+$0x40];
	[tilespmem:s20+$0x48B0] =	vst v13  }
0x1a4: {  	v13 =	vld [tilespmem:s31+$0xC0]  }
0x1a5: {  	v36 =	vld [tilespmem:s6+$0xC0];
	_ =	sdelay $0x2  }
0x1a6: {  	v12 =	vmul.f32 v12, v10;
	v14 =	vmul.f32 v35, v8;
	_ =	sdelay $0x1  }
0x1a7: {  	v12 =	vadd.f32 v14, v12;
	v13 =	vmul.f32 v13, v11;
	v37 =	vmul.f32 v36, v9;
	_ =	sdelay $0x1  }
0x1a8: {  	[tilespmem:s21+$0x4A40] =	vst v12;
	v13 =	vadd.f32 v37, v13  }
0x1a9: {  	v12 =	vld [tilespmem:s28+$0x50]  }
0x1aa: {  	v38 =	vld [tilespmem:s29+$0x50];
	[tilespmem:s20+$0x48C0] =	vst v13  }
0x1ab: {  	v13 =	vld [tilespmem:s31+$0xD0]  }
0x1ac: {  	v39 =	vld [tilespmem:s6+$0xD0];
	_ =	sdelay $0x2  }
0x1ad: {  	v12 =	vmul.f32 v12, v10;
	v14 =	vmul.f32 v38, v8;
	_ =	sdelay $0x1  }
0x1ae: {  	v12 =	vadd.f32 v14, v12;
	v13 =	vmul.f32 v13, v11;
	v40 =	vmul.f32 v39, v9;
	_ =	sdelay $0x1  }
0x1af: {  	[tilespmem:s21+$0x4A50] =	vst v12;
	v13 =	vadd.f32 v40, v13  }
0x1b0: {  	v12 =	vld [tilespmem:s28+$0x60]  }
0x1b1: {  	v41 =	vld [tilespmem:s29+$0x60];
	[tilespmem:s20+$0x48D0] =	vst v13  }
0x1b2: {  	v13 =	vld [tilespmem:s31+$0xE0]  }
0x1b3: {  	v42 =	vld [tilespmem:s6+$0xE0];
	_ =	sdelay $0x2  }
0x1b4: {  	v12 =	vmul.f32 v12, v10;
	v14 =	vmul.f32 v41, v8  }
0x1b5: {  	(v2sf) =	vpush v6, $0x1  }
0x1b6: {  	v12 =	vadd.f32 v14, v12;
	v13 =	vmul.f32 v13, v11;
	v43 =	vmul.f32 v42, v9  }
0x1b7: {  	(v2sf) =	vpush v7, $0x1  }
0x1b8: {  	[tilespmem:s21+$0x4A60] =	vst v12;
	v13 =	vadd.f32 v43, v13  }
0x1b9: {  	v12 =	vld [tilespmem:s28+$0x70]  }
0x1ba: {  	v44 =	vld [tilespmem:s29+$0x70];
	[tilespmem:s20+$0x48E0] =	vst v13  }
0x1bb: {  	v13 =	vld [tilespmem:s31+$0xF0]  }
0x1bc: {  	v45 =	vld [tilespmem:s6+$0xF0];
	_ =	sdelay $0x2  }
0x1bd: {  	v12 =	vmul.f32 v12, v10;
	v14 =	vmul.f32 v44, v8;
	_ =	sdelay $0x1  }
0x1be: {  	v12 =	vadd.f32 v14, v12;
	v11 =	vmul.f32 v13, v11;
	v9 =	vmul.f32 v45, v9;
	_ =	sdelay $0x1  }
0x1bf: {  	[tilespmem:s21+$0x4A70] =	vst v12;
	v9 =	vadd.f32 v9, v11  }
0x1c0: {  	v12 =	vld [tilespmem:s28+$0x80]  }
0x1c1: {  	s16 =	spop (v2sf);
	v46 =	vld [tilespmem:s29+$0x80];
	[tilespmem:s20+$0x48F0] =	vst v9  }
0x1c2: {  	s23 =	spop (v2sf);
	v9 =	vld [tilespmem:s16+$0x0]  }
0x1c3: {  	v47 =	vld [tilespmem:s23+$0x0];
	_ =	sdelay $0x1  }
0x1c4: {  	v11 =	vbroadcast v2, $0x1;
	v48 =	vmul.f32 v12, v10  }
0x1c5: {  	v49 =	vmul.f32 v46, v8;
	v12 =	vbroadcast v3, $0x1;
	_ =	sdelay $0x1  }
0x1c6: {  	v14 =	vadd.f32 v49, v48;
	v9 =	vmul.f32 v9, v12;
	v13 =	vmul.f32 v47, v11;
	_ =	sdelay $0x1  }
0x1c7: {  	[tilespmem:s21+$0x4A80] =	vst v14;
	v9 =	vadd.f32 v13, v9  }
0x1c8: {  	v14 =	vld [tilespmem:s28+$0x90]  }
0x1c9: {  	v50 =	vld [tilespmem:s29+$0x90];
	[tilespmem:s20+$0x4900] =	vst v9  }
0x1ca: {  	v9 =	vld [tilespmem:s16+$0x10]  }
0x1cb: {  	v51 =	vld [tilespmem:s23+$0x10];
	_ =	sdelay $0x2  }
0x1cc: {  	v14 =	vmul.f32 v14, v10;
	v13 =	vmul.f32 v50, v8;
	_ =	sdelay $0x1  }
0x1cd: {  	v13 =	vadd.f32 v13, v14;
	v9 =	vmul.f32 v9, v12;
	v52 =	vmul.f32 v51, v11;
	_ =	sdelay $0x1  }
0x1ce: {  	[tilespmem:s21+$0x4A90] =	vst v13;
	v9 =	vadd.f32 v52, v9  }
0x1cf: {  	v13 =	vld [tilespmem:s28+$0xA0]  }
0x1d0: {  	v53 =	vld [tilespmem:s29+$0xA0];
	[tilespmem:s20+$0x4910] =	vst v9  }
0x1d1: {  	v9 =	vld [tilespmem:s16+$0x20]  }
0x1d2: {  	v54 =	vld [tilespmem:s23+$0x20];
	_ =	sdelay $0x2  }
0x1d3: {  	v13 =	vmul.f32 v13, v10;
	v14 =	vmul.f32 v53, v8;
	_ =	sdelay $0x1  }
0x1d4: {  	v13 =	vadd.f32 v14, v13;
	v9 =	vmul.f32 v9, v12;
	v55 =	vmul.f32 v54, v11;
	_ =	sdelay $0x1  }
0x1d5: {  	[tilespmem:s21+$0x4AA0] =	vst v13;
	v9 =	vadd.f32 v55, v9  }
0x1d6: {  	v13 =	vld [tilespmem:s28+$0xB0]  }
0x1d7: {  	v56 =	vld [tilespmem:s29+$0xB0];
	[tilespmem:s20+$0x4920] =	vst v9  }
0x1d8: {  	v9 =	vld [tilespmem:s16+$0x30]  }
0x1d9: {  	v57 =	vld [tilespmem:s23+$0x30];
	_ =	sdelay $0x2  }
0x1da: {  	v13 =	vmul.f32 v13, v10;
	v14 =	vmul.f32 v56, v8;
	_ =	sdelay $0x1  }
0x1db: {  	v13 =	vadd.f32 v14, v13;
	v9 =	vmul.f32 v9, v12;
	v58 =	vmul.f32 v57, v11;
	_ =	sdelay $0x1  }
0x1dc: {  	[tilespmem:s21+$0x4AB0] =	vst v13;
	v9 =	vadd.f32 v58, v9  }
0x1dd: {  	v13 =	vld [tilespmem:s28+$0xC0]  }
0x1de: {  	v59 =	vld [tilespmem:s29+$0xC0];
	[tilespmem:s20+$0x4930] =	vst v9  }
0x1df: {  	v9 =	vld [tilespmem:s16+$0x40]  }
0x1e0: {  	v60 =	vld [tilespmem:s23+$0x40];
	_ =	sdelay $0x2  }
0x1e1: {  	v13 =	vmul.f32 v13, v10;
	v14 =	vmul.f32 v59, v8;
	_ =	sdelay $0x1  }
0x1e2: {  	v13 =	vadd.f32 v14, v13;
	v9 =	vmul.f32 v9, v12;
	v61 =	vmul.f32 v60, v11;
	_ =	sdelay $0x1  }
0x1e3: {  	[tilespmem:s21+$0x4AC0] =	vst v13;
	v9 =	vadd.f32 v61, v9  }
0x1e4: {  	v13 =	vld [tilespmem:s28+$0xD0]  }
0x1e5: {  	v62 =	vld [tilespmem:s29+$0xD0];
	[tilespmem:s20+$0x4940] =	vst v9  }
0x1e6: {  	v9 =	vld [tilespmem:s16+$0x50]  }
0x1e7: {  	v63 =	vld [tilespmem:s23+$0x50];
	_ =	sdelay $0x2  }
0x1e8: {  	v13 =	vmul.f32 v13, v10;
	v14 =	vmul.f32 v62, v8;
	_ =	sdelay $0x1  }
0x1e9: {  	v13 =	vadd.f32 v14, v13;
	v9 =	vmul.f32 v9, v12;
	v18 =	vmul.f32 v63, v11;
	_ =	sdelay $0x1  }
0x1ea: {  	[tilespmem:s21+$0x4AD0] =	vst v13;
	v9 =	vadd.f32 v18, v9  }
0x1eb: {  	v13 =	vld [tilespmem:s28+$0xE0]  }
0x1ec: {  	v19 =	vld [tilespmem:s29+$0xE0];
	[tilespmem:s20+$0x4950] =	vst v9  }
0x1ed: {  	v9 =	vld [tilespmem:s16+$0x60]  }
0x1ee: {  	v20 =	vld [tilespmem:s23+$0x60];
	_ =	sdelay $0x2  }
0x1ef: {  	v13 =	vmul.f32 v13, v10;
	v14 =	vmul.f32 v19, v8;
	_ =	sdelay $0x1  }
0x1f0: {  	v13 =	vadd.f32 v14, v13;
	v9 =	vmul.f32 v9, v12;
	v21 =	vmul.f32 v20, v11;
	_ =	sdelay $0x1  }
0x1f1: {  	[tilespmem:s21+$0x4AE0] =	vst v13;
	v9 =	vadd.f32 v21, v9  }
0x1f2: {  	v13 =	vld [tilespmem:s28+$0xF0]  }
0x1f3: {  	v22 =	vld [tilespmem:s29+$0xF0];
	[tilespmem:s20+$0x4960] =	vst v9  }
0x1f4: {  	v9 =	vld [tilespmem:s16+$0x70]  }
0x1f5: {  	v23 =	vld [tilespmem:s23+$0x70];
	_ =	sdelay $0x2  }
0x1f6: {  	v10 =	vmul.f32 v13, v10;
	v8 =	vmul.f32 v22, v8;
	_ =	sdelay $0x1  }
0x1f7: {  	v8 =	vadd.f32 v8, v10;
	v9 =	vmul.f32 v9, v12;
	v24 =	vmul.f32 v23, v11;
	_ =	sdelay $0x1  }
0x1f8: {  	[tilespmem:s21+$0x4AF0] =	vst v8;
	v26 =	vadd.f32 v24, v9  }
0x1f9: {  	v25 =	vld [tilespmem:s30+$0x0]  }
0x1fa: {  	v27 =	vld [tilespmem:s22+$0x0];
	[tilespmem:s20+$0x4970] =	vst v26  }
0x1fb: {  	v28 =	vld [tilespmem:s16+$0x80]  }
0x1fc: {  	v29 =	vld [tilespmem:s23+$0x80]  }
0x1fd: {  	v8 =	vbroadcast v4, $0x3;
	v9 =	vbroadcast v5, $0x3;
	_ =	sdelay $0x1  }
0x1fe: {  	v5 =	vmul.f32 v25, v9;
	v10 =	vmul.f32 v27, v8;
	_ =	sdelay $0x1  }
0x1ff: {  	v5 =	vadd.f32 v10, v5;
	v30 =	vmul.f32 v28, v12;
	v4 =	vmul.f32 v29, v11;
	_ =	sdelay $0x1  }
0x200: {  	[tilespmem:s21+$0x4B00] =	vst v5;
	v4 =	vadd.f32 v4, v30  }
0x201: {  	v5 =	vld [tilespmem:s30+$0x10]  }
0x202: {  	v31 =	vld [tilespmem:s22+$0x10];
	[tilespmem:s20+$0x4980] =	vst v4  }
0x203: {  	v4 =	vld [tilespmem:s16+$0x90]  }
0x204: {  	v32 =	vld [tilespmem:s23+$0x90];
	_ =	sdelay $0x2  }
0x205: {  	v5 =	vmul.f32 v5, v9;
	v10 =	vmul.f32 v31, v8;
	_ =	sdelay $0x1  }
0x206: {  	v5 =	vadd.f32 v10, v5;
	v4 =	vmul.f32 v4, v12;
	v33 =	vmul.f32 v32, v11;
	_ =	sdelay $0x1  }
0x207: {  	[tilespmem:s21+$0x4B10] =	vst v5;
	v4 =	vadd.f32 v33, v4  }
0x208: {  	v5 =	vld [tilespmem:s30+$0x20]  }
0x209: {  	v34 =	vld [tilespmem:s22+$0x20];
	[tilespmem:s20+$0x4990] =	vst v4  }
0x20a: {  	v4 =	vld [tilespmem:s16+$0xA0]  }
0x20b: {  	v35 =	vld [tilespmem:s23+$0xA0];
	_ =	sdelay $0x2  }
0x20c: {  	v5 =	vmul.f32 v5, v9;
	v10 =	vmul.f32 v34, v8;
	_ =	sdelay $0x1  }
0x20d: {  	v5 =	vadd.f32 v10, v5;
	v4 =	vmul.f32 v4, v12;
	v36 =	vmul.f32 v35, v11;
	_ =	sdelay $0x1  }
0x20e: {  	[tilespmem:s21+$0x4B20] =	vst v5;
	v4 =	vadd.f32 v36, v4  }
0x20f: {  	v5 =	vld [tilespmem:s30+$0x30]  }
0x210: {  	v37 =	vld [tilespmem:s22+$0x30];
	[tilespmem:s20+$0x49A0] =	vst v4  }
0x211: {  	v4 =	vld [tilespmem:s16+$0xB0]  }
0x212: {  	v38 =	vld [tilespmem:s23+$0xB0];
	_ =	sdelay $0x2  }
0x213: {  	v5 =	vmul.f32 v5, v9;
	v10 =	vmul.f32 v37, v8;
	_ =	sdelay $0x1  }
0x214: {  	v5 =	vadd.f32 v10, v5;
	v4 =	vmul.f32 v4, v12;
	v39 =	vmul.f32 v38, v11;
	_ =	sdelay $0x1  }
0x215: {  	[tilespmem:s21+$0x4B30] =	vst v5;
	v4 =	vadd.f32 v39, v4  }
0x216: {  	v5 =	vld [tilespmem:s30+$0x40]  }
0x217: {  	v40 =	vld [tilespmem:s22+$0x40];
	[tilespmem:s20+$0x49B0] =	vst v4  }
0x218: {  	v4 =	vld [tilespmem:s16+$0xC0]  }
0x219: {  	v41 =	vld [tilespmem:s23+$0xC0];
	_ =	sdelay $0x2  }
0x21a: {  	v5 =	vmul.f32 v5, v9;
	v10 =	vmul.f32 v40, v8;
	_ =	sdelay $0x1  }
0x21b: {  	v5 =	vadd.f32 v10, v5;
	v4 =	vmul.f32 v4, v12;
	v42 =	vmul.f32 v41, v11;
	_ =	sdelay $0x1  }
0x21c: {  	[tilespmem:s21+$0x4B40] =	vst v5;
	v4 =	vadd.f32 v42, v4  }
0x21d: {  	v5 =	vld [tilespmem:s30+$0x50]  }
0x21e: {  	v43 =	vld [tilespmem:s22+$0x50];
	[tilespmem:s20+$0x49C0] =	vst v4  }
0x21f: {  	v4 =	vld [tilespmem:s16+$0xD0]  }
0x220: {  	v44 =	vld [tilespmem:s23+$0xD0];
	_ =	sdelay $0x2  }
0x221: {  	v5 =	vmul.f32 v5, v9;
	v10 =	vmul.f32 v43, v8;
	_ =	sdelay $0x1  }
0x222: {  	v5 =	vadd.f32 v10, v5;
	v4 =	vmul.f32 v4, v12;
	v45 =	vmul.f32 v44, v11;
	_ =	sdelay $0x1  }
0x223: {  	[tilespmem:s21+$0x4B50] =	vst v5;
	v4 =	vadd.f32 v45, v4  }
0x224: {  	v5 =	vld [tilespmem:s30+$0x60]  }
0x225: {  	v46 =	vld [tilespmem:s22+$0x60];
	[tilespmem:s20+$0x49D0] =	vst v4  }
0x226: {  	v4 =	vld [tilespmem:s16+$0xE0]  }
0x227: {  	v47 =	vld [tilespmem:s23+$0xE0];
	_ =	sdelay $0x2  }
0x228: {  	v5 =	vmul.f32 v5, v9;
	v10 =	vmul.f32 v46, v8  }
0x229: {  	(v2sf) =	vpush v6, $0x2  }
0x22a: {  	v5 =	vadd.f32 v10, v5;
	v4 =	vmul.f32 v4, v12;
	v48 =	vmul.f32 v47, v11  }
0x22b: {  	(v2sf) =	vpush v7, $0x2  }
0x22c: {  	[tilespmem:s21+$0x4B60] =	vst v5;
	v4 =	vadd.f32 v48, v4  }
0x22d: {  	v5 =	vld [tilespmem:s30+$0x70]  }
0x22e: {  	v49 =	vld [tilespmem:s22+$0x70];
	[tilespmem:s20+$0x49E0] =	vst v4  }
0x22f: {  	v4 =	vld [tilespmem:s16+$0xF0]  }
0x230: {  	v50 =	vld [tilespmem:s23+$0xF0];
	_ =	sdelay $0x2  }
0x231: {  	v5 =	vmul.f32 v5, v9;
	v10 =	vmul.f32 v49, v8;
	_ =	sdelay $0x1  }
0x232: {  	v5 =	vadd.f32 v10, v5;
	v4 =	vmul.f32 v4, v12;
	v51 =	vmul.f32 v50, v11;
	_ =	sdelay $0x1  }
0x233: {  	[tilespmem:s21+$0x4B70] =	vst v5;
	v4 =	vadd.f32 v51, v4  }
0x234: {  	v5 =	vld [tilespmem:s30+$0x80]  }
0x235: {  	s29 =	spop (v2sf);
	v52 =	vld [tilespmem:s22+$0x80];
	[tilespmem:s20+$0x49F0] =	vst v4  }
0x236: {  	s28 =	spop (v2sf);
	v53 =	vld [tilespmem:s29+$0x0]  }
0x237: {  	v54 =	vld [tilespmem:s28+$0x0];
	_ =	sdelay $0x1  }
0x238: {  	v4 =	vbroadcast v2, $0x2;
	v55 =	vmul.f32 v5, v9  }
0x239: {  	v10 =	vmul.f32 v52, v8;
	v5 =	vbroadcast v3, $0x2;
	_ =	sdelay $0x1  }
0x23a: {  	v10 =	vadd.f32 v10, v55;
	v11 =	vmul.f32 v53, v5;
	v12 =	vmul.f32 v54, v4;
	_ =	sdelay $0x1  }
0x23b: {  	[tilespmem:s21+$0x4B80] =	vst v10;
	v56 =	vadd.f32 v12, v11  }
0x23c: {  	v57 =	vld [tilespmem:s30+$0x90]  }
0x23d: {  	v58 =	vld [tilespmem:s22+$0x90];
	[tilespmem:s20+$0x4A00] =	vst v56  }
0x23e: {  	v10 =	vld [tilespmem:s29+$0x10]  }
0x23f: {  	v59 =	vld [tilespmem:s28+$0x10];
	_ =	sdelay $0x2  }
0x240: {  	v11 =	vmul.f32 v57, v9;
	v12 =	vmul.f32 v58, v8;
	_ =	sdelay $0x1  }
0x241: {  	v11 =	vadd.f32 v12, v11;
	v10 =	vmul.f32 v10, v5;
	v60 =	vmul.f32 v59, v4;
	_ =	sdelay $0x1  }
0x242: {  	[tilespmem:s21+$0x4B90] =	vst v11;
	v10 =	vadd.f32 v60, v10  }
0x243: {  	v11 =	vld [tilespmem:s30+$0xA0]  }
0x244: {  	v61 =	vld [tilespmem:s22+$0xA0];
	[tilespmem:s20+$0x4A10] =	vst v10  }
0x245: {  	v10 =	vld [tilespmem:s29+$0x20]  }
0x246: {  	v62 =	vld [tilespmem:s28+$0x20];
	_ =	sdelay $0x2  }
0x247: {  	v11 =	vmul.f32 v11, v9;
	v12 =	vmul.f32 v61, v8;
	_ =	sdelay $0x1  }
0x248: {  	v11 =	vadd.f32 v12, v11;
	v10 =	vmul.f32 v10, v5;
	v63 =	vmul.f32 v62, v4;
	_ =	sdelay $0x1  }
0x249: {  	[tilespmem:s21+$0x4BA0] =	vst v11;
	v10 =	vadd.f32 v63, v10  }
0x24a: {  	v11 =	vld [tilespmem:s30+$0xB0]  }
0x24b: {  	v16 =	vld [tilespmem:s22+$0xB0];
	[tilespmem:s20+$0x4A20] =	vst v10  }
0x24c: {  	v10 =	vld [tilespmem:s29+$0x30]  }
0x24d: {  	v17 =	vld [tilespmem:s28+$0x30];
	_ =	sdelay $0x2  }
0x24e: {  	v11 =	vmul.f32 v11, v9;
	v12 =	vmul.f32 v16, v8;
	_ =	sdelay $0x1  }
0x24f: {  	v11 =	vadd.f32 v12, v11;
	v10 =	vmul.f32 v10, v5;
	v18 =	vmul.f32 v17, v4;
	_ =	sdelay $0x1  }
0x250: {  	[tilespmem:s21+$0x4BB0] =	vst v11;
	v10 =	vadd.f32 v18, v10  }
0x251: {  	v11 =	vld [tilespmem:s30+$0xC0]  }
0x252: {  	v19 =	vld [tilespmem:s22+$0xC0];
	[tilespmem:s20+$0x4A30] =	vst v10  }
0x253: {  	v10 =	vld [tilespmem:s29+$0x40]  }
0x254: {  	v20 =	vld [tilespmem:s28+$0x40];
	_ =	sdelay $0x2  }
0x255: {  	v11 =	vmul.f32 v11, v9;
	v12 =	vmul.f32 v19, v8;
	_ =	sdelay $0x1  }
0x256: {  	v11 =	vadd.f32 v12, v11;
	v10 =	vmul.f32 v10, v5;
	v21 =	vmul.f32 v20, v4;
	_ =	sdelay $0x1  }
0x257: {  	[tilespmem:s21+$0x4BC0] =	vst v11;
	v10 =	vadd.f32 v21, v10  }
0x258: {  	v11 =	vld [tilespmem:s30+$0xD0]  }
0x259: {  	v22 =	vld [tilespmem:s22+$0xD0];
	[tilespmem:s20+$0x4A40] =	vst v10  }
0x25a: {  	v10 =	vld [tilespmem:s29+$0x50]  }
0x25b: {  	v23 =	vld [tilespmem:s28+$0x50];
	_ =	sdelay $0x2  }
0x25c: {  	v11 =	vmul.f32 v11, v9;
	v12 =	vmul.f32 v22, v8;
	_ =	sdelay $0x1  }
0x25d: {  	v11 =	vadd.f32 v12, v11;
	v10 =	vmul.f32 v10, v5;
	v24 =	vmul.f32 v23, v4;
	_ =	sdelay $0x1  }
0x25e: {  	[tilespmem:s21+$0x4BD0] =	vst v11;
	v10 =	vadd.f32 v24, v10  }
0x25f: {  	v11 =	vld [tilespmem:s30+$0xE0]  }
0x260: {  	v25 =	vld [tilespmem:s22+$0xE0];
	[tilespmem:s20+$0x4A50] =	vst v10  }
0x261: {  	v10 =	vld [tilespmem:s29+$0x60]  }
0x262: {  	v26 =	vld [tilespmem:s28+$0x60];
	_ =	sdelay $0x2  }
0x263: {  	v11 =	vmul.f32 v11, v9;
	v12 =	vmul.f32 v25, v8;
	_ =	sdelay $0x1  }
0x264: {  	v11 =	vadd.f32 v12, v11;
	v10 =	vmul.f32 v10, v5;
	v27 =	vmul.f32 v26, v4;
	_ =	sdelay $0x1  }
0x265: {  	[tilespmem:s21+$0x4BE0] =	vst v11;
	v10 =	vadd.f32 v27, v10  }
0x266: {  	v11 =	vld [tilespmem:s30+$0xF0]  }
0x267: {  	v28 =	vld [tilespmem:s22+$0xF0];
	[tilespmem:s20+$0x4A60] =	vst v10  }
0x268: {  	v10 =	vld [tilespmem:s29+$0x70]  }
0x269: {  	v29 =	vld [tilespmem:s28+$0x70];
	_ =	sdelay $0x3  }
0x26a: {  	v9 =	vmul.f32 v11, v9;
	v8 =	vmul.f32 v28, v8  }
0x26b: {  	v10 =	vmul.f32 v10, v5;
	v30 =	vmul.f32 v29, v4  }
0x26c: {  	v8 =	vadd.f32 v8, v9  }
0x26d: {  	v31 =	vadd.f32 v30, v10  }
0x26e: {  	[tilespmem:s21+$0x4BF0] =	vst v8  }
0x26f: {  	s16 =	sor.u32 $0x2, s19;
	[tilespmem:s20+$0x4A70] =	vst v31  }
0x270: {  	s24 =	sshll.u32 s16, $0x2;
	v12 =	vld [tilespmem:s29+$0x80]  }
0x271: {  	v32 =	vld.idx.msk [tilespmem:v1+s24+$0x14800 ss:$0x1], $0xffff  }
0x272: {  	v33 =	vld.idx.msk [tilespmem:v1+s24+$0x15000 ss:$0x1], $0xffff;
	_ =	sdelay $0x1  }
0x273: {  	(v2sf) =	vpush v6, $0x3  }
0x274: {  	(v2sf) =	vpush v7, $0x3  }
0x275: {  	(v2sf) =	vpush v32, $0x0  }
0x276: {  	s26 =	sor.u32 $0x3, s19;
	(v2sf) =	vpush v33, $0x0  }
0x277: {  	s25 =	sshll.u32 s26, $0x2;
	(v2sf) =	vpush v32, $0x1  }
0x278: {  	v11 =	vld.idx.msk [tilespmem:v1+s25+$0x14800 ss:$0x1], $0xffff;
	(v2sf) =	vpush v33, $0x1  }
0x279: {  	v10 =	vld.idx.msk [tilespmem:v1+s25+$0x15000 ss:$0x1], $0xffff;
	(v2sf) =	vpush v32, $0x2  }
0x27a: {  	(v2sf) =	vpush v33, $0x2  }
0x27b: {  	(v2sf) =	vpush v32, $0x3  }
0x27c: {  	(v2sf) =	vpush v33, $0x3  }
0x27d: {  	(v2sf) =	vpush v11, $0x0  }
0x27e: {  	(v2sf) =	vpush v10, $0x0;
	_ =	sdelay $0x3  }
0x27f: {  	s21 =	spop (v2sf)  }
0x280: {  	s22 =	spop (v2sf)  }
0x281: {  	s4 =	spop (v2sf)  }
0x282: {  	s3 =	spop (v2sf)  }
0x283: {  	s1 =	spop (v2sf)  }
0x284: {  	v6 =	vld.idx.msk [tilespmem:v1+s24+$0x15800 ss:$0x1], $0xffff;
	s0 =	spop (v2sf)  }
0x285: {  	v9 =	vld.idx.msk [tilespmem:v1+s24+$0x16000 ss:$0x1], $0xffff;
	s30 =	spop (v2sf)  }
0x286: {  	v8 =	vld.idx.msk [tilespmem:v1+s25+$0x16000 ss:$0x1], $0xffff;
	s31 =	spop (v2sf)  }
0x287: {  	v7 =	vld.idx.msk [tilespmem:v1+s25+$0x15800 ss:$0x1], $0xffff;
	s23 =	spop (v2sf)  }
0x288: {  	v34 =	vld [tilespmem:s4+$0x0];
	s24 =	spop (v2sf)  }
0x289: {  	v16 =	vld [tilespmem:s3+$0x0];
	s6 =	spop (v2sf)  }
0x28a: {  	s15 =	spop (v2sf);
	v17 =	vld [tilespmem:s6+$0x0]  }
0x28b: {  	v14 =	vbroadcast v9, $0x0;
	v18 =	vld [tilespmem:s15+$0x0]  }
0x28c: {  	v13 =	vbroadcast v6, $0x0  }
0x28d: {  	v15 =	vbroadcast v7, $0x0;
	v19 =	vmul.f32 v34, v14  }
0x28e: {  	v20 =	vmul.f32 v16, v13;
	v16 =	vbroadcast v8, $0x0;
	_ =	sdelay $0x1  }
0x28f: {  	s16 =	sshll.u32 s16, $0xA;
	v19 =	vadd.f32 v20, v19;
	v17 =	vmul.f32 v17, v16;
	v18 =	vmul.f32 v18, v15  }
0x290: {  	s25 =	sand.u32 $0x3FFFFC00, s16  }
0x291: {  	s26 =	sshll.u32 s26, $0xA;
	[tilespmem:s25+$0x4800] =	vst v19;
	v17 =	vadd.f32 v18, v17  }
0x292: {  	s26 =	sand.u32 $0x3FFFFC00, s26;
	v19 =	vld [tilespmem:s4+$0x10]  }
0x293: {  	v35 =	vld [tilespmem:s3+$0x10];
	[tilespmem:s26+$0x4800] =	vst v17  }
0x294: {  	v17 =	vld [tilespmem:s6+$0x10]  }
0x295: {  	v36 =	vld [tilespmem:s15+$0x10];
	_ =	sdelay $0x2  }
0x296: {  	v19 =	vmul.f32 v19, v14;
	v18 =	vmul.f32 v35, v13;
	_ =	sdelay $0x1  }
0x297: {  	v18 =	vadd.f32 v18, v19;
	v17 =	vmul.f32 v17, v16;
	v37 =	vmul.f32 v36, v15;
	_ =	sdelay $0x1  }
0x298: {  	[tilespmem:s25+$0x4810] =	vst v18;
	v17 =	vadd.f32 v37, v17  }
0x299: {  	v18 =	vld [tilespmem:s4+$0x20]  }
0x29a: {  	v38 =	vld [tilespmem:s3+$0x20];
	[tilespmem:s26+$0x4810] =	vst v17  }
0x29b: {  	v17 =	vld [tilespmem:s6+$0x20]  }
0x29c: {  	v39 =	vld [tilespmem:s15+$0x20];
	_ =	sdelay $0x2  }
0x29d: {  	v18 =	vmul.f32 v18, v14;
	v19 =	vmul.f32 v38, v13;
	_ =	sdelay $0x1  }
0x29e: {  	v18 =	vadd.f32 v19, v18;
	v17 =	vmul.f32 v17, v16;
	v40 =	vmul.f32 v39, v15;
	_ =	sdelay $0x1  }
0x29f: {  	[tilespmem:s25+$0x4820] =	vst v18;
	v17 =	vadd.f32 v40, v17  }
0x2a0: {  	v18 =	vld [tilespmem:s4+$0x30]  }
0x2a1: {  	v41 =	vld [tilespmem:s3+$0x30];
	[tilespmem:s26+$0x4820] =	vst v17  }
0x2a2: {  	v17 =	vld [tilespmem:s6+$0x30]  }
0x2a3: {  	v42 =	vld [tilespmem:s15+$0x30];
	_ =	sdelay $0x2  }
0x2a4: {  	v18 =	vmul.f32 v18, v14;
	v19 =	vmul.f32 v41, v13;
	_ =	sdelay $0x1  }
0x2a5: {  	v18 =	vadd.f32 v19, v18;
	v17 =	vmul.f32 v17, v16;
	v43 =	vmul.f32 v42, v15;
	_ =	sdelay $0x1  }
0x2a6: {  	[tilespmem:s25+$0x4830] =	vst v18;
	v17 =	vadd.f32 v43, v17  }
0x2a7: {  	v18 =	vld [tilespmem:s4+$0x40]  }
0x2a8: {  	v44 =	vld [tilespmem:s3+$0x40];
	[tilespmem:s26+$0x4830] =	vst v17  }
0x2a9: {  	v17 =	vld [tilespmem:s6+$0x40]  }
0x2aa: {  	v45 =	vld [tilespmem:s15+$0x40];
	_ =	sdelay $0x2  }
0x2ab: {  	v18 =	vmul.f32 v18, v14;
	v19 =	vmul.f32 v44, v13;
	_ =	sdelay $0x1  }
0x2ac: {  	v18 =	vadd.f32 v19, v18;
	v17 =	vmul.f32 v17, v16;
	v46 =	vmul.f32 v45, v15;
	_ =	sdelay $0x1  }
0x2ad: {  	[tilespmem:s25+$0x4840] =	vst v18;
	v17 =	vadd.f32 v46, v17  }
0x2ae: {  	v18 =	vld [tilespmem:s4+$0x50]  }
0x2af: {  	v47 =	vld [tilespmem:s3+$0x50];
	[tilespmem:s26+$0x4840] =	vst v17  }
0x2b0: {  	v17 =	vld [tilespmem:s6+$0x50]  }
0x2b1: {  	v48 =	vld [tilespmem:s15+$0x50];
	_ =	sdelay $0x2  }
0x2b2: {  	v18 =	vmul.f32 v18, v14;
	v19 =	vmul.f32 v47, v13;
	_ =	sdelay $0x1  }
0x2b3: {  	v18 =	vadd.f32 v19, v18;
	v17 =	vmul.f32 v17, v16;
	v49 =	vmul.f32 v48, v15;
	_ =	sdelay $0x1  }
0x2b4: {  	[tilespmem:s25+$0x4850] =	vst v18;
	v17 =	vadd.f32 v49, v17  }
0x2b5: {  	v18 =	vld [tilespmem:s4+$0x60]  }
0x2b6: {  	v50 =	vld [tilespmem:s3+$0x60];
	[tilespmem:s26+$0x4850] =	vst v17  }
0x2b7: {  	v17 =	vld [tilespmem:s6+$0x60]  }
0x2b8: {  	v51 =	vld [tilespmem:s15+$0x60];
	_ =	sdelay $0x2  }
0x2b9: {  	v18 =	vmul.f32 v18, v14;
	v19 =	vmul.f32 v50, v13;
	_ =	sdelay $0x1  }
0x2ba: {  	v18 =	vadd.f32 v19, v18;
	v17 =	vmul.f32 v17, v16;
	v52 =	vmul.f32 v51, v15;
	_ =	sdelay $0x1  }
0x2bb: {  	[tilespmem:s25+$0x4860] =	vst v18;
	v17 =	vadd.f32 v52, v17  }
0x2bc: {  	v18 =	vld [tilespmem:s4+$0x70]  }
0x2bd: {  	v53 =	vld [tilespmem:s3+$0x70];
	[tilespmem:s26+$0x4860] =	vst v17  }
0x2be: {  	v17 =	vld [tilespmem:s6+$0x70]  }
0x2bf: {  	v54 =	vld [tilespmem:s15+$0x70];
	_ =	sdelay $0x2  }
0x2c0: {  	v18 =	vmul.f32 v18, v14;
	v19 =	vmul.f32 v53, v13;
	_ =	sdelay $0x1  }
0x2c1: {  	v18 =	vadd.f32 v19, v18;
	v17 =	vmul.f32 v17, v16;
	v55 =	vmul.f32 v54, v15;
	_ =	sdelay $0x1  }
0x2c2: {  	[tilespmem:s25+$0x4870] =	vst v18;
	v17 =	vadd.f32 v55, v17  }
0x2c3: {  	v18 =	vld [tilespmem:s4+$0x80]  }
0x2c4: {  	v56 =	vld [tilespmem:s3+$0x80];
	[tilespmem:s26+$0x4870] =	vst v17  }
0x2c5: {  	v17 =	vld [tilespmem:s6+$0x80]  }
0x2c6: {  	v57 =	vld [tilespmem:s15+$0x80];
	_ =	sdelay $0x2  }
0x2c7: {  	v18 =	vmul.f32 v18, v14;
	v19 =	vmul.f32 v56, v13;
	_ =	sdelay $0x1  }
0x2c8: {  	v18 =	vadd.f32 v19, v18;
	v17 =	vmul.f32 v17, v16;
	v58 =	vmul.f32 v57, v15;
	_ =	sdelay $0x1  }
0x2c9: {  	[tilespmem:s25+$0x4880] =	vst v18;
	v17 =	vadd.f32 v58, v17  }
0x2ca: {  	v18 =	vld [tilespmem:s4+$0x90]  }
0x2cb: {  	v59 =	vld [tilespmem:s3+$0x90];
	[tilespmem:s26+$0x4880] =	vst v17  }
0x2cc: {  	v17 =	vld [tilespmem:s6+$0x90]  }
0x2cd: {  	v60 =	vld [tilespmem:s15+$0x90];
	_ =	sdelay $0x2  }
0x2ce: {  	v18 =	vmul.f32 v18, v14;
	v19 =	vmul.f32 v59, v13;
	_ =	sdelay $0x1  }
0x2cf: {  	v18 =	vadd.f32 v19, v18;
	v17 =	vmul.f32 v17, v16;
	v61 =	vmul.f32 v60, v15;
	_ =	sdelay $0x1  }
0x2d0: {  	[tilespmem:s25+$0x4890] =	vst v18;
	v17 =	vadd.f32 v61, v17  }
0x2d1: {  	v18 =	vld [tilespmem:s4+$0xA0]  }
0x2d2: {  	v62 =	vld [tilespmem:s3+$0xA0];
	[tilespmem:s26+$0x4890] =	vst v17  }
0x2d3: {  	v17 =	vld [tilespmem:s6+$0xA0]  }
0x2d4: {  	v63 =	vld [tilespmem:s15+$0xA0];
	_ =	sdelay $0x2  }
0x2d5: {  	v18 =	vmul.f32 v18, v14;
	v19 =	vmul.f32 v62, v13;
	_ =	sdelay $0x1  }
0x2d6: {  	v18 =	vadd.f32 v19, v18;
	v17 =	vmul.f32 v17, v16;
	v24 =	vmul.f32 v63, v15;
	_ =	sdelay $0x1  }
0x2d7: {  	[tilespmem:s25+$0x48A0] =	vst v18;
	v17 =	vadd.f32 v24, v17  }
0x2d8: {  	v18 =	vld [tilespmem:s4+$0xB0]  }
0x2d9: {  	v25 =	vld [tilespmem:s3+$0xB0];
	[tilespmem:s26+$0x48A0] =	vst v17  }
0x2da: {  	v17 =	vld [tilespmem:s6+$0xB0]  }
0x2db: {  	v26 =	vld [tilespmem:s15+$0xB0];
	_ =	sdelay $0x2  }
0x2dc: {  	v18 =	vmul.f32 v18, v14;
	v19 =	vmul.f32 v25, v13;
	_ =	sdelay $0x1  }
0x2dd: {  	v18 =	vadd.f32 v19, v18;
	v17 =	vmul.f32 v17, v16;
	v27 =	vmul.f32 v26, v15;
	_ =	sdelay $0x1  }
0x2de: {  	[tilespmem:s25+$0x48B0] =	vst v18;
	v17 =	vadd.f32 v27, v17  }
0x2df: {  	v18 =	vld [tilespmem:s4+$0xC0]  }
0x2e0: {  	v28 =	vld [tilespmem:s3+$0xC0];
	[tilespmem:s26+$0x48B0] =	vst v17  }
0x2e1: {  	v17 =	vld [tilespmem:s6+$0xC0]  }
0x2e2: {  	v29 =	vld [tilespmem:s15+$0xC0];
	_ =	sdelay $0x2  }
0x2e3: {  	v18 =	vmul.f32 v18, v14;
	v19 =	vmul.f32 v28, v13;
	_ =	sdelay $0x1  }
0x2e4: {  	v18 =	vadd.f32 v19, v18;
	v17 =	vmul.f32 v17, v16;
	v30 =	vmul.f32 v29, v15;
	_ =	sdelay $0x1  }
0x2e5: {  	[tilespmem:s25+$0x48C0] =	vst v18;
	v17 =	vadd.f32 v30, v17  }
0x2e6: {  	v18 =	vld [tilespmem:s4+$0xD0]  }
0x2e7: {  	v31 =	vld [tilespmem:s3+$0xD0];
	[tilespmem:s26+$0x48C0] =	vst v17  }
0x2e8: {  	v17 =	vld [tilespmem:s6+$0xD0]  }
0x2e9: {  	v32 =	vld [tilespmem:s15+$0xD0];
	_ =	sdelay $0x2  }
0x2ea: {  	v18 =	vmul.f32 v18, v14;
	v19 =	vmul.f32 v31, v13;
	_ =	sdelay $0x1  }
0x2eb: {  	v18 =	vadd.f32 v19, v18;
	v17 =	vmul.f32 v17, v16;
	v33 =	vmul.f32 v32, v15;
	_ =	sdelay $0x1  }
0x2ec: {  	[tilespmem:s25+$0x48D0] =	vst v18;
	v17 =	vadd.f32 v33, v17  }
0x2ed: {  	v18 =	vld [tilespmem:s4+$0xE0]  }
0x2ee: {  	v34 =	vld [tilespmem:s3+$0xE0];
	[tilespmem:s26+$0x48D0] =	vst v17  }
0x2ef: {  	v17 =	vld [tilespmem:s6+$0xE0]  }
0x2f0: {  	v35 =	vld [tilespmem:s15+$0xE0];
	_ =	sdelay $0x2  }
0x2f1: {  	v18 =	vmul.f32 v18, v14;
	v19 =	vmul.f32 v34, v13  }
0x2f2: {  	(v2sf) =	vpush v11, $0x1  }
0x2f3: {  	v18 =	vadd.f32 v19, v18;
	v17 =	vmul.f32 v17, v16;
	v36 =	vmul.f32 v35, v15  }
0x2f4: {  	(v2sf) =	vpush v10, $0x1  }
0x2f5: {  	[tilespmem:s25+$0x48E0] =	vst v18;
	v17 =	vadd.f32 v36, v17  }
0x2f6: {  	v18 =	vld [tilespmem:s4+$0xF0]  }
0x2f7: {  	v37 =	vld [tilespmem:s3+$0xF0];
	[tilespmem:s26+$0x48E0] =	vst v17  }
0x2f8: {  	v17 =	vld [tilespmem:s6+$0xF0]  }
0x2f9: {  	v38 =	vld [tilespmem:s15+$0xF0];
	_ =	sdelay $0x2  }
0x2fa: {  	v14 =	vmul.f32 v18, v14;
	v13 =	vmul.f32 v37, v13;
	_ =	sdelay $0x1  }
0x2fb: {  	v13 =	vadd.f32 v13, v14;
	v39 =	vmul.f32 v17, v16;
	v15 =	vmul.f32 v38, v15;
	_ =	sdelay $0x1  }
0x2fc: {  	[tilespmem:s25+$0x48F0] =	vst v13;
	v41 =	vadd.f32 v15, v39  }
0x2fd: {  	v40 =	vld [tilespmem:s1+$0x0]  }
0x2fe: {  	s4 =	spop (v2sf);
	v42 =	vld [tilespmem:s0+$0x0];
	[tilespmem:s26+$0x48F0] =	vst v41  }
0x2ff: {  	s6 =	spop (v2sf);
	v43 =	vld [tilespmem:s4+$0x0]  }
0x300: {  	v14 =	vbroadcast v9, $0x1;
	v44 =	vld [tilespmem:s6+$0x0]  }
0x301: {  	v13 =	vbroadcast v6, $0x1  }
0x302: {  	v16 =	vbroadcast v8, $0x1;
	v45 =	vmul.f32 v40, v14  }
0x303: {  	v46 =	vmul.f32 v42, v13;
	v15 =	vbroadcast v7, $0x1;
	_ =	sdelay $0x1  }
0x304: {  	v19 =	vadd.f32 v46, v45;
	v17 =	vmul.f32 v43, v16;
	v18 =	vmul.f32 v44, v15;
	_ =	sdelay $0x1  }
0x305: {  	[tilespmem:s25+$0x4900] =	vst v19;
	v17 =	vadd.f32 v18, v17  }
0x306: {  	v19 =	vld [tilespmem:s1+$0x10]  }
0x307: {  	v47 =	vld [tilespmem:s0+$0x10];
	[tilespmem:s26+$0x4900] =	vst v17  }
0x308: {  	v17 =	vld [tilespmem:s4+$0x10]  }
0x309: {  	v48 =	vld [tilespmem:s6+$0x10];
	_ =	sdelay $0x2  }
0x30a: {  	v19 =	vmul.f32 v19, v14;
	v18 =	vmul.f32 v47, v13;
	_ =	sdelay $0x1  }
0x30b: {  	v18 =	vadd.f32 v18, v19;
	v17 =	vmul.f32 v17, v16;
	v49 =	vmul.f32 v48, v15;
	_ =	sdelay $0x1  }
0x30c: {  	[tilespmem:s25+$0x4910] =	vst v18;
	v17 =	vadd.f32 v49, v17  }
0x30d: {  	v18 =	vld [tilespmem:s1+$0x20]  }
0x30e: {  	v50 =	vld [tilespmem:s0+$0x20];
	[tilespmem:s26+$0x4910] =	vst v17  }
0x30f: {  	v17 =	vld [tilespmem:s4+$0x20]  }
0x310: {  	v51 =	vld [tilespmem:s6+$0x20];
	_ =	sdelay $0x2  }
0x311: {  	v18 =	vmul.f32 v18, v14;
	v19 =	vmul.f32 v50, v13;
	_ =	sdelay $0x1  }
0x312: {  	v18 =	vadd.f32 v19, v18;
	v17 =	vmul.f32 v17, v16;
	v52 =	vmul.f32 v51, v15;
	_ =	sdelay $0x1  }
0x313: {  	[tilespmem:s25+$0x4920] =	vst v18;
	v17 =	vadd.f32 v52, v17  }
0x314: {  	v18 =	vld [tilespmem:s1+$0x30]  }
0x315: {  	v53 =	vld [tilespmem:s0+$0x30];
	[tilespmem:s26+$0x4920] =	vst v17  }
0x316: {  	v17 =	vld [tilespmem:s4+$0x30]  }
0x317: {  	v54 =	vld [tilespmem:s6+$0x30];
	_ =	sdelay $0x2  }
0x318: {  	v18 =	vmul.f32 v18, v14;
	v19 =	vmul.f32 v53, v13;
	_ =	sdelay $0x1  }
0x319: {  	v18 =	vadd.f32 v19, v18;
	v17 =	vmul.f32 v17, v16;
	v55 =	vmul.f32 v54, v15;
	_ =	sdelay $0x1  }
0x31a: {  	[tilespmem:s25+$0x4930] =	vst v18;
	v17 =	vadd.f32 v55, v17  }
0x31b: {  	v18 =	vld [tilespmem:s1+$0x40]  }
0x31c: {  	v56 =	vld [tilespmem:s0+$0x40];
	[tilespmem:s26+$0x4930] =	vst v17  }
0x31d: {  	v17 =	vld [tilespmem:s4+$0x40]  }
0x31e: {  	v57 =	vld [tilespmem:s6+$0x40];
	_ =	sdelay $0x2  }
0x31f: {  	v18 =	vmul.f32 v18, v14;
	v19 =	vmul.f32 v56, v13;
	_ =	sdelay $0x1  }
0x320: {  	v18 =	vadd.f32 v19, v18;
	v17 =	vmul.f32 v17, v16;
	v58 =	vmul.f32 v57, v15;
	_ =	sdelay $0x1  }
0x321: {  	[tilespmem:s25+$0x4940] =	vst v18;
	v17 =	vadd.f32 v58, v17  }
0x322: {  	v18 =	vld [tilespmem:s1+$0x50]  }
0x323: {  	v59 =	vld [tilespmem:s0+$0x50];
	[tilespmem:s26+$0x4940] =	vst v17  }
0x324: {  	v17 =	vld [tilespmem:s4+$0x50]  }
0x325: {  	v60 =	vld [tilespmem:s6+$0x50];
	_ =	sdelay $0x2  }
0x326: {  	v18 =	vmul.f32 v18, v14;
	v19 =	vmul.f32 v59, v13;
	_ =	sdelay $0x1  }
0x327: {  	v18 =	vadd.f32 v19, v18;
	v17 =	vmul.f32 v17, v16;
	v61 =	vmul.f32 v60, v15;
	_ =	sdelay $0x1  }
0x328: {  	[tilespmem:s25+$0x4950] =	vst v18;
	v17 =	vadd.f32 v61, v17  }
0x329: {  	v18 =	vld [tilespmem:s1+$0x60]  }
0x32a: {  	v62 =	vld [tilespmem:s0+$0x60];
	[tilespmem:s26+$0x4950] =	vst v17  }
0x32b: {  	v17 =	vld [tilespmem:s4+$0x60]  }
0x32c: {  	v63 =	vld [tilespmem:s6+$0x60];
	_ =	sdelay $0x2  }
0x32d: {  	v18 =	vmul.f32 v18, v14;
	v19 =	vmul.f32 v62, v13;
	_ =	sdelay $0x1  }
0x32e: {  	v18 =	vadd.f32 v19, v18;
	v17 =	vmul.f32 v17, v16;
	v24 =	vmul.f32 v63, v15;
	_ =	sdelay $0x1  }
0x32f: {  	[tilespmem:s25+$0x4960] =	vst v18;
	v17 =	vadd.f32 v24, v17  }
0x330: {  	v18 =	vld [tilespmem:s1+$0x70]  }
0x331: {  	v25 =	vld [tilespmem:s0+$0x70];
	[tilespmem:s26+$0x4960] =	vst v17  }
0x332: {  	v17 =	vld [tilespmem:s4+$0x70]  }
0x333: {  	v26 =	vld [tilespmem:s6+$0x70];
	_ =	sdelay $0x2  }
0x334: {  	v18 =	vmul.f32 v18, v14;
	v19 =	vmul.f32 v25, v13;
	_ =	sdelay $0x1  }
0x335: {  	v18 =	vadd.f32 v19, v18;
	v17 =	vmul.f32 v17, v16;
	v27 =	vmul.f32 v26, v15;
	_ =	sdelay $0x1  }
0x336: {  	[tilespmem:s25+$0x4970] =	vst v18;
	v17 =	vadd.f32 v27, v17  }
0x337: {  	v18 =	vld [tilespmem:s1+$0x80]  }
0x338: {  	v28 =	vld [tilespmem:s0+$0x80];
	[tilespmem:s26+$0x4970] =	vst v17  }
0x339: {  	v17 =	vld [tilespmem:s4+$0x80]  }
0x33a: {  	v29 =	vld [tilespmem:s6+$0x80];
	_ =	sdelay $0x2  }
0x33b: {  	v18 =	vmul.f32 v18, v14;
	v19 =	vmul.f32 v28, v13;
	_ =	sdelay $0x1  }
0x33c: {  	v18 =	vadd.f32 v19, v18;
	v17 =	vmul.f32 v17, v16;
	v30 =	vmul.f32 v29, v15;
	_ =	sdelay $0x1  }
0x33d: {  	[tilespmem:s25+$0x4980] =	vst v18;
	v17 =	vadd.f32 v30, v17  }
0x33e: {  	v18 =	vld [tilespmem:s1+$0x90]  }
0x33f: {  	v31 =	vld [tilespmem:s0+$0x90];
	[tilespmem:s26+$0x4980] =	vst v17  }
0x340: {  	v17 =	vld [tilespmem:s4+$0x90]  }
0x341: {  	v32 =	vld [tilespmem:s6+$0x90];
	_ =	sdelay $0x2  }
0x342: {  	v18 =	vmul.f32 v18, v14;
	v19 =	vmul.f32 v31, v13;
	_ =	sdelay $0x1  }
0x343: {  	v18 =	vadd.f32 v19, v18;
	v17 =	vmul.f32 v17, v16;
	v33 =	vmul.f32 v32, v15;
	_ =	sdelay $0x1  }
0x344: {  	[tilespmem:s25+$0x4990] =	vst v18;
	v17 =	vadd.f32 v33, v17  }
0x345: {  	v18 =	vld [tilespmem:s1+$0xA0]  }
0x346: {  	v34 =	vld [tilespmem:s0+$0xA0];
	[tilespmem:s26+$0x4990] =	vst v17  }
0x347: {  	v17 =	vld [tilespmem:s4+$0xA0]  }
0x348: {  	v35 =	vld [tilespmem:s6+$0xA0];
	_ =	sdelay $0x2  }
0x349: {  	v18 =	vmul.f32 v18, v14;
	v19 =	vmul.f32 v34, v13;
	_ =	sdelay $0x1  }
0x34a: {  	v18 =	vadd.f32 v19, v18;
	v17 =	vmul.f32 v17, v16;
	v36 =	vmul.f32 v35, v15;
	_ =	sdelay $0x1  }
0x34b: {  	[tilespmem:s25+$0x49A0] =	vst v18;
	v17 =	vadd.f32 v36, v17  }
0x34c: {  	v18 =	vld [tilespmem:s1+$0xB0]  }
0x34d: {  	v37 =	vld [tilespmem:s0+$0xB0];
	[tilespmem:s26+$0x49A0] =	vst v17  }
0x34e: {  	v17 =	vld [tilespmem:s4+$0xB0]  }
0x34f: {  	v38 =	vld [tilespmem:s6+$0xB0];
	_ =	sdelay $0x2  }
0x350: {  	v18 =	vmul.f32 v18, v14;
	v19 =	vmul.f32 v37, v13;
	_ =	sdelay $0x1  }
0x351: {  	v18 =	vadd.f32 v19, v18;
	v17 =	vmul.f32 v17, v16;
	v39 =	vmul.f32 v38, v15;
	_ =	sdelay $0x1  }
0x352: {  	[tilespmem:s25+$0x49B0] =	vst v18;
	v17 =	vadd.f32 v39, v17  }
0x353: {  	v18 =	vld [tilespmem:s1+$0xC0]  }
0x354: {  	v40 =	vld [tilespmem:s0+$0xC0];
	[tilespmem:s26+$0x49B0] =	vst v17  }
0x355: {  	v17 =	vld [tilespmem:s4+$0xC0]  }
0x356: {  	v41 =	vld [tilespmem:s6+$0xC0];
	_ =	sdelay $0x2  }
0x357: {  	v18 =	vmul.f32 v18, v14;
	v19 =	vmul.f32 v40, v13;
	_ =	sdelay $0x1  }
0x358: {  	v18 =	vadd.f32 v19, v18;
	v17 =	vmul.f32 v17, v16;
	v42 =	vmul.f32 v41, v15;
	_ =	sdelay $0x1  }
0x359: {  	[tilespmem:s25+$0x49C0] =	vst v18;
	v17 =	vadd.f32 v42, v17  }
0x35a: {  	v18 =	vld [tilespmem:s1+$0xD0]  }
0x35b: {  	v43 =	vld [tilespmem:s0+$0xD0];
	[tilespmem:s26+$0x49C0] =	vst v17  }
0x35c: {  	v17 =	vld [tilespmem:s4+$0xD0]  }
0x35d: {  	v44 =	vld [tilespmem:s6+$0xD0];
	_ =	sdelay $0x2  }
0x35e: {  	v18 =	vmul.f32 v18, v14;
	v19 =	vmul.f32 v43, v13;
	_ =	sdelay $0x1  }
0x35f: {  	v18 =	vadd.f32 v19, v18;
	v17 =	vmul.f32 v17, v16;
	v45 =	vmul.f32 v44, v15;
	_ =	sdelay $0x1  }
0x360: {  	[tilespmem:s25+$0x49D0] =	vst v18;
	v17 =	vadd.f32 v45, v17  }
0x361: {  	v18 =	vld [tilespmem:s1+$0xE0]  }
0x362: {  	v46 =	vld [tilespmem:s0+$0xE0];
	[tilespmem:s26+$0x49D0] =	vst v17  }
0x363: {  	v17 =	vld [tilespmem:s4+$0xE0]  }
0x364: {  	v47 =	vld [tilespmem:s6+$0xE0];
	_ =	sdelay $0x2  }
0x365: {  	v18 =	vmul.f32 v18, v14;
	v19 =	vmul.f32 v46, v13  }
0x366: {  	(v2sf) =	vpush v11, $0x2  }
0x367: {  	v18 =	vadd.f32 v19, v18;
	v17 =	vmul.f32 v17, v16;
	v48 =	vmul.f32 v47, v15  }
0x368: {  	(v2sf) =	vpush v10, $0x2  }
0x369: {  	[tilespmem:s25+$0x49E0] =	vst v18;
	v17 =	vadd.f32 v48, v17  }
0x36a: {  	v18 =	vld [tilespmem:s1+$0xF0]  }
0x36b: {  	v49 =	vld [tilespmem:s0+$0xF0];
	[tilespmem:s26+$0x49E0] =	vst v17  }
0x36c: {  	v17 =	vld [tilespmem:s4+$0xF0]  }
0x36d: {  	v50 =	vld [tilespmem:s6+$0xF0];
	_ =	sdelay $0x2  }
0x36e: {  	v14 =	vmul.f32 v18, v14;
	v13 =	vmul.f32 v49, v13;
	_ =	sdelay $0x1  }
0x36f: {  	v13 =	vadd.f32 v13, v14;
	v51 =	vmul.f32 v17, v16;
	v15 =	vmul.f32 v50, v15;
	_ =	sdelay $0x1  }
0x370: {  	[tilespmem:s25+$0x49F0] =	vst v13;
	v53 =	vadd.f32 v15, v51  }
0x371: {  	v52 =	vld [tilespmem:s30+$0x0]  }
0x372: {  	s15 =	spop (v2sf);
	v54 =	vld [tilespmem:s31+$0x0];
	[tilespmem:s26+$0x49F0] =	vst v53  }
0x373: {  	s16 =	spop (v2sf);
	v55 =	vld [tilespmem:s15+$0x0]  }
0x374: {  	v56 =	vld [tilespmem:s16+$0x0]  }
0x375: {  	v13 =	vbroadcast v6, $0x2;
	v15 =	vbroadcast v9, $0x2  }
0x376: {  	v14 =	vbroadcast v7, $0x2;
	v16 =	vbroadcast v8, $0x2  }
0x377: {  	v58 =	vmul.f32 v54, v13;
	v57 =	vmul.f32 v52, v15;
	_ =	sdelay $0x1  }
0x378: {  	v19 =	vadd.f32 v58, v57;
	v17 =	vmul.f32 v55, v16;
	v18 =	vmul.f32 v56, v14;
	_ =	sdelay $0x1  }
0x379: {  	[tilespmem:s25+$0x4A00] =	vst v19;
	v17 =	vadd.f32 v18, v17  }
0x37a: {  	v19 =	vld [tilespmem:s30+$0x10]  }
0x37b: {  	v59 =	vld [tilespmem:s31+$0x10];
	[tilespmem:s26+$0x4A00] =	vst v17  }
0x37c: {  	v17 =	vld [tilespmem:s15+$0x10]  }
0x37d: {  	v60 =	vld [tilespmem:s16+$0x10];
	_ =	sdelay $0x2  }
0x37e: {  	v19 =	vmul.f32 v19, v15;
	v18 =	vmul.f32 v59, v13;
	_ =	sdelay $0x1  }
0x37f: {  	v18 =	vadd.f32 v18, v19;
	v17 =	vmul.f32 v17, v16;
	v61 =	vmul.f32 v60, v14;
	_ =	sdelay $0x1  }
0x380: {  	[tilespmem:s25+$0x4A10] =	vst v18;
	v17 =	vadd.f32 v61, v17  }
0x381: {  	v18 =	vld [tilespmem:s30+$0x20]  }
0x382: {  	v62 =	vld [tilespmem:s31+$0x20];
	[tilespmem:s26+$0x4A10] =	vst v17  }
0x383: {  	v17 =	vld [tilespmem:s15+$0x20]  }
0x384: {  	v63 =	vld [tilespmem:s16+$0x20];
	_ =	sdelay $0x2  }
0x385: {  	v18 =	vmul.f32 v18, v15;
	v19 =	vmul.f32 v62, v13;
	_ =	sdelay $0x1  }
0x386: {  	v18 =	vadd.f32 v19, v18;
	v17 =	vmul.f32 v17, v16;
	v24 =	vmul.f32 v63, v14;
	_ =	sdelay $0x1  }
0x387: {  	[tilespmem:s25+$0x4A20] =	vst v18;
	v17 =	vadd.f32 v24, v17  }
0x388: {  	v18 =	vld [tilespmem:s30+$0x30]  }
0x389: {  	v25 =	vld [tilespmem:s31+$0x30];
	[tilespmem:s26+$0x4A20] =	vst v17  }
0x38a: {  	v17 =	vld [tilespmem:s15+$0x30]  }
0x38b: {  	v26 =	vld [tilespmem:s16+$0x30];
	_ =	sdelay $0x2  }
0x38c: {  	v18 =	vmul.f32 v18, v15;
	v19 =	vmul.f32 v25, v13;
	_ =	sdelay $0x1  }
0x38d: {  	v18 =	vadd.f32 v19, v18;
	v17 =	vmul.f32 v17, v16;
	v27 =	vmul.f32 v26, v14;
	_ =	sdelay $0x1  }
0x38e: {  	[tilespmem:s25+$0x4A30] =	vst v18;
	v17 =	vadd.f32 v27, v17  }
0x38f: {  	v18 =	vld [tilespmem:s30+$0x40]  }
0x390: {  	v28 =	vld [tilespmem:s31+$0x40];
	[tilespmem:s26+$0x4A30] =	vst v17  }
0x391: {  	v17 =	vld [tilespmem:s15+$0x40]  }
0x392: {  	v29 =	vld [tilespmem:s16+$0x40];
	_ =	sdelay $0x2  }
0x393: {  	v18 =	vmul.f32 v18, v15;
	v19 =	vmul.f32 v28, v13;
	_ =	sdelay $0x1  }
0x394: {  	v18 =	vadd.f32 v19, v18;
	v17 =	vmul.f32 v17, v16;
	v30 =	vmul.f32 v29, v14;
	_ =	sdelay $0x1  }
0x395: {  	[tilespmem:s25+$0x4A40] =	vst v18;
	v17 =	vadd.f32 v30, v17  }
0x396: {  	v18 =	vld [tilespmem:s30+$0x50]  }
0x397: {  	v31 =	vld [tilespmem:s31+$0x50];
	[tilespmem:s26+$0x4A40] =	vst v17  }
0x398: {  	v17 =	vld [tilespmem:s15+$0x50]  }
0x399: {  	v32 =	vld [tilespmem:s16+$0x50];
	_ =	sdelay $0x2  }
0x39a: {  	v18 =	vmul.f32 v18, v15;
	v19 =	vmul.f32 v31, v13;
	_ =	sdelay $0x1  }
0x39b: {  	v18 =	vadd.f32 v19, v18;
	v17 =	vmul.f32 v17, v16;
	v33 =	vmul.f32 v32, v14;
	_ =	sdelay $0x1  }
0x39c: {  	[tilespmem:s25+$0x4A50] =	vst v18;
	v17 =	vadd.f32 v33, v17  }
0x39d: {  	v18 =	vld [tilespmem:s30+$0x60]  }
0x39e: {  	v34 =	vld [tilespmem:s31+$0x60];
	[tilespmem:s26+$0x4A50] =	vst v17  }
0x39f: {  	v17 =	vld [tilespmem:s15+$0x60]  }
0x3a0: {  	v35 =	vld [tilespmem:s16+$0x60];
	_ =	sdelay $0x2  }
0x3a1: {  	v18 =	vmul.f32 v18, v15;
	v19 =	vmul.f32 v34, v13;
	_ =	sdelay $0x1  }
0x3a2: {  	v18 =	vadd.f32 v19, v18;
	v17 =	vmul.f32 v17, v16;
	v36 =	vmul.f32 v35, v14;
	_ =	sdelay $0x1  }
0x3a3: {  	[tilespmem:s25+$0x4A60] =	vst v18;
	v17 =	vadd.f32 v36, v17  }
0x3a4: {  	v18 =	vld [tilespmem:s30+$0x70]  }
0x3a5: {  	v37 =	vld [tilespmem:s31+$0x70];
	[tilespmem:s26+$0x4A60] =	vst v17  }
0x3a6: {  	v17 =	vld [tilespmem:s15+$0x70]  }
0x3a7: {  	v38 =	vld [tilespmem:s16+$0x70];
	_ =	sdelay $0x2  }
0x3a8: {  	v18 =	vmul.f32 v18, v15;
	v19 =	vmul.f32 v37, v13;
	_ =	sdelay $0x1  }
0x3a9: {  	v18 =	vadd.f32 v19, v18;
	v17 =	vmul.f32 v17, v16;
	v39 =	vmul.f32 v38, v14;
	_ =	sdelay $0x1  }
0x3aa: {  	v40 =	vld [tilespmem:s28+$0x80];
	[tilespmem:s25+$0x4A70] =	vst v18;
	v17 =	vadd.f32 v39, v17  }
0x3ab: {  	v18 =	vld [tilespmem:s30+$0x80]  }
0x3ac: {  	v41 =	vld [tilespmem:s31+$0x80];
	[tilespmem:s26+$0x4A70] =	vst v17  }
0x3ad: {  	v17 =	vld [tilespmem:s15+$0x80]  }
0x3ae: {  	v21 =	vld [tilespmem:s16+$0x80]  }
0x3af: {  	v12 =	vmul.f32 v12, v5;
	v20 =	vmul.f32 v40, v4;
	_ =	sdelay $0x1  }
0x3b0: {  	v12 =	vadd.f32 v20, v12;
	v18 =	vmul.f32 v18, v15;
	v19 =	vmul.f32 v41, v13;
	_ =	sdelay $0x1  }
0x3b1: {  	[tilespmem:s20+$0x4A80] =	vst v12;
	v42 =	vadd.f32 v19, v18;
	v17 =	vmul.f32 v17, v16;
	v44 =	vmul.f32 v21, v14  }
0x3b2: {  	v43 =	vld [tilespmem:s29+$0x90]  }
0x3b3: {  	v45 =	vld [tilespmem:s28+$0x90];
	[tilespmem:s25+$0x4A80] =	vst v42;
	v17 =	vadd.f32 v44, v17  }
0x3b4: {  	v12 =	vld [tilespmem:s30+$0x90]  }
0x3b5: {  	v46 =	vld [tilespmem:s31+$0x90];
	[tilespmem:s26+$0x4A80] =	vst v17  }
0x3b6: {  	v17 =	vld [tilespmem:s15+$0x90]  }
0x3b7: {  	v47 =	vld [tilespmem:s16+$0x90]  }
0x3b8: {  	v20 =	vmul.f32 v45, v4;
	v18 =	vmul.f32 v43, v5;
	_ =	sdelay $0x1  }
0x3b9: {  	v18 =	vadd.f32 v20, v18;
	v12 =	vmul.f32 v12, v15;
	v19 =	vmul.f32 v46, v13;
	_ =	sdelay $0x1  }
0x3ba: {  	[tilespmem:s20+$0x4A90] =	vst v18;
	v12 =	vadd.f32 v19, v12;
	v17 =	vmul.f32 v17, v16;
	v48 =	vmul.f32 v47, v14  }
0x3bb: {  	v18 =	vld [tilespmem:s29+$0xA0]  }
0x3bc: {  	v49 =	vld [tilespmem:s28+$0xA0];
	[tilespmem:s25+$0x4A90] =	vst v12;
	v17 =	vadd.f32 v48, v17  }
0x3bd: {  	v12 =	vld [tilespmem:s30+$0xA0]  }
0x3be: {  	v50 =	vld [tilespmem:s31+$0xA0];
	[tilespmem:s26+$0x4A90] =	vst v17  }
0x3bf: {  	v17 =	vld [tilespmem:s15+$0xA0]  }
0x3c0: {  	v51 =	vld [tilespmem:s16+$0xA0]  }
0x3c1: {  	v18 =	vmul.f32 v18, v5;
	v20 =	vmul.f32 v49, v4;
	_ =	sdelay $0x1  }
0x3c2: {  	v18 =	vadd.f32 v20, v18;
	v12 =	vmul.f32 v12, v15;
	v19 =	vmul.f32 v50, v13;
	_ =	sdelay $0x1  }
0x3c3: {  	[tilespmem:s20+$0x4AA0] =	vst v18;
	v12 =	vadd.f32 v19, v12;
	v17 =	vmul.f32 v17, v16;
	v52 =	vmul.f32 v51, v14  }
0x3c4: {  	v18 =	vld [tilespmem:s29+$0xB0]  }
0x3c5: {  	v53 =	vld [tilespmem:s28+$0xB0];
	[tilespmem:s25+$0x4AA0] =	vst v12;
	v17 =	vadd.f32 v52, v17  }
0x3c6: {  	v12 =	vld [tilespmem:s30+$0xB0]  }
0x3c7: {  	v54 =	vld [tilespmem:s31+$0xB0];
	[tilespmem:s26+$0x4AA0] =	vst v17  }
0x3c8: {  	v17 =	vld [tilespmem:s15+$0xB0]  }
0x3c9: {  	v55 =	vld [tilespmem:s16+$0xB0]  }
0x3ca: {  	v18 =	vmul.f32 v18, v5;
	v20 =	vmul.f32 v53, v4;
	_ =	sdelay $0x1  }
0x3cb: {  	v18 =	vadd.f32 v20, v18;
	v12 =	vmul.f32 v12, v15;
	v19 =	vmul.f32 v54, v13;
	_ =	sdelay $0x1  }
0x3cc: {  	[tilespmem:s20+$0x4AB0] =	vst v18;
	v12 =	vadd.f32 v19, v12;
	v17 =	vmul.f32 v17, v16;
	v56 =	vmul.f32 v55, v14  }
0x3cd: {  	v18 =	vld [tilespmem:s29+$0xC0]  }
0x3ce: {  	v57 =	vld [tilespmem:s28+$0xC0];
	[tilespmem:s25+$0x4AB0] =	vst v12;
	v17 =	vadd.f32 v56, v17  }
0x3cf: {  	v12 =	vld [tilespmem:s30+$0xC0]  }
0x3d0: {  	v58 =	vld [tilespmem:s31+$0xC0];
	[tilespmem:s26+$0x4AB0] =	vst v17  }
0x3d1: {  	v17 =	vld [tilespmem:s15+$0xC0]  }
0x3d2: {  	v59 =	vld [tilespmem:s16+$0xC0]  }
0x3d3: {  	v18 =	vmul.f32 v18, v5;
	v20 =	vmul.f32 v57, v4;
	_ =	sdelay $0x1  }
0x3d4: {  	v18 =	vadd.f32 v20, v18;
	v12 =	vmul.f32 v12, v15;
	v19 =	vmul.f32 v58, v13;
	_ =	sdelay $0x1  }
0x3d5: {  	[tilespmem:s20+$0x4AC0] =	vst v18;
	v12 =	vadd.f32 v19, v12;
	v17 =	vmul.f32 v17, v16;
	v60 =	vmul.f32 v59, v14  }
0x3d6: {  	v18 =	vld [tilespmem:s29+$0xD0]  }
0x3d7: {  	v61 =	vld [tilespmem:s28+$0xD0];
	[tilespmem:s25+$0x4AC0] =	vst v12;
	v17 =	vadd.f32 v60, v17  }
0x3d8: {  	v12 =	vld [tilespmem:s30+$0xD0]  }
0x3d9: {  	v62 =	vld [tilespmem:s31+$0xD0];
	[tilespmem:s26+$0x4AC0] =	vst v17  }
0x3da: {  	v17 =	vld [tilespmem:s15+$0xD0]  }
0x3db: {  	v63 =	vld [tilespmem:s16+$0xD0]  }
0x3dc: {  	v18 =	vmul.f32 v18, v5;
	v20 =	vmul.f32 v61, v4;
	_ =	sdelay $0x1  }
0x3dd: {  	v18 =	vadd.f32 v20, v18;
	v12 =	vmul.f32 v12, v15;
	v19 =	vmul.f32 v62, v13;
	_ =	sdelay $0x1  }
0x3de: {  	[tilespmem:s20+$0x4AD0] =	vst v18;
	v12 =	vadd.f32 v19, v12;
	v17 =	vmul.f32 v17, v16;
	v24 =	vmul.f32 v63, v14  }
0x3df: {  	v18 =	vld [tilespmem:s29+$0xE0]  }
0x3e0: {  	v25 =	vld [tilespmem:s28+$0xE0];
	[tilespmem:s25+$0x4AD0] =	vst v12;
	v17 =	vadd.f32 v24, v17  }
0x3e1: {  	v12 =	vld [tilespmem:s30+$0xE0]  }
0x3e2: {  	v26 =	vld [tilespmem:s31+$0xE0];
	[tilespmem:s26+$0x4AD0] =	vst v17  }
0x3e3: {  	v17 =	vld [tilespmem:s15+$0xE0]  }
0x3e4: {  	v27 =	vld [tilespmem:s16+$0xE0]  }
0x3e5: {  	v18 =	vmul.f32 v18, v5;
	v20 =	vmul.f32 v25, v4;
	_ =	sdelay $0x1  }
0x3e6: {  	v18 =	vadd.f32 v20, v18;
	v12 =	vmul.f32 v12, v15;
	v19 =	vmul.f32 v26, v13  }
0x3e7: {  	(v2sf) =	vpush v11, $0x3  }
0x3e8: {  	[tilespmem:s20+$0x4AE0] =	vst v18;
	v12 =	vadd.f32 v19, v12;
	v17 =	vmul.f32 v17, v16;
	v28 =	vmul.f32 v27, v14  }
0x3e9: {  	(v2sf) =	vpush v10, $0x3;
	v18 =	vld [tilespmem:s29+$0xF0]  }
0x3ea: {  	v29 =	vld [tilespmem:s28+$0xF0];
	[tilespmem:s25+$0x4AE0] =	vst v12;
	v31 =	vadd.f32 v28, v17  }
0x3eb: {  	v30 =	vld [tilespmem:s30+$0xF0]  }
0x3ec: {  	v32 =	vld [tilespmem:s31+$0xF0];
	[tilespmem:s26+$0x4AE0] =	vst v31  }
0x3ed: {  	v12 =	vld [tilespmem:s15+$0xF0]  }
0x3ee: {  	v33 =	vld [tilespmem:s16+$0xF0]  }
0x3ef: {  	v5 =	vmul.f32 v18, v5;
	v4 =	vmul.f32 v29, v4;
	_ =	sdelay $0x1  }
0x3f0: {  	v4 =	vadd.f32 v4, v5;
	v34 =	vmul.f32 v30, v15;
	v35 =	vmul.f32 v32, v13;
	_ =	sdelay $0x1  }
0x3f1: {  	[tilespmem:s20+$0x4AF0] =	vst v4;
	v36 =	vadd.f32 v35, v34;
	v38 =	vmul.f32 v12, v16;
	v11 =	vmul.f32 v33, v14  }
0x3f2: {  	v37 =	vld [tilespmem:s21+$0x0]  }
0x3f3: {  	v39 =	vld [tilespmem:s22+$0x0];
	[tilespmem:s25+$0x4AF0] =	vst v36;
	v41 =	vadd.f32 v11, v38  }
0x3f4: {  	v40 =	vld [tilespmem:s23+$0x0]  }
0x3f5: {  	s29 =	spop (v2sf);
	v42 =	vld [tilespmem:s24+$0x0];
	[tilespmem:s26+$0x4AF0] =	vst v41  }
0x3f6: {  	v2 =	vbroadcast v2, $0x3;
	v3 =	vbroadcast v3, $0x3;
	s30 =	spop (v2sf);
	v43 =	vld [tilespmem:s29+$0x0]  }
0x3f7: {  	v5 =	vbroadcast v9, $0x3;
	v4 =	vbroadcast v6, $0x3;
	v44 =	vld [tilespmem:s30+$0x0]  }
0x3f8: {  	v45 =	vmul.f32 v37, v3;
	v46 =	vmul.f32 v39, v2  }
0x3f9: {  	v6 =	vbroadcast v7, $0x3;
	v7 =	vbroadcast v8, $0x3  }
0x3fa: {  	v10 =	vadd.f32 v46, v45;
	v47 =	vmul.f32 v40, v5;
	v11 =	vmul.f32 v42, v4;
	_ =	sdelay $0x1  }
0x3fb: {  	[tilespmem:s20+$0x4B00] =	vst v10;
	v48 =	vadd.f32 v11, v47;
	v49 =	vmul.f32 v43, v7;
	v9 =	vmul.f32 v44, v6  }
0x3fc: {  	v50 =	vld [tilespmem:s21+$0x10]  }
0x3fd: {  	v51 =	vld [tilespmem:s22+$0x10];
	[tilespmem:s25+$0x4B00] =	vst v48;
	v52 =	vadd.f32 v9, v49  }
0x3fe: {  	v53 =	vld [tilespmem:s23+$0x10]  }
0x3ff: {  	v54 =	vld [tilespmem:s24+$0x10];
	[tilespmem:s26+$0x4B00] =	vst v52  }
0x400: {  	v8 =	vld [tilespmem:s29+$0x10]  }
0x401: {  	v55 =	vld [tilespmem:s30+$0x10]  }
0x402: {  	v11 =	vmul.f32 v50, v3;
	v12 =	vmul.f32 v51, v2;
	_ =	sdelay $0x1  }
0x403: {  	v11 =	vadd.f32 v12, v11;
	v9 =	vmul.f32 v53, v5;
	v10 =	vmul.f32 v54, v4;
	_ =	sdelay $0x1  }
0x404: {  	[tilespmem:s20+$0x4B10] =	vst v11;
	v9 =	vadd.f32 v10, v9;
	v8 =	vmul.f32 v8, v7;
	v56 =	vmul.f32 v55, v6  }
0x405: {  	v11 =	vld [tilespmem:s21+$0x20]  }
0x406: {  	v57 =	vld [tilespmem:s22+$0x20];
	[tilespmem:s25+$0x4B10] =	vst v9;
	v8 =	vadd.f32 v56, v8  }
0x407: {  	v9 =	vld [tilespmem:s23+$0x20]  }
0x408: {  	v58 =	vld [tilespmem:s24+$0x20];
	[tilespmem:s26+$0x4B10] =	vst v8  }
0x409: {  	v8 =	vld [tilespmem:s29+$0x20]  }
0x40a: {  	v59 =	vld [tilespmem:s30+$0x20]  }
0x40b: {  	v11 =	vmul.f32 v11, v3;
	v12 =	vmul.f32 v57, v2;
	_ =	sdelay $0x1  }
0x40c: {  	v11 =	vadd.f32 v12, v11;
	v9 =	vmul.f32 v9, v5;
	v10 =	vmul.f32 v58, v4;
	_ =	sdelay $0x1  }
0x40d: {  	[tilespmem:s20+$0x4B20] =	vst v11;
	v9 =	vadd.f32 v10, v9;
	v8 =	vmul.f32 v8, v7;
	v60 =	vmul.f32 v59, v6  }
0x40e: {  	v11 =	vld [tilespmem:s21+$0x30]  }
0x40f: {  	v61 =	vld [tilespmem:s22+$0x30];
	[tilespmem:s25+$0x4B20] =	vst v9;
	v8 =	vadd.f32 v60, v8  }
0x410: {  	v9 =	vld [tilespmem:s23+$0x30]  }
0x411: {  	v62 =	vld [tilespmem:s24+$0x30];
	[tilespmem:s26+$0x4B20] =	vst v8  }
0x412: {  	v8 =	vld [tilespmem:s29+$0x30]  }
0x413: {  	v63 =	vld [tilespmem:s30+$0x30]  }
0x414: {  	v11 =	vmul.f32 v11, v3;
	v12 =	vmul.f32 v61, v2;
	_ =	sdelay $0x1  }
0x415: {  	v11 =	vadd.f32 v12, v11;
	v9 =	vmul.f32 v9, v5;
	v10 =	vmul.f32 v62, v4;
	_ =	sdelay $0x1  }
0x416: {  	[tilespmem:s20+$0x4B30] =	vst v11;
	v9 =	vadd.f32 v10, v9;
	v8 =	vmul.f32 v8, v7;
	v16 =	vmul.f32 v63, v6  }
0x417: {  	v11 =	vld [tilespmem:s21+$0x40]  }
0x418: {  	v17 =	vld [tilespmem:s22+$0x40];
	[tilespmem:s25+$0x4B30] =	vst v9;
	v8 =	vadd.f32 v16, v8  }
0x419: {  	v9 =	vld [tilespmem:s23+$0x40]  }
0x41a: {  	v18 =	vld [tilespmem:s24+$0x40];
	[tilespmem:s26+$0x4B30] =	vst v8  }
0x41b: {  	v8 =	vld [tilespmem:s29+$0x40]  }
0x41c: {  	v19 =	vld [tilespmem:s30+$0x40]  }
0x41d: {  	v11 =	vmul.f32 v11, v3;
	v12 =	vmul.f32 v17, v2;
	_ =	sdelay $0x1  }
0x41e: {  	v11 =	vadd.f32 v12, v11;
	v9 =	vmul.f32 v9, v5;
	v10 =	vmul.f32 v18, v4;
	_ =	sdelay $0x1  }
0x41f: {  	[tilespmem:s20+$0x4B40] =	vst v11;
	v9 =	vadd.f32 v10, v9;
	v8 =	vmul.f32 v8, v7;
	v20 =	vmul.f32 v19, v6  }
0x420: {  	v11 =	vld [tilespmem:s21+$0x50]  }
0x421: {  	v21 =	vld [tilespmem:s22+$0x50];
	[tilespmem:s25+$0x4B40] =	vst v9;
	v8 =	vadd.f32 v20, v8  }
0x422: {  	v9 =	vld [tilespmem:s23+$0x50]  }
0x423: {  	v22 =	vld [tilespmem:s24+$0x50];
	[tilespmem:s26+$0x4B40] =	vst v8  }
0x424: {  	v8 =	vld [tilespmem:s29+$0x50]  }
0x425: {  	v23 =	vld [tilespmem:s30+$0x50]  }
0x426: {  	v11 =	vmul.f32 v11, v3;
	v12 =	vmul.f32 v21, v2;
	_ =	sdelay $0x1  }
0x427: {  	v11 =	vadd.f32 v12, v11;
	v9 =	vmul.f32 v9, v5;
	v10 =	vmul.f32 v22, v4;
	_ =	sdelay $0x1  }
0x428: {  	[tilespmem:s20+$0x4B50] =	vst v11;
	v9 =	vadd.f32 v10, v9;
	v8 =	vmul.f32 v8, v7;
	v24 =	vmul.f32 v23, v6  }
0x429: {  	v11 =	vld [tilespmem:s21+$0x60]  }
0x42a: {  	v25 =	vld [tilespmem:s22+$0x60];
	[tilespmem:s25+$0x4B50] =	vst v9;
	v8 =	vadd.f32 v24, v8  }
0x42b: {  	v9 =	vld [tilespmem:s23+$0x60]  }
0x42c: {  	v26 =	vld [tilespmem:s24+$0x60];
	[tilespmem:s26+$0x4B50] =	vst v8  }
0x42d: {  	v8 =	vld [tilespmem:s29+$0x60]  }
0x42e: {  	v27 =	vld [tilespmem:s30+$0x60]  }
0x42f: {  	v11 =	vmul.f32 v11, v3;
	v12 =	vmul.f32 v25, v2;
	_ =	sdelay $0x1  }
0x430: {  	v11 =	vadd.f32 v12, v11;
	v9 =	vmul.f32 v9, v5;
	v10 =	vmul.f32 v26, v4;
	_ =	sdelay $0x1  }
0x431: {  	[tilespmem:s20+$0x4B60] =	vst v11;
	v9 =	vadd.f32 v10, v9;
	v8 =	vmul.f32 v8, v7;
	v28 =	vmul.f32 v27, v6  }
0x432: {  	v11 =	vld [tilespmem:s21+$0x70]  }
0x433: {  	v29 =	vld [tilespmem:s22+$0x70];
	[tilespmem:s25+$0x4B60] =	vst v9;
	v8 =	vadd.f32 v28, v8  }
0x434: {  	v9 =	vld [tilespmem:s23+$0x70]  }
0x435: {  	v30 =	vld [tilespmem:s24+$0x70];
	[tilespmem:s26+$0x4B60] =	vst v8  }
0x436: {  	v8 =	vld [tilespmem:s29+$0x70]  }
0x437: {  	v31 =	vld [tilespmem:s30+$0x70]  }
0x438: {  	v11 =	vmul.f32 v11, v3;
	v12 =	vmul.f32 v29, v2;
	_ =	sdelay $0x1  }
0x439: {  	v11 =	vadd.f32 v12, v11;
	v9 =	vmul.f32 v9, v5;
	v10 =	vmul.f32 v30, v4;
	_ =	sdelay $0x1  }
0x43a: {  	[tilespmem:s20+$0x4B70] =	vst v11;
	v9 =	vadd.f32 v10, v9;
	v8 =	vmul.f32 v8, v7;
	v32 =	vmul.f32 v31, v6  }
0x43b: {  	v11 =	vld [tilespmem:s21+$0x80]  }
0x43c: {  	v33 =	vld [tilespmem:s22+$0x80];
	[tilespmem:s25+$0x4B70] =	vst v9;
	v8 =	vadd.f32 v32, v8  }
0x43d: {  	v9 =	vld [tilespmem:s23+$0x80]  }
0x43e: {  	v34 =	vld [tilespmem:s24+$0x80];
	[tilespmem:s26+$0x4B70] =	vst v8  }
0x43f: {  	v8 =	vld [tilespmem:s29+$0x80]  }
0x440: {  	v35 =	vld [tilespmem:s30+$0x80]  }
0x441: {  	v11 =	vmul.f32 v11, v3;
	v12 =	vmul.f32 v33, v2;
	_ =	sdelay $0x1  }
0x442: {  	v11 =	vadd.f32 v12, v11;
	v9 =	vmul.f32 v9, v5;
	v10 =	vmul.f32 v34, v4;
	_ =	sdelay $0x1  }
0x443: {  	[tilespmem:s20+$0x4B80] =	vst v11;
	v9 =	vadd.f32 v10, v9;
	v8 =	vmul.f32 v8, v7;
	v36 =	vmul.f32 v35, v6  }
0x444: {  	v11 =	vld [tilespmem:s21+$0x90]  }
0x445: {  	v37 =	vld [tilespmem:s22+$0x90];
	[tilespmem:s25+$0x4B80] =	vst v9;
	v8 =	vadd.f32 v36, v8  }
0x446: {  	v9 =	vld [tilespmem:s23+$0x90]  }
0x447: {  	v38 =	vld [tilespmem:s24+$0x90];
	[tilespmem:s26+$0x4B80] =	vst v8  }
0x448: {  	v8 =	vld [tilespmem:s29+$0x90]  }
0x449: {  	v39 =	vld [tilespmem:s30+$0x90]  }
0x44a: {  	v11 =	vmul.f32 v11, v3;
	v12 =	vmul.f32 v37, v2;
	_ =	sdelay $0x1  }
0x44b: {  	v11 =	vadd.f32 v12, v11;
	v9 =	vmul.f32 v9, v5;
	v10 =	vmul.f32 v38, v4;
	_ =	sdelay $0x1  }
0x44c: {  	[tilespmem:s20+$0x4B90] =	vst v11;
	v9 =	vadd.f32 v10, v9;
	v8 =	vmul.f32 v8, v7;
	v40 =	vmul.f32 v39, v6  }
0x44d: {  	v11 =	vld [tilespmem:s21+$0xA0]  }
0x44e: {  	v41 =	vld [tilespmem:s22+$0xA0];
	[tilespmem:s25+$0x4B90] =	vst v9;
	v8 =	vadd.f32 v40, v8  }
0x44f: {  	v9 =	vld [tilespmem:s23+$0xA0]  }
0x450: {  	v42 =	vld [tilespmem:s24+$0xA0];
	[tilespmem:s26+$0x4B90] =	vst v8  }
0x451: {  	v8 =	vld [tilespmem:s29+$0xA0]  }
0x452: {  	v43 =	vld [tilespmem:s30+$0xA0]  }
0x453: {  	v11 =	vmul.f32 v11, v3;
	v12 =	vmul.f32 v41, v2;
	_ =	sdelay $0x1  }
0x454: {  	v11 =	vadd.f32 v12, v11;
	v9 =	vmul.f32 v9, v5;
	v10 =	vmul.f32 v42, v4;
	_ =	sdelay $0x1  }
0x455: {  	[tilespmem:s20+$0x4BA0] =	vst v11;
	v9 =	vadd.f32 v10, v9;
	v8 =	vmul.f32 v8, v7;
	v44 =	vmul.f32 v43, v6  }
0x456: {  	v11 =	vld [tilespmem:s21+$0xB0]  }
0x457: {  	v45 =	vld [tilespmem:s22+$0xB0];
	[tilespmem:s25+$0x4BA0] =	vst v9;
	v8 =	vadd.f32 v44, v8  }
0x458: {  	v9 =	vld [tilespmem:s23+$0xB0]  }
0x459: {  	v46 =	vld [tilespmem:s24+$0xB0];
	[tilespmem:s26+$0x4BA0] =	vst v8  }
0x45a: {  	v8 =	vld [tilespmem:s29+$0xB0]  }
0x45b: {  	v47 =	vld [tilespmem:s30+$0xB0]  }
0x45c: {  	v11 =	vmul.f32 v11, v3;
	v12 =	vmul.f32 v45, v2;
	_ =	sdelay $0x1  }
0x45d: {  	v11 =	vadd.f32 v12, v11;
	v9 =	vmul.f32 v9, v5;
	v10 =	vmul.f32 v46, v4;
	_ =	sdelay $0x1  }
0x45e: {  	[tilespmem:s20+$0x4BB0] =	vst v11;
	v9 =	vadd.f32 v10, v9;
	v8 =	vmul.f32 v8, v7;
	v48 =	vmul.f32 v47, v6  }
0x45f: {  	v11 =	vld [tilespmem:s21+$0xC0]  }
0x460: {  	v49 =	vld [tilespmem:s22+$0xC0];
	[tilespmem:s25+$0x4BB0] =	vst v9;
	v8 =	vadd.f32 v48, v8  }
0x461: {  	v9 =	vld [tilespmem:s23+$0xC0]  }
0x462: {  	v50 =	vld [tilespmem:s24+$0xC0];
	[tilespmem:s26+$0x4BB0] =	vst v8  }
0x463: {  	v8 =	vld [tilespmem:s29+$0xC0]  }
0x464: {  	v51 =	vld [tilespmem:s30+$0xC0]  }
0x465: {  	v11 =	vmul.f32 v11, v3;
	v12 =	vmul.f32 v49, v2;
	_ =	sdelay $0x1  }
0x466: {  	v11 =	vadd.f32 v12, v11;
	v9 =	vmul.f32 v9, v5;
	v10 =	vmul.f32 v50, v4;
	_ =	sdelay $0x1  }
0x467: {  	[tilespmem:s20+$0x4BC0] =	vst v11;
	v9 =	vadd.f32 v10, v9;
	v8 =	vmul.f32 v8, v7;
	v52 =	vmul.f32 v51, v6  }
0x468: {  	v11 =	vld [tilespmem:s21+$0xD0]  }
0x469: {  	v53 =	vld [tilespmem:s22+$0xD0];
	[tilespmem:s25+$0x4BC0] =	vst v9;
	v8 =	vadd.f32 v52, v8  }
0x46a: {  	v9 =	vld [tilespmem:s23+$0xD0]  }
0x46b: {  	v54 =	vld [tilespmem:s24+$0xD0];
	[tilespmem:s26+$0x4BC0] =	vst v8  }
0x46c: {  	v8 =	vld [tilespmem:s29+$0xD0]  }
0x46d: {  	v55 =	vld [tilespmem:s30+$0xD0]  }
0x46e: {  	v11 =	vmul.f32 v11, v3;
	v12 =	vmul.f32 v53, v2;
	_ =	sdelay $0x1  }
0x46f: {  	v11 =	vadd.f32 v12, v11;
	v9 =	vmul.f32 v9, v5;
	v10 =	vmul.f32 v54, v4;
	_ =	sdelay $0x1  }
0x470: {  	[tilespmem:s20+$0x4BD0] =	vst v11;
	v9 =	vadd.f32 v10, v9;
	v8 =	vmul.f32 v8, v7;
	v56 =	vmul.f32 v55, v6  }
0x471: {  	v11 =	vld [tilespmem:s21+$0xE0]  }
0x472: {  	v57 =	vld [tilespmem:s22+$0xE0];
	[tilespmem:s25+$0x4BD0] =	vst v9;
	v8 =	vadd.f32 v56, v8  }
0x473: {  	v9 =	vld [tilespmem:s23+$0xE0]  }
0x474: {  	v58 =	vld [tilespmem:s24+$0xE0];
	[tilespmem:s26+$0x4BD0] =	vst v8  }
0x475: {  	v8 =	vld [tilespmem:s29+$0xE0]  }
0x476: {  	v59 =	vld [tilespmem:s30+$0xE0]  }
0x477: {  	v11 =	vmul.f32 v11, v3;
	v12 =	vmul.f32 v57, v2;
	_ =	sdelay $0x1  }
0x478: {  	v11 =	vadd.f32 v12, v11;
	v9 =	vmul.f32 v9, v5;
	v10 =	vmul.f32 v58, v4;
	_ =	sdelay $0x1  }
0x479: {  	[tilespmem:s20+$0x4BE0] =	vst v11;
	v9 =	vadd.f32 v10, v9;
	v8 =	vmul.f32 v8, v7;
	v60 =	vmul.f32 v59, v6  }
0x47a: {  	v11 =	vld [tilespmem:s21+$0xF0]  }
0x47b: {  	v61 =	vld [tilespmem:s22+$0xF0];
	[tilespmem:s25+$0x4BE0] =	vst v9;
	v8 =	vadd.f32 v60, v8  }
0x47c: {  	v9 =	vld [tilespmem:s23+$0xF0]  }
0x47d: {  	v62 =	vld [tilespmem:s24+$0xF0];
	[tilespmem:s26+$0x4BE0] =	vst v8  }
0x47e: {  	v8 =	vld [tilespmem:s29+$0xF0]  }
0x47f: {  	v63 =	vld [tilespmem:s30+$0xF0];
	_ =	sdelay $0x2  }
0x480: {  	v3 =	vmul.f32 v11, v3;
	v2 =	vmul.f32 v61, v2  }
0x481: {  	p1 =	slt.u32 s19, $0x1C;
	v5 =	vmul.f32 v9, v5;
	v4 =	vmul.f32 v62, v4  }
.Ltmp1:
0x482: {  	v2 =	vadd.f32 v2, v3;
	v3 =	vmul.f32 v8, v7;
	v6 =	vmul.f32 v63, v6;
	(pc) =	sbr.rel @p1 .LBB2_5-.Ltmp1, $4  }
0x483: {  	v4 =	vadd.f32 v4, v5  }
0x484: {  	[tilespmem:s20+$0x4BF0] =	vst v2;
	v2 =	vadd.f32 v6, v3  }
0x485: {  	s31 =	sadd.s32 $0x4, s19;
	[tilespmem:s25+$0x4BF0] =	vst v4  }
0x486: {  	s19 =	smov.u32 s31;
	[tilespmem:s26+$0x4BF0] =	vst v2  }
0x487: {  	s0 =	sshll.u32 s18, $0xD;
	s19 =	sshllo.u32 s18, $0x1  }
0x488: {  	s0 =	sadd.s32 s0, s5;
	s1 =	sshll.u32 s19, $0x7  }
0x489: {  	[hbm4b:s0+s2] =	stream.linear.scatter [tilespmem:s13], [sflag:$0x1], $0x8000, $0x38;
	[tilespmem:$0x16800] =	vst v63  }
0x48a: {  	s0 =	simm.s32 @!p0 $0x2;
	v1 =	vmov s1  }
0x48b: {  	_ =	swait.ge @!p0 [sflag:s0], $0x8000  }
0x48c: {  	[sflag:s0] =	ssyncset.done @!p0 $0x0  }
0x48d: {  	s20 =	simm.s32 $0x0;
	[sflag:s0] =	ssyncadd.s32 @!p0 $0xFFFF8000  }
.LBB2_7:
0x48e: {  	s0 =	sshll.u32 s20, $0x2  }
0x48f: {  	v2 =	vld.idx.msk [tilespmem:v1+s0+$0x14800 ss:$0x1], $0xffff  }
0x490: {  	v3 =	vld.idx.msk [tilespmem:v1+s0+$0x15000 ss:$0x1], $0xffff;
	_ =	sdelay $0x3  }
0x491: {  	(v2sf) =	vpush v2, $0x0  }
0x492: {  	(v2sf) =	vpush v3, $0x0;
	_ =	sdelay $0xc  }
0x493: {  	v4 =	vld.idx.msk [tilespmem:v1+s0+$0x15800 ss:$0x1], $0xffff  }
0x494: {  	v5 =	vld.idx.msk [tilespmem:v1+s0+$0x16000 ss:$0x1], $0xffff;
	s24 =	spop (v2sf)  }
0x495: {  	s1 =	spop (v2sf);
	v6 =	vld [tilespmem:s24+$0x0]  }
0x496: {  	v7 =	vld [tilespmem:s1+$0x0];
	_ =	sdelay $0x2  }
0x497: {  	v8 =	vbroadcast v4, $0x0;
	v9 =	vbroadcast v5, $0x0;
	_ =	sdelay $0x1  }
0x498: {  	v6 =	vmul.f32 v6, v9;
	v7 =	vmul.f32 v7, v8;
	_ =	sdelay $0x1  }
0x499: {  	s3 =	sshll.u32 s20, $0xA;
	v6 =	vadd.f32 v7, v6  }
0x49a: {  	s22 =	sand.u32 $0x3FFFFC00, s3  }
0x49b: {  	[tilespmem:s22+$0xC800] =	vst v6  }
0x49c: {  	v6 =	vld [tilespmem:s24+$0x10]  }
0x49d: {  	v19 =	vld [tilespmem:s1+$0x10];
	_ =	sdelay $0x4  }
0x49e: {  	v6 =	vmul.f32 v6, v9;
	v7 =	vmul.f32 v19, v8;
	_ =	sdelay $0x1  }
0x49f: {  	v6 =	vadd.f32 v7, v6;
	_ =	sdelay $0x1  }
0x4a0: {  	[tilespmem:s22+$0xC810] =	vst v6  }
0x4a1: {  	v6 =	vld [tilespmem:s24+$0x20]  }
0x4a2: {  	v20 =	vld [tilespmem:s1+$0x20];
	_ =	sdelay $0x4  }
0x4a3: {  	v6 =	vmul.f32 v6, v9;
	v7 =	vmul.f32 v20, v8;
	_ =	sdelay $0x1  }
0x4a4: {  	v6 =	vadd.f32 v7, v6;
	_ =	sdelay $0x1  }
0x4a5: {  	[tilespmem:s22+$0xC820] =	vst v6  }
0x4a6: {  	v6 =	vld [tilespmem:s24+$0x30]  }
0x4a7: {  	v21 =	vld [tilespmem:s1+$0x30];
	_ =	sdelay $0x4  }
0x4a8: {  	v6 =	vmul.f32 v6, v9;
	v7 =	vmul.f32 v21, v8;
	_ =	sdelay $0x1  }
0x4a9: {  	v6 =	vadd.f32 v7, v6;
	_ =	sdelay $0x1  }
0x4aa: {  	[tilespmem:s22+$0xC830] =	vst v6  }
0x4ab: {  	v6 =	vld [tilespmem:s24+$0x40]  }
0x4ac: {  	v22 =	vld [tilespmem:s1+$0x40];
	_ =	sdelay $0x4  }
0x4ad: {  	v6 =	vmul.f32 v6, v9;
	v7 =	vmul.f32 v22, v8;
	_ =	sdelay $0x1  }
0x4ae: {  	v6 =	vadd.f32 v7, v6;
	_ =	sdelay $0x1  }
0x4af: {  	[tilespmem:s22+$0xC840] =	vst v6  }
0x4b0: {  	v6 =	vld [tilespmem:s24+$0x50]  }
0x4b1: {  	v23 =	vld [tilespmem:s1+$0x50];
	_ =	sdelay $0x4  }
0x4b2: {  	v6 =	vmul.f32 v6, v9;
	v7 =	vmul.f32 v23, v8;
	_ =	sdelay $0x1  }
0x4b3: {  	v6 =	vadd.f32 v7, v6;
	_ =	sdelay $0x1  }
0x4b4: {  	[tilespmem:s22+$0xC850] =	vst v6  }
0x4b5: {  	v6 =	vld [tilespmem:s24+$0x60]  }
0x4b6: {  	v24 =	vld [tilespmem:s1+$0x60];
	_ =	sdelay $0x4  }
0x4b7: {  	v6 =	vmul.f32 v6, v9;
	v7 =	vmul.f32 v24, v8;
	_ =	sdelay $0x1  }
0x4b8: {  	v6 =	vadd.f32 v7, v6;
	_ =	sdelay $0x1  }
0x4b9: {  	[tilespmem:s22+$0xC860] =	vst v6  }
0x4ba: {  	v6 =	vld [tilespmem:s24+$0x70]  }
0x4bb: {  	v25 =	vld [tilespmem:s1+$0x70];
	_ =	sdelay $0x4  }
0x4bc: {  	v6 =	vmul.f32 v6, v9;
	v7 =	vmul.f32 v25, v8;
	_ =	sdelay $0x1  }
0x4bd: {  	v6 =	vadd.f32 v7, v6;
	_ =	sdelay $0x1  }
0x4be: {  	[tilespmem:s22+$0xC870] =	vst v6  }
0x4bf: {  	v6 =	vld [tilespmem:s24+$0x80]  }
0x4c0: {  	v26 =	vld [tilespmem:s1+$0x80];
	_ =	sdelay $0x4  }
0x4c1: {  	v6 =	vmul.f32 v6, v9;
	v7 =	vmul.f32 v26, v8;
	_ =	sdelay $0x1  }
0x4c2: {  	v6 =	vadd.f32 v7, v6;
	_ =	sdelay $0x1  }
0x4c3: {  	[tilespmem:s22+$0xC880] =	vst v6  }
0x4c4: {  	v6 =	vld [tilespmem:s24+$0x90]  }
0x4c5: {  	v27 =	vld [tilespmem:s1+$0x90];
	_ =	sdelay $0x4  }
0x4c6: {  	v6 =	vmul.f32 v6, v9;
	v7 =	vmul.f32 v27, v8;
	_ =	sdelay $0x1  }
0x4c7: {  	v6 =	vadd.f32 v7, v6;
	_ =	sdelay $0x1  }
0x4c8: {  	[tilespmem:s22+$0xC890] =	vst v6  }
0x4c9: {  	v6 =	vld [tilespmem:s24+$0xA0]  }
0x4ca: {  	v28 =	vld [tilespmem:s1+$0xA0];
	_ =	sdelay $0x4  }
0x4cb: {  	v6 =	vmul.f32 v6, v9;
	v7 =	vmul.f32 v28, v8;
	_ =	sdelay $0x1  }
0x4cc: {  	v6 =	vadd.f32 v7, v6;
	_ =	sdelay $0x1  }
0x4cd: {  	[tilespmem:s22+$0xC8A0] =	vst v6  }
0x4ce: {  	v6 =	vld [tilespmem:s24+$0xB0]  }
0x4cf: {  	v29 =	vld [tilespmem:s1+$0xB0];
	_ =	sdelay $0x4  }
0x4d0: {  	v6 =	vmul.f32 v6, v9;
	v7 =	vmul.f32 v29, v8;
	_ =	sdelay $0x1  }
0x4d1: {  	v6 =	vadd.f32 v7, v6;
	_ =	sdelay $0x1  }
0x4d2: {  	[tilespmem:s22+$0xC8B0] =	vst v6  }
0x4d3: {  	v6 =	vld [tilespmem:s24+$0xC0]  }
0x4d4: {  	v30 =	vld [tilespmem:s1+$0xC0];
	_ =	sdelay $0x4  }
0x4d5: {  	v6 =	vmul.f32 v6, v9;
	v7 =	vmul.f32 v30, v8;
	_ =	sdelay $0x1  }
0x4d6: {  	v6 =	vadd.f32 v7, v6;
	_ =	sdelay $0x1  }
0x4d7: {  	[tilespmem:s22+$0xC8C0] =	vst v6  }
0x4d8: {  	v6 =	vld [tilespmem:s24+$0xD0]  }
0x4d9: {  	v31 =	vld [tilespmem:s1+$0xD0];
	_ =	sdelay $0x4  }
0x4da: {  	v6 =	vmul.f32 v6, v9;
	v7 =	vmul.f32 v31, v8;
	_ =	sdelay $0x1  }
0x4db: {  	v6 =	vadd.f32 v7, v6;
	_ =	sdelay $0x1  }
0x4dc: {  	[tilespmem:s22+$0xC8D0] =	vst v6  }
0x4dd: {  	v6 =	vld [tilespmem:s24+$0xE0]  }
0x4de: {  	v32 =	vld [tilespmem:s1+$0xE0];
	_ =	sdelay $0x4  }
0x4df: {  	(v2sf) =	vpush v2, $0x1;
	v6 =	vmul.f32 v6, v9;
	v7 =	vmul.f32 v32, v8  }
0x4e0: {  	(v2sf) =	vpush v3, $0x1  }
0x4e1: {  	v6 =	vadd.f32 v7, v6;
	_ =	sdelay $0x1  }
0x4e2: {  	[tilespmem:s22+$0xC8E0] =	vst v6  }
0x4e3: {  	v6 =	vld [tilespmem:s24+$0xF0]  }
0x4e4: {  	v33 =	vld [tilespmem:s1+$0xF0];
	_ =	sdelay $0x4  }
0x4e5: {  	v6 =	vmul.f32 v6, v9;
	v7 =	vmul.f32 v33, v8;
	_ =	sdelay $0x1  }
0x4e6: {  	v6 =	vadd.f32 v7, v6;
	_ =	sdelay $0x1  }
0x4e7: {  	s16 =	spop (v2sf);
	[tilespmem:s22+$0xC8F0] =	vst v6  }
0x4e8: {  	s15 =	spop (v2sf);
	v6 =	vld [tilespmem:s16+$0x0]  }
0x4e9: {  	v34 =	vld [tilespmem:s15+$0x0];
	_ =	sdelay $0x2  }
0x4ea: {  	v35 =	vbroadcast v4, $0x1;
	v10 =	vbroadcast v5, $0x1;
	_ =	sdelay $0x1  }
0x4eb: {  	v6 =	vmul.f32 v6, v10;
	v7 =	vmul.f32 v34, v35;
	_ =	sdelay $0x1  }
0x4ec: {  	v6 =	vadd.f32 v7, v6;
	_ =	sdelay $0x1  }
0x4ed: {  	[tilespmem:s22+$0xC900] =	vst v6  }
0x4ee: {  	v6 =	vld [tilespmem:s16+$0x10]  }
0x4ef: {  	v36 =	vld [tilespmem:s15+$0x10];
	_ =	sdelay $0x4  }
0x4f0: {  	v6 =	vmul.f32 v6, v10;
	v7 =	vmul.f32 v36, v35;
	_ =	sdelay $0x1  }
0x4f1: {  	v6 =	vadd.f32 v7, v6;
	_ =	sdelay $0x1  }
0x4f2: {  	[tilespmem:s22+$0xC910] =	vst v6  }
0x4f3: {  	v6 =	vld [tilespmem:s16+$0x20]  }
0x4f4: {  	v37 =	vld [tilespmem:s15+$0x20];
	_ =	sdelay $0x4  }
0x4f5: {  	v6 =	vmul.f32 v6, v10;
	v7 =	vmul.f32 v37, v35;
	_ =	sdelay $0x1  }
0x4f6: {  	v6 =	vadd.f32 v7, v6;
	_ =	sdelay $0x1  }
0x4f7: {  	[tilespmem:s22+$0xC920] =	vst v6  }
0x4f8: {  	v6 =	vld [tilespmem:s16+$0x30]  }
0x4f9: {  	v38 =	vld [tilespmem:s15+$0x30];
	_ =	sdelay $0x4  }
0x4fa: {  	v6 =	vmul.f32 v6, v10;
	v7 =	vmul.f32 v38, v35;
	_ =	sdelay $0x1  }
0x4fb: {  	v6 =	vadd.f32 v7, v6;
	_ =	sdelay $0x1  }
0x4fc: {  	[tilespmem:s22+$0xC930] =	vst v6  }
0x4fd: {  	v6 =	vld [tilespmem:s16+$0x40]  }
0x4fe: {  	v39 =	vld [tilespmem:s15+$0x40];
	_ =	sdelay $0x4  }
0x4ff: {  	v6 =	vmul.f32 v6, v10;
	v7 =	vmul.f32 v39, v35;
	_ =	sdelay $0x1  }
0x500: {  	v6 =	vadd.f32 v7, v6;
	_ =	sdelay $0x1  }
0x501: {  	[tilespmem:s22+$0xC940] =	vst v6  }
0x502: {  	v6 =	vld [tilespmem:s16+$0x50]  }
0x503: {  	v40 =	vld [tilespmem:s15+$0x50];
	_ =	sdelay $0x4  }
0x504: {  	v6 =	vmul.f32 v6, v10;
	v7 =	vmul.f32 v40, v35;
	_ =	sdelay $0x1  }
0x505: {  	v6 =	vadd.f32 v7, v6;
	_ =	sdelay $0x1  }
0x506: {  	[tilespmem:s22+$0xC950] =	vst v6  }
0x507: {  	v41 =	vld [tilespmem:s16+$0x60]  }
0x508: {  	s21 =	sor.u32 $0x1, s20;
	v42 =	vld [tilespmem:s15+$0x60]  }
0x509: {  	s4 =	sshll.u32 s21, $0x2  }
0x50a: {  	v6 =	vld.idx.msk [tilespmem:v1+s4+$0x14800 ss:$0x1], $0xffff  }
0x50b: {  	(v2sf) =	vpush v2, $0x2;
	v7 =	vld.idx.msk [tilespmem:v1+s4+$0x15000 ss:$0x1], $0xffff  }
0x50c: {  	(v2sf) =	vpush v3, $0x2  }
0x50d: {  	(v2sf) =	vpush v2, $0x3;
	v11 =	vmul.f32 v41, v10;
	v9 =	vmul.f32 v42, v35  }
0x50e: {  	(v2sf) =	vpush v3, $0x3  }
0x50f: {  	(v2sf) =	vpush v6, $0x0;
	v9 =	vadd.f32 v9, v11  }
0x510: {  	(v2sf) =	vpush v7, $0x0  }
0x511: {  	[tilespmem:s22+$0xC960] =	vst v9  }
0x512: {  	v2 =	vld [tilespmem:s16+$0x70]  }
0x513: {  	v3 =	vld [tilespmem:s15+$0x70];
	_ =	sdelay $0x4  }
0x514: {  	v2 =	vmul.f32 v2, v10;
	v3 =	vmul.f32 v3, v35;
	_ =	sdelay $0x1  }
0x515: {  	s25 =	spop (v2sf);
	v2 =	vadd.f32 v3, v2  }
0x516: {  	s26 =	spop (v2sf);
	v3 =	vld.idx.msk [tilespmem:v1+s4+$0x16000 ss:$0x1], $0xffff  }
0x517: {  	s28 =	spop (v2sf);
	[tilespmem:s22+$0xC970] =	vst v2;
	v2 =	vld.idx.msk [tilespmem:v1+s4+$0x15800 ss:$0x1], $0xffff  }
0x518: {  	s23 =	spop (v2sf);
	v9 =	vld [tilespmem:s16+$0x80]  }
0x519: {  	s29 =	spop (v2sf);
	v43 =	vld [tilespmem:s15+$0x80]  }
0x51a: {  	s6 =	spop (v2sf);
	v12 =	vld [tilespmem:s29+$0x0]  }
0x51b: {  	v13 =	vld [tilespmem:s6+$0x0];
	_ =	sdelay $0x1  }
0x51c: {  	v11 =	vbroadcast v3, $0x0;
	v14 =	vmul.f32 v9, v10  }
0x51d: {  	v15 =	vmul.f32 v43, v35;
	v9 =	vbroadcast v2, $0x0;
	_ =	sdelay $0x1  }
0x51e: {  	v12 =	vmul.f32 v12, v11;
	v14 =	vadd.f32 v15, v14;
	v13 =	vmul.f32 v13, v9;
	_ =	sdelay $0x1  }
0x51f: {  	s21 =	sshll.u32 s21, $0xA;
	[tilespmem:s22+$0xC980] =	vst v14;
	v12 =	vadd.f32 v13, v12  }
0x520: {  	s21 =	sand.u32 $0x3FFFFC00, s21;
	v14 =	vld [tilespmem:s16+$0x90]  }
0x521: {  	v44 =	vld [tilespmem:s15+$0x90];
	[tilespmem:s21+$0xC800] =	vst v12  }
0x522: {  	v12 =	vld [tilespmem:s29+$0x10]  }
0x523: {  	v45 =	vld [tilespmem:s6+$0x10];
	_ =	sdelay $0x2  }
0x524: {  	v14 =	vmul.f32 v14, v10;
	v13 =	vmul.f32 v44, v35;
	_ =	sdelay $0x1  }
0x525: {  	v13 =	vadd.f32 v13, v14;
	v12 =	vmul.f32 v12, v11;
	v46 =	vmul.f32 v45, v9;
	_ =	sdelay $0x1  }
0x526: {  	[tilespmem:s22+$0xC990] =	vst v13;
	v12 =	vadd.f32 v46, v12  }
0x527: {  	v13 =	vld [tilespmem:s16+$0xA0]  }
0x528: {  	v47 =	vld [tilespmem:s15+$0xA0];
	[tilespmem:s21+$0xC810] =	vst v12  }
0x529: {  	v12 =	vld [tilespmem:s29+$0x20]  }
0x52a: {  	v48 =	vld [tilespmem:s6+$0x20];
	_ =	sdelay $0x2  }
0x52b: {  	v13 =	vmul.f32 v13, v10;
	v14 =	vmul.f32 v47, v35;
	_ =	sdelay $0x1  }
0x52c: {  	v13 =	vadd.f32 v14, v13;
	v12 =	vmul.f32 v12, v11;
	v49 =	vmul.f32 v48, v9;
	_ =	sdelay $0x1  }
0x52d: {  	[tilespmem:s22+$0xC9A0] =	vst v13;
	v12 =	vadd.f32 v49, v12  }
0x52e: {  	v13 =	vld [tilespmem:s16+$0xB0]  }
0x52f: {  	v50 =	vld [tilespmem:s15+$0xB0];
	[tilespmem:s21+$0xC820] =	vst v12  }
0x530: {  	v12 =	vld [tilespmem:s29+$0x30]  }
0x531: {  	v51 =	vld [tilespmem:s6+$0x30];
	_ =	sdelay $0x2  }
0x532: {  	v13 =	vmul.f32 v13, v10;
	v14 =	vmul.f32 v50, v35;
	_ =	sdelay $0x1  }
0x533: {  	v13 =	vadd.f32 v14, v13;
	v12 =	vmul.f32 v12, v11;
	v52 =	vmul.f32 v51, v9;
	_ =	sdelay $0x1  }
0x534: {  	[tilespmem:s22+$0xC9B0] =	vst v13;
	v12 =	vadd.f32 v52, v12  }
0x535: {  	v13 =	vld [tilespmem:s16+$0xC0]  }
0x536: {  	v53 =	vld [tilespmem:s15+$0xC0];
	[tilespmem:s21+$0xC830] =	vst v12  }
0x537: {  	v12 =	vld [tilespmem:s29+$0x40]  }
0x538: {  	v54 =	vld [tilespmem:s6+$0x40];
	_ =	sdelay $0x2  }
0x539: {  	v13 =	vmul.f32 v13, v10;
	v14 =	vmul.f32 v53, v35;
	_ =	sdelay $0x1  }
0x53a: {  	v13 =	vadd.f32 v14, v13;
	v12 =	vmul.f32 v12, v11;
	v55 =	vmul.f32 v54, v9;
	_ =	sdelay $0x1  }
0x53b: {  	[tilespmem:s22+$0xC9C0] =	vst v13;
	v12 =	vadd.f32 v55, v12  }
0x53c: {  	v13 =	vld [tilespmem:s16+$0xD0]  }
0x53d: {  	v56 =	vld [tilespmem:s15+$0xD0];
	[tilespmem:s21+$0xC840] =	vst v12  }
0x53e: {  	v12 =	vld [tilespmem:s29+$0x50]  }
0x53f: {  	v57 =	vld [tilespmem:s6+$0x50];
	_ =	sdelay $0x2  }
0x540: {  	v13 =	vmul.f32 v13, v10;
	v14 =	vmul.f32 v56, v35;
	_ =	sdelay $0x1  }
0x541: {  	v13 =	vadd.f32 v14, v13;
	v12 =	vmul.f32 v12, v11;
	v58 =	vmul.f32 v57, v9;
	_ =	sdelay $0x1  }
0x542: {  	[tilespmem:s22+$0xC9D0] =	vst v13;
	v12 =	vadd.f32 v58, v12  }
0x543: {  	v13 =	vld [tilespmem:s16+$0xE0]  }
0x544: {  	v59 =	vld [tilespmem:s15+$0xE0];
	[tilespmem:s21+$0xC850] =	vst v12  }
0x545: {  	v12 =	vld [tilespmem:s29+$0x60]  }
0x546: {  	v60 =	vld [tilespmem:s6+$0x60];
	_ =	sdelay $0x2  }
0x547: {  	v13 =	vmul.f32 v13, v10;
	v14 =	vmul.f32 v59, v35;
	_ =	sdelay $0x1  }
0x548: {  	v13 =	vadd.f32 v14, v13;
	v12 =	vmul.f32 v12, v11;
	v61 =	vmul.f32 v60, v9;
	_ =	sdelay $0x1  }
0x549: {  	[tilespmem:s22+$0xC9E0] =	vst v13;
	v12 =	vadd.f32 v61, v12  }
0x54a: {  	v13 =	vld [tilespmem:s16+$0xF0]  }
0x54b: {  	v62 =	vld [tilespmem:s15+$0xF0];
	[tilespmem:s21+$0xC860] =	vst v12  }
0x54c: {  	v12 =	vld [tilespmem:s29+$0x70]  }
0x54d: {  	v63 =	vld [tilespmem:s6+$0x70];
	_ =	sdelay $0x2  }
0x54e: {  	v10 =	vmul.f32 v13, v10;
	v8 =	vmul.f32 v62, v35;
	_ =	sdelay $0x1  }
0x54f: {  	v8 =	vadd.f32 v8, v10;
	v17 =	vmul.f32 v12, v11;
	v18 =	vmul.f32 v63, v9;
	_ =	sdelay $0x1  }
0x550: {  	[tilespmem:s22+$0xC9F0] =	vst v8;
	v20 =	vadd.f32 v18, v17  }
0x551: {  	v19 =	vld [tilespmem:s25+$0x0]  }
0x552: {  	v21 =	vld [tilespmem:s26+$0x0];
	[tilespmem:s21+$0xC870] =	vst v20  }
0x553: {  	v22 =	vld [tilespmem:s29+$0x80]  }
0x554: {  	v23 =	vld [tilespmem:s6+$0x80]  }
0x555: {  	v10 =	vbroadcast v5, $0x2;
	v8 =	vbroadcast v4, $0x2;
	_ =	sdelay $0x1  }
0x556: {  	v13 =	vmul.f32 v19, v10;
	v12 =	vmul.f32 v21, v8;
	_ =	sdelay $0x1  }
0x557: {  	v12 =	vadd.f32 v12, v13;
	v24 =	vmul.f32 v22, v11;
	v25 =	vmul.f32 v23, v9;
	_ =	sdelay $0x1  }
0x558: {  	[tilespmem:s22+$0xCA00] =	vst v12;
	v13 =	vadd.f32 v25, v24  }
0x559: {  	v12 =	vld [tilespmem:s25+$0x10]  }
0x55a: {  	v26 =	vld [tilespmem:s26+$0x10];
	[tilespmem:s21+$0xC880] =	vst v13  }
0x55b: {  	v13 =	vld [tilespmem:s29+$0x90]  }
0x55c: {  	v27 =	vld [tilespmem:s6+$0x90];
	_ =	sdelay $0x2  }
0x55d: {  	v12 =	vmul.f32 v12, v10;
	v14 =	vmul.f32 v26, v8;
	_ =	sdelay $0x1  }
0x55e: {  	v12 =	vadd.f32 v14, v12;
	v13 =	vmul.f32 v13, v11;
	v28 =	vmul.f32 v27, v9;
	_ =	sdelay $0x1  }
0x55f: {  	[tilespmem:s22+$0xCA10] =	vst v12;
	v13 =	vadd.f32 v28, v13  }
0x560: {  	v12 =	vld [tilespmem:s25+$0x20]  }
0x561: {  	v29 =	vld [tilespmem:s26+$0x20];
	[tilespmem:s21+$0xC890] =	vst v13  }
0x562: {  	v13 =	vld [tilespmem:s29+$0xA0]  }
0x563: {  	v30 =	vld [tilespmem:s6+$0xA0];
	_ =	sdelay $0x2  }
0x564: {  	v12 =	vmul.f32 v12, v10;
	v14 =	vmul.f32 v29, v8;
	_ =	sdelay $0x1  }
0x565: {  	v12 =	vadd.f32 v14, v12;
	v13 =	vmul.f32 v13, v11;
	v31 =	vmul.f32 v30, v9;
	_ =	sdelay $0x1  }
0x566: {  	[tilespmem:s22+$0xCA20] =	vst v12;
	v13 =	vadd.f32 v31, v13  }
0x567: {  	v12 =	vld [tilespmem:s25+$0x30]  }
0x568: {  	v32 =	vld [tilespmem:s26+$0x30];
	[tilespmem:s21+$0xC8A0] =	vst v13  }
0x569: {  	v13 =	vld [tilespmem:s29+$0xB0]  }
0x56a: {  	v33 =	vld [tilespmem:s6+$0xB0];
	_ =	sdelay $0x2  }
0x56b: {  	v12 =	vmul.f32 v12, v10;
	v14 =	vmul.f32 v32, v8;
	_ =	sdelay $0x1  }
0x56c: {  	v12 =	vadd.f32 v14, v12;
	v13 =	vmul.f32 v13, v11;
	v34 =	vmul.f32 v33, v9;
	_ =	sdelay $0x1  }
0x56d: {  	[tilespmem:s22+$0xCA30] =	vst v12;
	v13 =	vadd.f32 v34, v13  }
0x56e: {  	v12 =	vld [tilespmem:s25+$0x40]  }
0x56f: {  	v35 =	vld [tilespmem:s26+$0x40];
	[tilespmem:s21+$0xC8B0] =	vst v13  }
0x570: {  	v13 =	vld [tilespmem:s29+$0xC0]  }
0x571: {  	v36 =	vld [tilespmem:s6+$0xC0];
	_ =	sdelay $0x2  }
0x572: {  	v12 =	vmul.f32 v12, v10;
	v14 =	vmul.f32 v35, v8;
	_ =	sdelay $0x1  }
0x573: {  	v12 =	vadd.f32 v14, v12;
	v13 =	vmul.f32 v13, v11;
	v37 =	vmul.f32 v36, v9;
	_ =	sdelay $0x1  }
0x574: {  	[tilespmem:s22+$0xCA40] =	vst v12;
	v13 =	vadd.f32 v37, v13  }
0x575: {  	v12 =	vld [tilespmem:s25+$0x50]  }
0x576: {  	v38 =	vld [tilespmem:s26+$0x50];
	[tilespmem:s21+$0xC8C0] =	vst v13  }
0x577: {  	v13 =	vld [tilespmem:s29+$0xD0]  }
0x578: {  	v39 =	vld [tilespmem:s6+$0xD0];
	_ =	sdelay $0x2  }
0x579: {  	v12 =	vmul.f32 v12, v10;
	v14 =	vmul.f32 v38, v8;
	_ =	sdelay $0x1  }
0x57a: {  	v12 =	vadd.f32 v14, v12;
	v13 =	vmul.f32 v13, v11;
	v40 =	vmul.f32 v39, v9;
	_ =	sdelay $0x1  }
0x57b: {  	[tilespmem:s22+$0xCA50] =	vst v12;
	v13 =	vadd.f32 v40, v13  }
0x57c: {  	v12 =	vld [tilespmem:s25+$0x60]  }
0x57d: {  	v41 =	vld [tilespmem:s26+$0x60];
	[tilespmem:s21+$0xC8D0] =	vst v13  }
0x57e: {  	v13 =	vld [tilespmem:s29+$0xE0]  }
0x57f: {  	v42 =	vld [tilespmem:s6+$0xE0];
	_ =	sdelay $0x2  }
0x580: {  	v12 =	vmul.f32 v12, v10;
	v14 =	vmul.f32 v41, v8  }
0x581: {  	(v2sf) =	vpush v6, $0x1  }
0x582: {  	v12 =	vadd.f32 v14, v12;
	v13 =	vmul.f32 v13, v11;
	v43 =	vmul.f32 v42, v9  }
0x583: {  	(v2sf) =	vpush v7, $0x1  }
0x584: {  	[tilespmem:s22+$0xCA60] =	vst v12;
	v13 =	vadd.f32 v43, v13  }
0x585: {  	v12 =	vld [tilespmem:s25+$0x70]  }
0x586: {  	v44 =	vld [tilespmem:s26+$0x70];
	[tilespmem:s21+$0xC8E0] =	vst v13  }
0x587: {  	v13 =	vld [tilespmem:s29+$0xF0]  }
0x588: {  	v45 =	vld [tilespmem:s6+$0xF0];
	_ =	sdelay $0x2  }
0x589: {  	v12 =	vmul.f32 v12, v10;
	v14 =	vmul.f32 v44, v8;
	_ =	sdelay $0x1  }
0x58a: {  	v12 =	vadd.f32 v14, v12;
	v11 =	vmul.f32 v13, v11;
	v9 =	vmul.f32 v45, v9;
	_ =	sdelay $0x1  }
0x58b: {  	[tilespmem:s22+$0xCA70] =	vst v12;
	v9 =	vadd.f32 v9, v11  }
0x58c: {  	v12 =	vld [tilespmem:s25+$0x80]  }
0x58d: {  	s30 =	spop (v2sf);
	v46 =	vld [tilespmem:s26+$0x80];
	[tilespmem:s21+$0xC8F0] =	vst v9  }
0x58e: {  	s31 =	spop (v2sf);
	v9 =	vld [tilespmem:s30+$0x0]  }
0x58f: {  	v47 =	vld [tilespmem:s31+$0x0];
	_ =	sdelay $0x1  }
0x590: {  	v11 =	vbroadcast v2, $0x1;
	v48 =	vmul.f32 v12, v10  }
0x591: {  	v49 =	vmul.f32 v46, v8;
	v12 =	vbroadcast v3, $0x1;
	_ =	sdelay $0x1  }
0x592: {  	v14 =	vadd.f32 v49, v48;
	v9 =	vmul.f32 v9, v12;
	v13 =	vmul.f32 v47, v11;
	_ =	sdelay $0x1  }
0x593: {  	[tilespmem:s22+$0xCA80] =	vst v14;
	v9 =	vadd.f32 v13, v9  }
0x594: {  	v14 =	vld [tilespmem:s25+$0x90]  }
0x595: {  	v50 =	vld [tilespmem:s26+$0x90];
	[tilespmem:s21+$0xC900] =	vst v9  }
0x596: {  	v9 =	vld [tilespmem:s30+$0x10]  }
0x597: {  	v51 =	vld [tilespmem:s31+$0x10];
	_ =	sdelay $0x2  }
0x598: {  	v14 =	vmul.f32 v14, v10;
	v13 =	vmul.f32 v50, v8;
	_ =	sdelay $0x1  }
0x599: {  	v13 =	vadd.f32 v13, v14;
	v9 =	vmul.f32 v9, v12;
	v52 =	vmul.f32 v51, v11;
	_ =	sdelay $0x1  }
0x59a: {  	[tilespmem:s22+$0xCA90] =	vst v13;
	v9 =	vadd.f32 v52, v9  }
0x59b: {  	v13 =	vld [tilespmem:s25+$0xA0]  }
0x59c: {  	v53 =	vld [tilespmem:s26+$0xA0];
	[tilespmem:s21+$0xC910] =	vst v9  }
0x59d: {  	v9 =	vld [tilespmem:s30+$0x20]  }
0x59e: {  	v54 =	vld [tilespmem:s31+$0x20];
	_ =	sdelay $0x2  }
0x59f: {  	v13 =	vmul.f32 v13, v10;
	v14 =	vmul.f32 v53, v8;
	_ =	sdelay $0x1  }
0x5a0: {  	v13 =	vadd.f32 v14, v13;
	v9 =	vmul.f32 v9, v12;
	v55 =	vmul.f32 v54, v11;
	_ =	sdelay $0x1  }
0x5a1: {  	[tilespmem:s22+$0xCAA0] =	vst v13;
	v9 =	vadd.f32 v55, v9  }
0x5a2: {  	v13 =	vld [tilespmem:s25+$0xB0]  }
0x5a3: {  	v56 =	vld [tilespmem:s26+$0xB0];
	[tilespmem:s21+$0xC920] =	vst v9  }
0x5a4: {  	v9 =	vld [tilespmem:s30+$0x30]  }
0x5a5: {  	v57 =	vld [tilespmem:s31+$0x30];
	_ =	sdelay $0x2  }
0x5a6: {  	v13 =	vmul.f32 v13, v10;
	v14 =	vmul.f32 v56, v8;
	_ =	sdelay $0x1  }
0x5a7: {  	v13 =	vadd.f32 v14, v13;
	v9 =	vmul.f32 v9, v12;
	v58 =	vmul.f32 v57, v11;
	_ =	sdelay $0x1  }
0x5a8: {  	[tilespmem:s22+$0xCAB0] =	vst v13;
	v9 =	vadd.f32 v58, v9  }
0x5a9: {  	v13 =	vld [tilespmem:s25+$0xC0]  }
0x5aa: {  	v59 =	vld [tilespmem:s26+$0xC0];
	[tilespmem:s21+$0xC930] =	vst v9  }
0x5ab: {  	v9 =	vld [tilespmem:s30+$0x40]  }
0x5ac: {  	v60 =	vld [tilespmem:s31+$0x40];
	_ =	sdelay $0x2  }
0x5ad: {  	v13 =	vmul.f32 v13, v10;
	v14 =	vmul.f32 v59, v8;
	_ =	sdelay $0x1  }
0x5ae: {  	v13 =	vadd.f32 v14, v13;
	v9 =	vmul.f32 v9, v12;
	v61 =	vmul.f32 v60, v11;
	_ =	sdelay $0x1  }
0x5af: {  	[tilespmem:s22+$0xCAC0] =	vst v13;
	v9 =	vadd.f32 v61, v9  }
0x5b0: {  	v13 =	vld [tilespmem:s25+$0xD0]  }
0x5b1: {  	v62 =	vld [tilespmem:s26+$0xD0];
	[tilespmem:s21+$0xC940] =	vst v9  }
0x5b2: {  	v9 =	vld [tilespmem:s30+$0x50]  }
0x5b3: {  	v63 =	vld [tilespmem:s31+$0x50];
	_ =	sdelay $0x2  }
0x5b4: {  	v13 =	vmul.f32 v13, v10;
	v14 =	vmul.f32 v62, v8;
	_ =	sdelay $0x1  }
0x5b5: {  	v13 =	vadd.f32 v14, v13;
	v9 =	vmul.f32 v9, v12;
	v18 =	vmul.f32 v63, v11;
	_ =	sdelay $0x1  }
0x5b6: {  	[tilespmem:s22+$0xCAD0] =	vst v13;
	v9 =	vadd.f32 v18, v9  }
0x5b7: {  	v13 =	vld [tilespmem:s25+$0xE0]  }
0x5b8: {  	v19 =	vld [tilespmem:s26+$0xE0];
	[tilespmem:s21+$0xC950] =	vst v9  }
0x5b9: {  	v9 =	vld [tilespmem:s30+$0x60]  }
0x5ba: {  	v20 =	vld [tilespmem:s31+$0x60];
	_ =	sdelay $0x2  }
0x5bb: {  	v13 =	vmul.f32 v13, v10;
	v14 =	vmul.f32 v19, v8;
	_ =	sdelay $0x1  }
0x5bc: {  	v13 =	vadd.f32 v14, v13;
	v9 =	vmul.f32 v9, v12;
	v21 =	vmul.f32 v20, v11;
	_ =	sdelay $0x1  }
0x5bd: {  	[tilespmem:s22+$0xCAE0] =	vst v13;
	v9 =	vadd.f32 v21, v9  }
0x5be: {  	v13 =	vld [tilespmem:s25+$0xF0]  }
0x5bf: {  	v22 =	vld [tilespmem:s26+$0xF0];
	[tilespmem:s21+$0xC960] =	vst v9  }
0x5c0: {  	v9 =	vld [tilespmem:s30+$0x70]  }
0x5c1: {  	v23 =	vld [tilespmem:s31+$0x70];
	_ =	sdelay $0x2  }
0x5c2: {  	v10 =	vmul.f32 v13, v10;
	v8 =	vmul.f32 v22, v8;
	_ =	sdelay $0x1  }
0x5c3: {  	v8 =	vadd.f32 v8, v10;
	v9 =	vmul.f32 v9, v12;
	v24 =	vmul.f32 v23, v11;
	_ =	sdelay $0x1  }
0x5c4: {  	[tilespmem:s22+$0xCAF0] =	vst v8;
	v26 =	vadd.f32 v24, v9  }
0x5c5: {  	v25 =	vld [tilespmem:s28+$0x0]  }
0x5c6: {  	v27 =	vld [tilespmem:s23+$0x0];
	[tilespmem:s21+$0xC970] =	vst v26  }
0x5c7: {  	v28 =	vld [tilespmem:s30+$0x80]  }
0x5c8: {  	v29 =	vld [tilespmem:s31+$0x80]  }
0x5c9: {  	v8 =	vbroadcast v4, $0x3;
	v9 =	vbroadcast v5, $0x3;
	_ =	sdelay $0x1  }
0x5ca: {  	v5 =	vmul.f32 v25, v9;
	v10 =	vmul.f32 v27, v8;
	_ =	sdelay $0x1  }
0x5cb: {  	v5 =	vadd.f32 v10, v5;
	v30 =	vmul.f32 v28, v12;
	v4 =	vmul.f32 v29, v11;
	_ =	sdelay $0x1  }
0x5cc: {  	[tilespmem:s22+$0xCB00] =	vst v5;
	v4 =	vadd.f32 v4, v30  }
0x5cd: {  	v5 =	vld [tilespmem:s28+$0x10]  }
0x5ce: {  	v31 =	vld [tilespmem:s23+$0x10];
	[tilespmem:s21+$0xC980] =	vst v4  }
0x5cf: {  	v4 =	vld [tilespmem:s30+$0x90]  }
0x5d0: {  	v32 =	vld [tilespmem:s31+$0x90];
	_ =	sdelay $0x2  }
0x5d1: {  	v5 =	vmul.f32 v5, v9;
	v10 =	vmul.f32 v31, v8;
	_ =	sdelay $0x1  }
0x5d2: {  	v5 =	vadd.f32 v10, v5;
	v4 =	vmul.f32 v4, v12;
	v33 =	vmul.f32 v32, v11;
	_ =	sdelay $0x1  }
0x5d3: {  	[tilespmem:s22+$0xCB10] =	vst v5;
	v4 =	vadd.f32 v33, v4  }
0x5d4: {  	v5 =	vld [tilespmem:s28+$0x20]  }
0x5d5: {  	v34 =	vld [tilespmem:s23+$0x20];
	[tilespmem:s21+$0xC990] =	vst v4  }
0x5d6: {  	v4 =	vld [tilespmem:s30+$0xA0]  }
0x5d7: {  	v35 =	vld [tilespmem:s31+$0xA0];
	_ =	sdelay $0x2  }
0x5d8: {  	v5 =	vmul.f32 v5, v9;
	v10 =	vmul.f32 v34, v8;
	_ =	sdelay $0x1  }
0x5d9: {  	v5 =	vadd.f32 v10, v5;
	v4 =	vmul.f32 v4, v12;
	v36 =	vmul.f32 v35, v11;
	_ =	sdelay $0x1  }
0x5da: {  	[tilespmem:s22+$0xCB20] =	vst v5;
	v4 =	vadd.f32 v36, v4  }
0x5db: {  	v5 =	vld [tilespmem:s28+$0x30]  }
0x5dc: {  	v37 =	vld [tilespmem:s23+$0x30];
	[tilespmem:s21+$0xC9A0] =	vst v4  }
0x5dd: {  	v4 =	vld [tilespmem:s30+$0xB0]  }
0x5de: {  	v38 =	vld [tilespmem:s31+$0xB0];
	_ =	sdelay $0x2  }
0x5df: {  	v5 =	vmul.f32 v5, v9;
	v10 =	vmul.f32 v37, v8;
	_ =	sdelay $0x1  }
0x5e0: {  	v5 =	vadd.f32 v10, v5;
	v4 =	vmul.f32 v4, v12;
	v39 =	vmul.f32 v38, v11;
	_ =	sdelay $0x1  }
0x5e1: {  	[tilespmem:s22+$0xCB30] =	vst v5;
	v4 =	vadd.f32 v39, v4  }
0x5e2: {  	v5 =	vld [tilespmem:s28+$0x40]  }
0x5e3: {  	v40 =	vld [tilespmem:s23+$0x40];
	[tilespmem:s21+$0xC9B0] =	vst v4  }
0x5e4: {  	v4 =	vld [tilespmem:s30+$0xC0]  }
0x5e5: {  	v41 =	vld [tilespmem:s31+$0xC0];
	_ =	sdelay $0x2  }
0x5e6: {  	v5 =	vmul.f32 v5, v9;
	v10 =	vmul.f32 v40, v8;
	_ =	sdelay $0x1  }
0x5e7: {  	v5 =	vadd.f32 v10, v5;
	v4 =	vmul.f32 v4, v12;
	v42 =	vmul.f32 v41, v11;
	_ =	sdelay $0x1  }
0x5e8: {  	[tilespmem:s22+$0xCB40] =	vst v5;
	v4 =	vadd.f32 v42, v4  }
0x5e9: {  	v5 =	vld [tilespmem:s28+$0x50]  }
0x5ea: {  	v43 =	vld [tilespmem:s23+$0x50];
	[tilespmem:s21+$0xC9C0] =	vst v4  }
0x5eb: {  	v4 =	vld [tilespmem:s30+$0xD0]  }
0x5ec: {  	v44 =	vld [tilespmem:s31+$0xD0];
	_ =	sdelay $0x2  }
0x5ed: {  	v5 =	vmul.f32 v5, v9;
	v10 =	vmul.f32 v43, v8;
	_ =	sdelay $0x1  }
0x5ee: {  	v5 =	vadd.f32 v10, v5;
	v4 =	vmul.f32 v4, v12;
	v45 =	vmul.f32 v44, v11;
	_ =	sdelay $0x1  }
0x5ef: {  	[tilespmem:s22+$0xCB50] =	vst v5;
	v4 =	vadd.f32 v45, v4  }
0x5f0: {  	v5 =	vld [tilespmem:s28+$0x60]  }
0x5f1: {  	v46 =	vld [tilespmem:s23+$0x60];
	[tilespmem:s21+$0xC9D0] =	vst v4  }
0x5f2: {  	v4 =	vld [tilespmem:s30+$0xE0]  }
0x5f3: {  	v47 =	vld [tilespmem:s31+$0xE0];
	_ =	sdelay $0x2  }
0x5f4: {  	v5 =	vmul.f32 v5, v9;
	v10 =	vmul.f32 v46, v8  }
0x5f5: {  	(v2sf) =	vpush v6, $0x2  }
0x5f6: {  	v5 =	vadd.f32 v10, v5;
	v4 =	vmul.f32 v4, v12;
	v48 =	vmul.f32 v47, v11  }
0x5f7: {  	(v2sf) =	vpush v7, $0x2  }
0x5f8: {  	[tilespmem:s22+$0xCB60] =	vst v5;
	v4 =	vadd.f32 v48, v4  }
0x5f9: {  	v5 =	vld [tilespmem:s28+$0x70]  }
0x5fa: {  	v49 =	vld [tilespmem:s23+$0x70];
	[tilespmem:s21+$0xC9E0] =	vst v4  }
0x5fb: {  	v4 =	vld [tilespmem:s30+$0xF0]  }
0x5fc: {  	v50 =	vld [tilespmem:s31+$0xF0];
	_ =	sdelay $0x2  }
0x5fd: {  	v5 =	vmul.f32 v5, v9;
	v10 =	vmul.f32 v49, v8;
	_ =	sdelay $0x1  }
0x5fe: {  	v5 =	vadd.f32 v10, v5;
	v4 =	vmul.f32 v4, v12;
	v51 =	vmul.f32 v50, v11;
	_ =	sdelay $0x1  }
0x5ff: {  	[tilespmem:s22+$0xCB70] =	vst v5;
	v4 =	vadd.f32 v51, v4  }
0x600: {  	v5 =	vld [tilespmem:s28+$0x80]  }
0x601: {  	s30 =	spop (v2sf);
	v52 =	vld [tilespmem:s23+$0x80];
	[tilespmem:s21+$0xC9F0] =	vst v4  }
0x602: {  	s29 =	spop (v2sf);
	v53 =	vld [tilespmem:s30+$0x0]  }
0x603: {  	v54 =	vld [tilespmem:s29+$0x0];
	_ =	sdelay $0x1  }
0x604: {  	v4 =	vbroadcast v2, $0x2;
	v55 =	vmul.f32 v5, v9  }
0x605: {  	v10 =	vmul.f32 v52, v8;
	v5 =	vbroadcast v3, $0x2;
	_ =	sdelay $0x1  }
0x606: {  	v10 =	vadd.f32 v10, v55;
	v11 =	vmul.f32 v53, v5;
	v12 =	vmul.f32 v54, v4;
	_ =	sdelay $0x1  }
0x607: {  	[tilespmem:s22+$0xCB80] =	vst v10;
	v56 =	vadd.f32 v12, v11  }
0x608: {  	v57 =	vld [tilespmem:s28+$0x90]  }
0x609: {  	v58 =	vld [tilespmem:s23+$0x90];
	[tilespmem:s21+$0xCA00] =	vst v56  }
0x60a: {  	v10 =	vld [tilespmem:s30+$0x10]  }
0x60b: {  	v59 =	vld [tilespmem:s29+$0x10];
	_ =	sdelay $0x2  }
0x60c: {  	v11 =	vmul.f32 v57, v9;
	v12 =	vmul.f32 v58, v8;
	_ =	sdelay $0x1  }
0x60d: {  	v11 =	vadd.f32 v12, v11;
	v10 =	vmul.f32 v10, v5;
	v60 =	vmul.f32 v59, v4;
	_ =	sdelay $0x1  }
0x60e: {  	[tilespmem:s22+$0xCB90] =	vst v11;
	v10 =	vadd.f32 v60, v10  }
0x60f: {  	v11 =	vld [tilespmem:s28+$0xA0]  }
0x610: {  	v61 =	vld [tilespmem:s23+$0xA0];
	[tilespmem:s21+$0xCA10] =	vst v10  }
0x611: {  	v10 =	vld [tilespmem:s30+$0x20]  }
0x612: {  	v62 =	vld [tilespmem:s29+$0x20];
	_ =	sdelay $0x2  }
0x613: {  	v11 =	vmul.f32 v11, v9;
	v12 =	vmul.f32 v61, v8;
	_ =	sdelay $0x1  }
0x614: {  	v11 =	vadd.f32 v12, v11;
	v10 =	vmul.f32 v10, v5;
	v63 =	vmul.f32 v62, v4;
	_ =	sdelay $0x1  }
0x615: {  	[tilespmem:s22+$0xCBA0] =	vst v11;
	v10 =	vadd.f32 v63, v10  }
0x616: {  	v11 =	vld [tilespmem:s28+$0xB0]  }
0x617: {  	v16 =	vld [tilespmem:s23+$0xB0];
	[tilespmem:s21+$0xCA20] =	vst v10  }
0x618: {  	v10 =	vld [tilespmem:s30+$0x30]  }
0x619: {  	v17 =	vld [tilespmem:s29+$0x30];
	_ =	sdelay $0x2  }
0x61a: {  	v11 =	vmul.f32 v11, v9;
	v12 =	vmul.f32 v16, v8;
	_ =	sdelay $0x1  }
0x61b: {  	v11 =	vadd.f32 v12, v11;
	v10 =	vmul.f32 v10, v5;
	v18 =	vmul.f32 v17, v4;
	_ =	sdelay $0x1  }
0x61c: {  	[tilespmem:s22+$0xCBB0] =	vst v11;
	v10 =	vadd.f32 v18, v10  }
0x61d: {  	v11 =	vld [tilespmem:s28+$0xC0]  }
0x61e: {  	v19 =	vld [tilespmem:s23+$0xC0];
	[tilespmem:s21+$0xCA30] =	vst v10  }
0x61f: {  	v10 =	vld [tilespmem:s30+$0x40]  }
0x620: {  	v20 =	vld [tilespmem:s29+$0x40];
	_ =	sdelay $0x2  }
0x621: {  	v11 =	vmul.f32 v11, v9;
	v12 =	vmul.f32 v19, v8;
	_ =	sdelay $0x1  }
0x622: {  	v11 =	vadd.f32 v12, v11;
	v10 =	vmul.f32 v10, v5;
	v21 =	vmul.f32 v20, v4;
	_ =	sdelay $0x1  }
0x623: {  	[tilespmem:s22+$0xCBC0] =	vst v11;
	v10 =	vadd.f32 v21, v10  }
0x624: {  	v11 =	vld [tilespmem:s28+$0xD0]  }
0x625: {  	v22 =	vld [tilespmem:s23+$0xD0];
	[tilespmem:s21+$0xCA40] =	vst v10  }
0x626: {  	v10 =	vld [tilespmem:s30+$0x50]  }
0x627: {  	v23 =	vld [tilespmem:s29+$0x50];
	_ =	sdelay $0x2  }
0x628: {  	v11 =	vmul.f32 v11, v9;
	v12 =	vmul.f32 v22, v8;
	_ =	sdelay $0x1  }
0x629: {  	v11 =	vadd.f32 v12, v11;
	v10 =	vmul.f32 v10, v5;
	v24 =	vmul.f32 v23, v4;
	_ =	sdelay $0x1  }
0x62a: {  	[tilespmem:s22+$0xCBD0] =	vst v11;
	v10 =	vadd.f32 v24, v10  }
0x62b: {  	v11 =	vld [tilespmem:s28+$0xE0]  }
0x62c: {  	v25 =	vld [tilespmem:s23+$0xE0];
	[tilespmem:s21+$0xCA50] =	vst v10  }
0x62d: {  	v10 =	vld [tilespmem:s30+$0x60]  }
0x62e: {  	v26 =	vld [tilespmem:s29+$0x60];
	_ =	sdelay $0x2  }
0x62f: {  	v11 =	vmul.f32 v11, v9;
	v12 =	vmul.f32 v25, v8;
	_ =	sdelay $0x1  }
0x630: {  	v11 =	vadd.f32 v12, v11;
	v10 =	vmul.f32 v10, v5;
	v27 =	vmul.f32 v26, v4;
	_ =	sdelay $0x1  }
0x631: {  	[tilespmem:s22+$0xCBE0] =	vst v11;
	v10 =	vadd.f32 v27, v10  }
0x632: {  	v11 =	vld [tilespmem:s28+$0xF0]  }
0x633: {  	v28 =	vld [tilespmem:s23+$0xF0];
	[tilespmem:s21+$0xCA60] =	vst v10  }
0x634: {  	v10 =	vld [tilespmem:s30+$0x70]  }
0x635: {  	v29 =	vld [tilespmem:s29+$0x70];
	_ =	sdelay $0x3  }
0x636: {  	v9 =	vmul.f32 v11, v9;
	v8 =	vmul.f32 v28, v8  }
0x637: {  	v10 =	vmul.f32 v10, v5;
	v30 =	vmul.f32 v29, v4  }
0x638: {  	v8 =	vadd.f32 v8, v9  }
0x639: {  	v31 =	vadd.f32 v30, v10  }
0x63a: {  	[tilespmem:s22+$0xCBF0] =	vst v8  }
0x63b: {  	s26 =	sor.u32 $0x2, s20;
	[tilespmem:s21+$0xCA70] =	vst v31  }
0x63c: {  	s15 =	sshll.u32 s26, $0x2;
	v12 =	vld [tilespmem:s30+$0x80]  }
0x63d: {  	v32 =	vld.idx.msk [tilespmem:v1+s15+$0x14800 ss:$0x1], $0xffff  }
0x63e: {  	v33 =	vld.idx.msk [tilespmem:v1+s15+$0x15000 ss:$0x1], $0xffff;
	_ =	sdelay $0x1  }
0x63f: {  	(v2sf) =	vpush v6, $0x3  }
0x640: {  	(v2sf) =	vpush v7, $0x3  }
0x641: {  	(v2sf) =	vpush v32, $0x0  }
0x642: {  	s28 =	sor.u32 $0x3, s20;
	(v2sf) =	vpush v33, $0x0  }
0x643: {  	s16 =	sshll.u32 s28, $0x2;
	(v2sf) =	vpush v32, $0x1  }
0x644: {  	v11 =	vld.idx.msk [tilespmem:v1+s16+$0x14800 ss:$0x1], $0xffff;
	(v2sf) =	vpush v33, $0x1  }
0x645: {  	v10 =	vld.idx.msk [tilespmem:v1+s16+$0x15000 ss:$0x1], $0xffff;
	(v2sf) =	vpush v32, $0x2  }
0x646: {  	(v2sf) =	vpush v33, $0x2  }
0x647: {  	(v2sf) =	vpush v32, $0x3  }
0x648: {  	(v2sf) =	vpush v33, $0x3  }
0x649: {  	(v2sf) =	vpush v11, $0x0  }
0x64a: {  	(v2sf) =	vpush v10, $0x0;
	_ =	sdelay $0x3  }
0x64b: {  	s22 =	spop (v2sf)  }
0x64c: {  	s23 =	spop (v2sf)  }
0x64d: {  	s6 =	spop (v2sf)  }
0x64e: {  	s4 =	spop (v2sf)  }
0x64f: {  	s3 =	spop (v2sf)  }
0x650: {  	v6 =	vld.idx.msk [tilespmem:v1+s15+$0x15800 ss:$0x1], $0xffff;
	s1 =	spop (v2sf)  }
0x651: {  	v9 =	vld.idx.msk [tilespmem:v1+s15+$0x16000 ss:$0x1], $0xffff;
	s31 =	spop (v2sf)  }
0x652: {  	v8 =	vld.idx.msk [tilespmem:v1+s16+$0x16000 ss:$0x1], $0xffff;
	s0 =	spop (v2sf)  }
0x653: {  	v7 =	vld.idx.msk [tilespmem:v1+s16+$0x15800 ss:$0x1], $0xffff;
	s24 =	spop (v2sf)  }
0x654: {  	v34 =	vld [tilespmem:s6+$0x0];
	s25 =	spop (v2sf)  }
0x655: {  	v16 =	vld [tilespmem:s4+$0x0];
	s15 =	spop (v2sf)  }
0x656: {  	s16 =	spop (v2sf);
	v17 =	vld [tilespmem:s15+$0x0]  }
0x657: {  	v14 =	vbroadcast v9, $0x0;
	v18 =	vld [tilespmem:s16+$0x0]  }
0x658: {  	v13 =	vbroadcast v6, $0x0  }
0x659: {  	v15 =	vbroadcast v7, $0x0;
	v19 =	vmul.f32 v34, v14  }
0x65a: {  	v20 =	vmul.f32 v16, v13;
	v16 =	vbroadcast v8, $0x0;
	_ =	sdelay $0x1  }
0x65b: {  	s26 =	sshll.u32 s26, $0xA;
	v19 =	vadd.f32 v20, v19;
	v17 =	vmul.f32 v17, v16;
	v18 =	vmul.f32 v18, v15  }
0x65c: {  	s26 =	sand.u32 $0x3FFFFC00, s26  }
0x65d: {  	s28 =	sshll.u32 s28, $0xA;
	[tilespmem:s26+$0xC800] =	vst v19;
	v17 =	vadd.f32 v18, v17  }
0x65e: {  	s28 =	sand.u32 $0x3FFFFC00, s28;
	v19 =	vld [tilespmem:s6+$0x10]  }
0x65f: {  	v35 =	vld [tilespmem:s4+$0x10];
	[tilespmem:s28+$0xC800] =	vst v17  }
0x660: {  	v17 =	vld [tilespmem:s15+$0x10]  }
0x661: {  	v36 =	vld [tilespmem:s16+$0x10];
	_ =	sdelay $0x2  }
0x662: {  	v19 =	vmul.f32 v19, v14;
	v18 =	vmul.f32 v35, v13;
	_ =	sdelay $0x1  }
0x663: {  	v18 =	vadd.f32 v18, v19;
	v17 =	vmul.f32 v17, v16;
	v37 =	vmul.f32 v36, v15;
	_ =	sdelay $0x1  }
0x664: {  	[tilespmem:s26+$0xC810] =	vst v18;
	v17 =	vadd.f32 v37, v17  }
0x665: {  	v18 =	vld [tilespmem:s6+$0x20]  }
0x666: {  	v38 =	vld [tilespmem:s4+$0x20];
	[tilespmem:s28+$0xC810] =	vst v17  }
0x667: {  	v17 =	vld [tilespmem:s15+$0x20]  }
0x668: {  	v39 =	vld [tilespmem:s16+$0x20];
	_ =	sdelay $0x2  }
0x669: {  	v18 =	vmul.f32 v18, v14;
	v19 =	vmul.f32 v38, v13;
	_ =	sdelay $0x1  }
0x66a: {  	v18 =	vadd.f32 v19, v18;
	v17 =	vmul.f32 v17, v16;
	v40 =	vmul.f32 v39, v15;
	_ =	sdelay $0x1  }
0x66b: {  	[tilespmem:s26+$0xC820] =	vst v18;
	v17 =	vadd.f32 v40, v17  }
0x66c: {  	v18 =	vld [tilespmem:s6+$0x30]  }
0x66d: {  	v41 =	vld [tilespmem:s4+$0x30];
	[tilespmem:s28+$0xC820] =	vst v17  }
0x66e: {  	v17 =	vld [tilespmem:s15+$0x30]  }
0x66f: {  	v42 =	vld [tilespmem:s16+$0x30];
	_ =	sdelay $0x2  }
0x670: {  	v18 =	vmul.f32 v18, v14;
	v19 =	vmul.f32 v41, v13;
	_ =	sdelay $0x1  }
0x671: {  	v18 =	vadd.f32 v19, v18;
	v17 =	vmul.f32 v17, v16;
	v43 =	vmul.f32 v42, v15;
	_ =	sdelay $0x1  }
0x672: {  	[tilespmem:s26+$0xC830] =	vst v18;
	v17 =	vadd.f32 v43, v17  }
0x673: {  	v18 =	vld [tilespmem:s6+$0x40]  }
0x674: {  	v44 =	vld [tilespmem:s4+$0x40];
	[tilespmem:s28+$0xC830] =	vst v17  }
0x675: {  	v17 =	vld [tilespmem:s15+$0x40]  }
0x676: {  	v45 =	vld [tilespmem:s16+$0x40];
	_ =	sdelay $0x2  }
0x677: {  	v18 =	vmul.f32 v18, v14;
	v19 =	vmul.f32 v44, v13;
	_ =	sdelay $0x1  }
0x678: {  	v18 =	vadd.f32 v19, v18;
	v17 =	vmul.f32 v17, v16;
	v46 =	vmul.f32 v45, v15;
	_ =	sdelay $0x1  }
0x679: {  	[tilespmem:s26+$0xC840] =	vst v18;
	v17 =	vadd.f32 v46, v17  }
0x67a: {  	v18 =	vld [tilespmem:s6+$0x50]  }
0x67b: {  	v47 =	vld [tilespmem:s4+$0x50];
	[tilespmem:s28+$0xC840] =	vst v17  }
0x67c: {  	v17 =	vld [tilespmem:s15+$0x50]  }
0x67d: {  	v48 =	vld [tilespmem:s16+$0x50];
	_ =	sdelay $0x2  }
0x67e: {  	v18 =	vmul.f32 v18, v14;
	v19 =	vmul.f32 v47, v13;
	_ =	sdelay $0x1  }
0x67f: {  	v18 =	vadd.f32 v19, v18;
	v17 =	vmul.f32 v17, v16;
	v49 =	vmul.f32 v48, v15;
	_ =	sdelay $0x1  }
0x680: {  	[tilespmem:s26+$0xC850] =	vst v18;
	v17 =	vadd.f32 v49, v17  }
0x681: {  	v18 =	vld [tilespmem:s6+$0x60]  }
0x682: {  	v50 =	vld [tilespmem:s4+$0x60];
	[tilespmem:s28+$0xC850] =	vst v17  }
0x683: {  	v17 =	vld [tilespmem:s15+$0x60]  }
0x684: {  	v51 =	vld [tilespmem:s16+$0x60];
	_ =	sdelay $0x2  }
0x685: {  	v18 =	vmul.f32 v18, v14;
	v19 =	vmul.f32 v50, v13;
	_ =	sdelay $0x1  }
0x686: {  	v18 =	vadd.f32 v19, v18;
	v17 =	vmul.f32 v17, v16;
	v52 =	vmul.f32 v51, v15;
	_ =	sdelay $0x1  }
0x687: {  	[tilespmem:s26+$0xC860] =	vst v18;
	v17 =	vadd.f32 v52, v17  }
0x688: {  	v18 =	vld [tilespmem:s6+$0x70]  }
0x689: {  	v53 =	vld [tilespmem:s4+$0x70];
	[tilespmem:s28+$0xC860] =	vst v17  }
0x68a: {  	v17 =	vld [tilespmem:s15+$0x70]  }
0x68b: {  	v54 =	vld [tilespmem:s16+$0x70];
	_ =	sdelay $0x2  }
0x68c: {  	v18 =	vmul.f32 v18, v14;
	v19 =	vmul.f32 v53, v13;
	_ =	sdelay $0x1  }
0x68d: {  	v18 =	vadd.f32 v19, v18;
	v17 =	vmul.f32 v17, v16;
	v55 =	vmul.f32 v54, v15;
	_ =	sdelay $0x1  }
0x68e: {  	[tilespmem:s26+$0xC870] =	vst v18;
	v17 =	vadd.f32 v55, v17  }
0x68f: {  	v18 =	vld [tilespmem:s6+$0x80]  }
0x690: {  	v56 =	vld [tilespmem:s4+$0x80];
	[tilespmem:s28+$0xC870] =	vst v17  }
0x691: {  	v17 =	vld [tilespmem:s15+$0x80]  }
0x692: {  	v57 =	vld [tilespmem:s16+$0x80];
	_ =	sdelay $0x2  }
0x693: {  	v18 =	vmul.f32 v18, v14;
	v19 =	vmul.f32 v56, v13;
	_ =	sdelay $0x1  }
0x694: {  	v18 =	vadd.f32 v19, v18;
	v17 =	vmul.f32 v17, v16;
	v58 =	vmul.f32 v57, v15;
	_ =	sdelay $0x1  }
0x695: {  	[tilespmem:s26+$0xC880] =	vst v18;
	v17 =	vadd.f32 v58, v17  }
0x696: {  	v18 =	vld [tilespmem:s6+$0x90]  }
0x697: {  	v59 =	vld [tilespmem:s4+$0x90];
	[tilespmem:s28+$0xC880] =	vst v17  }
0x698: {  	v17 =	vld [tilespmem:s15+$0x90]  }
0x699: {  	v60 =	vld [tilespmem:s16+$0x90];
	_ =	sdelay $0x2  }
0x69a: {  	v18 =	vmul.f32 v18, v14;
	v19 =	vmul.f32 v59, v13;
	_ =	sdelay $0x1  }
0x69b: {  	v18 =	vadd.f32 v19, v18;
	v17 =	vmul.f32 v17, v16;
	v61 =	vmul.f32 v60, v15;
	_ =	sdelay $0x1  }
0x69c: {  	[tilespmem:s26+$0xC890] =	vst v18;
	v17 =	vadd.f32 v61, v17  }
0x69d: {  	v18 =	vld [tilespmem:s6+$0xA0]  }
0x69e: {  	v62 =	vld [tilespmem:s4+$0xA0];
	[tilespmem:s28+$0xC890] =	vst v17  }
0x69f: {  	v17 =	vld [tilespmem:s15+$0xA0]  }
0x6a0: {  	v63 =	vld [tilespmem:s16+$0xA0];
	_ =	sdelay $0x2  }
0x6a1: {  	v18 =	vmul.f32 v18, v14;
	v19 =	vmul.f32 v62, v13;
	_ =	sdelay $0x1  }
0x6a2: {  	v18 =	vadd.f32 v19, v18;
	v17 =	vmul.f32 v17, v16;
	v24 =	vmul.f32 v63, v15;
	_ =	sdelay $0x1  }
0x6a3: {  	[tilespmem:s26+$0xC8A0] =	vst v18;
	v17 =	vadd.f32 v24, v17  }
0x6a4: {  	v18 =	vld [tilespmem:s6+$0xB0]  }
0x6a5: {  	v25 =	vld [tilespmem:s4+$0xB0];
	[tilespmem:s28+$0xC8A0] =	vst v17  }
0x6a6: {  	v17 =	vld [tilespmem:s15+$0xB0]  }
0x6a7: {  	v26 =	vld [tilespmem:s16+$0xB0];
	_ =	sdelay $0x2  }
0x6a8: {  	v18 =	vmul.f32 v18, v14;
	v19 =	vmul.f32 v25, v13;
	_ =	sdelay $0x1  }
0x6a9: {  	v18 =	vadd.f32 v19, v18;
	v17 =	vmul.f32 v17, v16;
	v27 =	vmul.f32 v26, v15;
	_ =	sdelay $0x1  }
0x6aa: {  	[tilespmem:s26+$0xC8B0] =	vst v18;
	v17 =	vadd.f32 v27, v17  }
0x6ab: {  	v18 =	vld [tilespmem:s6+$0xC0]  }
0x6ac: {  	v28 =	vld [tilespmem:s4+$0xC0];
	[tilespmem:s28+$0xC8B0] =	vst v17  }
0x6ad: {  	v17 =	vld [tilespmem:s15+$0xC0]  }
0x6ae: {  	v29 =	vld [tilespmem:s16+$0xC0];
	_ =	sdelay $0x2  }
0x6af: {  	v18 =	vmul.f32 v18, v14;
	v19 =	vmul.f32 v28, v13;
	_ =	sdelay $0x1  }
0x6b0: {  	v18 =	vadd.f32 v19, v18;
	v17 =	vmul.f32 v17, v16;
	v30 =	vmul.f32 v29, v15;
	_ =	sdelay $0x1  }
0x6b1: {  	[tilespmem:s26+$0xC8C0] =	vst v18;
	v17 =	vadd.f32 v30, v17  }
0x6b2: {  	v18 =	vld [tilespmem:s6+$0xD0]  }
0x6b3: {  	v31 =	vld [tilespmem:s4+$0xD0];
	[tilespmem:s28+$0xC8C0] =	vst v17  }
0x6b4: {  	v17 =	vld [tilespmem:s15+$0xD0]  }
0x6b5: {  	v32 =	vld [tilespmem:s16+$0xD0];
	_ =	sdelay $0x2  }
0x6b6: {  	v18 =	vmul.f32 v18, v14;
	v19 =	vmul.f32 v31, v13;
	_ =	sdelay $0x1  }
0x6b7: {  	v18 =	vadd.f32 v19, v18;
	v17 =	vmul.f32 v17, v16;
	v33 =	vmul.f32 v32, v15;
	_ =	sdelay $0x1  }
0x6b8: {  	[tilespmem:s26+$0xC8D0] =	vst v18;
	v17 =	vadd.f32 v33, v17  }
0x6b9: {  	v18 =	vld [tilespmem:s6+$0xE0]  }
0x6ba: {  	v34 =	vld [tilespmem:s4+$0xE0];
	[tilespmem:s28+$0xC8D0] =	vst v17  }
0x6bb: {  	v17 =	vld [tilespmem:s15+$0xE0]  }
0x6bc: {  	v35 =	vld [tilespmem:s16+$0xE0];
	_ =	sdelay $0x2  }
0x6bd: {  	v18 =	vmul.f32 v18, v14;
	v19 =	vmul.f32 v34, v13  }
0x6be: {  	(v2sf) =	vpush v11, $0x1  }
0x6bf: {  	v18 =	vadd.f32 v19, v18;
	v17 =	vmul.f32 v17, v16;
	v36 =	vmul.f32 v35, v15  }
0x6c0: {  	(v2sf) =	vpush v10, $0x1  }
0x6c1: {  	[tilespmem:s26+$0xC8E0] =	vst v18;
	v17 =	vadd.f32 v36, v17  }
0x6c2: {  	v18 =	vld [tilespmem:s6+$0xF0]  }
0x6c3: {  	v37 =	vld [tilespmem:s4+$0xF0];
	[tilespmem:s28+$0xC8E0] =	vst v17  }
0x6c4: {  	v17 =	vld [tilespmem:s15+$0xF0]  }
0x6c5: {  	v38 =	vld [tilespmem:s16+$0xF0];
	_ =	sdelay $0x2  }
0x6c6: {  	v14 =	vmul.f32 v18, v14;
	v13 =	vmul.f32 v37, v13;
	_ =	sdelay $0x1  }
0x6c7: {  	v13 =	vadd.f32 v13, v14;
	v39 =	vmul.f32 v17, v16;
	v15 =	vmul.f32 v38, v15;
	_ =	sdelay $0x1  }
0x6c8: {  	[tilespmem:s26+$0xC8F0] =	vst v13;
	v41 =	vadd.f32 v15, v39  }
0x6c9: {  	v40 =	vld [tilespmem:s3+$0x0]  }
0x6ca: {  	s15 =	spop (v2sf);
	v42 =	vld [tilespmem:s1+$0x0];
	[tilespmem:s28+$0xC8F0] =	vst v41  }
0x6cb: {  	s16 =	spop (v2sf);
	v43 =	vld [tilespmem:s15+$0x0]  }
0x6cc: {  	v14 =	vbroadcast v9, $0x1;
	v44 =	vld [tilespmem:s16+$0x0]  }
0x6cd: {  	v13 =	vbroadcast v6, $0x1  }
0x6ce: {  	v16 =	vbroadcast v8, $0x1;
	v45 =	vmul.f32 v40, v14  }
0x6cf: {  	v46 =	vmul.f32 v42, v13;
	v15 =	vbroadcast v7, $0x1;
	_ =	sdelay $0x1  }
0x6d0: {  	v19 =	vadd.f32 v46, v45;
	v17 =	vmul.f32 v43, v16;
	v18 =	vmul.f32 v44, v15;
	_ =	sdelay $0x1  }
0x6d1: {  	[tilespmem:s26+$0xC900] =	vst v19;
	v17 =	vadd.f32 v18, v17  }
0x6d2: {  	v19 =	vld [tilespmem:s3+$0x10]  }
0x6d3: {  	v47 =	vld [tilespmem:s1+$0x10];
	[tilespmem:s28+$0xC900] =	vst v17  }
0x6d4: {  	v17 =	vld [tilespmem:s15+$0x10]  }
0x6d5: {  	v48 =	vld [tilespmem:s16+$0x10];
	_ =	sdelay $0x2  }
0x6d6: {  	v19 =	vmul.f32 v19, v14;
	v18 =	vmul.f32 v47, v13;
	_ =	sdelay $0x1  }
0x6d7: {  	v18 =	vadd.f32 v18, v19;
	v17 =	vmul.f32 v17, v16;
	v49 =	vmul.f32 v48, v15;
	_ =	sdelay $0x1  }
0x6d8: {  	[tilespmem:s26+$0xC910] =	vst v18;
	v17 =	vadd.f32 v49, v17  }
0x6d9: {  	v18 =	vld [tilespmem:s3+$0x20]  }
0x6da: {  	v50 =	vld [tilespmem:s1+$0x20];
	[tilespmem:s28+$0xC910] =	vst v17  }
0x6db: {  	v17 =	vld [tilespmem:s15+$0x20]  }
0x6dc: {  	v51 =	vld [tilespmem:s16+$0x20];
	_ =	sdelay $0x2  }
0x6dd: {  	v18 =	vmul.f32 v18, v14;
	v19 =	vmul.f32 v50, v13;
	_ =	sdelay $0x1  }
0x6de: {  	v18 =	vadd.f32 v19, v18;
	v17 =	vmul.f32 v17, v16;
	v52 =	vmul.f32 v51, v15;
	_ =	sdelay $0x1  }
0x6df: {  	[tilespmem:s26+$0xC920] =	vst v18;
	v17 =	vadd.f32 v52, v17  }
0x6e0: {  	v18 =	vld [tilespmem:s3+$0x30]  }
0x6e1: {  	v53 =	vld [tilespmem:s1+$0x30];
	[tilespmem:s28+$0xC920] =	vst v17  }
0x6e2: {  	v17 =	vld [tilespmem:s15+$0x30]  }
0x6e3: {  	v54 =	vld [tilespmem:s16+$0x30];
	_ =	sdelay $0x2  }
0x6e4: {  	v18 =	vmul.f32 v18, v14;
	v19 =	vmul.f32 v53, v13;
	_ =	sdelay $0x1  }
0x6e5: {  	v18 =	vadd.f32 v19, v18;
	v17 =	vmul.f32 v17, v16;
	v55 =	vmul.f32 v54, v15;
	_ =	sdelay $0x1  }
0x6e6: {  	[tilespmem:s26+$0xC930] =	vst v18;
	v17 =	vadd.f32 v55, v17  }
0x6e7: {  	v18 =	vld [tilespmem:s3+$0x40]  }
0x6e8: {  	v56 =	vld [tilespmem:s1+$0x40];
	[tilespmem:s28+$0xC930] =	vst v17  }
0x6e9: {  	v17 =	vld [tilespmem:s15+$0x40]  }
0x6ea: {  	v57 =	vld [tilespmem:s16+$0x40];
	_ =	sdelay $0x2  }
0x6eb: {  	v18 =	vmul.f32 v18, v14;
	v19 =	vmul.f32 v56, v13;
	_ =	sdelay $0x1  }
0x6ec: {  	v18 =	vadd.f32 v19, v18;
	v17 =	vmul.f32 v17, v16;
	v58 =	vmul.f32 v57, v15;
	_ =	sdelay $0x1  }
0x6ed: {  	[tilespmem:s26+$0xC940] =	vst v18;
	v17 =	vadd.f32 v58, v17  }
0x6ee: {  	v18 =	vld [tilespmem:s3+$0x50]  }
0x6ef: {  	v59 =	vld [tilespmem:s1+$0x50];
	[tilespmem:s28+$0xC940] =	vst v17  }
0x6f0: {  	v17 =	vld [tilespmem:s15+$0x50]  }
0x6f1: {  	v60 =	vld [tilespmem:s16+$0x50];
	_ =	sdelay $0x2  }
0x6f2: {  	v18 =	vmul.f32 v18, v14;
	v19 =	vmul.f32 v59, v13;
	_ =	sdelay $0x1  }
0x6f3: {  	v18 =	vadd.f32 v19, v18;
	v17 =	vmul.f32 v17, v16;
	v61 =	vmul.f32 v60, v15;
	_ =	sdelay $0x1  }
0x6f4: {  	[tilespmem:s26+$0xC950] =	vst v18;
	v17 =	vadd.f32 v61, v17  }
0x6f5: {  	v18 =	vld [tilespmem:s3+$0x60]  }
0x6f6: {  	v62 =	vld [tilespmem:s1+$0x60];
	[tilespmem:s28+$0xC950] =	vst v17  }
0x6f7: {  	v17 =	vld [tilespmem:s15+$0x60]  }
0x6f8: {  	v63 =	vld [tilespmem:s16+$0x60];
	_ =	sdelay $0x2  }
0x6f9: {  	v18 =	vmul.f32 v18, v14;
	v19 =	vmul.f32 v62, v13;
	_ =	sdelay $0x1  }
0x6fa: {  	v18 =	vadd.f32 v19, v18;
	v17 =	vmul.f32 v17, v16;
	v24 =	vmul.f32 v63, v15;
	_ =	sdelay $0x1  }
0x6fb: {  	[tilespmem:s26+$0xC960] =	vst v18;
	v17 =	vadd.f32 v24, v17  }
0x6fc: {  	v18 =	vld [tilespmem:s3+$0x70]  }
0x6fd: {  	v25 =	vld [tilespmem:s1+$0x70];
	[tilespmem:s28+$0xC960] =	vst v17  }
0x6fe: {  	v17 =	vld [tilespmem:s15+$0x70]  }
0x6ff: {  	v26 =	vld [tilespmem:s16+$0x70];
	_ =	sdelay $0x2  }
0x700: {  	v18 =	vmul.f32 v18, v14;
	v19 =	vmul.f32 v25, v13;
	_ =	sdelay $0x1  }
0x701: {  	v18 =	vadd.f32 v19, v18;
	v17 =	vmul.f32 v17, v16;
	v27 =	vmul.f32 v26, v15;
	_ =	sdelay $0x1  }
0x702: {  	[tilespmem:s26+$0xC970] =	vst v18;
	v17 =	vadd.f32 v27, v17  }
0x703: {  	v18 =	vld [tilespmem:s3+$0x80]  }
0x704: {  	v28 =	vld [tilespmem:s1+$0x80];
	[tilespmem:s28+$0xC970] =	vst v17  }
0x705: {  	v17 =	vld [tilespmem:s15+$0x80]  }
0x706: {  	v29 =	vld [tilespmem:s16+$0x80];
	_ =	sdelay $0x2  }
0x707: {  	v18 =	vmul.f32 v18, v14;
	v19 =	vmul.f32 v28, v13;
	_ =	sdelay $0x1  }
0x708: {  	v18 =	vadd.f32 v19, v18;
	v17 =	vmul.f32 v17, v16;
	v30 =	vmul.f32 v29, v15;
	_ =	sdelay $0x1  }
0x709: {  	[tilespmem:s26+$0xC980] =	vst v18;
	v17 =	vadd.f32 v30, v17  }
0x70a: {  	v18 =	vld [tilespmem:s3+$0x90]  }
0x70b: {  	v31 =	vld [tilespmem:s1+$0x90];
	[tilespmem:s28+$0xC980] =	vst v17  }
0x70c: {  	v17 =	vld [tilespmem:s15+$0x90]  }
0x70d: {  	v32 =	vld [tilespmem:s16+$0x90];
	_ =	sdelay $0x2  }
0x70e: {  	v18 =	vmul.f32 v18, v14;
	v19 =	vmul.f32 v31, v13;
	_ =	sdelay $0x1  }
0x70f: {  	v18 =	vadd.f32 v19, v18;
	v17 =	vmul.f32 v17, v16;
	v33 =	vmul.f32 v32, v15;
	_ =	sdelay $0x1  }
0x710: {  	[tilespmem:s26+$0xC990] =	vst v18;
	v17 =	vadd.f32 v33, v17  }
0x711: {  	v18 =	vld [tilespmem:s3+$0xA0]  }
0x712: {  	v34 =	vld [tilespmem:s1+$0xA0];
	[tilespmem:s28+$0xC990] =	vst v17  }
0x713: {  	v17 =	vld [tilespmem:s15+$0xA0]  }
0x714: {  	v35 =	vld [tilespmem:s16+$0xA0];
	_ =	sdelay $0x2  }
0x715: {  	v18 =	vmul.f32 v18, v14;
	v19 =	vmul.f32 v34, v13;
	_ =	sdelay $0x1  }
0x716: {  	v18 =	vadd.f32 v19, v18;
	v17 =	vmul.f32 v17, v16;
	v36 =	vmul.f32 v35, v15;
	_ =	sdelay $0x1  }
0x717: {  	[tilespmem:s26+$0xC9A0] =	vst v18;
	v17 =	vadd.f32 v36, v17  }
0x718: {  	v18 =	vld [tilespmem:s3+$0xB0]  }
0x719: {  	v37 =	vld [tilespmem:s1+$0xB0];
	[tilespmem:s28+$0xC9A0] =	vst v17  }
0x71a: {  	v17 =	vld [tilespmem:s15+$0xB0]  }
0x71b: {  	v38 =	vld [tilespmem:s16+$0xB0];
	_ =	sdelay $0x2  }
0x71c: {  	v18 =	vmul.f32 v18, v14;
	v19 =	vmul.f32 v37, v13;
	_ =	sdelay $0x1  }
0x71d: {  	v18 =	vadd.f32 v19, v18;
	v17 =	vmul.f32 v17, v16;
	v39 =	vmul.f32 v38, v15;
	_ =	sdelay $0x1  }
0x71e: {  	[tilespmem:s26+$0xC9B0] =	vst v18;
	v17 =	vadd.f32 v39, v17  }
0x71f: {  	v18 =	vld [tilespmem:s3+$0xC0]  }
0x720: {  	v40 =	vld [tilespmem:s1+$0xC0];
	[tilespmem:s28+$0xC9B0] =	vst v17  }
0x721: {  	v17 =	vld [tilespmem:s15+$0xC0]  }
0x722: {  	v41 =	vld [tilespmem:s16+$0xC0];
	_ =	sdelay $0x2  }
0x723: {  	v18 =	vmul.f32 v18, v14;
	v19 =	vmul.f32 v40, v13;
	_ =	sdelay $0x1  }
0x724: {  	v18 =	vadd.f32 v19, v18;
	v17 =	vmul.f32 v17, v16;
	v42 =	vmul.f32 v41, v15;
	_ =	sdelay $0x1  }
0x725: {  	[tilespmem:s26+$0xC9C0] =	vst v18;
	v17 =	vadd.f32 v42, v17  }
0x726: {  	v18 =	vld [tilespmem:s3+$0xD0]  }
0x727: {  	v43 =	vld [tilespmem:s1+$0xD0];
	[tilespmem:s28+$0xC9C0] =	vst v17  }
0x728: {  	v17 =	vld [tilespmem:s15+$0xD0]  }
0x729: {  	v44 =	vld [tilespmem:s16+$0xD0];
	_ =	sdelay $0x2  }
0x72a: {  	v18 =	vmul.f32 v18, v14;
	v19 =	vmul.f32 v43, v13;
	_ =	sdelay $0x1  }
0x72b: {  	v18 =	vadd.f32 v19, v18;
	v17 =	vmul.f32 v17, v16;
	v45 =	vmul.f32 v44, v15;
	_ =	sdelay $0x1  }
0x72c: {  	[tilespmem:s26+$0xC9D0] =	vst v18;
	v17 =	vadd.f32 v45, v17  }
0x72d: {  	v18 =	vld [tilespmem:s3+$0xE0]  }
0x72e: {  	v46 =	vld [tilespmem:s1+$0xE0];
	[tilespmem:s28+$0xC9D0] =	vst v17  }
0x72f: {  	v17 =	vld [tilespmem:s15+$0xE0]  }
0x730: {  	v47 =	vld [tilespmem:s16+$0xE0];
	_ =	sdelay $0x2  }
0x731: {  	v18 =	vmul.f32 v18, v14;
	v19 =	vmul.f32 v46, v13  }
0x732: {  	(v2sf) =	vpush v11, $0x2  }
0x733: {  	v18 =	vadd.f32 v19, v18;
	v17 =	vmul.f32 v17, v16;
	v48 =	vmul.f32 v47, v15  }
0x734: {  	(v2sf) =	vpush v10, $0x2  }
0x735: {  	[tilespmem:s26+$0xC9E0] =	vst v18;
	v17 =	vadd.f32 v48, v17  }
0x736: {  	v18 =	vld [tilespmem:s3+$0xF0]  }
0x737: {  	v49 =	vld [tilespmem:s1+$0xF0];
	[tilespmem:s28+$0xC9E0] =	vst v17  }
0x738: {  	v17 =	vld [tilespmem:s15+$0xF0]  }
0x739: {  	v50 =	vld [tilespmem:s16+$0xF0];
	_ =	sdelay $0x2  }
0x73a: {  	v14 =	vmul.f32 v18, v14;
	v13 =	vmul.f32 v49, v13;
	_ =	sdelay $0x1  }
0x73b: {  	v13 =	vadd.f32 v13, v14;
	v51 =	vmul.f32 v17, v16;
	v15 =	vmul.f32 v50, v15;
	_ =	sdelay $0x1  }
0x73c: {  	[tilespmem:s26+$0xC9F0] =	vst v13;
	v53 =	vadd.f32 v15, v51  }
0x73d: {  	v52 =	vld [tilespmem:s31+$0x0]  }
0x73e: {  	s15 =	spop (v2sf);
	v54 =	vld [tilespmem:s0+$0x0];
	[tilespmem:s28+$0xC9F0] =	vst v53  }
0x73f: {  	s16 =	spop (v2sf);
	v55 =	vld [tilespmem:s15+$0x0]  }
0x740: {  	v56 =	vld [tilespmem:s16+$0x0]  }
0x741: {  	v13 =	vbroadcast v6, $0x2;
	v15 =	vbroadcast v9, $0x2  }
0x742: {  	v14 =	vbroadcast v7, $0x2;
	v16 =	vbroadcast v8, $0x2  }
0x743: {  	v58 =	vmul.f32 v54, v13;
	v57 =	vmul.f32 v52, v15;
	_ =	sdelay $0x1  }
0x744: {  	v19 =	vadd.f32 v58, v57;
	v17 =	vmul.f32 v55, v16;
	v18 =	vmul.f32 v56, v14;
	_ =	sdelay $0x1  }
0x745: {  	[tilespmem:s26+$0xCA00] =	vst v19;
	v17 =	vadd.f32 v18, v17  }
0x746: {  	v19 =	vld [tilespmem:s31+$0x10]  }
0x747: {  	v59 =	vld [tilespmem:s0+$0x10];
	[tilespmem:s28+$0xCA00] =	vst v17  }
0x748: {  	v17 =	vld [tilespmem:s15+$0x10]  }
0x749: {  	v60 =	vld [tilespmem:s16+$0x10];
	_ =	sdelay $0x2  }
0x74a: {  	v19 =	vmul.f32 v19, v15;
	v18 =	vmul.f32 v59, v13;
	_ =	sdelay $0x1  }
0x74b: {  	v18 =	vadd.f32 v18, v19;
	v17 =	vmul.f32 v17, v16;
	v61 =	vmul.f32 v60, v14;
	_ =	sdelay $0x1  }
0x74c: {  	[tilespmem:s26+$0xCA10] =	vst v18;
	v17 =	vadd.f32 v61, v17  }
0x74d: {  	v18 =	vld [tilespmem:s31+$0x20]  }
0x74e: {  	v62 =	vld [tilespmem:s0+$0x20];
	[tilespmem:s28+$0xCA10] =	vst v17  }
0x74f: {  	v17 =	vld [tilespmem:s15+$0x20]  }
0x750: {  	v63 =	vld [tilespmem:s16+$0x20];
	_ =	sdelay $0x2  }
0x751: {  	v18 =	vmul.f32 v18, v15;
	v19 =	vmul.f32 v62, v13;
	_ =	sdelay $0x1  }
0x752: {  	v18 =	vadd.f32 v19, v18;
	v17 =	vmul.f32 v17, v16;
	v24 =	vmul.f32 v63, v14;
	_ =	sdelay $0x1  }
0x753: {  	[tilespmem:s26+$0xCA20] =	vst v18;
	v17 =	vadd.f32 v24, v17  }
0x754: {  	v18 =	vld [tilespmem:s31+$0x30]  }
0x755: {  	v25 =	vld [tilespmem:s0+$0x30];
	[tilespmem:s28+$0xCA20] =	vst v17  }
0x756: {  	v17 =	vld [tilespmem:s15+$0x30]  }
0x757: {  	v26 =	vld [tilespmem:s16+$0x30];
	_ =	sdelay $0x2  }
0x758: {  	v18 =	vmul.f32 v18, v15;
	v19 =	vmul.f32 v25, v13;
	_ =	sdelay $0x1  }
0x759: {  	v18 =	vadd.f32 v19, v18;
	v17 =	vmul.f32 v17, v16;
	v27 =	vmul.f32 v26, v14;
	_ =	sdelay $0x1  }
0x75a: {  	[tilespmem:s26+$0xCA30] =	vst v18;
	v17 =	vadd.f32 v27, v17  }
0x75b: {  	v18 =	vld [tilespmem:s31+$0x40]  }
0x75c: {  	v28 =	vld [tilespmem:s0+$0x40];
	[tilespmem:s28+$0xCA30] =	vst v17  }
0x75d: {  	v17 =	vld [tilespmem:s15+$0x40]  }
0x75e: {  	v29 =	vld [tilespmem:s16+$0x40];
	_ =	sdelay $0x2  }
0x75f: {  	v18 =	vmul.f32 v18, v15;
	v19 =	vmul.f32 v28, v13;
	_ =	sdelay $0x1  }
0x760: {  	v18 =	vadd.f32 v19, v18;
	v17 =	vmul.f32 v17, v16;
	v30 =	vmul.f32 v29, v14;
	_ =	sdelay $0x1  }
0x761: {  	[tilespmem:s26+$0xCA40] =	vst v18;
	v17 =	vadd.f32 v30, v17  }
0x762: {  	v18 =	vld [tilespmem:s31+$0x50]  }
0x763: {  	v31 =	vld [tilespmem:s0+$0x50];
	[tilespmem:s28+$0xCA40] =	vst v17  }
0x764: {  	v17 =	vld [tilespmem:s15+$0x50]  }
0x765: {  	v32 =	vld [tilespmem:s16+$0x50];
	_ =	sdelay $0x2  }
0x766: {  	v18 =	vmul.f32 v18, v15;
	v19 =	vmul.f32 v31, v13;
	_ =	sdelay $0x1  }
0x767: {  	v18 =	vadd.f32 v19, v18;
	v17 =	vmul.f32 v17, v16;
	v33 =	vmul.f32 v32, v14;
	_ =	sdelay $0x1  }
0x768: {  	[tilespmem:s26+$0xCA50] =	vst v18;
	v17 =	vadd.f32 v33, v17  }
0x769: {  	v18 =	vld [tilespmem:s31+$0x60]  }
0x76a: {  	v34 =	vld [tilespmem:s0+$0x60];
	[tilespmem:s28+$0xCA50] =	vst v17  }
0x76b: {  	v17 =	vld [tilespmem:s15+$0x60]  }
0x76c: {  	v35 =	vld [tilespmem:s16+$0x60];
	_ =	sdelay $0x2  }
0x76d: {  	v18 =	vmul.f32 v18, v15;
	v19 =	vmul.f32 v34, v13;
	_ =	sdelay $0x1  }
0x76e: {  	v18 =	vadd.f32 v19, v18;
	v17 =	vmul.f32 v17, v16;
	v36 =	vmul.f32 v35, v14;
	_ =	sdelay $0x1  }
0x76f: {  	[tilespmem:s26+$0xCA60] =	vst v18;
	v17 =	vadd.f32 v36, v17  }
0x770: {  	v18 =	vld [tilespmem:s31+$0x70]  }
0x771: {  	v37 =	vld [tilespmem:s0+$0x70];
	[tilespmem:s28+$0xCA60] =	vst v17  }
0x772: {  	v17 =	vld [tilespmem:s15+$0x70]  }
0x773: {  	v38 =	vld [tilespmem:s16+$0x70];
	_ =	sdelay $0x2  }
0x774: {  	v18 =	vmul.f32 v18, v15;
	v19 =	vmul.f32 v37, v13;
	_ =	sdelay $0x1  }
0x775: {  	v18 =	vadd.f32 v19, v18;
	v17 =	vmul.f32 v17, v16;
	v39 =	vmul.f32 v38, v14;
	_ =	sdelay $0x1  }
0x776: {  	v40 =	vld [tilespmem:s29+$0x80];
	[tilespmem:s26+$0xCA70] =	vst v18;
	v17 =	vadd.f32 v39, v17  }
0x777: {  	v18 =	vld [tilespmem:s31+$0x80]  }
0x778: {  	v41 =	vld [tilespmem:s0+$0x80];
	[tilespmem:s28+$0xCA70] =	vst v17  }
0x779: {  	v17 =	vld [tilespmem:s15+$0x80]  }
0x77a: {  	v21 =	vld [tilespmem:s16+$0x80]  }
0x77b: {  	v12 =	vmul.f32 v12, v5;
	v20 =	vmul.f32 v40, v4;
	_ =	sdelay $0x1  }
0x77c: {  	v12 =	vadd.f32 v20, v12;
	v18 =	vmul.f32 v18, v15;
	v19 =	vmul.f32 v41, v13;
	_ =	sdelay $0x1  }
0x77d: {  	[tilespmem:s21+$0xCA80] =	vst v12;
	v42 =	vadd.f32 v19, v18;
	v17 =	vmul.f32 v17, v16;
	v44 =	vmul.f32 v21, v14  }
0x77e: {  	v43 =	vld [tilespmem:s30+$0x90]  }
0x77f: {  	v45 =	vld [tilespmem:s29+$0x90];
	[tilespmem:s26+$0xCA80] =	vst v42;
	v17 =	vadd.f32 v44, v17  }
0x780: {  	v12 =	vld [tilespmem:s31+$0x90]  }
0x781: {  	v46 =	vld [tilespmem:s0+$0x90];
	[tilespmem:s28+$0xCA80] =	vst v17  }
0x782: {  	v17 =	vld [tilespmem:s15+$0x90]  }
0x783: {  	v47 =	vld [tilespmem:s16+$0x90]  }
0x784: {  	v20 =	vmul.f32 v45, v4;
	v18 =	vmul.f32 v43, v5;
	_ =	sdelay $0x1  }
0x785: {  	v18 =	vadd.f32 v20, v18;
	v12 =	vmul.f32 v12, v15;
	v19 =	vmul.f32 v46, v13;
	_ =	sdelay $0x1  }
0x786: {  	[tilespmem:s21+$0xCA90] =	vst v18;
	v12 =	vadd.f32 v19, v12;
	v17 =	vmul.f32 v17, v16;
	v48 =	vmul.f32 v47, v14  }
0x787: {  	v18 =	vld [tilespmem:s30+$0xA0]  }
0x788: {  	v49 =	vld [tilespmem:s29+$0xA0];
	[tilespmem:s26+$0xCA90] =	vst v12;
	v17 =	vadd.f32 v48, v17  }
0x789: {  	v12 =	vld [tilespmem:s31+$0xA0]  }
0x78a: {  	v50 =	vld [tilespmem:s0+$0xA0];
	[tilespmem:s28+$0xCA90] =	vst v17  }
0x78b: {  	v17 =	vld [tilespmem:s15+$0xA0]  }
0x78c: {  	v51 =	vld [tilespmem:s16+$0xA0]  }
0x78d: {  	v18 =	vmul.f32 v18, v5;
	v20 =	vmul.f32 v49, v4;
	_ =	sdelay $0x1  }
0x78e: {  	v18 =	vadd.f32 v20, v18;
	v12 =	vmul.f32 v12, v15;
	v19 =	vmul.f32 v50, v13;
	_ =	sdelay $0x1  }
0x78f: {  	[tilespmem:s21+$0xCAA0] =	vst v18;
	v12 =	vadd.f32 v19, v12;
	v17 =	vmul.f32 v17, v16;
	v52 =	vmul.f32 v51, v14  }
0x790: {  	v18 =	vld [tilespmem:s30+$0xB0]  }
0x791: {  	v53 =	vld [tilespmem:s29+$0xB0];
	[tilespmem:s26+$0xCAA0] =	vst v12;
	v17 =	vadd.f32 v52, v17  }
0x792: {  	v12 =	vld [tilespmem:s31+$0xB0]  }
0x793: {  	v54 =	vld [tilespmem:s0+$0xB0];
	[tilespmem:s28+$0xCAA0] =	vst v17  }
0x794: {  	v17 =	vld [tilespmem:s15+$0xB0]  }
0x795: {  	v55 =	vld [tilespmem:s16+$0xB0]  }
0x796: {  	v18 =	vmul.f32 v18, v5;
	v20 =	vmul.f32 v53, v4;
	_ =	sdelay $0x1  }
0x797: {  	v18 =	vadd.f32 v20, v18;
	v12 =	vmul.f32 v12, v15;
	v19 =	vmul.f32 v54, v13;
	_ =	sdelay $0x1  }
0x798: {  	[tilespmem:s21+$0xCAB0] =	vst v18;
	v12 =	vadd.f32 v19, v12;
	v17 =	vmul.f32 v17, v16;
	v56 =	vmul.f32 v55, v14  }
0x799: {  	v18 =	vld [tilespmem:s30+$0xC0]  }
0x79a: {  	v57 =	vld [tilespmem:s29+$0xC0];
	[tilespmem:s26+$0xCAB0] =	vst v12;
	v17 =	vadd.f32 v56, v17  }
0x79b: {  	v12 =	vld [tilespmem:s31+$0xC0]  }
0x79c: {  	v58 =	vld [tilespmem:s0+$0xC0];
	[tilespmem:s28+$0xCAB0] =	vst v17  }
0x79d: {  	v17 =	vld [tilespmem:s15+$0xC0]  }
0x79e: {  	v59 =	vld [tilespmem:s16+$0xC0]  }
0x79f: {  	v18 =	vmul.f32 v18, v5;
	v20 =	vmul.f32 v57, v4;
	_ =	sdelay $0x1  }
0x7a0: {  	v18 =	vadd.f32 v20, v18;
	v12 =	vmul.f32 v12, v15;
	v19 =	vmul.f32 v58, v13;
	_ =	sdelay $0x1  }
0x7a1: {  	[tilespmem:s21+$0xCAC0] =	vst v18;
	v12 =	vadd.f32 v19, v12;
	v17 =	vmul.f32 v17, v16;
	v60 =	vmul.f32 v59, v14  }
0x7a2: {  	v18 =	vld [tilespmem:s30+$0xD0]  }
0x7a3: {  	v61 =	vld [tilespmem:s29+$0xD0];
	[tilespmem:s26+$0xCAC0] =	vst v12;
	v17 =	vadd.f32 v60, v17  }
0x7a4: {  	v12 =	vld [tilespmem:s31+$0xD0]  }
0x7a5: {  	v62 =	vld [tilespmem:s0+$0xD0];
	[tilespmem:s28+$0xCAC0] =	vst v17  }
0x7a6: {  	v17 =	vld [tilespmem:s15+$0xD0]  }
0x7a7: {  	v63 =	vld [tilespmem:s16+$0xD0]  }
0x7a8: {  	v18 =	vmul.f32 v18, v5;
	v20 =	vmul.f32 v61, v4;
	_ =	sdelay $0x1  }
0x7a9: {  	v18 =	vadd.f32 v20, v18;
	v12 =	vmul.f32 v12, v15;
	v19 =	vmul.f32 v62, v13;
	_ =	sdelay $0x1  }
0x7aa: {  	[tilespmem:s21+$0xCAD0] =	vst v18;
	v12 =	vadd.f32 v19, v12;
	v17 =	vmul.f32 v17, v16;
	v24 =	vmul.f32 v63, v14  }
0x7ab: {  	v18 =	vld [tilespmem:s30+$0xE0]  }
0x7ac: {  	v25 =	vld [tilespmem:s29+$0xE0];
	[tilespmem:s26+$0xCAD0] =	vst v12;
	v17 =	vadd.f32 v24, v17  }
0x7ad: {  	v12 =	vld [tilespmem:s31+$0xE0]  }
0x7ae: {  	v26 =	vld [tilespmem:s0+$0xE0];
	[tilespmem:s28+$0xCAD0] =	vst v17  }
0x7af: {  	v17 =	vld [tilespmem:s15+$0xE0]  }
0x7b0: {  	v27 =	vld [tilespmem:s16+$0xE0]  }
0x7b1: {  	v18 =	vmul.f32 v18, v5;
	v20 =	vmul.f32 v25, v4;
	_ =	sdelay $0x1  }
0x7b2: {  	v18 =	vadd.f32 v20, v18;
	v12 =	vmul.f32 v12, v15;
	v19 =	vmul.f32 v26, v13  }
0x7b3: {  	(v2sf) =	vpush v11, $0x3  }
0x7b4: {  	[tilespmem:s21+$0xCAE0] =	vst v18;
	v12 =	vadd.f32 v19, v12;
	v17 =	vmul.f32 v17, v16;
	v28 =	vmul.f32 v27, v14  }
0x7b5: {  	(v2sf) =	vpush v10, $0x3;
	v18 =	vld [tilespmem:s30+$0xF0]  }
0x7b6: {  	v29 =	vld [tilespmem:s29+$0xF0];
	[tilespmem:s26+$0xCAE0] =	vst v12;
	v31 =	vadd.f32 v28, v17  }
0x7b7: {  	v30 =	vld [tilespmem:s31+$0xF0]  }
0x7b8: {  	v32 =	vld [tilespmem:s0+$0xF0];
	[tilespmem:s28+$0xCAE0] =	vst v31  }
0x7b9: {  	v12 =	vld [tilespmem:s15+$0xF0]  }
0x7ba: {  	v33 =	vld [tilespmem:s16+$0xF0]  }
0x7bb: {  	v5 =	vmul.f32 v18, v5;
	v4 =	vmul.f32 v29, v4;
	_ =	sdelay $0x1  }
0x7bc: {  	v4 =	vadd.f32 v4, v5;
	v34 =	vmul.f32 v30, v15;
	v35 =	vmul.f32 v32, v13;
	_ =	sdelay $0x1  }
0x7bd: {  	[tilespmem:s21+$0xCAF0] =	vst v4;
	v36 =	vadd.f32 v35, v34;
	v38 =	vmul.f32 v12, v16;
	v11 =	vmul.f32 v33, v14  }
0x7be: {  	v37 =	vld [tilespmem:s22+$0x0]  }
0x7bf: {  	v39 =	vld [tilespmem:s23+$0x0];
	[tilespmem:s26+$0xCAF0] =	vst v36;
	v41 =	vadd.f32 v11, v38  }
0x7c0: {  	v40 =	vld [tilespmem:s24+$0x0]  }
0x7c1: {  	s29 =	spop (v2sf);
	v42 =	vld [tilespmem:s25+$0x0];
	[tilespmem:s28+$0xCAF0] =	vst v41  }
0x7c2: {  	v2 =	vbroadcast v2, $0x3;
	v3 =	vbroadcast v3, $0x3;
	s30 =	spop (v2sf);
	v43 =	vld [tilespmem:s29+$0x0]  }
0x7c3: {  	v5 =	vbroadcast v9, $0x3;
	v4 =	vbroadcast v6, $0x3;
	v44 =	vld [tilespmem:s30+$0x0]  }
0x7c4: {  	v45 =	vmul.f32 v37, v3;
	v46 =	vmul.f32 v39, v2  }
0x7c5: {  	v6 =	vbroadcast v7, $0x3;
	v7 =	vbroadcast v8, $0x3  }
0x7c6: {  	v10 =	vadd.f32 v46, v45;
	v47 =	vmul.f32 v40, v5;
	v11 =	vmul.f32 v42, v4;
	_ =	sdelay $0x1  }
0x7c7: {  	[tilespmem:s21+$0xCB00] =	vst v10;
	v48 =	vadd.f32 v11, v47;
	v49 =	vmul.f32 v43, v7;
	v9 =	vmul.f32 v44, v6  }
0x7c8: {  	v50 =	vld [tilespmem:s22+$0x10]  }
0x7c9: {  	v51 =	vld [tilespmem:s23+$0x10];
	[tilespmem:s26+$0xCB00] =	vst v48;
	v52 =	vadd.f32 v9, v49  }
0x7ca: {  	v53 =	vld [tilespmem:s24+$0x10]  }
0x7cb: {  	v54 =	vld [tilespmem:s25+$0x10];
	[tilespmem:s28+$0xCB00] =	vst v52  }
0x7cc: {  	v8 =	vld [tilespmem:s29+$0x10]  }
0x7cd: {  	v55 =	vld [tilespmem:s30+$0x10]  }
0x7ce: {  	v11 =	vmul.f32 v50, v3;
	v12 =	vmul.f32 v51, v2;
	_ =	sdelay $0x1  }
0x7cf: {  	v11 =	vadd.f32 v12, v11;
	v9 =	vmul.f32 v53, v5;
	v10 =	vmul.f32 v54, v4;
	_ =	sdelay $0x1  }
0x7d0: {  	[tilespmem:s21+$0xCB10] =	vst v11;
	v9 =	vadd.f32 v10, v9;
	v8 =	vmul.f32 v8, v7;
	v56 =	vmul.f32 v55, v6  }
0x7d1: {  	v11 =	vld [tilespmem:s22+$0x20]  }
0x7d2: {  	v57 =	vld [tilespmem:s23+$0x20];
	[tilespmem:s26+$0xCB10] =	vst v9;
	v8 =	vadd.f32 v56, v8  }
0x7d3: {  	v9 =	vld [tilespmem:s24+$0x20]  }
0x7d4: {  	v58 =	vld [tilespmem:s25+$0x20];
	[tilespmem:s28+$0xCB10] =	vst v8  }
0x7d5: {  	v8 =	vld [tilespmem:s29+$0x20]  }
0x7d6: {  	v59 =	vld [tilespmem:s30+$0x20]  }
0x7d7: {  	v11 =	vmul.f32 v11, v3;
	v12 =	vmul.f32 v57, v2;
	_ =	sdelay $0x1  }
0x7d8: {  	v11 =	vadd.f32 v12, v11;
	v9 =	vmul.f32 v9, v5;
	v10 =	vmul.f32 v58, v4;
	_ =	sdelay $0x1  }
0x7d9: {  	[tilespmem:s21+$0xCB20] =	vst v11;
	v9 =	vadd.f32 v10, v9;
	v8 =	vmul.f32 v8, v7;
	v60 =	vmul.f32 v59, v6  }
0x7da: {  	v11 =	vld [tilespmem:s22+$0x30]  }
0x7db: {  	v61 =	vld [tilespmem:s23+$0x30];
	[tilespmem:s26+$0xCB20] =	vst v9;
	v8 =	vadd.f32 v60, v8  }
0x7dc: {  	v9 =	vld [tilespmem:s24+$0x30]  }
0x7dd: {  	v62 =	vld [tilespmem:s25+$0x30];
	[tilespmem:s28+$0xCB20] =	vst v8  }
0x7de: {  	v8 =	vld [tilespmem:s29+$0x30]  }
0x7df: {  	v63 =	vld [tilespmem:s30+$0x30]  }
0x7e0: {  	v11 =	vmul.f32 v11, v3;
	v12 =	vmul.f32 v61, v2;
	_ =	sdelay $0x1  }
0x7e1: {  	v11 =	vadd.f32 v12, v11;
	v9 =	vmul.f32 v9, v5;
	v10 =	vmul.f32 v62, v4;
	_ =	sdelay $0x1  }
0x7e2: {  	[tilespmem:s21+$0xCB30] =	vst v11;
	v9 =	vadd.f32 v10, v9;
	v8 =	vmul.f32 v8, v7;
	v16 =	vmul.f32 v63, v6  }
0x7e3: {  	v11 =	vld [tilespmem:s22+$0x40]  }
0x7e4: {  	v17 =	vld [tilespmem:s23+$0x40];
	[tilespmem:s26+$0xCB30] =	vst v9;
	v8 =	vadd.f32 v16, v8  }
0x7e5: {  	v9 =	vld [tilespmem:s24+$0x40]  }
0x7e6: {  	v18 =	vld [tilespmem:s25+$0x40];
	[tilespmem:s28+$0xCB30] =	vst v8  }
0x7e7: {  	v8 =	vld [tilespmem:s29+$0x40]  }
0x7e8: {  	v19 =	vld [tilespmem:s30+$0x40]  }
0x7e9: {  	v11 =	vmul.f32 v11, v3;
	v12 =	vmul.f32 v17, v2;
	_ =	sdelay $0x1  }
0x7ea: {  	v11 =	vadd.f32 v12, v11;
	v9 =	vmul.f32 v9, v5;
	v10 =	vmul.f32 v18, v4;
	_ =	sdelay $0x1  }
0x7eb: {  	[tilespmem:s21+$0xCB40] =	vst v11;
	v9 =	vadd.f32 v10, v9;
	v8 =	vmul.f32 v8, v7;
	v20 =	vmul.f32 v19, v6  }
0x7ec: {  	v11 =	vld [tilespmem:s22+$0x50]  }
0x7ed: {  	v21 =	vld [tilespmem:s23+$0x50];
	[tilespmem:s26+$0xCB40] =	vst v9;
	v8 =	vadd.f32 v20, v8  }
0x7ee: {  	v9 =	vld [tilespmem:s24+$0x50]  }
0x7ef: {  	v22 =	vld [tilespmem:s25+$0x50];
	[tilespmem:s28+$0xCB40] =	vst v8  }
0x7f0: {  	v8 =	vld [tilespmem:s29+$0x50]  }
0x7f1: {  	v23 =	vld [tilespmem:s30+$0x50]  }
0x7f2: {  	v11 =	vmul.f32 v11, v3;
	v12 =	vmul.f32 v21, v2;
	_ =	sdelay $0x1  }
0x7f3: {  	v11 =	vadd.f32 v12, v11;
	v9 =	vmul.f32 v9, v5;
	v10 =	vmul.f32 v22, v4;
	_ =	sdelay $0x1  }
0x7f4: {  	[tilespmem:s21+$0xCB50] =	vst v11;
	v9 =	vadd.f32 v10, v9;
	v8 =	vmul.f32 v8, v7;
	v24 =	vmul.f32 v23, v6  }
0x7f5: {  	v11 =	vld [tilespmem:s22+$0x60]  }
0x7f6: {  	v25 =	vld [tilespmem:s23+$0x60];
	[tilespmem:s26+$0xCB50] =	vst v9;
	v8 =	vadd.f32 v24, v8  }
0x7f7: {  	v9 =	vld [tilespmem:s24+$0x60]  }
0x7f8: {  	v26 =	vld [tilespmem:s25+$0x60];
	[tilespmem:s28+$0xCB50] =	vst v8  }
0x7f9: {  	v8 =	vld [tilespmem:s29+$0x60]  }
0x7fa: {  	v27 =	vld [tilespmem:s30+$0x60]  }
0x7fb: {  	v11 =	vmul.f32 v11, v3;
	v12 =	vmul.f32 v25, v2;
	_ =	sdelay $0x1  }
0x7fc: {  	v11 =	vadd.f32 v12, v11;
	v9 =	vmul.f32 v9, v5;
	v10 =	vmul.f32 v26, v4;
	_ =	sdelay $0x1  }
0x7fd: {  	[tilespmem:s21+$0xCB60] =	vst v11;
	v9 =	vadd.f32 v10, v9;
	v8 =	vmul.f32 v8, v7;
	v28 =	vmul.f32 v27, v6  }
0x7fe: {  	v11 =	vld [tilespmem:s22+$0x70]  }
0x7ff: {  	v29 =	vld [tilespmem:s23+$0x70];
	[tilespmem:s26+$0xCB60] =	vst v9;
	v8 =	vadd.f32 v28, v8  }
0x800: {  	v9 =	vld [tilespmem:s24+$0x70]  }
0x801: {  	v30 =	vld [tilespmem:s25+$0x70];
	[tilespmem:s28+$0xCB60] =	vst v8  }
0x802: {  	v8 =	vld [tilespmem:s29+$0x70]  }
0x803: {  	v31 =	vld [tilespmem:s30+$0x70]  }
0x804: {  	v11 =	vmul.f32 v11, v3;
	v12 =	vmul.f32 v29, v2;
	_ =	sdelay $0x1  }
0x805: {  	v11 =	vadd.f32 v12, v11;
	v9 =	vmul.f32 v9, v5;
	v10 =	vmul.f32 v30, v4;
	_ =	sdelay $0x1  }
0x806: {  	[tilespmem:s21+$0xCB70] =	vst v11;
	v9 =	vadd.f32 v10, v9;
	v8 =	vmul.f32 v8, v7;
	v32 =	vmul.f32 v31, v6  }
0x807: {  	v11 =	vld [tilespmem:s22+$0x80]  }
0x808: {  	v33 =	vld [tilespmem:s23+$0x80];
	[tilespmem:s26+$0xCB70] =	vst v9;
	v8 =	vadd.f32 v32, v8  }
0x809: {  	v9 =	vld [tilespmem:s24+$0x80]  }
0x80a: {  	v34 =	vld [tilespmem:s25+$0x80];
	[tilespmem:s28+$0xCB70] =	vst v8  }
0x80b: {  	v8 =	vld [tilespmem:s29+$0x80]  }
0x80c: {  	v35 =	vld [tilespmem:s30+$0x80]  }
0x80d: {  	v11 =	vmul.f32 v11, v3;
	v12 =	vmul.f32 v33, v2;
	_ =	sdelay $0x1  }
0x80e: {  	v11 =	vadd.f32 v12, v11;
	v9 =	vmul.f32 v9, v5;
	v10 =	vmul.f32 v34, v4;
	_ =	sdelay $0x1  }
0x80f: {  	[tilespmem:s21+$0xCB80] =	vst v11;
	v9 =	vadd.f32 v10, v9;
	v8 =	vmul.f32 v8, v7;
	v36 =	vmul.f32 v35, v6  }
0x810: {  	v11 =	vld [tilespmem:s22+$0x90]  }
0x811: {  	v37 =	vld [tilespmem:s23+$0x90];
	[tilespmem:s26+$0xCB80] =	vst v9;
	v8 =	vadd.f32 v36, v8  }
0x812: {  	v9 =	vld [tilespmem:s24+$0x90]  }
0x813: {  	v38 =	vld [tilespmem:s25+$0x90];
	[tilespmem:s28+$0xCB80] =	vst v8  }
0x814: {  	v8 =	vld [tilespmem:s29+$0x90]  }
0x815: {  	v39 =	vld [tilespmem:s30+$0x90]  }
0x816: {  	v11 =	vmul.f32 v11, v3;
	v12 =	vmul.f32 v37, v2;
	_ =	sdelay $0x1  }
0x817: {  	v11 =	vadd.f32 v12, v11;
	v9 =	vmul.f32 v9, v5;
	v10 =	vmul.f32 v38, v4;
	_ =	sdelay $0x1  }
0x818: {  	[tilespmem:s21+$0xCB90] =	vst v11;
	v9 =	vadd.f32 v10, v9;
	v8 =	vmul.f32 v8, v7;
	v40 =	vmul.f32 v39, v6  }
0x819: {  	v11 =	vld [tilespmem:s22+$0xA0]  }
0x81a: {  	v41 =	vld [tilespmem:s23+$0xA0];
	[tilespmem:s26+$0xCB90] =	vst v9;
	v8 =	vadd.f32 v40, v8  }
0x81b: {  	v9 =	vld [tilespmem:s24+$0xA0]  }
0x81c: {  	v42 =	vld [tilespmem:s25+$0xA0];
	[tilespmem:s28+$0xCB90] =	vst v8  }
0x81d: {  	v8 =	vld [tilespmem:s29+$0xA0]  }
0x81e: {  	v43 =	vld [tilespmem:s30+$0xA0]  }
0x81f: {  	v11 =	vmul.f32 v11, v3;
	v12 =	vmul.f32 v41, v2;
	_ =	sdelay $0x1  }
0x820: {  	v11 =	vadd.f32 v12, v11;
	v9 =	vmul.f32 v9, v5;
	v10 =	vmul.f32 v42, v4;
	_ =	sdelay $0x1  }
0x821: {  	[tilespmem:s21+$0xCBA0] =	vst v11;
	v9 =	vadd.f32 v10, v9;
	v8 =	vmul.f32 v8, v7;
	v44 =	vmul.f32 v43, v6  }
0x822: {  	v11 =	vld [tilespmem:s22+$0xB0]  }
0x823: {  	v45 =	vld [tilespmem:s23+$0xB0];
	[tilespmem:s26+$0xCBA0] =	vst v9;
	v8 =	vadd.f32 v44, v8  }
0x824: {  	v9 =	vld [tilespmem:s24+$0xB0]  }
0x825: {  	v46 =	vld [tilespmem:s25+$0xB0];
	[tilespmem:s28+$0xCBA0] =	vst v8  }
0x826: {  	v8 =	vld [tilespmem:s29+$0xB0]  }
0x827: {  	v47 =	vld [tilespmem:s30+$0xB0]  }
0x828: {  	v11 =	vmul.f32 v11, v3;
	v12 =	vmul.f32 v45, v2;
	_ =	sdelay $0x1  }
0x829: {  	v11 =	vadd.f32 v12, v11;
	v9 =	vmul.f32 v9, v5;
	v10 =	vmul.f32 v46, v4;
	_ =	sdelay $0x1  }
0x82a: {  	[tilespmem:s21+$0xCBB0] =	vst v11;
	v9 =	vadd.f32 v10, v9;
	v8 =	vmul.f32 v8, v7;
	v48 =	vmul.f32 v47, v6  }
0x82b: {  	v11 =	vld [tilespmem:s22+$0xC0]  }
0x82c: {  	v49 =	vld [tilespmem:s23+$0xC0];
	[tilespmem:s26+$0xCBB0] =	vst v9;
	v8 =	vadd.f32 v48, v8  }
0x82d: {  	v9 =	vld [tilespmem:s24+$0xC0]  }
0x82e: {  	v50 =	vld [tilespmem:s25+$0xC0];
	[tilespmem:s28+$0xCBB0] =	vst v8  }
0x82f: {  	v8 =	vld [tilespmem:s29+$0xC0]  }
0x830: {  	v51 =	vld [tilespmem:s30+$0xC0]  }
0x831: {  	v11 =	vmul.f32 v11, v3;
	v12 =	vmul.f32 v49, v2;
	_ =	sdelay $0x1  }
0x832: {  	v11 =	vadd.f32 v12, v11;
	v9 =	vmul.f32 v9, v5;
	v10 =	vmul.f32 v50, v4;
	_ =	sdelay $0x1  }
0x833: {  	[tilespmem:s21+$0xCBC0] =	vst v11;
	v9 =	vadd.f32 v10, v9;
	v8 =	vmul.f32 v8, v7;
	v52 =	vmul.f32 v51, v6  }
0x834: {  	v11 =	vld [tilespmem:s22+$0xD0]  }
0x835: {  	v53 =	vld [tilespmem:s23+$0xD0];
	[tilespmem:s26+$0xCBC0] =	vst v9;
	v8 =	vadd.f32 v52, v8  }
0x836: {  	v9 =	vld [tilespmem:s24+$0xD0]  }
0x837: {  	v54 =	vld [tilespmem:s25+$0xD0];
	[tilespmem:s28+$0xCBC0] =	vst v8  }
0x838: {  	v8 =	vld [tilespmem:s29+$0xD0]  }
0x839: {  	v55 =	vld [tilespmem:s30+$0xD0]  }
0x83a: {  	v11 =	vmul.f32 v11, v3;
	v12 =	vmul.f32 v53, v2;
	_ =	sdelay $0x1  }
0x83b: {  	v11 =	vadd.f32 v12, v11;
	v9 =	vmul.f32 v9, v5;
	v10 =	vmul.f32 v54, v4;
	_ =	sdelay $0x1  }
0x83c: {  	[tilespmem:s21+$0xCBD0] =	vst v11;
	v9 =	vadd.f32 v10, v9;
	v8 =	vmul.f32 v8, v7;
	v56 =	vmul.f32 v55, v6  }
0x83d: {  	v11 =	vld [tilespmem:s22+$0xE0]  }
0x83e: {  	v57 =	vld [tilespmem:s23+$0xE0];
	[tilespmem:s26+$0xCBD0] =	vst v9;
	v8 =	vadd.f32 v56, v8  }
0x83f: {  	v9 =	vld [tilespmem:s24+$0xE0]  }
0x840: {  	v58 =	vld [tilespmem:s25+$0xE0];
	[tilespmem:s28+$0xCBD0] =	vst v8  }
0x841: {  	v8 =	vld [tilespmem:s29+$0xE0]  }
0x842: {  	v59 =	vld [tilespmem:s30+$0xE0]  }
0x843: {  	v11 =	vmul.f32 v11, v3;
	v12 =	vmul.f32 v57, v2;
	_ =	sdelay $0x1  }
0x844: {  	v11 =	vadd.f32 v12, v11;
	v9 =	vmul.f32 v9, v5;
	v10 =	vmul.f32 v58, v4;
	_ =	sdelay $0x1  }
0x845: {  	[tilespmem:s21+$0xCBE0] =	vst v11;
	v9 =	vadd.f32 v10, v9;
	v8 =	vmul.f32 v8, v7;
	v60 =	vmul.f32 v59, v6  }
0x846: {  	v11 =	vld [tilespmem:s22+$0xF0]  }
0x847: {  	v61 =	vld [tilespmem:s23+$0xF0];
	[tilespmem:s26+$0xCBE0] =	vst v9;
	v8 =	vadd.f32 v60, v8  }
0x848: {  	v9 =	vld [tilespmem:s24+$0xF0]  }
0x849: {  	v62 =	vld [tilespmem:s25+$0xF0];
	[tilespmem:s28+$0xCBE0] =	vst v8  }
0x84a: {  	v8 =	vld [tilespmem:s29+$0xF0]  }
0x84b: {  	v63 =	vld [tilespmem:s30+$0xF0];
	_ =	sdelay $0x2  }
0x84c: {  	v3 =	vmul.f32 v11, v3;
	v2 =	vmul.f32 v61, v2  }
0x84d: {  	p0 =	slt.u32 s20, $0x1C;
	v5 =	vmul.f32 v9, v5;
	v4 =	vmul.f32 v62, v4  }
.Ltmp2:
0x84e: {  	v2 =	vadd.f32 v2, v3;
	v3 =	vmul.f32 v8, v7;
	v6 =	vmul.f32 v63, v6;
	(pc) =	sbr.rel @p0 .LBB2_7-.Ltmp2, $4  }
0x84f: {  	v4 =	vadd.f32 v4, v5  }
0x850: {  	[tilespmem:s21+$0xCBF0] =	vst v2;
	v2 =	vadd.f32 v6, v3  }
0x851: {  	s31 =	sadd.s32 $0x4, s20;
	[tilespmem:s26+$0xCBF0] =	vst v4  }
0x852: {  	s20 =	smov.u32 s31;
	[tilespmem:s28+$0xCBF0] =	vst v2  }
0x853: {  	s18 =	sadd.s32 $0x1, s18  }
0x854: {  	p0 =	sne.s32 s18, $0x8  }
.Ltmp3:
0x855: {  	_ = 	snop;
	(pc) =	sbr.rel @p0 .LBB2_4-.Ltmp3, $4  }
0x856: {  	_ = 	snop  }
0x857: {  	s0 =	sshll.u32 s19, $0xC  }
0x858: {  	s0 =	sadd.s32 s0, s5  }
0x859: {  	[hbm4b:s0+s2] =	stream.linear.scatter [tilespmem:s14], [sflag:$0x2], $0x8000, $0x38;
	[tilespmem:$0x16800] =	vst v63  }
0x85a: {  	s0 =	simm.s32 $0x1  }
0x85b: {  	_ =	swait.ge [sflag:s0], $0x8000  }
0x85c: {  	[sflag:s0] =	ssyncset.done $0x0  }
0x85d: {  	s1 =	simm.s32 $0x2;
	[sflag:s0] =	ssyncadd.s32 $0xFFFF8000  }
0x85e: {  	_ =	swait.ge [sflag:s1], $0x8000  }
0x85f: {  	s17 =	sadd.s32 $0x1, s17;
	s31 =	rddreg [dreg:$0x5]  }
0x860: {  	p0 =	sne.s32 s17, s31  }
.Ltmp4:
0x861: {  	_ = 	snop;
	(pc) =	sbr.rel @p0 .LBB2_1-.Ltmp4, $3  }
0x862: {  	_ =	sdelay $0x1  }
0x863: {  	[sflag:s1] =	ssyncset.done $0x0  }
0x864: {  	[sflag:s1] =	ssyncadd.s32 $0xFFFF8000  }
0x865: {  	_ =	sfence.sel $0x180000  }
0x866: {  	[bflag:$0x0] =	sbarrier.arrive $0xFFFF  }
0x867: {  	_ =	strace $0x90000047  }
0x868: {  	s0 =	stileid.u32;
	[bflag:$0x2] =	sbarrier.arrive $0xFFFF  }
0x869: {  	p0 =	sne.s32 s0, $0x0;
	s0 =	rddreg [dreg:$0x2]  }
0x86a: {  	s0 =	sadd.s32 @!p0 $0x100000, s0  }
0x86b: {  	[sflag:s0] =	ssyncadd.tile.s32 @!p0 $0x1;
	_ =	shalt  }
.Lfunc_end2:
_tile_overlayer_lowered:
.L_overlay_start_2:
0x86c: {  	(tag) =	ssettag $0x2  }
0x86d: {  	s0 =	rddreg [dreg:$0x0];
	s2 =	stileid.u32  }
0x86e: {  	s1 =	rddreg [dreg:$0x1];
	p0 =	sne.s32 s2, $0x0  }
0x86f: {  	s3 =	rddreg [dreg:$0x2];
	[bflag:$0x3] =	sbarrier.arrive $0xFFFF;
	s2 =	simm.s32 @!p0 $0x1C03  }
0x870: {  	[timem:s3], [sflag:s2] =	dma.local @!p0 [hbm:s0], s1  }
0x871: {  	s0 =	simm.s32 @!p0 $0x3  }
0x872: {  	_ =	swait.ge @!p0 [sflag:s0], s1  }
0x873: {  	s1 =	ssub.s32 @!p0 $0x0, s1;
	[sflag:s0] =	ssyncset.done @!p0 $0x0  }
0x874: {  	[sflag:s0] =	ssyncadd.s32 @!p0 s1  }
0x875: {  	[bflag:$0x3] =	sbarrier.arrive $0xFFFF  }
0x876: {  	_ =	shalt  }

</sc_bundles>
